<compile_context>
chip_gen: v7x
topology: tpu7x:2x2x1
jax: 0.10.2.dev20260603
libtpu: 0.0.44.dev20260713+nightly
codegen_flags: <defaults>
</compile_context>

<pallas_src>
import functools
import math

import jax
import jax.numpy as jnp
import numpy as np
from jax import lax
from jax.experimental import pallas as pl
from jax.experimental.pallas import tpu as pltpu
from jax.experimental.pallas import tpu_sc as plsc

B, T, NUM_TYPES, K, H = 4, 256, 128, 128, 32
RADIUS, MAX_NBR, MAX_REP = 5.0, 32, 2
C = (2 * MAX_REP + 1) * (2 * MAX_REP + 1)
NCAND = T * C
_SQRT_2PI = math.sqrt(2.0 * math.pi)

_RG = 8
_BI = 128
_E = _BI * MAX_NBR


_L = 16
_NW = 32
_RPW = (B * T) // _NW
_NCH = NCAND // _L
_R2 = RADIUS * RADIUS


def _sc_select_body(p2x_hbm, p2y_hbm, p2z_hbm, pxs_hbm, pys_hbm, pzs_hbm,
                    nav_hbm, at_hbm, mul_hbm, bias_hbm,
                    outk_hbm, outd_hbm, outm_hbm, outb_hbm,
                    p2x, p2y, p2z, pxs, pys, pzs, nav_v,
                    atb_vm, mul_vm, bias_vm,
                    cd2, ck, cmin, cd2b, ckb, cminb,
                    outk_v, outd_v, outm_v, outb_v):
    cid = lax.axis_index("c")
    sid = lax.axis_index("s")
    wid = sid * 2 + cid
    base = wid * _RPW
    b = base // T

    pltpu.sync_copy(p2x_hbm.at[b], p2x)
    pltpu.sync_copy(p2y_hbm.at[b], p2y)
    pltpu.sync_copy(p2z_hbm.at[b], p2z)
    pltpu.sync_copy(pxs_hbm.at[pl.ds(base, _RPW)], pxs)
    pltpu.sync_copy(pys_hbm.at[pl.ds(base, _RPW)], pys)
    pltpu.sync_copy(pzs_hbm.at[pl.ds(base, _RPW)], pzs)
    pltpu.sync_copy(nav_hbm, nav_v)
    pltpu.sync_copy(at_hbm.at[b], atb_vm)
    pltpu.sync_copy(mul_hbm, mul_vm)
    pltpu.sync_copy(bias_hbm, bias_vm)

    iota = lax.broadcasted_iota(jnp.int32, (_L,), 0)
    inf16 = jnp.full((_L,), jnp.inf, jnp.float32)
    lane0 = iota == 0
    nch_scan = nav_v[pl.ds(0, _L)][0] * (T // _L)

    def pair_body(rp, _):
        ra = rp * 2
        rb = ra + 1
        pxa = pxs[ra]
        pya = pys[ra]
        pza = pzs[ra]
        pxb = pxs[rb]
        pyb = pys[rb]
        pzb = pzs[rb]

        def ch_body(ci, carry):
            cnta, cntb = carry
            off = ci * _L
            vx = p2x[pl.ds(off, _L)]
            vy = p2y[pl.ds(off, _L)]
            vz = p2z[pl.ds(off, _L)]
            jvec = (off + iota) & (T - 1)
            dxa = vx - pxa
            dya = vy - pya
            dza = vz - pza
            d2a = dxa * dxa + dya * dya + dza * dza
            ma = (d2a <= _R2) & (d2a > 1e-4)
            dxb = vx - pxb
            dyb = vy - pyb
            dzb = vz - pzb
            d2b = dxb * dxb + dyb * dyb + dzb * dzb
            mb = (d2b <= _R2) & (d2b > 1e-4)
            plsc.store_compressed(cd2.at[pl.ds(cnta, _L)], d2a, mask=ma)
            plsc.store_compressed(ck.at[pl.ds(cnta, _L)], jvec, mask=ma)
            plsc.store_compressed(cd2b.at[pl.ds(cntb, _L)], d2b, mask=mb)
            plsc.store_compressed(ckb.at[pl.ds(cntb, _L)], jvec, mask=mb)
            return (cnta + jnp.sum(ma.astype(jnp.int32)),
                    cntb + jnp.sum(mb.astype(jnp.int32)))

        cnta, cntb = lax.fori_loop(0, nch_scan, ch_body,
                                   (jnp.int32(0), jnp.int32(0)))
        cd2[pl.ds(cnta, _L)] = inf16
        cd2b[pl.ds(cntb, _L)] = inf16

        nch_ca = (cnta + _L - 1) // _L
        nch_cb = (cntb + _L - 1) // _L
        nch_mx = jnp.maximum(nch_ca, nch_cb)

        def cm_body(ci, _):
            mva = jnp.min(cd2[pl.ds(ci * _L, _L)])
            mvb = jnp.min(cd2b[pl.ds(ci * _L, _L)])
            mva = jnp.where(ci < nch_ca, mva, jnp.inf)
            mvb = jnp.where(ci < nch_cb, mvb, jnp.inf)
            plsc.store_compressed(cmin.at[pl.ds(ci, _L)],
                                  jnp.full((_L,), mva, jnp.float32), mask=lane0)
            plsc.store_compressed(cminb.at[pl.ds(ci, _L)],
                                  jnp.full((_L,), mvb, jnp.float32), mask=lane0)
            return 0

        lax.fori_loop(0, nch_mx, cm_body, 0)
        cmin[pl.ds(nch_mx, _L)] = inf16
        cminb[pl.ds(nch_mx, _L)] = inf16
        ncm = (nch_mx + _L - 1) // _L

        def ex_body(n, carry):
            kacca, dacca, kaccb, daccb = carry

            def gm_body(ci, gcarry):
                bva, bia, bvb, bib = gcarry
                va = cmin[pl.ds(ci * _L, _L)]
                vb = cminb[pl.ds(ci * _L, _L)]
                mva = jnp.min(va)
                mvb = jnp.min(vb)
                lanea = jnp.min(plsc.all_reduce_ffs(va == mva))
                laneb = jnp.min(plsc.all_reduce_ffs(vb == mvb))
                bettera = mva < bva
                betterb = mvb < bvb
                return (jnp.where(bettera, mva, bva),
                        jnp.where(bettera, ci * _L + lanea, bia),
                        jnp.where(betterb, mvb, bvb),
                        jnp.where(betterb, ci * _L + laneb, bib))

            gmina, fcha, gminb, fchb = lax.fori_loop(
                0, ncm, gm_body,
                (jnp.float32(jnp.inf), jnp.int32(0),
                 jnp.float32(jnp.inf), jnp.int32(0)))
            coffa = fcha * _L
            coffb = fchb * _L
            va = cd2[pl.ds(coffa, _L)]
            vb = cd2b[pl.ds(coffb, _L)]
            lanea = jnp.min(plsc.all_reduce_ffs(va == gmina))
            laneb = jnp.min(plsc.all_reduce_ffs(vb == gminb))
            vka = ck[pl.ds(coffa, _L)]
            vkb = ckb[pl.ds(coffb, _L)]
            kvala = jnp.min(jnp.where(iota == lanea, vka, jnp.int32(2 ** 30)))
            kvalb = jnp.min(jnp.where(iota == laneb, vkb, jnp.int32(2 ** 30)))
            sel = iota == (n % _L)
            kacca = jnp.where(sel, jnp.full((_L,), kvala, jnp.int32), kacca)
            dacca = jnp.where(sel, jnp.full((_L,), gmina, jnp.float32), dacca)
            kaccb = jnp.where(sel, jnp.full((_L,), kvalb, jnp.int32), kaccb)
            daccb = jnp.where(sel, jnp.full((_L,), gminb, jnp.float32), daccb)
            v2a = jnp.where(iota == lanea, jnp.inf, va)
            v2b = jnp.where(iota == laneb, jnp.inf, vb)
            cd2[pl.ds(coffa, _L)] = v2a
            cd2b[pl.ds(coffb, _L)] = v2b
            plsc.store_compressed(cmin.at[pl.ds(fcha, _L)],
                                  jnp.full((_L,), jnp.min(v2a), jnp.float32),
                                  mask=lane0)
            plsc.store_compressed(cminb.at[pl.ds(fchb, _L)],
                                  jnp.full((_L,), jnp.min(v2b), jnp.float32),
                                  mask=lane0)
            return kacca, dacca, kaccb, daccb

        lrow = base - b * T + ra
        a_ia = plsc.load_gather(atb_vm, [jnp.full((_L,), lrow, jnp.int32)])
        a_ib = plsc.load_gather(atb_vm, [jnp.full((_L,), lrow + 1, jnp.int32)])

        def emit_half(h0, r, a_i, kacc, dacc):
            outk_v[r, pl.ds(h0, _L)] = kacc
            outd_v[r, pl.ds(h0, _L)] = dacc
            a_j = plsc.load_gather(atb_vm, [kacc & (T - 1)])
            etype = a_i * NUM_TYPES + a_j
            outm_v[r, pl.ds(h0, _L)] = plsc.load_gather(mul_vm, [etype])
            outb_v[r, pl.ds(h0, _L)] = plsc.load_gather(bias_vm, [etype])

        z16i = jnp.zeros((_L,), jnp.int32)
        z16f = jnp.zeros((_L,), jnp.float32)
        acc = lax.fori_loop(0, _L, ex_body, (z16i, z16f, z16i, z16f))
        emit_half(0, ra, a_ia, acc[0], acc[1])
        emit_half(0, rb, a_ib, acc[2], acc[3])
        acc = lax.fori_loop(_L, MAX_NBR, ex_body, (z16i, z16f, z16i, z16f))
        emit_half(_L, ra, a_ia, acc[0], acc[1])
        emit_half(_L, rb, a_ib, acc[2], acc[3])
        return 0

    lax.fori_loop(0, _RPW // 2, pair_body, 0)
    pltpu.sync_copy(outk_v, outk_hbm.at[pl.ds(base, _RPW)])
    pltpu.sync_copy(outd_v, outd_hbm.at[pl.ds(base, _RPW)])
    pltpu.sync_copy(outm_v, outm_hbm.at[pl.ds(base, _RPW)])
    pltpu.sync_copy(outb_v, outb_hbm.at[pl.ds(base, _RPW)])


_sc_select = functools.partial(
    pl.kernel,
    out_type=[jax.ShapeDtypeStruct((B * T, MAX_NBR), jnp.int32),
              jax.ShapeDtypeStruct((B * T, MAX_NBR), jnp.float32),
              jax.ShapeDtypeStruct((B * T, MAX_NBR), jnp.float32),
              jax.ShapeDtypeStruct((B * T, MAX_NBR), jnp.float32)],
    mesh=plsc.VectorSubcoreMesh(core_axis_name="c", subcore_axis_name="s"),
    scratch_types=[
        pltpu.VMEM((NCAND,), jnp.float32),
        pltpu.VMEM((NCAND,), jnp.float32),
        pltpu.VMEM((NCAND,), jnp.float32),
        pltpu.VMEM((_RPW, _L), jnp.float32),
        pltpu.VMEM((_RPW, _L), jnp.float32),
        pltpu.VMEM((_RPW, _L), jnp.float32),
        pltpu.VMEM((_L,), jnp.int32),
        pltpu.VMEM((T,), jnp.int32),
        pltpu.VMEM((NUM_TYPES * NUM_TYPES,), jnp.float32),
        pltpu.VMEM((NUM_TYPES * NUM_TYPES,), jnp.float32),
        pltpu.VMEM((NCAND + _L,), jnp.float32),
        pltpu.VMEM((NCAND + _L,), jnp.int32),
        pltpu.VMEM((_NCH + _L,), jnp.float32),
        pltpu.VMEM((NCAND + _L,), jnp.float32),
        pltpu.VMEM((NCAND + _L,), jnp.int32),
        pltpu.VMEM((_NCH + _L,), jnp.float32),
        pltpu.VMEM((_RPW, MAX_NBR), jnp.int32),
        pltpu.VMEM((_RPW, MAX_NBR), jnp.float32),
        pltpu.VMEM((_RPW, MAX_NBR), jnp.float32),
        pltpu.VMEM((_RPW, MAX_NBR), jnp.float32),
    ],
    compiler_params=pltpu.CompilerParams(needs_layout_passes=False),
)(_sc_select_body)


def _select_body(p2x_ref, p2y_ref, p2z_ref, px_ref, py_ref, pz_ref,
                 idx_ref, d2_ref):
    p2x = p2x_ref[0, 0, :]
    p2y = p2y_ref[0, 0, :]
    p2z = p2z_ref[0, 0, :]
    px = px_ref[0]
    py = py_ref[0]
    pz = pz_ref[0]
    dx = p2x - px
    dy = p2y - py
    dz = p2z - pz
    d2 = dx * dx + dy * dy + dz * dz
    ok = (d2 <= RADIUS * RADIUS) & (d2 > 1e-4)
    d2m = jnp.where(ok, d2, jnp.inf)
    iota = jax.lax.broadcasted_iota(jnp.int32, (_RG, NCAND), 1)
    idx_cols = []
    d2_cols = []
    for _ in range(MAX_NBR):
        rowmin = jnp.min(d2m, axis=1, keepdims=True)
        cand = jnp.where(d2m == rowmin, iota, jnp.int32(2 ** 30))
        amin = jnp.min(cand, axis=1, keepdims=True)
        idx_cols.append(amin)
        d2_cols.append(rowmin)
        d2m = jnp.where(iota == amin, jnp.inf, d2m)
    idx_ref[0] = jnp.concatenate(idx_cols, axis=1)
    d2_ref[0] = jnp.concatenate(d2_cols, axis=1)


def _edge_body(idx_ref, d2_ref, mule_ref, biase_ref,
               means_ref, stds_ref, w1_ref, b1_ref, w2_ref, b2_ref, out_ref):
    k = idx_ref[0]
    d2s = d2_ref[0]
    valid = d2s <= RADIUS * RADIUS
    j = k.astype(jnp.float32)

    iota_t = jax.lax.broadcasted_iota(jnp.int32, (_E, T), 1).astype(jnp.float32)
    oj = (j == iota_t).astype(jnp.float32)
    mul_e = mule_ref[0]
    bias_e = biase_ref[0]

    d2c = jnp.where(valid, d2s, 0.0)
    dist = jnp.sqrt(d2c + 1e-12)
    x = mul_e * dist + bias_e

    std = jnp.abs(stds_ref[...]) + 1e-5
    pre = (x - means_ref[...]) / std
    g = jnp.exp(-0.5 * pre * pre) / (_SQRT_2PI * std)
    h1 = jax.nn.gelu(jnp.dot(g, w1_ref[...], preferred_element_type=jnp.float32, precision=jax.lax.Precision.HIGHEST)
                     + b1_ref[...])
    h = jnp.dot(h1, w2_ref[...], preferred_element_type=jnp.float32, precision=jax.lax.Precision.HIGHEST) + b2_ref[...]
    h = jnp.where(valid, h, 0.0)
    hb = h.astype(jnp.bfloat16).astype(jnp.float32)
    hr = h - hb
    htb = hb.T
    htr = hr.T

    for i in range(_BI):
        sl = slice(i * MAX_NBR, (i + 1) * MAX_NBR)
        si = oj[sl, :]
        out_ref[0, :, i, :] = (
            jnp.dot(htb[:, sl], si, preferred_element_type=jnp.float32)
            + jnp.dot(htr[:, sl], si, preferred_element_type=jnp.float32))


def kernel(pos, atom_types, natoms, cell, means, stds, mul_w, bias_w,
           W1, b1, W2, b2):
    del natoms
    cross_a2a3 = jnp.cross(cell[:, 1], cell[:, 2])
    cell_vol = jnp.sum(cell[:, 0] * cross_a2a3, axis=-1, keepdims=True)
    crosses = [cross_a2a3, jnp.cross(cell[:, 2], cell[:, 0]),
               jnp.cross(cell[:, 0], cell[:, 1])]
    pbc = (True, True, False)
    rep_caps = []
    for dim in range(3):
        if pbc[dim]:
            inv = jnp.linalg.norm(crosses[dim] / cell_vol, axis=-1)
            rep_caps.append(jnp.minimum(jnp.max(jnp.ceil(RADIUS * inv)), float(MAX_REP)))
        else:
            rep_caps.append(jnp.asarray(0.0, jnp.float32))
    static_reps = [MAX_REP if pbc[dim] else 0 for dim in range(3)]
    cells_per_dim = [np.arange(-r, r + 1, dtype=np.float32) for r in static_reps]
    mg = np.meshgrid(*cells_per_dim, indexing="ij")
    unit_cell = jnp.asarray(np.stack([m.reshape(-1) for m in mg], axis=1))
    cell_ok = jnp.ones((C,), bool)
    for dim in range(3):
        cell_ok = cell_ok & (jnp.abs(unit_cell[:, dim]) <= rep_caps[dim])
    pbc_off = jnp.einsum("ci,bij->bcj", unit_cell, cell)
    order = jnp.argsort(jnp.logical_not(cell_ok).astype(jnp.int32), stable=True)
    n_alive = jnp.sum(cell_ok.astype(jnp.int32))
    pbc_off = pbc_off[:, order, :]
    pos2 = pbc_off[:, :, None, :] + pos[:, None, :, :]
    pos2 = pos2.reshape(B, NCAND, 3)

    p2x = pos2[..., 0]
    p2y = pos2[..., 1]
    p2z = pos2[..., 2]
    pos_flat = pos.reshape(B * T, 3)
    pxs = jnp.broadcast_to(pos_flat[:, 0:1], (B * T, _L))
    pys = jnp.broadcast_to(pos_flat[:, 1:2], (B * T, _L))
    pzs = jnp.broadcast_to(pos_flat[:, 2:3], (B * T, _L))
    nav = jnp.full((_L,), n_alive, jnp.int32)

    sel_idx, sel_d2, mul_e, bias_e = _sc_select(
        p2x, p2y, p2z, pxs, pys, pzs, nav, atom_types.astype(jnp.int32),
        mul_w, bias_w)
    nsteps = B * T // _BI
    steps_per_b = T // _BI
    sel_idx = sel_idx.reshape(nsteps, _E, 1)
    sel_d2 = sel_d2.reshape(nsteps, _E, 1)
    mul_e = mul_e.reshape(nsteps, _E, 1)
    bias_e = bias_e.reshape(nsteps, _E, 1)

    out = pl.pallas_call(
        _edge_body,
        grid=(nsteps,),
        in_specs=[
            pl.BlockSpec((1, _E, 1), lambda g: (g, 0, 0)),
            pl.BlockSpec((1, _E, 1), lambda g: (g, 0, 0)),
            pl.BlockSpec((1, _E, 1), lambda g: (g, 0, 0)),
            pl.BlockSpec((1, _E, 1), lambda g: (g, 0, 0)),
            pl.BlockSpec((1, K), lambda g: (0, 0)),
            pl.BlockSpec((1, K), lambda g: (0, 0)),
            pl.BlockSpec((K, K), lambda g: (0, 0)),
            pl.BlockSpec((1, K), lambda g: (0, 0)),
            pl.BlockSpec((K, H), lambda g: (0, 0)),
            pl.BlockSpec((1, H), lambda g: (0, 0)),
        ],
        out_specs=pl.BlockSpec(
            (1, H, _BI, T), lambda g: (g // steps_per_b, 0, g % steps_per_b, 0)),
        out_shape=jax.ShapeDtypeStruct((B, H, T, T), jnp.float32),
    )(sel_idx, sel_d2, mul_e, bias_e,
      means.reshape(1, K), stds.reshape(1, K), W1, b1.reshape(1, K),
      W2, b2.reshape(1, H))
    return out

# --- scband reference (transcript-rebuilt; emitter-appended) ---
"""Pipeline reference for scband-graph3-dbias-pbc-15616501088376 (READ-ONLY COPY).

The authoritative reference and input builder live on the scoring server;
editing this copy changes nothing except your own understanding.
"""

import math
import jax, jax.numpy as jnp
import numpy as np

B, T, NUM_TYPES, K, H = 4, 256, 128, 128, 32
RADIUS, MAX_NBR, MAX_REP = 5.0, 32, 2


def setup_inputs(seed: int = 0):
    key = jax.random.key(seed)
    ks = jax.random.split(key, 10)
    pos = jax.random.uniform(ks[0], (B, T, 3), dtype=jnp.float32) * 8.0
    atom_types = jax.random.randint(ks[1], (B, T), 0, NUM_TYPES)
    natoms = jnp.full((B,), T, dtype=jnp.int32)
    cell = jnp.tile(jnp.eye(3, dtype=jnp.float32)[None] * 8.0, (B, 1, 1)) + 0.05 * jax.random.normal(ks[2], (B, 3, 3), dtype=jnp.float32)
    means = jax.random.uniform(ks[3], (K,), dtype=jnp.float32) * 3.0
    stds = jax.random.uniform(ks[4], (K,), dtype=jnp.float32) * 3.0 + 0.1
    mul_w = 1.0 + 0.01 * jax.random.normal(ks[5], (NUM_TYPES * NUM_TYPES,), dtype=jnp.float32)
    bias_w = 0.01 * jax.random.normal(ks[6], (NUM_TYPES * NUM_TYPES,), dtype=jnp.float32)
    W1 = jax.random.normal(ks[7], (K, K), dtype=jnp.float32) / math.sqrt(K)
    b1 = jnp.zeros((K,), jnp.float32)
    W2 = jax.random.normal(ks[8], (K, H), dtype=jnp.float32) / math.sqrt(K)
    b2 = jnp.zeros((H,), jnp.float32)
    return {"pos": pos, "atom_types": atom_types, "natoms": natoms, "cell": cell,
            "means": means, "stds": stds, "mul_w": mul_w, "bias_w": bias_w,
            "W1": W1, "b1": b1, "W2": W2, "b2": b2}


def _radius_graph_pbc(pos_flat, cell, radius, max_nbr, max_rep_thr, pbc=(True, True, False)):
    N = pos_flat.shape[0]
    cross_a2a3 = jnp.cross(cell[:, 1], cell[:, 2])
    cell_vol = jnp.sum(cell[:, 0] * cross_a2a3, axis=-1, keepdims=True)
    crosses = [cross_a2a3, jnp.cross(cell[:, 2], cell[:, 0]), jnp.cross(cell[:, 0], cell[:, 1])]
    rep_caps = []
    for dim in range(3):
        if pbc[dim]:
            inv = jnp.linalg.norm(crosses[dim] / cell_vol, axis=-1)
            rep_caps.append(jnp.minimum(jnp.max(jnp.ceil(radius * inv)), float(max_rep_thr)))
        else:
            rep_caps.append(jnp.asarray(0.0, jnp.float32))
    static_reps = [max_rep_thr if pbc[dim] else 0 for dim in range(3)]
    cells_per_dim = [np.arange(-r, r + 1, dtype=np.float32) for r in static_reps]
    mg = np.meshgrid(*cells_per_dim, indexing="ij")
    unit_cell = jnp.asarray(np.stack([m.reshape(-1) for m in mg], axis=1))
    C = unit_cell.shape[0]
    cell_ok = jnp.ones((C,), bool)
    for dim in range(3):
        cell_ok = cell_ok & (jnp.abs(unit_cell[:, dim]) <= rep_caps[dim])
    pbc_off = jnp.einsum("ci,bij->bcj", unit_cell, cell)
    pos_b = pos_flat.reshape(B, T, 3)
    pos2_all = pos_b[:, None, :, None, :] + pbc_off[:, None, None, :, :]
    d2 = jnp.sum((pos_b[:, :, None, None, :] - pos2_all) ** 2, axis=-1)
    ok = (d2 <= radius * radius) & (d2 > 1e-4) & cell_ok[None, None, None, :]
    d2m = jnp.where(ok, d2, jnp.inf).reshape(N, T * C)
    order = jnp.sort(jnp.argsort(d2m, axis=1)[:, :max_nbr], axis=1)
    sel_d2 = jnp.take_along_axis(d2m, order, axis=1)
    edge_valid = jnp.isfinite(sel_d2).reshape(-1)
    a2 = (order // C).reshape(-1)
    cidx = (order % C).reshape(-1)
    index1e = jnp.repeat(jnp.arange(N), max_nbr)
    index2e = (index1e // T) * T + a2
    ucell = unit_cell[cidx]
    edge_index = jnp.stack([index2e, index1e])
    return edge_index, ucell, edge_valid


def _bias_from_edges(pos_flat, cell, means, stds, mul_w, bias_w, W1, b1, W2, b2, edge_index, ucell, atype_flat, edge_valid):
    row, col = edge_index[0], edge_index[1]
    gid = col // T
    dvec = pos_flat[row] - pos_flat[col] + jnp.einsum("ei,eij->ej", ucell, cell[gid])
    dist = jnp.sqrt(jnp.sum(dvec * dvec, axis=-1) + 1e-12)
    etype = atype_flat[col] * NUM_TYPES + atype_flat[row]
    x = mul_w[etype] * dist + bias_w[etype]
    std = jnp.abs(stds) + 1e-5
    pre = (x[:, None] - means[None, :]) / std[None, :]
    g = jnp.exp(-0.5 * pre * pre) / (math.sqrt(2.0 * math.pi) * std[None, :])
    h = jax.nn.gelu(g @ W1 + b1[None, :]) @ W2 + b2[None, :]
    h = jnp.where(edge_valid[:, None], h, 0.0)
    lrow = row - gid * T
    lcol = col - gid * T
    bias_btth = jnp.zeros((B, T, T, H), jnp.float32).at[gid, lcol, lrow].add(h)
    return jnp.transpose(bias_btth, (0, 3, 1, 2))


def reference(pos, atom_types, natoms, cell, means, stds, mul_w, bias_w, W1, b1, W2, b2):
    pos_flat = pos.reshape(-1, 3)
    atype_flat = atom_types.reshape(-1)
    edge_index, ucell, edge_valid = _radius_graph_pbc(pos_flat, cell, RADIUS, MAX_NBR, MAX_REP)
    return _bias_from_edges(pos_flat, cell, means, stds, mul_w, bias_w, W1, b1, W2, b2, edge_index, ucell, atype_flat, edge_valid)

if __name__ == "__main__":
    import jax
    _d = setup_inputs()
    print(jax.jit(kernel)(*tuple(_d.values())))

</pallas_src>

<mosaic_0001>
#map = affine_map<(d0, d1) -> (0, 0)>
#map1 = affine_map<(d0, d1) -> (0)>
module attributes {stable_mosaic.version = 14 : i64} {
  func.func @_sc_select_body(%arg0: i32, %arg1: i32, %arg2: memref<4x6400xf32, #tpu.memory_space<hbm>>, %arg3: memref<4x6400xf32, #tpu.memory_space<hbm>>, %arg4: memref<4x6400xf32, #tpu.memory_space<hbm>>, %arg5: memref<1024x16xf32, #tpu.memory_space<hbm>>, %arg6: memref<1024x16xf32, #tpu.memory_space<hbm>>, %arg7: memref<1024x16xf32, #tpu.memory_space<hbm>>, %arg8: memref<16xi32, #tpu.memory_space<hbm>>, %arg9: memref<4x256xi32, #tpu.memory_space<hbm>>, %arg10: memref<16384xf32, #tpu.memory_space<hbm>>, %arg11: memref<16384xf32, #tpu.memory_space<hbm>>, %arg12: memref<1024x32xi32, #tpu.memory_space<hbm>>, %arg13: memref<1024x32xf32, #tpu.memory_space<hbm>>, %arg14: memref<1024x32xf32, #tpu.memory_space<hbm>>, %arg15: memref<1024x32xf32, #tpu.memory_space<hbm>>, %arg16: memref<6400xf32, #tpu.memory_space<vmem>>, %arg17: memref<6400xf32, #tpu.memory_space<vmem>>, %arg18: memref<6400xf32, #tpu.memory_space<vmem>>, %arg19: memref<32x16xf32, #tpu.memory_space<vmem>>, %arg20: memref<32x16xf32, #tpu.memory_space<vmem>>, %arg21: memref<32x16xf32, #tpu.memory_space<vmem>>, %arg22: memref<16xi32, #tpu.memory_space<vmem>>, %arg23: memref<256xi32, #tpu.memory_space<vmem>>, %arg24: memref<16384xf32, #tpu.memory_space<vmem>>, %arg25: memref<16384xf32, #tpu.memory_space<vmem>>, %arg26: memref<6416xf32, #tpu.memory_space<vmem>>, %arg27: memref<6416xi32, #tpu.memory_space<vmem>>, %arg28: memref<416xf32, #tpu.memory_space<vmem>>, %arg29: memref<6416xf32, #tpu.memory_space<vmem>>, %arg30: memref<6416xi32, #tpu.memory_space<vmem>>, %arg31: memref<416xf32, #tpu.memory_space<vmem>>, %arg32: memref<32x32xi32, #tpu.memory_space<vmem>>, %arg33: memref<32x32xf32, #tpu.memory_space<vmem>>, %arg34: memref<32x32xf32, #tpu.memory_space<vmem>>, %arg35: memref<32x32xf32, #tpu.memory_space<vmem>>) attributes {dimension_semantics = [#tpu.dimension_semantics<core_parallel>, #tpu.dimension_semantics<subcore_parallel>], iteration_bounds = array<i64: 2, 16>, scalar_prefetch = 0 : i64, scratch_operands = 20 : i64, tpu.core_type = #tpu.core_type<sc_vector_subcore>, window_params = [{transform_indices = #map}, {transform_indices = #map}, {transform_indices = #map}, {transform_indices = #map}, {transform_indices = #map}, {transform_indices = #map}, {transform_indices = #map1}, {transform_indices = #map}, {transform_indices = #map1}, {transform_indices = #map1}, {transform_indices = #map}, {transform_indices = #map}, {transform_indices = #map}, {transform_indices = #map}]} {
    %mul3A = arith.constant 2 : i32
    %mul3A_0 = arith.muli %arg1, %mul3A : i32
    %add3A = arith.addi %mul3A_0, %arg0 : i32
    %mul3A_1 = arith.constant 32 : i32
    %mul3A_2 = arith.muli %add3A, %mul3A_1 : i32
    %jit3A = arith.constant 256 : i32
    %div3A = arith.divsi %mul3A_2, %jit3A : i32
    %sign3A = arith.constant 0 : i32
    %sign3A_3 = arith.cmpi sgt, %mul3A_2, %sign3A : i32
    %sign3A_4 = arith.extui %sign3A_3 : i1 to i32
    %sign3A_5 = arith.constant 0 : i32
    %sign3A_6 = arith.cmpi slt, %mul3A_2, %sign3A_5 : i32
    %sign3A_7 = arith.extui %sign3A_6 : i1 to i32
    %sign3A_8 = arith.subi %sign3A_4, %sign3A_7 : i32
    %sign3A_9 = arith.constant 0 : i32
    %sign3A_10 = arith.cmpi sgt, %jit3A, %sign3A_9 : i32
    %sign3A_11 = arith.extui %sign3A_10 : i1 to i32
    %sign3A_12 = arith.constant 0 : i32
    %sign3A_13 = arith.cmpi slt, %jit3A, %sign3A_12 : i32
    %sign3A_14 = arith.extui %sign3A_13 : i1 to i32
    %sign3A_15 = arith.subi %sign3A_11, %sign3A_14 : i32
    %ne3A = arith.cmpi ne, %sign3A_8, %sign3A_15 : i32
    %rem3A = arith.remsi %mul3A_2, %jit3A : i32
    %ne3A_16 = arith.constant 0 : i32
    %ne3A_17 = arith.cmpi ne, %rem3A, %ne3A_16 : i32
    %and3A = arith.andi %ne3A, %ne3A_17 : i1
    %sub3A = arith.constant 1 : i32
    %sub3A_18 = arith.subi %div3A, %sub3A : i32
    %select_n3A = arith.select %and3A, %sub3A_18, %div3A : i32
    "tpu.region"() ({
      %run_scoped3A = tpu.sem_alloc : memref<!tpu.dma_semaphore, #tpu.memory_space<semaphore_mem>>
      %dma_start3A = arith.constant 0 : i32
      %dma_start3A_31 = tpu.memref_slice %arg2[%select_n3A, %dma_start3A] : memref<4x6400xf32, #tpu.memory_space<hbm>> -> memref<1x6400xf32, #tpu.memory_space<hbm>>
      %dma_start3A_32 = tpu.memref_squeeze %dma_start3A_31 : memref<1x6400xf32, #tpu.memory_space<hbm>> -> memref<6400xf32, #tpu.memory_space<hbm>>
      %dma_start3A_33 = arith.constant 0 : i32
      %dma_start3A_34 = tpu.memref_slice %arg2[%select_n3A, %dma_start3A_33] : memref<4x6400xf32, #tpu.memory_space<hbm>> -> memref<1x6400xf32, #tpu.memory_space<hbm>>
      %dma_start3A_35 = tpu.memref_squeeze %dma_start3A_34 : memref<1x6400xf32, #tpu.memory_space<hbm>> -> memref<6400xf32, #tpu.memory_space<hbm>>
      tpu.enqueue_dma source(%dma_start3A_35 : memref<6400xf32, #tpu.memory_space<hbm>>) target(%arg16 : memref<6400xf32, #tpu.memory_space<vmem>>) target_semaphore(%run_scoped3A : memref<!tpu.dma_semaphore, #tpu.memory_space<semaphore_mem>>)
      %dma_wait3A = arith.constant 0 : i32
      %dma_wait3A_36 = tpu.memref_slice %arg2[%select_n3A, %dma_wait3A] : memref<4x6400xf32, #tpu.memory_space<hbm>> -> memref<1x6400xf32, #tpu.memory_space<hbm>>
      %dma_wait3A_37 = tpu.memref_squeeze %dma_wait3A_36 : memref<1x6400xf32, #tpu.memory_space<hbm>> -> memref<6400xf32, #tpu.memory_space<hbm>>
      %dma_wait3A_38 = arith.constant 0 : i32
      %dma_wait3A_39 = tpu.memref_slice %arg2[%select_n3A, %dma_wait3A_38] : memref<4x6400xf32, #tpu.memory_space<hbm>> -> memref<1x6400xf32, #tpu.memory_space<hbm>>
      %dma_wait3A_40 = tpu.memref_squeeze %dma_wait3A_39 : memref<1x6400xf32, #tpu.memory_space<hbm>> -> memref<6400xf32, #tpu.memory_space<hbm>>
      tpu.wait_dma2 semaphore(%run_scoped3A : memref<!tpu.dma_semaphore, #tpu.memory_space<semaphore_mem>>) src(%dma_wait3A_40 : memref<6400xf32, #tpu.memory_space<hbm>>) dst(%arg16 : memref<6400xf32, #tpu.memory_space<vmem>>)
      tpu.yield
    }) : () -> ()
    "tpu.region"() ({
      %run_scoped3A = tpu.sem_alloc : memref<!tpu.dma_semaphore, #tpu.memory_space<semaphore_mem>>
      %dma_start3A = arith.constant 0 : i32
      %dma_start3A_31 = tpu.memref_slice %arg3[%select_n3A, %dma_start3A] : memref<4x6400xf32, #tpu.memory_space<hbm>> -> memref<1x6400xf32, #tpu.memory_space<hbm>>
      %dma_start3A_32 = tpu.memref_squeeze %dma_start3A_31 : memref<1x6400xf32, #tpu.memory_space<hbm>> -> memref<6400xf32, #tpu.memory_space<hbm>>
      %dma_start3A_33 = arith.constant 0 : i32
      %dma_start3A_34 = tpu.memref_slice %arg3[%select_n3A, %dma_start3A_33] : memref<4x6400xf32, #tpu.memory_space<hbm>> -> memref<1x6400xf32, #tpu.memory_space<hbm>>
      %dma_start3A_35 = tpu.memref_squeeze %dma_start3A_34 : memref<1x6400xf32, #tpu.memory_space<hbm>> -> memref<6400xf32, #tpu.memory_space<hbm>>
      tpu.enqueue_dma source(%dma_start3A_35 : memref<6400xf32, #tpu.memory_space<hbm>>) target(%arg17 : memref<6400xf32, #tpu.memory_space<vmem>>) target_semaphore(%run_scoped3A : memref<!tpu.dma_semaphore, #tpu.memory_space<semaphore_mem>>)
      %dma_wait3A = arith.constant 0 : i32
      %dma_wait3A_36 = tpu.memref_slice %arg3[%select_n3A, %dma_wait3A] : memref<4x6400xf32, #tpu.memory_space<hbm>> -> memref<1x6400xf32, #tpu.memory_space<hbm>>
      %dma_wait3A_37 = tpu.memref_squeeze %dma_wait3A_36 : memref<1x6400xf32, #tpu.memory_space<hbm>> -> memref<6400xf32, #tpu.memory_space<hbm>>
      %dma_wait3A_38 = arith.constant 0 : i32
      %dma_wait3A_39 = tpu.memref_slice %arg3[%select_n3A, %dma_wait3A_38] : memref<4x6400xf32, #tpu.memory_space<hbm>> -> memref<1x6400xf32, #tpu.memory_space<hbm>>
      %dma_wait3A_40 = tpu.memref_squeeze %dma_wait3A_39 : memref<1x6400xf32, #tpu.memory_space<hbm>> -> memref<6400xf32, #tpu.memory_space<hbm>>
      tpu.wait_dma2 semaphore(%run_scoped3A : memref<!tpu.dma_semaphore, #tpu.memory_space<semaphore_mem>>) src(%dma_wait3A_40 : memref<6400xf32, #tpu.memory_space<hbm>>) dst(%arg17 : memref<6400xf32, #tpu.memory_space<vmem>>)
      tpu.yield
    }) : () -> ()
    "tpu.region"() ({
      %run_scoped3A = tpu.sem_alloc : memref<!tpu.dma_semaphore, #tpu.memory_space<semaphore_mem>>
      %dma_start3A = arith.constant 0 : i32
      %dma_start3A_31 = tpu.memref_slice %arg4[%select_n3A, %dma_start3A] : memref<4x6400xf32, #tpu.memory_space<hbm>> -> memref<1x6400xf32, #tpu.memory_space<hbm>>
      %dma_start3A_32 = tpu.memref_squeeze %dma_start3A_31 : memref<1x6400xf32, #tpu.memory_space<hbm>> -> memref<6400xf32, #tpu.memory_space<hbm>>
      %dma_start3A_33 = arith.constant 0 : i32
      %dma_start3A_34 = tpu.memref_slice %arg4[%select_n3A, %dma_start3A_33] : memref<4x6400xf32, #tpu.memory_space<hbm>> -> memref<1x6400xf32, #tpu.memory_space<hbm>>
      %dma_start3A_35 = tpu.memref_squeeze %dma_start3A_34 : memref<1x6400xf32, #tpu.memory_space<hbm>> -> memref<6400xf32, #tpu.memory_space<hbm>>
      tpu.enqueue_dma source(%dma_start3A_35 : memref<6400xf32, #tpu.memory_space<hbm>>) target(%arg18 : memref<6400xf32, #tpu.memory_space<vmem>>) target_semaphore(%run_scoped3A : memref<!tpu.dma_semaphore, #tpu.memory_space<semaphore_mem>>)
      %dma_wait3A = arith.constant 0 : i32
      %dma_wait3A_36 = tpu.memref_slice %arg4[%select_n3A, %dma_wait3A] : memref<4x6400xf32, #tpu.memory_space<hbm>> -> memref<1x6400xf32, #tpu.memory_space<hbm>>
      %dma_wait3A_37 = tpu.memref_squeeze %dma_wait3A_36 : memref<1x6400xf32, #tpu.memory_space<hbm>> -> memref<6400xf32, #tpu.memory_space<hbm>>
      %dma_wait3A_38 = arith.constant 0 : i32
      %dma_wait3A_39 = tpu.memref_slice %arg4[%select_n3A, %dma_wait3A_38] : memref<4x6400xf32, #tpu.memory_space<hbm>> -> memref<1x6400xf32, #tpu.memory_space<hbm>>
      %dma_wait3A_40 = tpu.memref_squeeze %dma_wait3A_39 : memref<1x6400xf32, #tpu.memory_space<hbm>> -> memref<6400xf32, #tpu.memory_space<hbm>>
      tpu.wait_dma2 semaphore(%run_scoped3A : memref<!tpu.dma_semaphore, #tpu.memory_space<semaphore_mem>>) src(%dma_wait3A_40 : memref<6400xf32, #tpu.memory_space<hbm>>) dst(%arg18 : memref<6400xf32, #tpu.memory_space<vmem>>)
      tpu.yield
    }) : () -> ()
    "tpu.region"() ({
      %run_scoped3A = tpu.sem_alloc : memref<!tpu.dma_semaphore, #tpu.memory_space<semaphore_mem>>
      %dma_start3A = arith.constant 0 : i32
      %dma_start3A_31 = tpu.memref_slice %arg5[%mul3A_2, %dma_start3A] : memref<1024x16xf32, #tpu.memory_space<hbm>> -> memref<32x16xf32, #tpu.memory_space<hbm>>
      %dma_start3A_32 = arith.constant 0 : i32
      %dma_start3A_33 = tpu.memref_slice %arg5[%mul3A_2, %dma_start3A_32] : memref<1024x16xf32, #tpu.memory_space<hbm>> -> memref<32x16xf32, #tpu.memory_space<hbm>>
      tpu.enqueue_dma source(%dma_start3A_33 : memref<32x16xf32, #tpu.memory_space<hbm>>) target(%arg19 : memref<32x16xf32, #tpu.memory_space<vmem>>) target_semaphore(%run_scoped3A : memref<!tpu.dma_semaphore, #tpu.memory_space<semaphore_mem>>)
      %dma_wait3A = arith.constant 0 : i32
      %dma_wait3A_34 = tpu.memref_slice %arg5[%mul3A_2, %dma_wait3A] : memref<1024x16xf32, #tpu.memory_space<hbm>> -> memref<32x16xf32, #tpu.memory_space<hbm>>
      %dma_wait3A_35 = arith.constant 0 : i32
      %dma_wait3A_36 = tpu.memref_slice %arg5[%mul3A_2, %dma_wait3A_35] : memref<1024x16xf32, #tpu.memory_space<hbm>> -> memref<32x16xf32, #tpu.memory_space<hbm>>
      tpu.wait_dma2 semaphore(%run_scoped3A : memref<!tpu.dma_semaphore, #tpu.memory_space<semaphore_mem>>) src(%dma_wait3A_36 : memref<32x16xf32, #tpu.memory_space<hbm>>) dst(%arg19 : memref<32x16xf32, #tpu.memory_space<vmem>>)
      tpu.yield
    }) : () -> ()
    "tpu.region"() ({
      %run_scoped3A = tpu.sem_alloc : memref<!tpu.dma_semaphore, #tpu.memory_space<semaphore_mem>>
      %dma_start3A = arith.constant 0 : i32
      %dma_start3A_31 = tpu.memref_slice %arg6[%mul3A_2, %dma_start3A] : memref<1024x16xf32, #tpu.memory_space<hbm>> -> memref<32x16xf32, #tpu.memory_space<hbm>>
      %dma_start3A_32 = arith.constant 0 : i32
      %dma_start3A_33 = tpu.memref_slice %arg6[%mul3A_2, %dma_start3A_32] : memref<1024x16xf32, #tpu.memory_space<hbm>> -> memref<32x16xf32, #tpu.memory_space<hbm>>
      tpu.enqueue_dma source(%dma_start3A_33 : memref<32x16xf32, #tpu.memory_space<hbm>>) target(%arg20 : memref<32x16xf32, #tpu.memory_space<vmem>>) target_semaphore(%run_scoped3A : memref<!tpu.dma_semaphore, #tpu.memory_space<semaphore_mem>>)
      %dma_wait3A = arith.constant 0 : i32
      %dma_wait3A_34 = tpu.memref_slice %arg6[%mul3A_2, %dma_wait3A] : memref<1024x16xf32, #tpu.memory_space<hbm>> -> memref<32x16xf32, #tpu.memory_space<hbm>>
      %dma_wait3A_35 = arith.constant 0 : i32
      %dma_wait3A_36 = tpu.memref_slice %arg6[%mul3A_2, %dma_wait3A_35] : memref<1024x16xf32, #tpu.memory_space<hbm>> -> memref<32x16xf32, #tpu.memory_space<hbm>>
      tpu.wait_dma2 semaphore(%run_scoped3A : memref<!tpu.dma_semaphore, #tpu.memory_space<semaphore_mem>>) src(%dma_wait3A_36 : memref<32x16xf32, #tpu.memory_space<hbm>>) dst(%arg20 : memref<32x16xf32, #tpu.memory_space<vmem>>)
      tpu.yield
    }) : () -> ()
    "tpu.region"() ({
      %run_scoped3A = tpu.sem_alloc : memref<!tpu.dma_semaphore, #tpu.memory_space<semaphore_mem>>
      %dma_start3A = arith.constant 0 : i32
      %dma_start3A_31 = tpu.memref_slice %arg7[%mul3A_2, %dma_start3A] : memref<1024x16xf32, #tpu.memory_space<hbm>> -> memref<32x16xf32, #tpu.memory_space<hbm>>
      %dma_start3A_32 = arith.constant 0 : i32
      %dma_start3A_33 = tpu.memref_slice %arg7[%mul3A_2, %dma_start3A_32] : memref<1024x16xf32, #tpu.memory_space<hbm>> -> memref<32x16xf32, #tpu.memory_space<hbm>>
      tpu.enqueue_dma source(%dma_start3A_33 : memref<32x16xf32, #tpu.memory_space<hbm>>) target(%arg21 : memref<32x16xf32, #tpu.memory_space<vmem>>) target_semaphore(%run_scoped3A : memref<!tpu.dma_semaphore, #tpu.memory_space<semaphore_mem>>)
      %dma_wait3A = arith.constant 0 : i32
      %dma_wait3A_34 = tpu.memref_slice %arg7[%mul3A_2, %dma_wait3A] : memref<1024x16xf32, #tpu.memory_space<hbm>> -> memref<32x16xf32, #tpu.memory_space<hbm>>
      %dma_wait3A_35 = arith.constant 0 : i32
      %dma_wait3A_36 = tpu.memref_slice %arg7[%mul3A_2, %dma_wait3A_35] : memref<1024x16xf32, #tpu.memory_space<hbm>> -> memref<32x16xf32, #tpu.memory_space<hbm>>
      tpu.wait_dma2 semaphore(%run_scoped3A : memref<!tpu.dma_semaphore, #tpu.memory_space<semaphore_mem>>) src(%dma_wait3A_36 : memref<32x16xf32, #tpu.memory_space<hbm>>) dst(%arg21 : memref<32x16xf32, #tpu.memory_space<vmem>>)
      tpu.yield
    }) : () -> ()
    "tpu.region"() ({
      %run_scoped3A = tpu.sem_alloc : memref<!tpu.dma_semaphore, #tpu.memory_space<semaphore_mem>>
      tpu.enqueue_dma source(%arg8 : memref<16xi32, #tpu.memory_space<hbm>>) target(%arg22 : memref<16xi32, #tpu.memory_space<vmem>>) target_semaphore(%run_scoped3A : memref<!tpu.dma_semaphore, #tpu.memory_space<semaphore_mem>>)
      tpu.wait_dma2 semaphore(%run_scoped3A : memref<!tpu.dma_semaphore, #tpu.memory_space<semaphore_mem>>) src(%arg8 : memref<16xi32, #tpu.memory_space<hbm>>) dst(%arg22 : memref<16xi32, #tpu.memory_space<vmem>>)
      tpu.yield
    }) : () -> ()
    "tpu.region"() ({
      %run_scoped3A = tpu.sem_alloc : memref<!tpu.dma_semaphore, #tpu.memory_space<semaphore_mem>>
      %dma_start3A = arith.constant 0 : i32
      %dma_start3A_31 = tpu.memref_slice %arg9[%select_n3A, %dma_start3A] : memref<4x256xi32, #tpu.memory_space<hbm>> -> memref<1x256xi32, #tpu.memory_space<hbm>>
      %dma_start3A_32 = tpu.memref_squeeze %dma_start3A_31 : memref<1x256xi32, #tpu.memory_space<hbm>> -> memref<256xi32, #tpu.memory_space<hbm>>
      %dma_start3A_33 = arith.constant 0 : i32
      %dma_start3A_34 = tpu.memref_slice %arg9[%select_n3A, %dma_start3A_33] : memref<4x256xi32, #tpu.memory_space<hbm>> -> memref<1x256xi32, #tpu.memory_space<hbm>>
      %dma_start3A_35 = tpu.memref_squeeze %dma_start3A_34 : memref<1x256xi32, #tpu.memory_space<hbm>> -> memref<256xi32, #tpu.memory_space<hbm>>
      tpu.enqueue_dma source(%dma_start3A_35 : memref<256xi32, #tpu.memory_space<hbm>>) target(%arg23 : memref<256xi32, #tpu.memory_space<vmem>>) target_semaphore(%run_scoped3A : memref<!tpu.dma_semaphore, #tpu.memory_space<semaphore_mem>>)
      %dma_wait3A = arith.constant 0 : i32
      %dma_wait3A_36 = tpu.memref_slice %arg9[%select_n3A, %dma_wait3A] : memref<4x256xi32, #tpu.memory_space<hbm>> -> memref<1x256xi32, #tpu.memory_space<hbm>>
      %dma_wait3A_37 = tpu.memref_squeeze %dma_wait3A_36 : memref<1x256xi32, #tpu.memory_space<hbm>> -> memref<256xi32, #tpu.memory_space<hbm>>
      %dma_wait3A_38 = arith.constant 0 : i32
      %dma_wait3A_39 = tpu.memref_slice %arg9[%select_n3A, %dma_wait3A_38] : memref<4x256xi32, #tpu.memory_space<hbm>> -> memref<1x256xi32, #tpu.memory_space<hbm>>
      %dma_wait3A_40 = tpu.memref_squeeze %dma_wait3A_39 : memref<1x256xi32, #tpu.memory_space<hbm>> -> memref<256xi32, #tpu.memory_space<hbm>>
      tpu.wait_dma2 semaphore(%run_scoped3A : memref<!tpu.dma_semaphore, #tpu.memory_space<semaphore_mem>>) src(%dma_wait3A_40 : memref<256xi32, #tpu.memory_space<hbm>>) dst(%arg23 : memref<256xi32, #tpu.memory_space<vmem>>)
      tpu.yield
    }) : () -> ()
    "tpu.region"() ({
      %run_scoped3A = tpu.sem_alloc : memref<!tpu.dma_semaphore, #tpu.memory_space<semaphore_mem>>
      tpu.enqueue_dma source(%arg10 : memref<16384xf32, #tpu.memory_space<hbm>>) target(%arg24 : memref<16384xf32, #tpu.memory_space<vmem>>) target_semaphore(%run_scoped3A : memref<!tpu.dma_semaphore, #tpu.memory_space<semaphore_mem>>)
      tpu.wait_dma2 semaphore(%run_scoped3A : memref<!tpu.dma_semaphore, #tpu.memory_space<semaphore_mem>>) src(%arg10 : memref<16384xf32, #tpu.memory_space<hbm>>) dst(%arg24 : memref<16384xf32, #tpu.memory_space<vmem>>)
      tpu.yield
    }) : () -> ()
    "tpu.region"() ({
      %run_scoped3A = tpu.sem_alloc : memref<!tpu.dma_semaphore, #tpu.memory_space<semaphore_mem>>
      tpu.enqueue_dma source(%arg11 : memref<16384xf32, #tpu.memory_space<hbm>>) target(%arg25 : memref<16384xf32, #tpu.memory_space<vmem>>) target_semaphore(%run_scoped3A : memref<!tpu.dma_semaphore, #tpu.memory_space<semaphore_mem>>)
      tpu.wait_dma2 semaphore(%run_scoped3A : memref<!tpu.dma_semaphore, #tpu.memory_space<semaphore_mem>>) src(%arg11 : memref<16384xf32, #tpu.memory_space<hbm>>) dst(%arg25 : memref<16384xf32, #tpu.memory_space<vmem>>)
      tpu.yield
    }) : () -> ()
    %iota3A = tpu.iota {dimensions = array<i32: 0>} : vector<16xi32>
    %broadcast_in_dim3A = arith.constant 0x7F800000 : f32
    %broadcast_in_dim3A_19 = vector.broadcast %broadcast_in_dim3A : f32 to vector<16xf32>
    %eq3A = arith.constant 0 : i32
    %eq3A_20 = vector.broadcast %eq3A : i32 to vector<16xi32>
    %eq3A_21 = arith.cmpi eq, %iota3A, %eq3A_20 : vector<16xi32>
    %get3A = arith.constant 0 : index
    %get3A_22 = tpu.vector_load %arg22[%get3A] {strides = array<i32>} : memref<16xi32, #tpu.memory_space<vmem>>, vector<16xi32>,
    %slice3A = vector.extract_strided_slice %get3A_22 {offsets = [0], sizes = [1], strides = [1]} : vector<16xi32> to vector<1xi32>
    %squeeze3A = vector.extract %slice3A[0] : i32 from vector<1xi32>
    %mul3A_23 = arith.constant 16 : i32
    %mul3A_24 = arith.muli %squeeze3A, %mul3A_23 : i32
    %scan3A = arith.constant 0 : i32
    %scan3A_25 = arith.constant 0 : i32
    %scan3A_26 = arith.constant 16 : i32
    %scan3A_27 = arith.addi %scan3A_25, %scan3A_26 : i32
    %scan3A_28 = arith.constant 1 : i32
    %scan3A_29 = scf.for %scan3A_31 = %scan3A_25 to %scan3A_27 step %scan3A_28 iter_args(%scan3A_32 = %scan3A) -> (i32)  : i32 {
      %mul3A_33 = arith.constant 2 : i32
      %mul3A_34 = arith.muli %scan3A_31, %mul3A_33 : i32
      %add3A_35 = arith.constant 1 : i32
      %add3A_36 = arith.addi %mul3A_34, %add3A_35 : i32
      %get3A_37 = arith.index_cast %mul3A_34 : i32 to index
      %get3A_38 = arith.constant 0 : index
      %get3A_39 = tpu.vector_load %arg19[%get3A_37, %get3A_38] {strides = array<i32>} : memref<32x16xf32, #tpu.memory_space<vmem>>, vector<16xf32>,
      %get3A_40 = arith.index_cast %mul3A_34 : i32 to index
      %get3A_41 = arith.constant 0 : index
      %get3A_42 = tpu.vector_load %arg20[%get3A_40, %get3A_41] {strides = array<i32>} : memref<32x16xf32, #tpu.memory_space<vmem>>, vector<16xf32>,
      %get3A_43 = arith.index_cast %mul3A_34 : i32 to index
      %get3A_44 = arith.constant 0 : index
      %get3A_45 = tpu.vector_load %arg21[%get3A_43, %get3A_44] {strides = array<i32>} : memref<32x16xf32, #tpu.memory_space<vmem>>, vector<16xf32>,
      %get3A_46 = arith.index_cast %add3A_36 : i32 to index
      %get3A_47 = arith.constant 0 : index
      %get3A_48 = tpu.vector_load %arg19[%get3A_46, %get3A_47] {strides = array<i32>} : memref<32x16xf32, #tpu.memory_space<vmem>>, vector<16xf32>,
      %get3A_49 = arith.index_cast %add3A_36 : i32 to index
      %get3A_50 = arith.constant 0 : index
      %get3A_51 = tpu.vector_load %arg20[%get3A_49, %get3A_50] {strides = array<i32>} : memref<32x16xf32, #tpu.memory_space<vmem>>, vector<16xf32>,
      %get3A_52 = arith.index_cast %add3A_36 : i32 to index
      %get3A_53 = arith.constant 0 : index
      %get3A_54 = tpu.vector_load %arg21[%get3A_52, %get3A_53] {strides = array<i32>} : memref<32x16xf32, #tpu.memory_space<vmem>>, vector<16xf32>,
      %while3A = arith.constant 0 : i32
      %while3A_55 = arith.constant 0 : i32
      %while3A_56 = arith.constant 0 : i32
      %while3A_57 = arith.subi %mul3A_24, %while3A : i32
      %while3A_58 = arith.addi %while3A, %while3A_57 : i32
      %while3A_59 = arith.constant 1 : i32
      %while3A_60 = arith.divsi %while3A_57, %while3A_59 : i32
      %while3A_61 = arith.muli %while3A_60, %while3A_59 : i32
      %while3A_62 = arith.addi %while3A, %while3A_61 : i32
      %while3A_63 = arith.constant 1 : i32
      %while3A_64:2 = scf.for %while3A_284 = %while3A to %while3A_62 step %while3A_63 iter_args(%while3A_285 = %while3A_55, %while3A_286 = %while3A_56) -> (i32, i32)  : i32 {
        %mul3A_287 = arith.constant 16 : i32
        %mul3A_288 = arith.muli %while3A_284, %mul3A_287 : i32
        %get3A_289 = arith.index_cast %mul3A_288 : i32 to index
        %get3A_290 = tpu.vector_load %arg16[%get3A_289] {strides = array<i32>} : memref<6400xf32, #tpu.memory_space<vmem>>, vector<16xf32>,
        %get3A_291 = arith.index_cast %mul3A_288 : i32 to index
        %get3A_292 = tpu.vector_load %arg17[%get3A_291] {strides = array<i32>} : memref<6400xf32, #tpu.memory_space<vmem>>, vector<16xf32>,
        %get3A_293 = arith.index_cast %mul3A_288 : i32 to index
        %get3A_294 = tpu.vector_load %arg18[%get3A_293] {strides = array<i32>} : memref<6400xf32, #tpu.memory_space<vmem>>, vector<16xf32>,
        %add3A_295 = vector.broadcast %mul3A_288 : i32 to vector<16xi32>
        %add3A_296 = arith.addi %add3A_295, %iota3A : vector<16xi32>
        %and3A_297 = arith.constant 255 : i32
        %and3A_298 = vector.broadcast %and3A_297 : i32 to vector<16xi32>
        %and3A_299 = arith.andi %add3A_296, %and3A_298 : vector<16xi32>
        %sub3A_300 = arith.subf %get3A_290, %get3A_39 : vector<16xf32>
        %sub3A_301 = arith.subf %get3A_292, %get3A_42 : vector<16xf32>
        %sub3A_302 = arith.subf %get3A_294, %get3A_45 : vector<16xf32>
        %mul3A_303 = arith.mulf %sub3A_300, %sub3A_300 : vector<16xf32>
        %mul3A_304 = arith.mulf %sub3A_301, %sub3A_301 : vector<16xf32>
        %add3A_305 = arith.addf %mul3A_303, %mul3A_304 : vector<16xf32>
        %mul3A_306 = arith.mulf %sub3A_302, %sub3A_302 : vector<16xf32>
        %add3A_307 = arith.addf %add3A_305, %mul3A_306 : vector<16xf32>
        %le3A = arith.constant 2.500000e+01 : f32
        %le3A_308 = vector.broadcast %le3A : f32 to vector<16xf32>
        %le3A_309 = arith.cmpf ole, %add3A_307, %le3A_308 : vector<16xf32>
        %gt3A = arith.constant 9.99999974E-5 : f32
        %gt3A_310 = vector.broadcast %gt3A : f32 to vector<16xf32>
        %gt3A_311 = arith.cmpf ogt, %add3A_307, %gt3A_310 : vector<16xf32>
        %and3A_312 = arith.andi %le3A_309, %gt3A_311 : vector<16xi1>
        %sub3A_313 = arith.subf %get3A_290, %get3A_48 : vector<16xf32>
        %sub3A_314 = arith.subf %get3A_292, %get3A_51 : vector<16xf32>
        %sub3A_315 = arith.subf %get3A_294, %get3A_54 : vector<16xf32>
        %mul3A_316 = arith.mulf %sub3A_313, %sub3A_313 : vector<16xf32>
        %mul3A_317 = arith.mulf %sub3A_314, %sub3A_314 : vector<16xf32>
        %add3A_318 = arith.addf %mul3A_316, %mul3A_317 : vector<16xf32>
        %mul3A_319 = arith.mulf %sub3A_315, %sub3A_315 : vector<16xf32>
        %add3A_320 = arith.addf %add3A_318, %mul3A_319 : vector<16xf32>
        %le3A_321 = arith.constant 2.500000e+01 : f32
        %le3A_322 = vector.broadcast %le3A_321 : f32 to vector<16xf32>
        %le3A_323 = arith.cmpf ole, %add3A_320, %le3A_322 : vector<16xf32>
        %gt3A_324 = arith.constant 9.99999974E-5 : f32
        %gt3A_325 = vector.broadcast %gt3A_324 : f32 to vector<16xf32>
        %gt3A_326 = arith.cmpf ogt, %add3A_320, %gt3A_325 : vector<16xf32>
        %and3A_327 = arith.andi %le3A_323, %gt3A_326 : vector<16xi1>
        %swap3A_328 = arith.index_cast %while3A_285 : i32 to index
        %swap3A_329 = tpu.vector_load %arg26[%swap3A_328] masked %and3A_312 {strides = array<i32>} : memref<6416xf32, #tpu.memory_space<vmem>>, vector<16xf32>, vector<16xi1>
        tpu.vector_store %arg26[%swap3A_328], %add3A_307 masked %and3A_312 {strides = array<i32>} : memref<6416xf32, #tpu.memory_space<vmem>>, vector<16xf32>, vector<16xi1>
        %swap3A_330 = arith.index_cast %while3A_285 : i32 to index
        %swap3A_331 = tpu.vector_load %arg27[%swap3A_330] masked %and3A_312 {strides = array<i32>} : memref<6416xi32, #tpu.memory_space<vmem>>, vector<16xi32>, vector<16xi1>
        tpu.vector_store %arg27[%swap3A_330], %and3A_299 masked %and3A_312 {strides = array<i32>} : memref<6416xi32, #tpu.memory_space<vmem>>, vector<16xi32>, vector<16xi1>
        %swap3A_332 = arith.index_cast %while3A_286 : i32 to index
        %swap3A_333 = tpu.vector_load %arg29[%swap3A_332] masked %and3A_327 {strides = array<i32>} : memref<6416xf32, #tpu.memory_space<vmem>>, vector<16xf32>, vector<16xi1>
        tpu.vector_store %arg29[%swap3A_332], %add3A_320 masked %and3A_327 {strides = array<i32>} : memref<6416xf32, #tpu.memory_space<vmem>>, vector<16xf32>, vector<16xi1>
        %swap3A_334 = arith.index_cast %while3A_286 : i32 to index
        %swap3A_335 = tpu.vector_load %arg30[%swap3A_334] masked %and3A_327 {strides = array<i32>} : memref<6416xi32, #tpu.memory_space<vmem>>, vector<16xi32>, vector<16xi1>
        tpu.vector_store %arg30[%swap3A_334], %and3A_299 masked %and3A_327 {strides = array<i32>} : memref<6416xi32, #tpu.memory_space<vmem>>, vector<16xi32>, vector<16xi1>
        %convert_element_type3A = arith.extui %and3A_312 : vector<16xi1> to vector<16xi32>
        %reduce_sum3A = arith.constant true
        %reduce_sum3A_336 = vector.broadcast %reduce_sum3A : i1 to vector<16xi1>
        %reduce_sum3A_337 = tpu.scan <sum>, %convert_element_type3A masked %reduce_sum3A_336 : vector<16xi32>, vector<16xi1> -> vector<16xi32>
        %reduce_sum3A_338 = vector.extract %reduce_sum3A_337[15] : i32 from vector<16xi32>
        %add3A_339 = arith.addi %while3A_285, %reduce_sum3A_338 : i32
        %convert_element_type3A_340 = arith.extui %and3A_327 : vector<16xi1> to vector<16xi32>
        %reduce_sum3A_341 = arith.constant true
        %reduce_sum3A_342 = vector.broadcast %reduce_sum3A_341 : i1 to vector<16xi1>
        %reduce_sum3A_343 = tpu.scan <sum>, %convert_element_type3A_340 masked %reduce_sum3A_342 : vector<16xi32>, vector<16xi1> -> vector<16xi32>
        %reduce_sum3A_344 = vector.extract %reduce_sum3A_343[15] : i32 from vector<16xi32>
        %add3A_345 = arith.addi %while3A_286, %reduce_sum3A_344 : i32
        scf.yield %add3A_339, %add3A_345 : i32, i32
      }
      %while3A_65 = arith.constant 1 : i32
      %while3A_66:2 = scf.for %while3A_284 = %while3A_62 to %while3A_58 step %while3A_65 iter_args(%while3A_285 = %while3A_64#0, %while3A_286 = %while3A_64#1) -> (i32, i32)  : i32 {
        %mul3A_287 = arith.constant 16 : i32
        %mul3A_288 = arith.muli %while3A_284, %mul3A_287 : i32
        %get3A_289 = arith.index_cast %mul3A_288 : i32 to index
        %get3A_290 = tpu.vector_load %arg16[%get3A_289] {strides = array<i32>} : memref<6400xf32, #tpu.memory_space<vmem>>, vector<16xf32>,
        %get3A_291 = arith.index_cast %mul3A_288 : i32 to index
        %get3A_292 = tpu.vector_load %arg17[%get3A_291] {strides = array<i32>} : memref<6400xf32, #tpu.memory_space<vmem>>, vector<16xf32>,
        %get3A_293 = arith.index_cast %mul3A_288 : i32 to index
        %get3A_294 = tpu.vector_load %arg18[%get3A_293] {strides = array<i32>} : memref<6400xf32, #tpu.memory_space<vmem>>, vector<16xf32>,
        %add3A_295 = vector.broadcast %mul3A_288 : i32 to vector<16xi32>
        %add3A_296 = arith.addi %add3A_295, %iota3A : vector<16xi32>
        %and3A_297 = arith.constant 255 : i32
        %and3A_298 = vector.broadcast %and3A_297 : i32 to vector<16xi32>
        %and3A_299 = arith.andi %add3A_296, %and3A_298 : vector<16xi32>
        %sub3A_300 = arith.subf %get3A_290, %get3A_39 : vector<16xf32>
        %sub3A_301 = arith.subf %get3A_292, %get3A_42 : vector<16xf32>
        %sub3A_302 = arith.subf %get3A_294, %get3A_45 : vector<16xf32>
        %mul3A_303 = arith.mulf %sub3A_300, %sub3A_300 : vector<16xf32>
        %mul3A_304 = arith.mulf %sub3A_301, %sub3A_301 : vector<16xf32>
        %add3A_305 = arith.addf %mul3A_303, %mul3A_304 : vector<16xf32>
        %mul3A_306 = arith.mulf %sub3A_302, %sub3A_302 : vector<16xf32>
        %add3A_307 = arith.addf %add3A_305, %mul3A_306 : vector<16xf32>
        %le3A = arith.constant 2.500000e+01 : f32
        %le3A_308 = vector.broadcast %le3A : f32 to vector<16xf32>
        %le3A_309 = arith.cmpf ole, %add3A_307, %le3A_308 : vector<16xf32>
        %gt3A = arith.constant 9.99999974E-5 : f32
        %gt3A_310 = vector.broadcast %gt3A : f32 to vector<16xf32>
        %gt3A_311 = arith.cmpf ogt, %add3A_307, %gt3A_310 : vector<16xf32>
        %and3A_312 = arith.andi %le3A_309, %gt3A_311 : vector<16xi1>
        %sub3A_313 = arith.subf %get3A_290, %get3A_48 : vector<16xf32>
        %sub3A_314 = arith.subf %get3A_292, %get3A_51 : vector<16xf32>
        %sub3A_315 = arith.subf %get3A_294, %get3A_54 : vector<16xf32>
        %mul3A_316 = arith.mulf %sub3A_313, %sub3A_313 : vector<16xf32>
        %mul3A_317 = arith.mulf %sub3A_314, %sub3A_314 : vector<16xf32>
        %add3A_318 = arith.addf %mul3A_316, %mul3A_317 : vector<16xf32>
        %mul3A_319 = arith.mulf %sub3A_315, %sub3A_315 : vector<16xf32>
        %add3A_320 = arith.addf %add3A_318, %mul3A_319 : vector<16xf32>
        %le3A_321 = arith.constant 2.500000e+01 : f32
        %le3A_322 = vector.broadcast %le3A_321 : f32 to vector<16xf32>
        %le3A_323 = arith.cmpf ole, %add3A_320, %le3A_322 : vector<16xf32>
        %gt3A_324 = arith.constant 9.99999974E-5 : f32
        %gt3A_325 = vector.broadcast %gt3A_324 : f32 to vector<16xf32>
        %gt3A_326 = arith.cmpf ogt, %add3A_320, %gt3A_325 : vector<16xf32>
        %and3A_327 = arith.andi %le3A_323, %gt3A_326 : vector<16xi1>
        %swap3A_328 = arith.index_cast %while3A_285 : i32 to index
        %swap3A_329 = tpu.vector_load %arg26[%swap3A_328] masked %and3A_312 {strides = array<i32>} : memref<6416xf32, #tpu.memory_space<vmem>>, vector<16xf32>, vector<16xi1>
        tpu.vector_store %arg26[%swap3A_328], %add3A_307 masked %and3A_312 {strides = array<i32>} : memref<6416xf32, #tpu.memory_space<vmem>>, vector<16xf32>, vector<16xi1>
        %swap3A_330 = arith.index_cast %while3A_285 : i32 to index
        %swap3A_331 = tpu.vector_load %arg27[%swap3A_330] masked %and3A_312 {strides = array<i32>} : memref<6416xi32, #tpu.memory_space<vmem>>, vector<16xi32>, vector<16xi1>
        tpu.vector_store %arg27[%swap3A_330], %and3A_299 masked %and3A_312 {strides = array<i32>} : memref<6416xi32, #tpu.memory_space<vmem>>, vector<16xi32>, vector<16xi1>
        %swap3A_332 = arith.index_cast %while3A_286 : i32 to index
        %swap3A_333 = tpu.vector_load %arg29[%swap3A_332] masked %and3A_327 {strides = array<i32>} : memref<6416xf32, #tpu.memory_space<vmem>>, vector<16xf32>, vector<16xi1>
        tpu.vector_store %arg29[%swap3A_332], %add3A_320 masked %and3A_327 {strides = array<i32>} : memref<6416xf32, #tpu.memory_space<vmem>>, vector<16xf32>, vector<16xi1>
        %swap3A_334 = arith.index_cast %while3A_286 : i32 to index
        %swap3A_335 = tpu.vector_load %arg30[%swap3A_334] masked %and3A_327 {strides = array<i32>} : memref<6416xi32, #tpu.memory_space<vmem>>, vector<16xi32>, vector<16xi1>
        tpu.vector_store %arg30[%swap3A_334], %and3A_299 masked %and3A_327 {strides = array<i32>} : memref<6416xi32, #tpu.memory_space<vmem>>, vector<16xi32>, vector<16xi1>
        %convert_element_type3A = arith.extui %and3A_312 : vector<16xi1> to vector<16xi32>
        %reduce_sum3A = arith.constant true
        %reduce_sum3A_336 = vector.broadcast %reduce_sum3A : i1 to vector<16xi1>
        %reduce_sum3A_337 = tpu.scan <sum>, %convert_element_type3A masked %reduce_sum3A_336 : vector<16xi32>, vector<16xi1> -> vector<16xi32>
        %reduce_sum3A_338 = vector.extract %reduce_sum3A_337[15] : i32 from vector<16xi32>
        %add3A_339 = arith.addi %while3A_285, %reduce_sum3A_338 : i32
        %convert_element_type3A_340 = arith.extui %and3A_327 : vector<16xi1> to vector<16xi32>
        %reduce_sum3A_341 = arith.constant true
        %reduce_sum3A_342 = vector.broadcast %reduce_sum3A_341 : i1 to vector<16xi1>
        %reduce_sum3A_343 = tpu.scan <sum>, %convert_element_type3A_340 masked %reduce_sum3A_342 : vector<16xi32>, vector<16xi1> -> vector<16xi32>
        %reduce_sum3A_344 = vector.extract %reduce_sum3A_343[15] : i32 from vector<16xi32>
        %add3A_345 = arith.addi %while3A_286, %reduce_sum3A_344 : i32
        scf.yield %add3A_339, %add3A_345 : i32, i32
      }
      %swap3A = arith.index_cast %while3A_66#0 : i32 to index
      %swap3A_67 = tpu.vector_load %arg26[%swap3A] {strides = array<i32>} : memref<6416xf32, #tpu.memory_space<vmem>>, vector<16xf32>,
      tpu.vector_store %arg26[%swap3A], %broadcast_in_dim3A_19 {strides = array<i32>} : memref<6416xf32, #tpu.memory_space<vmem>>, vector<16xf32>,
      %swap3A_68 = arith.index_cast %while3A_66#1 : i32 to index
      %swap3A_69 = tpu.vector_load %arg29[%swap3A_68] {strides = array<i32>} : memref<6416xf32, #tpu.memory_space<vmem>>, vector<16xf32>,
      tpu.vector_store %arg29[%swap3A_68], %broadcast_in_dim3A_19 {strides = array<i32>} : memref<6416xf32, #tpu.memory_space<vmem>>, vector<16xf32>,
      %add3A_70 = arith.constant 16 : i32
      %add3A_71 = arith.addi %while3A_66#0, %add3A_70 : i32
      %sub3A_72 = arith.constant 1 : i32
      %sub3A_73 = arith.subi %add3A_71, %sub3A_72 : i32
      %jit3A_74 = arith.constant 16 : i32
      %div3A_75 = arith.divsi %sub3A_73, %jit3A_74 : i32
      %sign3A_76 = arith.constant 0 : i32
      %sign3A_77 = arith.cmpi sgt, %sub3A_73, %sign3A_76 : i32
      %sign3A_78 = arith.extui %sign3A_77 : i1 to i32
      %sign3A_79 = arith.constant 0 : i32
      %sign3A_80 = arith.cmpi slt, %sub3A_73, %sign3A_79 : i32
      %sign3A_81 = arith.extui %sign3A_80 : i1 to i32
      %sign3A_82 = arith.subi %sign3A_78, %sign3A_81 : i32
      %sign3A_83 = arith.constant 0 : i32
      %sign3A_84 = arith.cmpi sgt, %jit3A_74, %sign3A_83 : i32
      %sign3A_85 = arith.extui %sign3A_84 : i1 to i32
      %sign3A_86 = arith.constant 0 : i32
      %sign3A_87 = arith.cmpi slt, %jit3A_74, %sign3A_86 : i32
      %sign3A_88 = arith.extui %sign3A_87 : i1 to i32
      %sign3A_89 = arith.subi %sign3A_85, %sign3A_88 : i32
      %ne3A_90 = arith.cmpi ne, %sign3A_82, %sign3A_89 : i32
      %rem3A_91 = arith.remsi %sub3A_73, %jit3A_74 : i32
      %ne3A_92 = arith.constant 0 : i32
      %ne3A_93 = arith.cmpi ne, %rem3A_91, %ne3A_92 : i32
      %and3A_94 = arith.andi %ne3A_90, %ne3A_93 : i1
      %sub3A_95 = arith.constant 1 : i32
      %sub3A_96 = arith.subi %div3A_75, %sub3A_95 : i32
      %select_n3A_97 = arith.select %and3A_94, %sub3A_96, %div3A_75 : i32
      %add3A_98 = arith.constant 16 : i32
      %add3A_99 = arith.addi %while3A_66#1, %add3A_98 : i32
      %sub3A_100 = arith.constant 1 : i32
      %sub3A_101 = arith.subi %add3A_99, %sub3A_100 : i32
      %jit3A_102 = arith.constant 16 : i32
      %div3A_103 = arith.divsi %sub3A_101, %jit3A_102 : i32
      %sign3A_104 = arith.constant 0 : i32
      %sign3A_105 = arith.cmpi sgt, %sub3A_101, %sign3A_104 : i32
      %sign3A_106 = arith.extui %sign3A_105 : i1 to i32
      %sign3A_107 = arith.constant 0 : i32
      %sign3A_108 = arith.cmpi slt, %sub3A_101, %sign3A_107 : i32
      %sign3A_109 = arith.extui %sign3A_108 : i1 to i32
      %sign3A_110 = arith.subi %sign3A_106, %sign3A_109 : i32
      %sign3A_111 = arith.constant 0 : i32
      %sign3A_112 = arith.cmpi sgt, %jit3A_102, %sign3A_111 : i32
      %sign3A_113 = arith.extui %sign3A_112 : i1 to i32
      %sign3A_114 = arith.constant 0 : i32
      %sign3A_115 = arith.cmpi slt, %jit3A_102, %sign3A_114 : i32
      %sign3A_116 = arith.extui %sign3A_115 : i1 to i32
      %sign3A_117 = arith.subi %sign3A_113, %sign3A_116 : i32
      %ne3A_118 = arith.cmpi ne, %sign3A_110, %sign3A_117 : i32
      %rem3A_119 = arith.remsi %sub3A_101, %jit3A_102 : i32
      %ne3A_120 = arith.constant 0 : i32
      %ne3A_121 = arith.cmpi ne, %rem3A_119, %ne3A_120 : i32
      %and3A_122 = arith.andi %ne3A_118, %ne3A_121 : i1
      %sub3A_123 = arith.constant 1 : i32
      %sub3A_124 = arith.subi %div3A_103, %sub3A_123 : i32
      %select_n3A_125 = arith.select %and3A_122, %sub3A_124, %div3A_103 : i32
      %max3A = arith.maxsi %select_n3A_97, %select_n3A_125 : i32
      %while3A_126 = arith.constant 0 : i32
      %while3A_127 = arith.constant 0 : i32
      %while3A_128 = arith.subi %max3A, %while3A_126 : i32
      %while3A_129 = arith.addi %while3A_126, %while3A_128 : i32
      %while3A_130 = arith.constant 1 : i32
      %while3A_131 = arith.divsi %while3A_128, %while3A_130 : i32
      %while3A_132 = arith.muli %while3A_131, %while3A_130 : i32
      %while3A_133 = arith.addi %while3A_126, %while3A_132 : i32
      %while3A_134 = arith.constant 1 : i32
      %while3A_135 = scf.for %while3A_284 = %while3A_126 to %while3A_133 step %while3A_134 iter_args(%while3A_285 = %while3A_127) -> (i32)  : i32 {
        %mul3A_286 = arith.constant 16 : i32
        %mul3A_287 = arith.muli %while3A_284, %mul3A_286 : i32
        %get3A_288 = arith.index_cast %mul3A_287 : i32 to index
        %get3A_289 = tpu.vector_load %arg26[%get3A_288] {strides = array<i32>} : memref<6416xf32, #tpu.memory_space<vmem>>, vector<16xf32>,
        %reduce_min3A = arith.constant true
        %reduce_min3A_290 = vector.broadcast %reduce_min3A : i1 to vector<16xi1>
        %reduce_min3A_291 = tpu.scan <min>, %get3A_289 masked %reduce_min3A_290 : vector<16xf32>, vector<16xi1> -> vector<16xf32>
        %reduce_min3A_292 = vector.extract %reduce_min3A_291[15] : f32 from vector<16xf32>
        %mul3A_293 = arith.constant 16 : i32
        %mul3A_294 = arith.muli %while3A_284, %mul3A_293 : i32
        %get3A_295 = arith.index_cast %mul3A_294 : i32 to index
        %get3A_296 = tpu.vector_load %arg29[%get3A_295] {strides = array<i32>} : memref<6416xf32, #tpu.memory_space<vmem>>, vector<16xf32>,
        %reduce_min3A_297 = arith.constant true
        %reduce_min3A_298 = vector.broadcast %reduce_min3A_297 : i1 to vector<16xi1>
        %reduce_min3A_299 = tpu.scan <min>, %get3A_296 masked %reduce_min3A_298 : vector<16xf32>, vector<16xi1> -> vector<16xf32>
        %reduce_min3A_300 = vector.extract %reduce_min3A_299[15] : f32 from vector<16xf32>
        %lt3A = arith.cmpi slt, %while3A_284, %select_n3A_97 : i32
        %jit3A_301 = arith.constant 0x7F800000 : f32
        %select_n3A_302 = arith.select %lt3A, %reduce_min3A_292, %jit3A_301 : f32
        %lt3A_303 = arith.cmpi slt, %while3A_284, %select_n3A_125 : i32
        %jit3A_304 = arith.constant 0x7F800000 : f32
        %select_n3A_305 = arith.select %lt3A_303, %reduce_min3A_300, %jit3A_304 : f32
        %broadcast_in_dim3A_306 = vector.broadcast %select_n3A_302 : f32 to vector<16xf32>
        %swap3A_307 = arith.index_cast %while3A_284 : i32 to index
        %swap3A_308 = tpu.vector_load %arg28[%swap3A_307] masked %eq3A_21 {strides = array<i32>} : memref<416xf32, #tpu.memory_space<vmem>>, vector<16xf32>, vector<16xi1>
        tpu.vector_store %arg28[%swap3A_307], %broadcast_in_dim3A_306 masked %eq3A_21 {strides = array<i32>} : memref<416xf32, #tpu.memory_space<vmem>>, vector<16xf32>, vector<16xi1>
        %broadcast_in_dim3A_309 = vector.broadcast %select_n3A_305 : f32 to vector<16xf32>
        %swap3A_310 = arith.index_cast %while3A_284 : i32 to index
        %swap3A_311 = tpu.vector_load %arg31[%swap3A_310] masked %eq3A_21 {strides = array<i32>} : memref<416xf32, #tpu.memory_space<vmem>>, vector<16xf32>, vector<16xi1>
        tpu.vector_store %arg31[%swap3A_310], %broadcast_in_dim3A_309 masked %eq3A_21 {strides = array<i32>} : memref<416xf32, #tpu.memory_space<vmem>>, vector<16xf32>, vector<16xi1>
        %while3A_312 = arith.constant 0 : i32
        scf.yield %while3A_312 : i32
      }
      %while3A_136 = arith.constant 1 : i32
      %while3A_137 = scf.for %while3A_284 = %while3A_133 to %while3A_129 step %while3A_136 iter_args(%while3A_285 = %while3A_135) -> (i32)  : i32 {
        %mul3A_286 = arith.constant 16 : i32
        %mul3A_287 = arith.muli %while3A_284, %mul3A_286 : i32
        %get3A_288 = arith.index_cast %mul3A_287 : i32 to index
        %get3A_289 = tpu.vector_load %arg26[%get3A_288] {strides = array<i32>} : memref<6416xf32, #tpu.memory_space<vmem>>, vector<16xf32>,
        %reduce_min3A = arith.constant true
        %reduce_min3A_290 = vector.broadcast %reduce_min3A : i1 to vector<16xi1>
        %reduce_min3A_291 = tpu.scan <min>, %get3A_289 masked %reduce_min3A_290 : vector<16xf32>, vector<16xi1> -> vector<16xf32>
        %reduce_min3A_292 = vector.extract %reduce_min3A_291[15] : f32 from vector<16xf32>
        %mul3A_293 = arith.constant 16 : i32
        %mul3A_294 = arith.muli %while3A_284, %mul3A_293 : i32
        %get3A_295 = arith.index_cast %mul3A_294 : i32 to index
        %get3A_296 = tpu.vector_load %arg29[%get3A_295] {strides = array<i32>} : memref<6416xf32, #tpu.memory_space<vmem>>, vector<16xf32>,
        %reduce_min3A_297 = arith.constant true
        %reduce_min3A_298 = vector.broadcast %reduce_min3A_297 : i1 to vector<16xi1>
        %reduce_min3A_299 = tpu.scan <min>, %get3A_296 masked %reduce_min3A_298 : vector<16xf32>, vector<16xi1> -> vector<16xf32>
        %reduce_min3A_300 = vector.extract %reduce_min3A_299[15] : f32 from vector<16xf32>
        %lt3A = arith.cmpi slt, %while3A_284, %select_n3A_97 : i32
        %jit3A_301 = arith.constant 0x7F800000 : f32
        %select_n3A_302 = arith.select %lt3A, %reduce_min3A_292, %jit3A_301 : f32
        %lt3A_303 = arith.cmpi slt, %while3A_284, %select_n3A_125 : i32
        %jit3A_304 = arith.constant 0x7F800000 : f32
        %select_n3A_305 = arith.select %lt3A_303, %reduce_min3A_300, %jit3A_304 : f32
        %broadcast_in_dim3A_306 = vector.broadcast %select_n3A_302 : f32 to vector<16xf32>
        %swap3A_307 = arith.index_cast %while3A_284 : i32 to index
        %swap3A_308 = tpu.vector_load %arg28[%swap3A_307] masked %eq3A_21 {strides = array<i32>} : memref<416xf32, #tpu.memory_space<vmem>>, vector<16xf32>, vector<16xi1>
        tpu.vector_store %arg28[%swap3A_307], %broadcast_in_dim3A_306 masked %eq3A_21 {strides = array<i32>} : memref<416xf32, #tpu.memory_space<vmem>>, vector<16xf32>, vector<16xi1>
        %broadcast_in_dim3A_309 = vector.broadcast %select_n3A_305 : f32 to vector<16xf32>
        %swap3A_310 = arith.index_cast %while3A_284 : i32 to index
        %swap3A_311 = tpu.vector_load %arg31[%swap3A_310] masked %eq3A_21 {strides = array<i32>} : memref<416xf32, #tpu.memory_space<vmem>>, vector<16xf32>, vector<16xi1>
        tpu.vector_store %arg31[%swap3A_310], %broadcast_in_dim3A_309 masked %eq3A_21 {strides = array<i32>} : memref<416xf32, #tpu.memory_space<vmem>>, vector<16xf32>, vector<16xi1>
        %while3A_312 = arith.constant 0 : i32
        scf.yield %while3A_312 : i32
      }
      %swap3A_138 = arith.index_cast %max3A : i32 to index
      %swap3A_139 = tpu.vector_load %arg28[%swap3A_138] {strides = array<i32>} : memref<416xf32, #tpu.memory_space<vmem>>, vector<16xf32>,
      tpu.vector_store %arg28[%swap3A_138], %broadcast_in_dim3A_19 {strides = array<i32>} : memref<416xf32, #tpu.memory_space<vmem>>, vector<16xf32>,
      %swap3A_140 = arith.index_cast %max3A : i32 to index
      %swap3A_141 = tpu.vector_load %arg31[%swap3A_140] {strides = array<i32>} : memref<416xf32, #tpu.memory_space<vmem>>, vector<16xf32>,
      tpu.vector_store %arg31[%swap3A_140], %broadcast_in_dim3A_19 {strides = array<i32>} : memref<416xf32, #tpu.memory_space<vmem>>, vector<16xf32>,
      %add3A_142 = arith.constant 16 : i32
      %add3A_143 = arith.addi %max3A, %add3A_142 : i32
      %sub3A_144 = arith.constant 1 : i32
      %sub3A_145 = arith.subi %add3A_143, %sub3A_144 : i32
      %jit3A_146 = arith.constant 16 : i32
      %div3A_147 = arith.divsi %sub3A_145, %jit3A_146 : i32
      %sign3A_148 = arith.constant 0 : i32
      %sign3A_149 = arith.cmpi sgt, %sub3A_145, %sign3A_148 : i32
      %sign3A_150 = arith.extui %sign3A_149 : i1 to i32
      %sign3A_151 = arith.constant 0 : i32
      %sign3A_152 = arith.cmpi slt, %sub3A_145, %sign3A_151 : i32
      %sign3A_153 = arith.extui %sign3A_152 : i1 to i32
      %sign3A_154 = arith.subi %sign3A_150, %sign3A_153 : i32
      %sign3A_155 = arith.constant 0 : i32
      %sign3A_156 = arith.cmpi sgt, %jit3A_146, %sign3A_155 : i32
      %sign3A_157 = arith.extui %sign3A_156 : i1 to i32
      %sign3A_158 = arith.constant 0 : i32
      %sign3A_159 = arith.cmpi slt, %jit3A_146, %sign3A_158 : i32
      %sign3A_160 = arith.extui %sign3A_159 : i1 to i32
      %sign3A_161 = arith.subi %sign3A_157, %sign3A_160 : i32
      %ne3A_162 = arith.cmpi ne, %sign3A_154, %sign3A_161 : i32
      %rem3A_163 = arith.remsi %sub3A_145, %jit3A_146 : i32
      %ne3A_164 = arith.constant 0 : i32
      %ne3A_165 = arith.cmpi ne, %rem3A_163, %ne3A_164 : i32
      %and3A_166 = arith.andi %ne3A_162, %ne3A_165 : i1
      %sub3A_167 = arith.constant 1 : i32
      %sub3A_168 = arith.subi %div3A_147, %sub3A_167 : i32
      %select_n3A_169 = arith.select %and3A_166, %sub3A_168, %div3A_147 : i32
      %mul3A_170 = arith.constant 256 : i32
      %mul3A_171 = arith.muli %select_n3A, %mul3A_170 : i32
      %sub3A_172 = arith.subi %mul3A_2, %mul3A_171 : i32
      %add3A_173 = arith.addi %sub3A_172, %mul3A_34 : i32
      %broadcast_in_dim3A_174 = vector.broadcast %add3A_173 : i32 to vector<16xi32>
      %gather3A = tpu.vector_load_idx %arg23[%broadcast_in_dim3A_174] : memref<256xi32, #tpu.memory_space<vmem>>[vector<16xi32>], vector<16xi32>,
      %add3A_175 = arith.constant 1 : i32
      %add3A_176 = arith.addi %add3A_173, %add3A_175 : i32
      %broadcast_in_dim3A_177 = vector.broadcast %add3A_176 : i32 to vector<16xi32>
      %gather3A_178 = tpu.vector_load_idx %arg23[%broadcast_in_dim3A_177] : memref<256xi32, #tpu.memory_space<vmem>>[vector<16xi32>], vector<16xi32>,
      %broadcast_in_dim3A_179 = arith.constant 0 : i32
      %broadcast_in_dim3A_180 = vector.broadcast %broadcast_in_dim3A_179 : i32 to vector<16xi32>
      %broadcast_in_dim3A_181 = arith.constant 0.000000e+00 : f32
      %broadcast_in_dim3A_182 = vector.broadcast %broadcast_in_dim3A_181 : f32 to vector<16xf32>
      %scan3A_183 = arith.constant 0 : i32
      %scan3A_184 = arith.constant 16 : i32
      %scan3A_185 = arith.addi %scan3A_183, %scan3A_184 : i32
      %scan3A_186 = arith.constant 1 : i32
      %scan3A_187:4 = scf.for %scan3A_284 = %scan3A_183 to %scan3A_185 step %scan3A_186 iter_args(%scan3A_285 = %broadcast_in_dim3A_180, %scan3A_286 = %broadcast_in_dim3A_182, %scan3A_287 = %broadcast_in_dim3A_180, %scan3A_288 = %broadcast_in_dim3A_182) -> (vector<16xi32>, vector<16xf32>, vector<16xi32>, vector<16xf32>)  : i32 {
        %while3A_289 = arith.constant 0 : i32
        %while3A_290 = arith.constant 0x7F800000 : f32
        %while3A_291 = arith.constant 0 : i32
        %while3A_292 = arith.constant 0x7F800000 : f32
        %while3A_293 = arith.constant 0 : i32
        %while3A_294 = arith.subi %select_n3A_169, %while3A_289 : i32
        %while3A_295 = arith.addi %while3A_289, %while3A_294 : i32
        %while3A_296 = arith.constant 1 : i32
        %while3A_297 = arith.divsi %while3A_294, %while3A_296 : i32
        %while3A_298 = arith.muli %while3A_297, %while3A_296 : i32
        %while3A_299 = arith.addi %while3A_289, %while3A_298 : i32
        %while3A_300 = arith.constant 1 : i32
        %while3A_301:4 = scf.for %while3A_415 = %while3A_289 to %while3A_299 step %while3A_300 iter_args(%while3A_416 = %while3A_290, %while3A_417 = %while3A_291, %while3A_418 = %while3A_292, %while3A_419 = %while3A_293) -> (f32, i32, f32, i32)  : i32 {
          %mul3A_420 = arith.constant 16 : i32
          %mul3A_421 = arith.muli %while3A_415, %mul3A_420 : i32
          %get3A_422 = arith.index_cast %mul3A_421 : i32 to index
          %get3A_423 = tpu.vector_load %arg28[%get3A_422] {strides = array<i32>} : memref<416xf32, #tpu.memory_space<vmem>>, vector<16xf32>,
          %mul3A_424 = arith.constant 16 : i32
          %mul3A_425 = arith.muli %while3A_415, %mul3A_424 : i32
          %get3A_426 = arith.index_cast %mul3A_425 : i32 to index
          %get3A_427 = tpu.vector_load %arg31[%get3A_426] {strides = array<i32>} : memref<416xf32, #tpu.memory_space<vmem>>, vector<16xf32>,
          %reduce_min3A_428 = arith.constant true
          %reduce_min3A_429 = vector.broadcast %reduce_min3A_428 : i1 to vector<16xi1>
          %reduce_min3A_430 = tpu.scan <min>, %get3A_423 masked %reduce_min3A_429 : vector<16xf32>, vector<16xi1> -> vector<16xf32>
          %reduce_min3A_431 = vector.extract %reduce_min3A_430[15] : f32 from vector<16xf32>
          %reduce_min3A_432 = arith.constant true
          %reduce_min3A_433 = vector.broadcast %reduce_min3A_432 : i1 to vector<16xi1>
          %reduce_min3A_434 = tpu.scan <min>, %get3A_427 masked %reduce_min3A_433 : vector<16xf32>, vector<16xi1> -> vector<16xf32>
          %reduce_min3A_435 = vector.extract %reduce_min3A_434[15] : f32 from vector<16xf32>
          %eq3A_436 = vector.broadcast %reduce_min3A_431 : f32 to vector<16xf32>
          %eq3A_437 = arith.cmpf oeq, %get3A_423, %eq3A_436 : vector<16xf32>
          %all_reduce_ffs3A_438 = tpu.all_reduce %eq3A_437 {dim = 0 : i64, kind = #tpu.reduction_kind<find_first_set>} : vector<16xi1> -> vector<16xi32>
          %reduce_min3A_439 = arith.constant true
          %reduce_min3A_440 = vector.broadcast %reduce_min3A_439 : i1 to vector<16xi1>
          %reduce_min3A_441 = arith.constant -2147483648 : i32
          %reduce_min3A_442 = vector.broadcast %reduce_min3A_441 : i32 to vector<16xi32>
          %reduce_min3A_443 = arith.xori %all_reduce_ffs3A_438, %reduce_min3A_442 : vector<16xi32>
          %reduce_min3A_444 = tpu.scan <min>, %reduce_min3A_443 masked %reduce_min3A_440 : vector<16xi32>, vector<16xi1> -> vector<16xi32>
          %reduce_min3A_445 = arith.xori %reduce_min3A_444, %reduce_min3A_442 : vector<16xi32>
          %reduce_min3A_446 = vector.extract %reduce_min3A_445[15] : i32 from vector<16xi32>
          %eq3A_447 = vector.broadcast %reduce_min3A_435 : f32 to vector<16xf32>
          %eq3A_448 = arith.cmpf oeq, %get3A_427, %eq3A_447 : vector<16xf32>
          %all_reduce_ffs3A_449 = tpu.all_reduce %eq3A_448 {dim = 0 : i64, kind = #tpu.reduction_kind<find_first_set>} : vector<16xi1> -> vector<16xi32>
          %reduce_min3A_450 = arith.constant true
          %reduce_min3A_451 = vector.broadcast %reduce_min3A_450 : i1 to vector<16xi1>
          %reduce_min3A_452 = arith.constant -2147483648 : i32
          %reduce_min3A_453 = vector.broadcast %reduce_min3A_452 : i32 to vector<16xi32>
          %reduce_min3A_454 = arith.xori %all_reduce_ffs3A_449, %reduce_min3A_453 : vector<16xi32>
          %reduce_min3A_455 = tpu.scan <min>, %reduce_min3A_454 masked %reduce_min3A_451 : vector<16xi32>, vector<16xi1> -> vector<16xi32>
          %reduce_min3A_456 = arith.xori %reduce_min3A_455, %reduce_min3A_453 : vector<16xi32>
          %reduce_min3A_457 = vector.extract %reduce_min3A_456[15] : i32 from vector<16xi32>
          %lt3A_458 = arith.cmpf olt, %reduce_min3A_431, %while3A_416 : f32
          %lt3A_459 = arith.cmpf olt, %reduce_min3A_435, %while3A_418 : f32
          %select_n3A_460 = arith.select %lt3A_458, %reduce_min3A_431, %while3A_416 : f32
          %mul3A_461 = arith.constant 16 : i32
          %mul3A_462 = arith.muli %while3A_415, %mul3A_461 : i32
          %add3A_463 = arith.addi %mul3A_462, %reduce_min3A_446 : i32
          %select_n3A_464 = arith.select %lt3A_458, %add3A_463, %while3A_417 : i32
          %select_n3A_465 = arith.select %lt3A_459, %reduce_min3A_435, %while3A_418 : f32
          %mul3A_466 = arith.constant 16 : i32
          %mul3A_467 = arith.muli %while3A_415, %mul3A_466 : i32
          %add3A_468 = arith.addi %mul3A_467, %reduce_min3A_457 : i32
          %select_n3A_469 = arith.select %lt3A_459, %add3A_468, %while3A_419 : i32
          scf.yield %select_n3A_460, %select_n3A_464, %select_n3A_465, %select_n3A_469 : f32, i32, f32, i32
        }
        %while3A_302 = arith.constant 1 : i32
        %while3A_303:4 = scf.for %while3A_415 = %while3A_299 to %while3A_295 step %while3A_302 iter_args(%while3A_416 = %while3A_301#0, %while3A_417 = %while3A_301#1, %while3A_418 = %while3A_301#2, %while3A_419 = %while3A_301#3) -> (f32, i32, f32, i32)  : i32 {
          %mul3A_420 = arith.constant 16 : i32
          %mul3A_421 = arith.muli %while3A_415, %mul3A_420 : i32
          %get3A_422 = arith.index_cast %mul3A_421 : i32 to index
          %get3A_423 = tpu.vector_load %arg28[%get3A_422] {strides = array<i32>} : memref<416xf32, #tpu.memory_space<vmem>>, vector<16xf32>,
          %mul3A_424 = arith.constant 16 : i32
          %mul3A_425 = arith.muli %while3A_415, %mul3A_424 : i32
          %get3A_426 = arith.index_cast %mul3A_425 : i32 to index
          %get3A_427 = tpu.vector_load %arg31[%get3A_426] {strides = array<i32>} : memref<416xf32, #tpu.memory_space<vmem>>, vector<16xf32>,
          %reduce_min3A_428 = arith.constant true
          %reduce_min3A_429 = vector.broadcast %reduce_min3A_428 : i1 to vector<16xi1>
          %reduce_min3A_430 = tpu.scan <min>, %get3A_423 masked %reduce_min3A_429 : vector<16xf32>, vector<16xi1> -> vector<16xf32>
          %reduce_min3A_431 = vector.extract %reduce_min3A_430[15] : f32 from vector<16xf32>
          %reduce_min3A_432 = arith.constant true
          %reduce_min3A_433 = vector.broadcast %reduce_min3A_432 : i1 to vector<16xi1>
          %reduce_min3A_434 = tpu.scan <min>, %get3A_427 masked %reduce_min3A_433 : vector<16xf32>, vector<16xi1> -> vector<16xf32>
          %reduce_min3A_435 = vector.extract %reduce_min3A_434[15] : f32 from vector<16xf32>
          %eq3A_436 = vector.broadcast %reduce_min3A_431 : f32 to vector<16xf32>
          %eq3A_437 = arith.cmpf oeq, %get3A_423, %eq3A_436 : vector<16xf32>
          %all_reduce_ffs3A_438 = tpu.all_reduce %eq3A_437 {dim = 0 : i64, kind = #tpu.reduction_kind<find_first_set>} : vector<16xi1> -> vector<16xi32>
          %reduce_min3A_439 = arith.constant true
          %reduce_min3A_440 = vector.broadcast %reduce_min3A_439 : i1 to vector<16xi1>
          %reduce_min3A_441 = arith.constant -2147483648 : i32
          %reduce_min3A_442 = vector.broadcast %reduce_min3A_441 : i32 to vector<16xi32>
          %reduce_min3A_443 = arith.xori %all_reduce_ffs3A_438, %reduce_min3A_442 : vector<16xi32>
          %reduce_min3A_444 = tpu.scan <min>, %reduce_min3A_443 masked %reduce_min3A_440 : vector<16xi32>, vector<16xi1> -> vector<16xi32>
          %reduce_min3A_445 = arith.xori %reduce_min3A_444, %reduce_min3A_442 : vector<16xi32>
          %reduce_min3A_446 = vector.extract %reduce_min3A_445[15] : i32 from vector<16xi32>
          %eq3A_447 = vector.broadcast %reduce_min3A_435 : f32 to vector<16xf32>
          %eq3A_448 = arith.cmpf oeq, %get3A_427, %eq3A_447 : vector<16xf32>
          %all_reduce_ffs3A_449 = tpu.all_reduce %eq3A_448 {dim = 0 : i64, kind = #tpu.reduction_kind<find_first_set>} : vector<16xi1> -> vector<16xi32>
          %reduce_min3A_450 = arith.constant true
          %reduce_min3A_451 = vector.broadcast %reduce_min3A_450 : i1 to vector<16xi1>
          %reduce_min3A_452 = arith.constant -2147483648 : i32
          %reduce_min3A_453 = vector.broadcast %reduce_min3A_452 : i32 to vector<16xi32>
          %reduce_min3A_454 = arith.xori %all_reduce_ffs3A_449, %reduce_min3A_453 : vector<16xi32>
          %reduce_min3A_455 = tpu.scan <min>, %reduce_min3A_454 masked %reduce_min3A_451 : vector<16xi32>, vector<16xi1> -> vector<16xi32>
          %reduce_min3A_456 = arith.xori %reduce_min3A_455, %reduce_min3A_453 : vector<16xi32>
          %reduce_min3A_457 = vector.extract %reduce_min3A_456[15] : i32 from vector<16xi32>
          %lt3A_458 = arith.cmpf olt, %reduce_min3A_431, %while3A_416 : f32
          %lt3A_459 = arith.cmpf olt, %reduce_min3A_435, %while3A_418 : f32
          %select_n3A_460 = arith.select %lt3A_458, %reduce_min3A_431, %while3A_416 : f32
          %mul3A_461 = arith.constant 16 : i32
          %mul3A_462 = arith.muli %while3A_415, %mul3A_461 : i32
          %add3A_463 = arith.addi %mul3A_462, %reduce_min3A_446 : i32
          %select_n3A_464 = arith.select %lt3A_458, %add3A_463, %while3A_417 : i32
          %select_n3A_465 = arith.select %lt3A_459, %reduce_min3A_435, %while3A_418 : f32
          %mul3A_466 = arith.constant 16 : i32
          %mul3A_467 = arith.muli %while3A_415, %mul3A_466 : i32
          %add3A_468 = arith.addi %mul3A_467, %reduce_min3A_457 : i32
          %select_n3A_469 = arith.select %lt3A_459, %add3A_468, %while3A_419 : i32
          scf.yield %select_n3A_460, %select_n3A_464, %select_n3A_465, %select_n3A_469 : f32, i32, f32, i32
        }
        %mul3A_304 = arith.constant 16 : i32
        %mul3A_305 = arith.muli %while3A_303#1, %mul3A_304 : i32
        %mul3A_306 = arith.constant 16 : i32
        %mul3A_307 = arith.muli %while3A_303#3, %mul3A_306 : i32
        %get3A_308 = arith.index_cast %mul3A_305 : i32 to index
        %get3A_309 = tpu.vector_load %arg26[%get3A_308] {strides = array<i32>} : memref<6416xf32, #tpu.memory_space<vmem>>, vector<16xf32>,
        %get3A_310 = arith.index_cast %mul3A_307 : i32 to index
        %get3A_311 = tpu.vector_load %arg29[%get3A_310] {strides = array<i32>} : memref<6416xf32, #tpu.memory_space<vmem>>, vector<16xf32>,
        %eq3A_312 = vector.broadcast %while3A_303#0 : f32 to vector<16xf32>
        %eq3A_313 = arith.cmpf oeq, %get3A_309, %eq3A_312 : vector<16xf32>
        %all_reduce_ffs3A = tpu.all_reduce %eq3A_313 {dim = 0 : i64, kind = #tpu.reduction_kind<find_first_set>} : vector<16xi1> -> vector<16xi32>
        %reduce_min3A = arith.constant true
        %reduce_min3A_314 = vector.broadcast %reduce_min3A : i1 to vector<16xi1>
        %reduce_min3A_315 = arith.constant -2147483648 : i32
        %reduce_min3A_316 = vector.broadcast %reduce_min3A_315 : i32 to vector<16xi32>
        %reduce_min3A_317 = arith.xori %all_reduce_ffs3A, %reduce_min3A_316 : vector<16xi32>
        %reduce_min3A_318 = tpu.scan <min>, %reduce_min3A_317 masked %reduce_min3A_314 : vector<16xi32>, vector<16xi1> -> vector<16xi32>
        %reduce_min3A_319 = arith.xori %reduce_min3A_318, %reduce_min3A_316 : vector<16xi32>
        %reduce_min3A_320 = vector.extract %reduce_min3A_319[15] : i32 from vector<16xi32>
        %eq3A_321 = vector.broadcast %while3A_303#2 : f32 to vector<16xf32>
        %eq3A_322 = arith.cmpf oeq, %get3A_311, %eq3A_321 : vector<16xf32>
        %all_reduce_ffs3A_323 = tpu.all_reduce %eq3A_322 {dim = 0 : i64, kind = #tpu.reduction_kind<find_first_set>} : vector<16xi1> -> vector<16xi32>
        %reduce_min3A_324 = arith.constant true
        %reduce_min3A_325 = vector.broadcast %reduce_min3A_324 : i1 to vector<16xi1>
        %reduce_min3A_326 = arith.constant -2147483648 : i32
        %reduce_min3A_327 = vector.broadcast %reduce_min3A_326 : i32 to vector<16xi32>
        %reduce_min3A_328 = arith.xori %all_reduce_ffs3A_323, %reduce_min3A_327 : vector<16xi32>
        %reduce_min3A_329 = tpu.scan <min>, %reduce_min3A_328 masked %reduce_min3A_325 : vector<16xi32>, vector<16xi1> -> vector<16xi32>
        %reduce_min3A_330 = arith.xori %reduce_min3A_329, %reduce_min3A_327 : vector<16xi32>
        %reduce_min3A_331 = vector.extract %reduce_min3A_330[15] : i32 from vector<16xi32>
        %get3A_332 = arith.index_cast %mul3A_305 : i32 to index
        %get3A_333 = tpu.vector_load %arg27[%get3A_332] {strides = array<i32>} : memref<6416xi32, #tpu.memory_space<vmem>>, vector<16xi32>,
        %get3A_334 = arith.index_cast %mul3A_307 : i32 to index
        %get3A_335 = tpu.vector_load %arg30[%get3A_334] {strides = array<i32>} : memref<6416xi32, #tpu.memory_space<vmem>>, vector<16xi32>,
        %eq3A_336 = vector.broadcast %reduce_min3A_320 : i32 to vector<16xi32>
        %eq3A_337 = arith.cmpi eq, %iota3A, %eq3A_336 : vector<16xi32>
        %jit3A_338 = arith.constant 1073741824 : i32
        %broadcast_in_dim3A_339 = vector.broadcast %jit3A_338 : i32 to vector<16xi32>
        %select_n3A_340 = arith.select %eq3A_337, %get3A_333, %broadcast_in_dim3A_339 : vector<16xi1>, vector<16xi32>
        %reduce_min3A_341 = arith.constant true
        %reduce_min3A_342 = vector.broadcast %reduce_min3A_341 : i1 to vector<16xi1>
        %reduce_min3A_343 = arith.constant -2147483648 : i32
        %reduce_min3A_344 = vector.broadcast %reduce_min3A_343 : i32 to vector<16xi32>
        %reduce_min3A_345 = arith.xori %select_n3A_340, %reduce_min3A_344 : vector<16xi32>
        %reduce_min3A_346 = tpu.scan <min>, %reduce_min3A_345 masked %reduce_min3A_342 : vector<16xi32>, vector<16xi1> -> vector<16xi32>
        %reduce_min3A_347 = arith.xori %reduce_min3A_346, %reduce_min3A_344 : vector<16xi32>
        %reduce_min3A_348 = vector.extract %reduce_min3A_347[15] : i32 from vector<16xi32>
        %eq3A_349 = vector.broadcast %reduce_min3A_331 : i32 to vector<16xi32>
        %eq3A_350 = arith.cmpi eq, %iota3A, %eq3A_349 : vector<16xi32>
        %jit3A_351 = arith.constant 1073741824 : i32
        %broadcast_in_dim3A_352 = vector.broadcast %jit3A_351 : i32 to vector<16xi32>
        %select_n3A_353 = arith.select %eq3A_350, %get3A_335, %broadcast_in_dim3A_352 : vector<16xi1>, vector<16xi32>
        %reduce_min3A_354 = arith.constant true
        %reduce_min3A_355 = vector.broadcast %reduce_min3A_354 : i1 to vector<16xi1>
        %reduce_min3A_356 = arith.constant -2147483648 : i32
        %reduce_min3A_357 = vector.broadcast %reduce_min3A_356 : i32 to vector<16xi32>
        %reduce_min3A_358 = arith.xori %select_n3A_353, %reduce_min3A_357 : vector<16xi32>
        %reduce_min3A_359 = tpu.scan <min>, %reduce_min3A_358 masked %reduce_min3A_355 : vector<16xi32>, vector<16xi1> -> vector<16xi32>
        %reduce_min3A_360 = arith.xori %reduce_min3A_359, %reduce_min3A_357 : vector<16xi32>
        %reduce_min3A_361 = vector.extract %reduce_min3A_360[15] : i32 from vector<16xi32>
        %jit3A_362 = arith.constant 16 : i32
        %eq3A_363 = arith.constant 0 : i32
        %eq3A_364 = arith.cmpi eq, %jit3A_362, %eq3A_363 : i32
        %jit3A_365 = arith.constant 1 : i32
        %select_n3A_366 = arith.select %eq3A_364, %jit3A_365, %jit3A_362 : i32
        %rem3A_367 = arith.remsi %scan3A_284, %select_n3A_366 : i32
        %ne3A_368 = arith.constant 0 : i32
        %ne3A_369 = arith.cmpi ne, %rem3A_367, %ne3A_368 : i32
        %lt3A = arith.constant 0 : i32
        %lt3A_370 = arith.cmpi slt, %rem3A_367, %lt3A : i32
        %lt3A_371 = arith.constant 0 : i32
        %lt3A_372 = arith.cmpi slt, %select_n3A_366, %lt3A_371 : i32
        %ne3A_373 = arith.xori %lt3A_370, %lt3A_372 : i1
        %and3A_374 = arith.andi %ne3A_373, %ne3A_369 : i1
        %add3A_375 = arith.addi %rem3A_367, %select_n3A_366 : i32
        %select_n3A_376 = arith.select %and3A_374, %add3A_375, %rem3A_367 : i32
        %eq3A_377 = vector.broadcast %select_n3A_376 : i32 to vector<16xi32>
        %eq3A_378 = arith.cmpi eq, %iota3A, %eq3A_377 : vector<16xi32>
        %broadcast_in_dim3A_379 = vector.broadcast %reduce_min3A_348 : i32 to vector<16xi32>
        %select_n3A_380 = arith.select %eq3A_378, %broadcast_in_dim3A_379, %scan3A_285 : vector<16xi1>, vector<16xi32>
        %broadcast_in_dim3A_381 = vector.broadcast %while3A_303#0 : f32 to vector<16xf32>
        %select_n3A_382 = arith.select %eq3A_378, %broadcast_in_dim3A_381, %scan3A_286 : vector<16xi1>, vector<16xf32>
        %broadcast_in_dim3A_383 = vector.broadcast %reduce_min3A_361 : i32 to vector<16xi32>
        %select_n3A_384 = arith.select %eq3A_378, %broadcast_in_dim3A_383, %scan3A_287 : vector<16xi1>, vector<16xi32>
        %broadcast_in_dim3A_385 = vector.broadcast %while3A_303#2 : f32 to vector<16xf32>
        %select_n3A_386 = arith.select %eq3A_378, %broadcast_in_dim3A_385, %scan3A_288 : vector<16xi1>, vector<16xf32>
        %eq3A_387 = vector.broadcast %reduce_min3A_320 : i32 to vector<16xi32>
        %eq3A_388 = arith.cmpi eq, %iota3A, %eq3A_387 : vector<16xi32>
        %jit3A_389 = arith.constant 0x7F800000 : f32
        %broadcast_in_dim3A_390 = vector.broadcast %jit3A_389 : f32 to vector<16xf32>
        %select_n3A_391 = arith.select %eq3A_388, %broadcast_in_dim3A_390, %get3A_309 : vector<16xi1>, vector<16xf32>
        %eq3A_392 = vector.broadcast %reduce_min3A_331 : i32 to vector<16xi32>
        %eq3A_393 = arith.cmpi eq, %iota3A, %eq3A_392 : vector<16xi32>
        %jit3A_394 = arith.constant 0x7F800000 : f32
        %broadcast_in_dim3A_395 = vector.broadcast %jit3A_394 : f32 to vector<16xf32>
        %select_n3A_396 = arith.select %eq3A_393, %broadcast_in_dim3A_395, %get3A_311 : vector<16xi1>, vector<16xf32>
        %swap3A_397 = arith.index_cast %mul3A_305 : i32 to index
        %swap3A_398 = tpu.vector_load %arg26[%swap3A_397] {strides = array<i32>} : memref<6416xf32, #tpu.memory_space<vmem>>, vector<16xf32>,
        tpu.vector_store %arg26[%swap3A_397], %select_n3A_391 {strides = array<i32>} : memref<6416xf32, #tpu.memory_space<vmem>>, vector<16xf32>,
        %swap3A_399 = arith.index_cast %mul3A_307 : i32 to index
        %swap3A_400 = tpu.vector_load %arg29[%swap3A_399] {strides = array<i32>} : memref<6416xf32, #tpu.memory_space<vmem>>, vector<16xf32>,
        tpu.vector_store %arg29[%swap3A_399], %select_n3A_396 {strides = array<i32>} : memref<6416xf32, #tpu.memory_space<vmem>>, vector<16xf32>,
        %reduce_min3A_401 = arith.constant true
        %reduce_min3A_402 = vector.broadcast %reduce_min3A_401 : i1 to vector<16xi1>
        %reduce_min3A_403 = tpu.scan <min>, %select_n3A_391 masked %reduce_min3A_402 : vector<16xf32>, vector<16xi1> -> vector<16xf32>
        %reduce_min3A_404 = vector.extract %reduce_min3A_403[15] : f32 from vector<16xf32>
        %broadcast_in_dim3A_405 = vector.broadcast %reduce_min3A_404 : f32 to vector<16xf32>
        %swap3A_406 = arith.index_cast %while3A_303#1 : i32 to index
        %swap3A_407 = tpu.vector_load %arg28[%swap3A_406] masked %eq3A_21 {strides = array<i32>} : memref<416xf32, #tpu.memory_space<vmem>>, vector<16xf32>, vector<16xi1>
        tpu.vector_store %arg28[%swap3A_406], %broadcast_in_dim3A_405 masked %eq3A_21 {strides = array<i32>} : memref<416xf32, #tpu.memory_space<vmem>>, vector<16xf32>, vector<16xi1>
        %reduce_min3A_408 = arith.constant true
        %reduce_min3A_409 = vector.broadcast %reduce_min3A_408 : i1 to vector<16xi1>
        %reduce_min3A_410 = tpu.scan <min>, %select_n3A_396 masked %reduce_min3A_409 : vector<16xf32>, vector<16xi1> -> vector<16xf32>
        %reduce_min3A_411 = vector.extract %reduce_min3A_410[15] : f32 from vector<16xf32>
        %broadcast_in_dim3A_412 = vector.broadcast %reduce_min3A_411 : f32 to vector<16xf32>
        %swap3A_413 = arith.index_cast %while3A_303#3 : i32 to index
        %swap3A_414 = tpu.vector_load %arg31[%swap3A_413] masked %eq3A_21 {strides = array<i32>} : memref<416xf32, #tpu.memory_space<vmem>>, vector<16xf32>, vector<16xi1>
        tpu.vector_store %arg31[%swap3A_413], %broadcast_in_dim3A_412 masked %eq3A_21 {strides = array<i32>} : memref<416xf32, #tpu.memory_space<vmem>>, vector<16xf32>, vector<16xi1>
        scf.yield %select_n3A_380, %select_n3A_382, %select_n3A_384, %select_n3A_386 : vector<16xi32>, vector<16xf32>, vector<16xi32>, vector<16xf32>
      }
      %scan3A_188 = arith.constant 16 : i32
      %swap3A_189 = arith.index_cast %mul3A_34 : i32 to index
      %swap3A_190 = arith.constant 0 : index
      %swap3A_191 = tpu.vector_load %arg32[%swap3A_189, %swap3A_190] {strides = array<i32>} : memref<32x32xi32, #tpu.memory_space<vmem>>, vector<16xi32>,
      tpu.vector_store %arg32[%swap3A_189, %swap3A_190], %scan3A_187#0 {strides = array<i32>} : memref<32x32xi32, #tpu.memory_space<vmem>>, vector<16xi32>,
      %swap3A_192 = arith.index_cast %mul3A_34 : i32 to index
      %swap3A_193 = arith.constant 0 : index
      %swap3A_194 = tpu.vector_load %arg33[%swap3A_192, %swap3A_193] {strides = array<i32>} : memref<32x32xf32, #tpu.memory_space<vmem>>, vector<16xf32>,
      tpu.vector_store %arg33[%swap3A_192, %swap3A_193], %scan3A_187#1 {strides = array<i32>} : memref<32x32xf32, #tpu.memory_space<vmem>>, vector<16xf32>,
      %and3A_195 = arith.constant 255 : i32
      %and3A_196 = vector.broadcast %and3A_195 : i32 to vector<16xi32>
      %and3A_197 = arith.andi %scan3A_187#0, %and3A_196 : vector<16xi32>
      %gather3A_198 = tpu.vector_load_idx %arg23[%and3A_197] : memref<256xi32, #tpu.memory_space<vmem>>[vector<16xi32>], vector<16xi32>,
      %mul3A_199 = arith.constant 128 : i32
      %mul3A_200 = vector.broadcast %mul3A_199 : i32 to vector<16xi32>
      %mul3A_201 = arith.muli %gather3A, %mul3A_200 : vector<16xi32>
      %add3A_202 = arith.addi %mul3A_201, %gather3A_198 : vector<16xi32>
      %gather3A_203 = tpu.vector_load_idx %arg24[%add3A_202] : memref<16384xf32, #tpu.memory_space<vmem>>[vector<16xi32>], vector<16xf32>,
      %swap3A_204 = arith.index_cast %mul3A_34 : i32 to index
      %swap3A_205 = arith.constant 0 : index
      %swap3A_206 = tpu.vector_load %arg34[%swap3A_204, %swap3A_205] {strides = array<i32>} : memref<32x32xf32, #tpu.memory_space<vmem>>, vector<16xf32>,
      tpu.vector_store %arg34[%swap3A_204, %swap3A_205], %gather3A_203 {strides = array<i32>} : memref<32x32xf32, #tpu.memory_space<vmem>>, vector<16xf32>,
      %gather3A_207 = tpu.vector_load_idx %arg25[%add3A_202] : memref<16384xf32, #tpu.memory_space<vmem>>[vector<16xi32>], vector<16xf32>,
      %swap3A_208 = arith.index_cast %mul3A_34 : i32 to index
      %swap3A_209 = arith.constant 0 : index
      %swap3A_210 = tpu.vector_load %arg35[%swap3A_208, %swap3A_209] {strides = array<i32>} : memref<32x32xf32, #tpu.memory_space<vmem>>, vector<16xf32>,
      tpu.vector_store %arg35[%swap3A_208, %swap3A_209], %gather3A_207 {strides = array<i32>} : memref<32x32xf32, #tpu.memory_space<vmem>>, vector<16xf32>,
      %swap3A_211 = arith.index_cast %add3A_36 : i32 to index
      %swap3A_212 = arith.constant 0 : index
      %swap3A_213 = tpu.vector_load %arg32[%swap3A_211, %swap3A_212] {strides = array<i32>} : memref<32x32xi32, #tpu.memory_space<vmem>>, vector<16xi32>,
      tpu.vector_store %arg32[%swap3A_211, %swap3A_212], %scan3A_187#2 {strides = array<i32>} : memref<32x32xi32, #tpu.memory_space<vmem>>, vector<16xi32>,
      %swap3A_214 = arith.index_cast %add3A_36 : i32 to index
      %swap3A_215 = arith.constant 0 : index
      %swap3A_216 = tpu.vector_load %arg33[%swap3A_214, %swap3A_215] {strides = array<i32>} : memref<32x32xf32, #tpu.memory_space<vmem>>, vector<16xf32>,
      tpu.vector_store %arg33[%swap3A_214, %swap3A_215], %scan3A_187#3 {strides = array<i32>} : memref<32x32xf32, #tpu.memory_space<vmem>>, vector<16xf32>,
      %and3A_217 = arith.constant 255 : i32
      %and3A_218 = vector.broadcast %and3A_217 : i32 to vector<16xi32>
      %and3A_219 = arith.andi %scan3A_187#2, %and3A_218 : vector<16xi32>
      %gather3A_220 = tpu.vector_load_idx %arg23[%and3A_219] : memref<256xi32, #tpu.memory_space<vmem>>[vector<16xi32>], vector<16xi32>,
      %mul3A_221 = arith.constant 128 : i32
      %mul3A_222 = vector.broadcast %mul3A_221 : i32 to vector<16xi32>
      %mul3A_223 = arith.muli %gather3A_178, %mul3A_222 : vector<16xi32>
      %add3A_224 = arith.addi %mul3A_223, %gather3A_220 : vector<16xi32>
      %gather3A_225 = tpu.vector_load_idx %arg24[%add3A_224] : memref<16384xf32, #tpu.memory_space<vmem>>[vector<16xi32>], vector<16xf32>,
      %swap3A_226 = arith.index_cast %add3A_36 : i32 to index
      %swap3A_227 = arith.constant 0 : index
      %swap3A_228 = tpu.vector_load %arg34[%swap3A_226, %swap3A_227] {strides = array<i32>} : memref<32x32xf32, #tpu.memory_space<vmem>>, vector<16xf32>,
      tpu.vector_store %arg34[%swap3A_226, %swap3A_227], %gather3A_225 {strides = array<i32>} : memref<32x32xf32, #tpu.memory_space<vmem>>, vector<16xf32>,
      %gather3A_229 = tpu.vector_load_idx %arg25[%add3A_224] : memref<16384xf32, #tpu.memory_space<vmem>>[vector<16xi32>], vector<16xf32>,
      %swap3A_230 = arith.index_cast %add3A_36 : i32 to index
      %swap3A_231 = arith.constant 0 : index
      %swap3A_232 = tpu.vector_load %arg35[%swap3A_230, %swap3A_231] {strides = array<i32>} : memref<32x32xf32, #tpu.memory_space<vmem>>, vector<16xf32>,
      tpu.vector_store %arg35[%swap3A_230, %swap3A_231], %gather3A_229 {strides = array<i32>} : memref<32x32xf32, #tpu.memory_space<vmem>>, vector<16xf32>,
      %scan3A_233 = arith.constant 16 : i32
      %scan3A_234 = arith.constant 16 : i32
      %scan3A_235 = arith.addi %scan3A_233, %scan3A_234 : i32
      %scan3A_236 = arith.constant 1 : i32
      %scan3A_237:4 = scf.for %scan3A_284 = %scan3A_233 to %scan3A_235 step %scan3A_236 iter_args(%scan3A_285 = %broadcast_in_dim3A_180, %scan3A_286 = %broadcast_in_dim3A_182, %scan3A_287 = %broadcast_in_dim3A_180, %scan3A_288 = %broadcast_in_dim3A_182) -> (vector<16xi32>, vector<16xf32>, vector<16xi32>, vector<16xf32>)  : i32 {
        %while3A_289 = arith.constant 0 : i32
        %while3A_290 = arith.constant 0x7F800000 : f32
        %while3A_291 = arith.constant 0 : i32
        %while3A_292 = arith.constant 0x7F800000 : f32
        %while3A_293 = arith.constant 0 : i32
        %while3A_294 = arith.subi %select_n3A_169, %while3A_289 : i32
        %while3A_295 = arith.addi %while3A_289, %while3A_294 : i32
        %while3A_296 = arith.constant 1 : i32
        %while3A_297 = arith.divsi %while3A_294, %while3A_296 : i32
        %while3A_298 = arith.muli %while3A_297, %while3A_296 : i32
        %while3A_299 = arith.addi %while3A_289, %while3A_298 : i32
        %while3A_300 = arith.constant 1 : i32
        %while3A_301:4 = scf.for %while3A_415 = %while3A_289 to %while3A_299 step %while3A_300 iter_args(%while3A_416 = %while3A_290, %while3A_417 = %while3A_291, %while3A_418 = %while3A_292, %while3A_419 = %while3A_293) -> (f32, i32, f32, i32)  : i32 {
          %mul3A_420 = arith.constant 16 : i32
          %mul3A_421 = arith.muli %while3A_415, %mul3A_420 : i32
          %get3A_422 = arith.index_cast %mul3A_421 : i32 to index
          %get3A_423 = tpu.vector_load %arg28[%get3A_422] {strides = array<i32>} : memref<416xf32, #tpu.memory_space<vmem>>, vector<16xf32>,
          %mul3A_424 = arith.constant 16 : i32
          %mul3A_425 = arith.muli %while3A_415, %mul3A_424 : i32
          %get3A_426 = arith.index_cast %mul3A_425 : i32 to index
          %get3A_427 = tpu.vector_load %arg31[%get3A_426] {strides = array<i32>} : memref<416xf32, #tpu.memory_space<vmem>>, vector<16xf32>,
          %reduce_min3A_428 = arith.constant true
          %reduce_min3A_429 = vector.broadcast %reduce_min3A_428 : i1 to vector<16xi1>
          %reduce_min3A_430 = tpu.scan <min>, %get3A_423 masked %reduce_min3A_429 : vector<16xf32>, vector<16xi1> -> vector<16xf32>
          %reduce_min3A_431 = vector.extract %reduce_min3A_430[15] : f32 from vector<16xf32>
          %reduce_min3A_432 = arith.constant true
          %reduce_min3A_433 = vector.broadcast %reduce_min3A_432 : i1 to vector<16xi1>
          %reduce_min3A_434 = tpu.scan <min>, %get3A_427 masked %reduce_min3A_433 : vector<16xf32>, vector<16xi1> -> vector<16xf32>
          %reduce_min3A_435 = vector.extract %reduce_min3A_434[15] : f32 from vector<16xf32>
          %eq3A_436 = vector.broadcast %reduce_min3A_431 : f32 to vector<16xf32>
          %eq3A_437 = arith.cmpf oeq, %get3A_423, %eq3A_436 : vector<16xf32>
          %all_reduce_ffs3A_438 = tpu.all_reduce %eq3A_437 {dim = 0 : i64, kind = #tpu.reduction_kind<find_first_set>} : vector<16xi1> -> vector<16xi32>
          %reduce_min3A_439 = arith.constant true
          %reduce_min3A_440 = vector.broadcast %reduce_min3A_439 : i1 to vector<16xi1>
          %reduce_min3A_441 = arith.constant -2147483648 : i32
          %reduce_min3A_442 = vector.broadcast %reduce_min3A_441 : i32 to vector<16xi32>
          %reduce_min3A_443 = arith.xori %all_reduce_ffs3A_438, %reduce_min3A_442 : vector<16xi32>
          %reduce_min3A_444 = tpu.scan <min>, %reduce_min3A_443 masked %reduce_min3A_440 : vector<16xi32>, vector<16xi1> -> vector<16xi32>
          %reduce_min3A_445 = arith.xori %reduce_min3A_444, %reduce_min3A_442 : vector<16xi32>
          %reduce_min3A_446 = vector.extract %reduce_min3A_445[15] : i32 from vector<16xi32>
          %eq3A_447 = vector.broadcast %reduce_min3A_435 : f32 to vector<16xf32>
          %eq3A_448 = arith.cmpf oeq, %get3A_427, %eq3A_447 : vector<16xf32>
          %all_reduce_ffs3A_449 = tpu.all_reduce %eq3A_448 {dim = 0 : i64, kind = #tpu.reduction_kind<find_first_set>} : vector<16xi1> -> vector<16xi32>
          %reduce_min3A_450 = arith.constant true
          %reduce_min3A_451 = vector.broadcast %reduce_min3A_450 : i1 to vector<16xi1>
          %reduce_min3A_452 = arith.constant -2147483648 : i32
          %reduce_min3A_453 = vector.broadcast %reduce_min3A_452 : i32 to vector<16xi32>
          %reduce_min3A_454 = arith.xori %all_reduce_ffs3A_449, %reduce_min3A_453 : vector<16xi32>
          %reduce_min3A_455 = tpu.scan <min>, %reduce_min3A_454 masked %reduce_min3A_451 : vector<16xi32>, vector<16xi1> -> vector<16xi32>
          %reduce_min3A_456 = arith.xori %reduce_min3A_455, %reduce_min3A_453 : vector<16xi32>
          %reduce_min3A_457 = vector.extract %reduce_min3A_456[15] : i32 from vector<16xi32>
          %lt3A_458 = arith.cmpf olt, %reduce_min3A_431, %while3A_416 : f32
          %lt3A_459 = arith.cmpf olt, %reduce_min3A_435, %while3A_418 : f32
          %select_n3A_460 = arith.select %lt3A_458, %reduce_min3A_431, %while3A_416 : f32
          %mul3A_461 = arith.constant 16 : i32
          %mul3A_462 = arith.muli %while3A_415, %mul3A_461 : i32
          %add3A_463 = arith.addi %mul3A_462, %reduce_min3A_446 : i32
          %select_n3A_464 = arith.select %lt3A_458, %add3A_463, %while3A_417 : i32
          %select_n3A_465 = arith.select %lt3A_459, %reduce_min3A_435, %while3A_418 : f32
          %mul3A_466 = arith.constant 16 : i32
          %mul3A_467 = arith.muli %while3A_415, %mul3A_466 : i32
          %add3A_468 = arith.addi %mul3A_467, %reduce_min3A_457 : i32
          %select_n3A_469 = arith.select %lt3A_459, %add3A_468, %while3A_419 : i32
          scf.yield %select_n3A_460, %select_n3A_464, %select_n3A_465, %select_n3A_469 : f32, i32, f32, i32
        }
        %while3A_302 = arith.constant 1 : i32
        %while3A_303:4 = scf.for %while3A_415 = %while3A_299 to %while3A_295 step %while3A_302 iter_args(%while3A_416 = %while3A_301#0, %while3A_417 = %while3A_301#1, %while3A_418 = %while3A_301#2, %while3A_419 = %while3A_301#3) -> (f32, i32, f32, i32)  : i32 {
          %mul3A_420 = arith.constant 16 : i32
          %mul3A_421 = arith.muli %while3A_415, %mul3A_420 : i32
          %get3A_422 = arith.index_cast %mul3A_421 : i32 to index
          %get3A_423 = tpu.vector_load %arg28[%get3A_422] {strides = array<i32>} : memref<416xf32, #tpu.memory_space<vmem>>, vector<16xf32>,
          %mul3A_424 = arith.constant 16 : i32
          %mul3A_425 = arith.muli %while3A_415, %mul3A_424 : i32
          %get3A_426 = arith.index_cast %mul3A_425 : i32 to index
          %get3A_427 = tpu.vector_load %arg31[%get3A_426] {strides = array<i32>} : memref<416xf32, #tpu.memory_space<vmem>>, vector<16xf32>,
          %reduce_min3A_428 = arith.constant true
          %reduce_min3A_429 = vector.broadcast %reduce_min3A_428 : i1 to vector<16xi1>
          %reduce_min3A_430 = tpu.scan <min>, %get3A_423 masked %reduce_min3A_429 : vector<16xf32>, vector<16xi1> -> vector<16xf32>
          %reduce_min3A_431 = vector.extract %reduce_min3A_430[15] : f32 from vector<16xf32>
          %reduce_min3A_432 = arith.constant true
          %reduce_min3A_433 = vector.broadcast %reduce_min3A_432 : i1 to vector<16xi1>
          %reduce_min3A_434 = tpu.scan <min>, %get3A_427 masked %reduce_min3A_433 : vector<16xf32>, vector<16xi1> -> vector<16xf32>
          %reduce_min3A_435 = vector.extract %reduce_min3A_434[15] : f32 from vector<16xf32>
          %eq3A_436 = vector.broadcast %reduce_min3A_431 : f32 to vector<16xf32>
          %eq3A_437 = arith.cmpf oeq, %get3A_423, %eq3A_436 : vector<16xf32>
          %all_reduce_ffs3A_438 = tpu.all_reduce %eq3A_437 {dim = 0 : i64, kind = #tpu.reduction_kind<find_first_set>} : vector<16xi1> -> vector<16xi32>
          %reduce_min3A_439 = arith.constant true
          %reduce_min3A_440 = vector.broadcast %reduce_min3A_439 : i1 to vector<16xi1>
          %reduce_min3A_441 = arith.constant -2147483648 : i32
          %reduce_min3A_442 = vector.broadcast %reduce_min3A_441 : i32 to vector<16xi32>
          %reduce_min3A_443 = arith.xori %all_reduce_ffs3A_438, %reduce_min3A_442 : vector<16xi32>
          %reduce_min3A_444 = tpu.scan <min>, %reduce_min3A_443 masked %reduce_min3A_440 : vector<16xi32>, vector<16xi1> -> vector<16xi32>
          %reduce_min3A_445 = arith.xori %reduce_min3A_444, %reduce_min3A_442 : vector<16xi32>
          %reduce_min3A_446 = vector.extract %reduce_min3A_445[15] : i32 from vector<16xi32>
          %eq3A_447 = vector.broadcast %reduce_min3A_435 : f32 to vector<16xf32>
          %eq3A_448 = arith.cmpf oeq, %get3A_427, %eq3A_447 : vector<16xf32>
          %all_reduce_ffs3A_449 = tpu.all_reduce %eq3A_448 {dim = 0 : i64, kind = #tpu.reduction_kind<find_first_set>} : vector<16xi1> -> vector<16xi32>
          %reduce_min3A_450 = arith.constant true
          %reduce_min3A_451 = vector.broadcast %reduce_min3A_450 : i1 to vector<16xi1>
          %reduce_min3A_452 = arith.constant -2147483648 : i32
          %reduce_min3A_453 = vector.broadcast %reduce_min3A_452 : i32 to vector<16xi32>
          %reduce_min3A_454 = arith.xori %all_reduce_ffs3A_449, %reduce_min3A_453 : vector<16xi32>
          %reduce_min3A_455 = tpu.scan <min>, %reduce_min3A_454 masked %reduce_min3A_451 : vector<16xi32>, vector<16xi1> -> vector<16xi32>
          %reduce_min3A_456 = arith.xori %reduce_min3A_455, %reduce_min3A_453 : vector<16xi32>
          %reduce_min3A_457 = vector.extract %reduce_min3A_456[15] : i32 from vector<16xi32>
          %lt3A_458 = arith.cmpf olt, %reduce_min3A_431, %while3A_416 : f32
          %lt3A_459 = arith.cmpf olt, %reduce_min3A_435, %while3A_418 : f32
          %select_n3A_460 = arith.select %lt3A_458, %reduce_min3A_431, %while3A_416 : f32
          %mul3A_461 = arith.constant 16 : i32
          %mul3A_462 = arith.muli %while3A_415, %mul3A_461 : i32
          %add3A_463 = arith.addi %mul3A_462, %reduce_min3A_446 : i32
          %select_n3A_464 = arith.select %lt3A_458, %add3A_463, %while3A_417 : i32
          %select_n3A_465 = arith.select %lt3A_459, %reduce_min3A_435, %while3A_418 : f32
          %mul3A_466 = arith.constant 16 : i32
          %mul3A_467 = arith.muli %while3A_415, %mul3A_466 : i32
          %add3A_468 = arith.addi %mul3A_467, %reduce_min3A_457 : i32
          %select_n3A_469 = arith.select %lt3A_459, %add3A_468, %while3A_419 : i32
          scf.yield %select_n3A_460, %select_n3A_464, %select_n3A_465, %select_n3A_469 : f32, i32, f32, i32
        }
        %mul3A_304 = arith.constant 16 : i32
        %mul3A_305 = arith.muli %while3A_303#1, %mul3A_304 : i32
        %mul3A_306 = arith.constant 16 : i32
        %mul3A_307 = arith.muli %while3A_303#3, %mul3A_306 : i32
        %get3A_308 = arith.index_cast %mul3A_305 : i32 to index
        %get3A_309 = tpu.vector_load %arg26[%get3A_308] {strides = array<i32>} : memref<6416xf32, #tpu.memory_space<vmem>>, vector<16xf32>,
        %get3A_310 = arith.index_cast %mul3A_307 : i32 to index
        %get3A_311 = tpu.vector_load %arg29[%get3A_310] {strides = array<i32>} : memref<6416xf32, #tpu.memory_space<vmem>>, vector<16xf32>,
        %eq3A_312 = vector.broadcast %while3A_303#0 : f32 to vector<16xf32>
        %eq3A_313 = arith.cmpf oeq, %get3A_309, %eq3A_312 : vector<16xf32>
        %all_reduce_ffs3A = tpu.all_reduce %eq3A_313 {dim = 0 : i64, kind = #tpu.reduction_kind<find_first_set>} : vector<16xi1> -> vector<16xi32>
        %reduce_min3A = arith.constant true
        %reduce_min3A_314 = vector.broadcast %reduce_min3A : i1 to vector<16xi1>
        %reduce_min3A_315 = arith.constant -2147483648 : i32
        %reduce_min3A_316 = vector.broadcast %reduce_min3A_315 : i32 to vector<16xi32>
        %reduce_min3A_317 = arith.xori %all_reduce_ffs3A, %reduce_min3A_316 : vector<16xi32>
        %reduce_min3A_318 = tpu.scan <min>, %reduce_min3A_317 masked %reduce_min3A_314 : vector<16xi32>, vector<16xi1> -> vector<16xi32>
        %reduce_min3A_319 = arith.xori %reduce_min3A_318, %reduce_min3A_316 : vector<16xi32>
        %reduce_min3A_320 = vector.extract %reduce_min3A_319[15] : i32 from vector<16xi32>
        %eq3A_321 = vector.broadcast %while3A_303#2 : f32 to vector<16xf32>
        %eq3A_322 = arith.cmpf oeq, %get3A_311, %eq3A_321 : vector<16xf32>
        %all_reduce_ffs3A_323 = tpu.all_reduce %eq3A_322 {dim = 0 : i64, kind = #tpu.reduction_kind<find_first_set>} : vector<16xi1> -> vector<16xi32>
        %reduce_min3A_324 = arith.constant true
        %reduce_min3A_325 = vector.broadcast %reduce_min3A_324 : i1 to vector<16xi1>
        %reduce_min3A_326 = arith.constant -2147483648 : i32
        %reduce_min3A_327 = vector.broadcast %reduce_min3A_326 : i32 to vector<16xi32>
        %reduce_min3A_328 = arith.xori %all_reduce_ffs3A_323, %reduce_min3A_327 : vector<16xi32>
        %reduce_min3A_329 = tpu.scan <min>, %reduce_min3A_328 masked %reduce_min3A_325 : vector<16xi32>, vector<16xi1> -> vector<16xi32>
        %reduce_min3A_330 = arith.xori %reduce_min3A_329, %reduce_min3A_327 : vector<16xi32>
        %reduce_min3A_331 = vector.extract %reduce_min3A_330[15] : i32 from vector<16xi32>
        %get3A_332 = arith.index_cast %mul3A_305 : i32 to index
        %get3A_333 = tpu.vector_load %arg27[%get3A_332] {strides = array<i32>} : memref<6416xi32, #tpu.memory_space<vmem>>, vector<16xi32>,
        %get3A_334 = arith.index_cast %mul3A_307 : i32 to index
        %get3A_335 = tpu.vector_load %arg30[%get3A_334] {strides = array<i32>} : memref<6416xi32, #tpu.memory_space<vmem>>, vector<16xi32>,
        %eq3A_336 = vector.broadcast %reduce_min3A_320 : i32 to vector<16xi32>
        %eq3A_337 = arith.cmpi eq, %iota3A, %eq3A_336 : vector<16xi32>
        %jit3A_338 = arith.constant 1073741824 : i32
        %broadcast_in_dim3A_339 = vector.broadcast %jit3A_338 : i32 to vector<16xi32>
        %select_n3A_340 = arith.select %eq3A_337, %get3A_333, %broadcast_in_dim3A_339 : vector<16xi1>, vector<16xi32>
        %reduce_min3A_341 = arith.constant true
        %reduce_min3A_342 = vector.broadcast %reduce_min3A_341 : i1 to vector<16xi1>
        %reduce_min3A_343 = arith.constant -2147483648 : i32
        %reduce_min3A_344 = vector.broadcast %reduce_min3A_343 : i32 to vector<16xi32>
        %reduce_min3A_345 = arith.xori %select_n3A_340, %reduce_min3A_344 : vector<16xi32>
        %reduce_min3A_346 = tpu.scan <min>, %reduce_min3A_345 masked %reduce_min3A_342 : vector<16xi32>, vector<16xi1> -> vector<16xi32>
        %reduce_min3A_347 = arith.xori %reduce_min3A_346, %reduce_min3A_344 : vector<16xi32>
        %reduce_min3A_348 = vector.extract %reduce_min3A_347[15] : i32 from vector<16xi32>
        %eq3A_349 = vector.broadcast %reduce_min3A_331 : i32 to vector<16xi32>
        %eq3A_350 = arith.cmpi eq, %iota3A, %eq3A_349 : vector<16xi32>
        %jit3A_351 = arith.constant 1073741824 : i32
        %broadcast_in_dim3A_352 = vector.broadcast %jit3A_351 : i32 to vector<16xi32>
        %select_n3A_353 = arith.select %eq3A_350, %get3A_335, %broadcast_in_dim3A_352 : vector<16xi1>, vector<16xi32>
        %reduce_min3A_354 = arith.constant true
        %reduce_min3A_355 = vector.broadcast %reduce_min3A_354 : i1 to vector<16xi1>
        %reduce_min3A_356 = arith.constant -2147483648 : i32
        %reduce_min3A_357 = vector.broadcast %reduce_min3A_356 : i32 to vector<16xi32>
        %reduce_min3A_358 = arith.xori %select_n3A_353, %reduce_min3A_357 : vector<16xi32>
        %reduce_min3A_359 = tpu.scan <min>, %reduce_min3A_358 masked %reduce_min3A_355 : vector<16xi32>, vector<16xi1> -> vector<16xi32>
        %reduce_min3A_360 = arith.xori %reduce_min3A_359, %reduce_min3A_357 : vector<16xi32>
        %reduce_min3A_361 = vector.extract %reduce_min3A_360[15] : i32 from vector<16xi32>
        %jit3A_362 = arith.constant 16 : i32
        %eq3A_363 = arith.constant 0 : i32
        %eq3A_364 = arith.cmpi eq, %jit3A_362, %eq3A_363 : i32
        %jit3A_365 = arith.constant 1 : i32
        %select_n3A_366 = arith.select %eq3A_364, %jit3A_365, %jit3A_362 : i32
        %rem3A_367 = arith.remsi %scan3A_284, %select_n3A_366 : i32
        %ne3A_368 = arith.constant 0 : i32
        %ne3A_369 = arith.cmpi ne, %rem3A_367, %ne3A_368 : i32
        %lt3A = arith.constant 0 : i32
        %lt3A_370 = arith.cmpi slt, %rem3A_367, %lt3A : i32
        %lt3A_371 = arith.constant 0 : i32
        %lt3A_372 = arith.cmpi slt, %select_n3A_366, %lt3A_371 : i32
        %ne3A_373 = arith.xori %lt3A_370, %lt3A_372 : i1
        %and3A_374 = arith.andi %ne3A_373, %ne3A_369 : i1
        %add3A_375 = arith.addi %rem3A_367, %select_n3A_366 : i32
        %select_n3A_376 = arith.select %and3A_374, %add3A_375, %rem3A_367 : i32
        %eq3A_377 = vector.broadcast %select_n3A_376 : i32 to vector<16xi32>
        %eq3A_378 = arith.cmpi eq, %iota3A, %eq3A_377 : vector<16xi32>
        %broadcast_in_dim3A_379 = vector.broadcast %reduce_min3A_348 : i32 to vector<16xi32>
        %select_n3A_380 = arith.select %eq3A_378, %broadcast_in_dim3A_379, %scan3A_285 : vector<16xi1>, vector<16xi32>
        %broadcast_in_dim3A_381 = vector.broadcast %while3A_303#0 : f32 to vector<16xf32>
        %select_n3A_382 = arith.select %eq3A_378, %broadcast_in_dim3A_381, %scan3A_286 : vector<16xi1>, vector<16xf32>
        %broadcast_in_dim3A_383 = vector.broadcast %reduce_min3A_361 : i32 to vector<16xi32>
        %select_n3A_384 = arith.select %eq3A_378, %broadcast_in_dim3A_383, %scan3A_287 : vector<16xi1>, vector<16xi32>
        %broadcast_in_dim3A_385 = vector.broadcast %while3A_303#2 : f32 to vector<16xf32>
        %select_n3A_386 = arith.select %eq3A_378, %broadcast_in_dim3A_385, %scan3A_288 : vector<16xi1>, vector<16xf32>
        %eq3A_387 = vector.broadcast %reduce_min3A_320 : i32 to vector<16xi32>
        %eq3A_388 = arith.cmpi eq, %iota3A, %eq3A_387 : vector<16xi32>
        %jit3A_389 = arith.constant 0x7F800000 : f32
        %broadcast_in_dim3A_390 = vector.broadcast %jit3A_389 : f32 to vector<16xf32>
        %select_n3A_391 = arith.select %eq3A_388, %broadcast_in_dim3A_390, %get3A_309 : vector<16xi1>, vector<16xf32>
        %eq3A_392 = vector.broadcast %reduce_min3A_331 : i32 to vector<16xi32>
        %eq3A_393 = arith.cmpi eq, %iota3A, %eq3A_392 : vector<16xi32>
        %jit3A_394 = arith.constant 0x7F800000 : f32
        %broadcast_in_dim3A_395 = vector.broadcast %jit3A_394 : f32 to vector<16xf32>
        %select_n3A_396 = arith.select %eq3A_393, %broadcast_in_dim3A_395, %get3A_311 : vector<16xi1>, vector<16xf32>
        %swap3A_397 = arith.index_cast %mul3A_305 : i32 to index
        %swap3A_398 = tpu.vector_load %arg26[%swap3A_397] {strides = array<i32>} : memref<6416xf32, #tpu.memory_space<vmem>>, vector<16xf32>,
        tpu.vector_store %arg26[%swap3A_397], %select_n3A_391 {strides = array<i32>} : memref<6416xf32, #tpu.memory_space<vmem>>, vector<16xf32>,
        %swap3A_399 = arith.index_cast %mul3A_307 : i32 to index
        %swap3A_400 = tpu.vector_load %arg29[%swap3A_399] {strides = array<i32>} : memref<6416xf32, #tpu.memory_space<vmem>>, vector<16xf32>,
        tpu.vector_store %arg29[%swap3A_399], %select_n3A_396 {strides = array<i32>} : memref<6416xf32, #tpu.memory_space<vmem>>, vector<16xf32>,
        %reduce_min3A_401 = arith.constant true
        %reduce_min3A_402 = vector.broadcast %reduce_min3A_401 : i1 to vector<16xi1>
        %reduce_min3A_403 = tpu.scan <min>, %select_n3A_391 masked %reduce_min3A_402 : vector<16xf32>, vector<16xi1> -> vector<16xf32>
        %reduce_min3A_404 = vector.extract %reduce_min3A_403[15] : f32 from vector<16xf32>
        %broadcast_in_dim3A_405 = vector.broadcast %reduce_min3A_404 : f32 to vector<16xf32>
        %swap3A_406 = arith.index_cast %while3A_303#1 : i32 to index
        %swap3A_407 = tpu.vector_load %arg28[%swap3A_406] masked %eq3A_21 {strides = array<i32>} : memref<416xf32, #tpu.memory_space<vmem>>, vector<16xf32>, vector<16xi1>
        tpu.vector_store %arg28[%swap3A_406], %broadcast_in_dim3A_405 masked %eq3A_21 {strides = array<i32>} : memref<416xf32, #tpu.memory_space<vmem>>, vector<16xf32>, vector<16xi1>
        %reduce_min3A_408 = arith.constant true
        %reduce_min3A_409 = vector.broadcast %reduce_min3A_408 : i1 to vector<16xi1>
        %reduce_min3A_410 = tpu.scan <min>, %select_n3A_396 masked %reduce_min3A_409 : vector<16xf32>, vector<16xi1> -> vector<16xf32>
        %reduce_min3A_411 = vector.extract %reduce_min3A_410[15] : f32 from vector<16xf32>
        %broadcast_in_dim3A_412 = vector.broadcast %reduce_min3A_411 : f32 to vector<16xf32>
        %swap3A_413 = arith.index_cast %while3A_303#3 : i32 to index
        %swap3A_414 = tpu.vector_load %arg31[%swap3A_413] masked %eq3A_21 {strides = array<i32>} : memref<416xf32, #tpu.memory_space<vmem>>, vector<16xf32>, vector<16xi1>
        tpu.vector_store %arg31[%swap3A_413], %broadcast_in_dim3A_412 masked %eq3A_21 {strides = array<i32>} : memref<416xf32, #tpu.memory_space<vmem>>, vector<16xf32>, vector<16xi1>
        scf.yield %select_n3A_380, %select_n3A_382, %select_n3A_384, %select_n3A_386 : vector<16xi32>, vector<16xf32>, vector<16xi32>, vector<16xf32>
      }
      %scan3A_238 = arith.constant 16 : i32
      %swap3A_239 = arith.index_cast %mul3A_34 : i32 to index
      %swap3A_240 = arith.constant 16 : index
      %swap3A_241 = tpu.vector_load %arg32[%swap3A_239, %swap3A_240] {strides = array<i32>} : memref<32x32xi32, #tpu.memory_space<vmem>>, vector<16xi32>,
      tpu.vector_store %arg32[%swap3A_239, %swap3A_240], %scan3A_237#0 {strides = array<i32>} : memref<32x32xi32, #tpu.memory_space<vmem>>, vector<16xi32>,
      %swap3A_242 = arith.index_cast %mul3A_34 : i32 to index
      %swap3A_243 = arith.constant 16 : index
      %swap3A_244 = tpu.vector_load %arg33[%swap3A_242, %swap3A_243] {strides = array<i32>} : memref<32x32xf32, #tpu.memory_space<vmem>>, vector<16xf32>,
      tpu.vector_store %arg33[%swap3A_242, %swap3A_243], %scan3A_237#1 {strides = array<i32>} : memref<32x32xf32, #tpu.memory_space<vmem>>, vector<16xf32>,
      %and3A_245 = arith.constant 255 : i32
      %and3A_246 = vector.broadcast %and3A_245 : i32 to vector<16xi32>
      %and3A_247 = arith.andi %scan3A_237#0, %and3A_246 : vector<16xi32>
      %gather3A_248 = tpu.vector_load_idx %arg23[%and3A_247] : memref<256xi32, #tpu.memory_space<vmem>>[vector<16xi32>], vector<16xi32>,
      %mul3A_249 = arith.constant 128 : i32
      %mul3A_250 = vector.broadcast %mul3A_249 : i32 to vector<16xi32>
      %mul3A_251 = arith.muli %gather3A, %mul3A_250 : vector<16xi32>
      %add3A_252 = arith.addi %mul3A_251, %gather3A_248 : vector<16xi32>
      %gather3A_253 = tpu.vector_load_idx %arg24[%add3A_252] : memref<16384xf32, #tpu.memory_space<vmem>>[vector<16xi32>], vector<16xf32>,
      %swap3A_254 = arith.index_cast %mul3A_34 : i32 to index
      %swap3A_255 = arith.constant 16 : index
      %swap3A_256 = tpu.vector_load %arg34[%swap3A_254, %swap3A_255] {strides = array<i32>} : memref<32x32xf32, #tpu.memory_space<vmem>>, vector<16xf32>,
      tpu.vector_store %arg34[%swap3A_254, %swap3A_255], %gather3A_253 {strides = array<i32>} : memref<32x32xf32, #tpu.memory_space<vmem>>, vector<16xf32>,
      %gather3A_257 = tpu.vector_load_idx %arg25[%add3A_252] : memref<16384xf32, #tpu.memory_space<vmem>>[vector<16xi32>], vector<16xf32>,
      %swap3A_258 = arith.index_cast %mul3A_34 : i32 to index
      %swap3A_259 = arith.constant 16 : index
      %swap3A_260 = tpu.vector_load %arg35[%swap3A_258, %swap3A_259] {strides = array<i32>} : memref<32x32xf32, #tpu.memory_space<vmem>>, vector<16xf32>,
      tpu.vector_store %arg35[%swap3A_258, %swap3A_259], %gather3A_257 {strides = array<i32>} : memref<32x32xf32, #tpu.memory_space<vmem>>, vector<16xf32>,
      %swap3A_261 = arith.index_cast %add3A_36 : i32 to index
      %swap3A_262 = arith.constant 16 : index
      %swap3A_263 = tpu.vector_load %arg32[%swap3A_261, %swap3A_262] {strides = array<i32>} : memref<32x32xi32, #tpu.memory_space<vmem>>, vector<16xi32>,
      tpu.vector_store %arg32[%swap3A_261, %swap3A_262], %scan3A_237#2 {strides = array<i32>} : memref<32x32xi32, #tpu.memory_space<vmem>>, vector<16xi32>,
      %swap3A_264 = arith.index_cast %add3A_36 : i32 to index
      %swap3A_265 = arith.constant 16 : index
      %swap3A_266 = tpu.vector_load %arg33[%swap3A_264, %swap3A_265] {strides = array<i32>} : memref<32x32xf32, #tpu.memory_space<vmem>>, vector<16xf32>,
      tpu.vector_store %arg33[%swap3A_264, %swap3A_265], %scan3A_237#3 {strides = array<i32>} : memref<32x32xf32, #tpu.memory_space<vmem>>, vector<16xf32>,
      %and3A_267 = arith.constant 255 : i32
      %and3A_268 = vector.broadcast %and3A_267 : i32 to vector<16xi32>
      %and3A_269 = arith.andi %scan3A_237#2, %and3A_268 : vector<16xi32>
      %gather3A_270 = tpu.vector_load_idx %arg23[%and3A_269] : memref<256xi32, #tpu.memory_space<vmem>>[vector<16xi32>], vector<16xi32>,
      %mul3A_271 = arith.constant 128 : i32
      %mul3A_272 = vector.broadcast %mul3A_271 : i32 to vector<16xi32>
      %mul3A_273 = arith.muli %gather3A_178, %mul3A_272 : vector<16xi32>
      %add3A_274 = arith.addi %mul3A_273, %gather3A_270 : vector<16xi32>
      %gather3A_275 = tpu.vector_load_idx %arg24[%add3A_274] : memref<16384xf32, #tpu.memory_space<vmem>>[vector<16xi32>], vector<16xf32>,
      %swap3A_276 = arith.index_cast %add3A_36 : i32 to index
      %swap3A_277 = arith.constant 16 : index
      %swap3A_278 = tpu.vector_load %arg34[%swap3A_276, %swap3A_277] {strides = array<i32>} : memref<32x32xf32, #tpu.memory_space<vmem>>, vector<16xf32>,
      tpu.vector_store %arg34[%swap3A_276, %swap3A_277], %gather3A_275 {strides = array<i32>} : memref<32x32xf32, #tpu.memory_space<vmem>>, vector<16xf32>,
      %gather3A_279 = tpu.vector_load_idx %arg25[%add3A_274] : memref<16384xf32, #tpu.memory_space<vmem>>[vector<16xi32>], vector<16xf32>,
      %swap3A_280 = arith.index_cast %add3A_36 : i32 to index
      %swap3A_281 = arith.constant 16 : index
      %swap3A_282 = tpu.vector_load %arg35[%swap3A_280, %swap3A_281] {strides = array<i32>} : memref<32x32xf32, #tpu.memory_space<vmem>>, vector<16xf32>,
      tpu.vector_store %arg35[%swap3A_280, %swap3A_281], %gather3A_279 {strides = array<i32>} : memref<32x32xf32, #tpu.memory_space<vmem>>, vector<16xf32>,
      %scan3A_283 = arith.constant 0 : i32
      scf.yield %scan3A_283 : i32
    }
    %scan3A_30 = arith.constant 16 : i32
    "tpu.region"() ({
      %run_scoped3A = tpu.sem_alloc : memref<!tpu.dma_semaphore, #tpu.memory_space<semaphore_mem>>
      %dma_start3A = arith.constant 0 : i32
      %dma_start3A_31 = tpu.memref_slice %arg12[%mul3A_2, %dma_start3A] : memref<1024x32xi32, #tpu.memory_space<hbm>> -> memref<32x32xi32, #tpu.memory_space<hbm>>
      %dma_start3A_32 = arith.constant 0 : i32
      %dma_start3A_33 = tpu.memref_slice %arg12[%mul3A_2, %dma_start3A_32] : memref<1024x32xi32, #tpu.memory_space<hbm>> -> memref<32x32xi32, #tpu.memory_space<hbm>>
      tpu.enqueue_dma source(%arg32 : memref<32x32xi32, #tpu.memory_space<vmem>>) target(%dma_start3A_33 : memref<32x32xi32, #tpu.memory_space<hbm>>) target_semaphore(%run_scoped3A : memref<!tpu.dma_semaphore, #tpu.memory_space<semaphore_mem>>)
      %dma_wait3A = arith.constant 0 : i32
      %dma_wait3A_34 = tpu.memref_slice %arg12[%mul3A_2, %dma_wait3A] : memref<1024x32xi32, #tpu.memory_space<hbm>> -> memref<32x32xi32, #tpu.memory_space<hbm>>
      %dma_wait3A_35 = arith.constant 0 : i32
      %dma_wait3A_36 = tpu.memref_slice %arg12[%mul3A_2, %dma_wait3A_35] : memref<1024x32xi32, #tpu.memory_space<hbm>> -> memref<32x32xi32, #tpu.memory_space<hbm>>
      tpu.wait_dma2 semaphore(%run_scoped3A : memref<!tpu.dma_semaphore, #tpu.memory_space<semaphore_mem>>) src(%arg32 : memref<32x32xi32, #tpu.memory_space<vmem>>) dst(%dma_wait3A_36 : memref<32x32xi32, #tpu.memory_space<hbm>>)
      tpu.yield
    }) : () -> ()
    "tpu.region"() ({
      %run_scoped3A = tpu.sem_alloc : memref<!tpu.dma_semaphore, #tpu.memory_space<semaphore_mem>>
      %dma_start3A = arith.constant 0 : i32
      %dma_start3A_31 = tpu.memref_slice %arg13[%mul3A_2, %dma_start3A] : memref<1024x32xf32, #tpu.memory_space<hbm>> -> memref<32x32xf32, #tpu.memory_space<hbm>>
      %dma_start3A_32 = arith.constant 0 : i32
      %dma_start3A_33 = tpu.memref_slice %arg13[%mul3A_2, %dma_start3A_32] : memref<1024x32xf32, #tpu.memory_space<hbm>> -> memref<32x32xf32, #tpu.memory_space<hbm>>
      tpu.enqueue_dma source(%arg33 : memref<32x32xf32, #tpu.memory_space<vmem>>) target(%dma_start3A_33 : memref<32x32xf32, #tpu.memory_space<hbm>>) target_semaphore(%run_scoped3A : memref<!tpu.dma_semaphore, #tpu.memory_space<semaphore_mem>>)
      %dma_wait3A = arith.constant 0 : i32
      %dma_wait3A_34 = tpu.memref_slice %arg13[%mul3A_2, %dma_wait3A] : memref<1024x32xf32, #tpu.memory_space<hbm>> -> memref<32x32xf32, #tpu.memory_space<hbm>>
      %dma_wait3A_35 = arith.constant 0 : i32
      %dma_wait3A_36 = tpu.memref_slice %arg13[%mul3A_2, %dma_wait3A_35] : memref<1024x32xf32, #tpu.memory_space<hbm>> -> memref<32x32xf32, #tpu.memory_space<hbm>>
      tpu.wait_dma2 semaphore(%run_scoped3A : memref<!tpu.dma_semaphore, #tpu.memory_space<semaphore_mem>>) src(%arg33 : memref<32x32xf32, #tpu.memory_space<vmem>>) dst(%dma_wait3A_36 : memref<32x32xf32, #tpu.memory_space<hbm>>)
      tpu.yield
    }) : () -> ()
    "tpu.region"() ({
      %run_scoped3A = tpu.sem_alloc : memref<!tpu.dma_semaphore, #tpu.memory_space<semaphore_mem>>
      %dma_start3A = arith.constant 0 : i32
      %dma_start3A_31 = tpu.memref_slice %arg14[%mul3A_2, %dma_start3A] : memref<1024x32xf32, #tpu.memory_space<hbm>> -> memref<32x32xf32, #tpu.memory_space<hbm>>
      %dma_start3A_32 = arith.constant 0 : i32
      %dma_start3A_33 = tpu.memref_slice %arg14[%mul3A_2, %dma_start3A_32] : memref<1024x32xf32, #tpu.memory_space<hbm>> -> memref<32x32xf32, #tpu.memory_space<hbm>>
      tpu.enqueue_dma source(%arg34 : memref<32x32xf32, #tpu.memory_space<vmem>>) target(%dma_start3A_33 : memref<32x32xf32, #tpu.memory_space<hbm>>) target_semaphore(%run_scoped3A : memref<!tpu.dma_semaphore, #tpu.memory_space<semaphore_mem>>)
      %dma_wait3A = arith.constant 0 : i32
      %dma_wait3A_34 = tpu.memref_slice %arg14[%mul3A_2, %dma_wait3A] : memref<1024x32xf32, #tpu.memory_space<hbm>> -> memref<32x32xf32, #tpu.memory_space<hbm>>
      %dma_wait3A_35 = arith.constant 0 : i32
      %dma_wait3A_36 = tpu.memref_slice %arg14[%mul3A_2, %dma_wait3A_35] : memref<1024x32xf32, #tpu.memory_space<hbm>> -> memref<32x32xf32, #tpu.memory_space<hbm>>
      tpu.wait_dma2 semaphore(%run_scoped3A : memref<!tpu.dma_semaphore, #tpu.memory_space<semaphore_mem>>) src(%arg34 : memref<32x32xf32, #tpu.memory_space<vmem>>) dst(%dma_wait3A_36 : memref<32x32xf32, #tpu.memory_space<hbm>>)
      tpu.yield
    }) : () -> ()
    "tpu.region"() ({
      %run_scoped3A = tpu.sem_alloc : memref<!tpu.dma_semaphore, #tpu.memory_space<semaphore_mem>>
      %dma_start3A = arith.constant 0 : i32
      %dma_start3A_31 = tpu.memref_slice %arg15[%mul3A_2, %dma_start3A] : memref<1024x32xf32, #tpu.memory_space<hbm>> -> memref<32x32xf32, #tpu.memory_space<hbm>>
      %dma_start3A_32 = arith.constant 0 : i32
      %dma_start3A_33 = tpu.memref_slice %arg15[%mul3A_2, %dma_start3A_32] : memref<1024x32xf32, #tpu.memory_space<hbm>> -> memref<32x32xf32, #tpu.memory_space<hbm>>
      tpu.enqueue_dma source(%arg35 : memref<32x32xf32, #tpu.memory_space<vmem>>) target(%dma_start3A_33 : memref<32x32xf32, #tpu.memory_space<hbm>>) target_semaphore(%run_scoped3A : memref<!tpu.dma_semaphore, #tpu.memory_space<semaphore_mem>>)
      %dma_wait3A = arith.constant 0 : i32
      %dma_wait3A_34 = tpu.memref_slice %arg15[%mul3A_2, %dma_wait3A] : memref<1024x32xf32, #tpu.memory_space<hbm>> -> memref<32x32xf32, #tpu.memory_space<hbm>>
      %dma_wait3A_35 = arith.constant 0 : i32
      %dma_wait3A_36 = tpu.memref_slice %arg15[%mul3A_2, %dma_wait3A_35] : memref<1024x32xf32, #tpu.memory_space<hbm>> -> memref<32x32xf32, #tpu.memory_space<hbm>>
      tpu.wait_dma2 semaphore(%run_scoped3A : memref<!tpu.dma_semaphore, #tpu.memory_space<semaphore_mem>>) src(%arg35 : memref<32x32xf32, #tpu.memory_space<vmem>>) dst(%dma_wait3A_36 : memref<32x32xf32, #tpu.memory_space<hbm>>)
      tpu.yield
    }) : () -> ()
    return
  }
}

module attributes {stable_mosaic.version = 14 : i64} {
  func.func @_edge_body(%arg0: i32, %arg1: memref<1x4096x1xi32, #tpu.memory_space<vmem>>, %arg2: memref<1x4096x1xf32, #tpu.memory_space<vmem>>, %arg3: memref<1x4096x1xf32, #tpu.memory_space<vmem>>, %arg4: memref<1x4096x1xf32, #tpu.memory_space<vmem>>, %arg5: memref<1x128xf32, #tpu.memory_space<vmem>>, %arg6: memref<1x128xf32, #tpu.memory_space<vmem>>, %arg7: memref<128x128xf32, #tpu.memory_space<vmem>>, %arg8: memref<1x128xf32, #tpu.memory_space<vmem>>, %arg9: memref<128x32xf32, #tpu.memory_space<vmem>>, %arg10: memref<1x32xf32, #tpu.memory_space<vmem>>, %arg11: memref<1x32x128x256xf32, #tpu.memory_space<vmem>>) attributes {dimension_semantics = [#tpu.dimension_semantics<arbitrary>], iteration_bounds = array<i64: 8>, scalar_prefetch = 0 : i64, scratch_operands = 0 : i64, tpu.core_type = #tpu.core_type<tc>, window_params = [{transform_indices = @transform_0, window_bounds = array<i64: 1, 4096, 1>}, {transform_indices = @transform_1, window_bounds = array<i64: 1, 4096, 1>}, {transform_indices = @transform_2, window_bounds = array<i64: 1, 4096, 1>}, {transform_indices = @transform_3, window_bounds = array<i64: 1, 4096, 1>}, {pipeline_mode = #tpu.pipeline_mode<synchronous>, transform_indices = @transform_4, window_bounds = array<i64: 1, 128>}, {pipeline_mode = #tpu.pipeline_mode<synchronous>, transform_indices = @transform_5, window_bounds = array<i64: 1, 128>}, {pipeline_mode = #tpu.pipeline_mode<synchronous>, transform_indices = @transform_6, window_bounds = array<i64: 128, 128>}, {pipeline_mode = #tpu.pipeline_mode<synchronous>, transform_indices = @transform_7, window_bounds = array<i64: 1, 128>}, {pipeline_mode = #tpu.pipeline_mode<synchronous>, transform_indices = @transform_8, window_bounds = array<i64: 128, 32>}, {pipeline_mode = #tpu.pipeline_mode<synchronous>, transform_indices = @transform_9, window_bounds = array<i64: 1, 32>}, {transform_indices = @transform_10, window_bounds = array<i64: 1, 32, 128, 256>}]} {
    %get3A = arith.constant 0 : index
    %get3A_0 = arith.constant 0 : index
    %get3A_1 = arith.constant 0 : index
    %get3A_2 = vector.load %arg1[%get3A, %get3A_0, %get3A_1] : memref<1x4096x1xi32, #tpu.memory_space<vmem>>, vector<1x4096x1xi32>
    %get3A_3 = vector.shape_cast %get3A_2 : vector<1x4096x1xi32> to vector<4096x1xi32>
    %get3A_4 = arith.constant 0 : index
    %get3A_5 = arith.constant 0 : index
    %get3A_6 = arith.constant 0 : index
    %get3A_7 = vector.load %arg2[%get3A_4, %get3A_5, %get3A_6] : memref<1x4096x1xf32, #tpu.memory_space<vmem>>, vector<1x4096x1xf32>
    %get3A_8 = vector.shape_cast %get3A_7 : vector<1x4096x1xf32> to vector<4096x1xf32>
    %le3A = arith.constant 2.500000e+01 : f32
    %le3A_9 = vector.broadcast %le3A : f32 to vector<4096x1xf32>
    %le3A_10 = arith.cmpf ole, %get3A_8, %le3A_9 : vector<4096x1xf32>
    %convert_element_type3A = arith.sitofp %get3A_3 : vector<4096x1xi32> to vector<4096x1xf32>
    %iota3A = tpu.iota {dimensions = array<i32: 1>} : vector<4096x256xi32>
    %convert_element_type3A_11 = arith.sitofp %iota3A : vector<4096x256xi32> to vector<4096x256xf32>
    %eq3A = vector.broadcast %convert_element_type3A : vector<4096x1xf32> to vector<4096x256xf32>
    %eq3A_12 = arith.cmpf oeq, %eq3A, %convert_element_type3A_11 : vector<4096x256xf32>
    %convert_element_type3A_13 = arith.extui %eq3A_12 : vector<4096x256xi1> to vector<4096x256xi32>
    %convert_element_type3A_14 = arith.sitofp %convert_element_type3A_13 : vector<4096x256xi32> to vector<4096x256xf32>
    %get3A_15 = arith.constant 0 : index
    %get3A_16 = arith.constant 0 : index
    %get3A_17 = arith.constant 0 : index
    %get3A_18 = vector.load %arg3[%get3A_15, %get3A_16, %get3A_17] : memref<1x4096x1xf32, #tpu.memory_space<vmem>>, vector<1x4096x1xf32>
    %get3A_19 = vector.shape_cast %get3A_18 : vector<1x4096x1xf32> to vector<4096x1xf32>
    %get3A_20 = arith.constant 0 : index
    %get3A_21 = arith.constant 0 : index
    %get3A_22 = arith.constant 0 : index
    %get3A_23 = vector.load %arg4[%get3A_20, %get3A_21, %get3A_22] : memref<1x4096x1xf32, #tpu.memory_space<vmem>>, vector<1x4096x1xf32>
    %get3A_24 = vector.shape_cast %get3A_23 : vector<1x4096x1xf32> to vector<4096x1xf32>
    %jit3A = arith.constant 0.000000e+00 : f32
    %broadcast_in_dim3A = vector.broadcast %jit3A : f32 to vector<4096x1xf32>
    %select_n3A = arith.select %le3A_10, %get3A_8, %broadcast_in_dim3A : vector<4096x1xi1>, vector<4096x1xf32>
    %add3A = arith.constant 9.99999996E-13 : f32
    %add3A_25 = vector.broadcast %add3A : f32 to vector<4096x1xf32>
    %add3A_26 = arith.addf %select_n3A, %add3A_25 : vector<4096x1xf32>
    %sqrt3A = math.sqrt %add3A_26 : vector<4096x1xf32>
    %mul3A = arith.mulf %get3A_19, %sqrt3A : vector<4096x1xf32>
    %add3A_27 = arith.addf %mul3A, %get3A_24 : vector<4096x1xf32>
    %get3A_28 = arith.constant 0 : index
    %get3A_29 = arith.constant 0 : index
    %get3A_30 = vector.load %arg6[%get3A_28, %get3A_29] : memref<1x128xf32, #tpu.memory_space<vmem>>, vector<1x128xf32>
    %abs3A = math.absf %get3A_30 : vector<1x128xf32>
    %add3A_31 = arith.constant 9.99999974E-6 : f32
    %add3A_32 = vector.broadcast %add3A_31 : f32 to vector<1x128xf32>
    %add3A_33 = arith.addf %abs3A, %add3A_32 : vector<1x128xf32>
    %get3A_34 = arith.constant 0 : index
    %get3A_35 = arith.constant 0 : index
    %get3A_36 = vector.load %arg5[%get3A_34, %get3A_35] : memref<1x128xf32, #tpu.memory_space<vmem>>, vector<1x128xf32>
    %sub3A = vector.broadcast %add3A_27 : vector<4096x1xf32> to vector<4096x128xf32>
    %sub3A_37 = vector.broadcast %get3A_36 : vector<1x128xf32> to vector<4096x128xf32>
    %sub3A_38 = arith.subf %sub3A, %sub3A_37 : vector<4096x128xf32>
    %div3A = vector.broadcast %add3A_33 : vector<1x128xf32> to vector<4096x128xf32>
    %div3A_39 = arith.divf %sub3A_38, %div3A : vector<4096x128xf32>
    %mul3A_40 = arith.constant -5.000000e-01 : f32
    %mul3A_41 = vector.broadcast %mul3A_40 : f32 to vector<4096x128xf32>
    %mul3A_42 = arith.mulf %mul3A_41, %div3A_39 : vector<4096x128xf32>
    %mul3A_43 = arith.mulf %mul3A_42, %div3A_39 : vector<4096x128xf32>
    %exp3A = math.exp %mul3A_43 : vector<4096x128xf32>
    %mul3A_44 = arith.constant 2.50662827 : f32
    %mul3A_45 = vector.broadcast %mul3A_44 : f32 to vector<1x128xf32>
    %mul3A_46 = arith.mulf %mul3A_45, %add3A_33 : vector<1x128xf32>
    %div3A_47 = vector.broadcast %mul3A_46 : vector<1x128xf32> to vector<4096x128xf32>
    %div3A_48 = arith.divf %exp3A, %div3A_47 : vector<4096x128xf32>
    %get3A_49 = arith.constant 0 : index
    %get3A_50 = arith.constant 0 : index
    %get3A_51 = vector.load %arg7[%get3A_49, %get3A_50] : memref<128x128xf32, #tpu.memory_space<vmem>>, vector<128x128xf32>
    %dot_general3A = arith.constant dense<0.000000e+00> : vector<4096x128xf32>
    %dot_general3A_52 = tpu.matmul %div3A_48, %get3A_51, %dot_general3A {dimension_numbers = #tpu.dot_dimension_numbers<[1], [0], [0], [1], [0, 0, 1, 1], [], []>, precision = #tpu.contract_precision<fp32>, transpose_lhs_hint = false} : vector<4096x128xf32>, vector<128x128xf32>, vector<4096x128xf32> -> vector<4096x128xf32>
    %get3A_53 = arith.constant 0 : index
    %get3A_54 = arith.constant 0 : index
    %get3A_55 = vector.load %arg8[%get3A_53, %get3A_54] : memref<1x128xf32, #tpu.memory_space<vmem>>, vector<1x128xf32>
    %add3A_56 = vector.broadcast %get3A_55 : vector<1x128xf32> to vector<4096x128xf32>
    %add3A_57 = arith.addf %dot_general3A_52, %add3A_56 : vector<4096x128xf32>
    %integer_pow3A = arith.mulf %add3A_57, %add3A_57 : vector<4096x128xf32>
    %integer_pow3A_58 = arith.mulf %add3A_57, %integer_pow3A : vector<4096x128xf32>
    %mul3A_59 = arith.constant 4.471500e-02 : f32
    %mul3A_60 = vector.broadcast %mul3A_59 : f32 to vector<4096x128xf32>
    %mul3A_61 = arith.mulf %mul3A_60, %integer_pow3A_58 : vector<4096x128xf32>
    %add3A_62 = arith.addf %add3A_57, %mul3A_61 : vector<4096x128xf32>
    %mul3A_63 = arith.constant 0.797884583 : f32
    %mul3A_64 = vector.broadcast %mul3A_63 : f32 to vector<4096x128xf32>
    %mul3A_65 = arith.mulf %mul3A_64, %add3A_62 : vector<4096x128xf32>
    %tanh3A = math.tanh %mul3A_65 : vector<4096x128xf32>
    %add3A_66 = arith.constant 1.000000e+00 : f32
    %add3A_67 = vector.broadcast %add3A_66 : f32 to vector<4096x128xf32>
    %add3A_68 = arith.addf %add3A_67, %tanh3A : vector<4096x128xf32>
    %mul3A_69 = arith.constant 5.000000e-01 : f32
    %mul3A_70 = vector.broadcast %mul3A_69 : f32 to vector<4096x128xf32>
    %mul3A_71 = arith.mulf %mul3A_70, %add3A_68 : vector<4096x128xf32>
    %mul3A_72 = arith.mulf %add3A_57, %mul3A_71 : vector<4096x128xf32>
    %get3A_73 = arith.constant 0 : index
    %get3A_74 = arith.constant 0 : index
    %get3A_75 = vector.load %arg9[%get3A_73, %get3A_74] : memref<128x32xf32, #tpu.memory_space<vmem>>, vector<128x32xf32>
    %dot_general3A_76 = arith.constant dense<0.000000e+00> : vector<4096x32xf32>
    %dot_general3A_77 = tpu.matmul %mul3A_72, %get3A_75, %dot_general3A_76 {dimension_numbers = #tpu.dot_dimension_numbers<[1], [0], [0], [1], [0, 0, 1, 1], [], []>, precision = #tpu.contract_precision<fp32>, transpose_lhs_hint = false} : vector<4096x128xf32>, vector<128x32xf32>, vector<4096x32xf32> -> vector<4096x32xf32>
    %get3A_78 = arith.constant 0 : index
    %get3A_79 = arith.constant 0 : index
    %get3A_80 = vector.load %arg10[%get3A_78, %get3A_79] : memref<1x32xf32, #tpu.memory_space<vmem>>, vector<1x32xf32>
    %add3A_81 = vector.broadcast %get3A_80 : vector<1x32xf32> to vector<4096x32xf32>
    %add3A_82 = arith.addf %dot_general3A_77, %add3A_81 : vector<4096x32xf32>
    %jit3A_83 = arith.constant 0.000000e+00 : f32
    %broadcast_in_dim3A_84 = vector.shape_cast %le3A_10 : vector<4096x1xi1> to vector<4096x1xi1>
    %broadcast_in_dim3A_85 = vector.broadcast %broadcast_in_dim3A_84 : vector<4096x1xi1> to vector<4096x32xi1>
    %broadcast_in_dim3A_86 = vector.broadcast %jit3A_83 : f32 to vector<4096x32xf32>
    %select_n3A_87 = arith.select %broadcast_in_dim3A_85, %add3A_82, %broadcast_in_dim3A_86 : vector<4096x32xi1>, vector<4096x32xf32>
    %convert_element_type3A_88 = arith.truncf %select_n3A_87 : vector<4096x32xf32> to vector<4096x32xbf16>
    %convert_element_type3A_89 = arith.extf %convert_element_type3A_88 : vector<4096x32xbf16> to vector<4096x32xf32>
    %sub3A_90 = arith.subf %select_n3A_87, %convert_element_type3A_89 : vector<4096x32xf32>
    %transpose3A = tpu.transpose %convert_element_type3A_89, [1, 0] : vector<4096x32xf32> -> vector<32x4096xf32>
    %transpose3A_91 = tpu.transpose %sub3A_90, [1, 0] : vector<4096x32xf32> -> vector<32x4096xf32>
    %slice3A = vector.extract_strided_slice %convert_element_type3A_14 {offsets = [0, 0], sizes = [32, 256], strides = [1, 1]} : vector<4096x256xf32> to vector<32x256xf32>
    %slice3A_92 = vector.extract_strided_slice %transpose3A {offsets = [0, 0], sizes = [32, 32], strides = [1, 1]} : vector<32x4096xf32> to vector<32x32xf32>
    %dot_general3A_93 = arith.constant dense<0.000000e+00> : vector<32x256xf32>
    %dot_general3A_94 = tpu.matmul %slice3A_92, %slice3A, %dot_general3A_93 {dimension_numbers = #tpu.dot_dimension_numbers<[1], [0], [0], [1], [0, 0, 1, 1], [], []>, transpose_lhs_hint = false} : vector<32x32xf32>, vector<32x256xf32>, vector<32x256xf32> -> vector<32x256xf32>
    %slice3A_95 = vector.extract_strided_slice %transpose3A_91 {offsets = [0, 0], sizes = [32, 32], strides = [1, 1]} : vector<32x4096xf32> to vector<32x32xf32>
    %dot_general3A_96 = arith.constant dense<0.000000e+00> : vector<32x256xf32>
    %dot_general3A_97 = tpu.matmul %slice3A_95, %slice3A, %dot_general3A_96 {dimension_numbers = #tpu.dot_dimension_numbers<[1], [0], [0], [1], [0, 0, 1, 1], [], []>, transpose_lhs_hint = false} : vector<32x32xf32>, vector<32x256xf32>, vector<32x256xf32> -> vector<32x256xf32>
    %add3A_98 = arith.addf %dot_general3A_94, %dot_general3A_97 : vector<32x256xf32>
    %swap3A = arith.constant 0 : index
    %swap3A_99 = arith.constant 0 : index
    %swap3A_100 = arith.constant 0 : index
    %swap3A_101 = arith.constant 0 : index
    %swap3A_102 = vector.load %arg11[%swap3A, %swap3A_99, %swap3A_100, %swap3A_101] : memref<1x32x128x256xf32, #tpu.memory_space<vmem>>, vector<1x32x1x256xf32>
    %swap3A_103 = vector.shape_cast %swap3A_102 : vector<1x32x1x256xf32> to vector<32x256xf32>
    %swap3A_104 = vector.shape_cast %add3A_98 : vector<32x256xf32> to vector<1x32x1x256xf32>
    tpu.vector_store %arg11[%swap3A, %swap3A_99, %swap3A_100, %swap3A_101], %swap3A_104 {strides = array<i32>} : memref<1x32x128x256xf32, #tpu.memory_space<vmem>>, vector<1x32x1x256xf32>,
    %slice3A_105 = vector.extract_strided_slice %convert_element_type3A_14 {offsets = [32, 0], sizes = [32, 256], strides = [1, 1]} : vector<4096x256xf32> to vector<32x256xf32>
    %slice3A_106 = vector.extract_strided_slice %transpose3A {offsets = [0, 32], sizes = [32, 32], strides = [1, 1]} : vector<32x4096xf32> to vector<32x32xf32>
    %dot_general3A_107 = arith.constant dense<0.000000e+00> : vector<32x256xf32>
    %dot_general3A_108 = tpu.matmul %slice3A_106, %slice3A_105, %dot_general3A_107 {dimension_numbers = #tpu.dot_dimension_numbers<[1], [0], [0], [1], [0, 0, 1, 1], [], []>, transpose_lhs_hint = false} : vector<32x32xf32>, vector<32x256xf32>, vector<32x256xf32> -> vector<32x256xf32>
    %slice3A_109 = vector.extract_strided_slice %transpose3A_91 {offsets = [0, 32], sizes = [32, 32], strides = [1, 1]} : vector<32x4096xf32> to vector<32x32xf32>
    %dot_general3A_110 = arith.constant dense<0.000000e+00> : vector<32x256xf32>
    %dot_general3A_111 = tpu.matmul %slice3A_109, %slice3A_105, %dot_general3A_110 {dimension_numbers = #tpu.dot_dimension_numbers<[1], [0], [0], [1], [0, 0, 1, 1], [], []>, transpose_lhs_hint = false} : vector<32x32xf32>, vector<32x256xf32>, vector<32x256xf32> -> vector<32x256xf32>
    %add3A_112 = arith.addf %dot_general3A_108, %dot_general3A_111 : vector<32x256xf32>
    %swap3A_113 = arith.constant 0 : index
    %swap3A_114 = arith.constant 0 : index
    %swap3A_115 = arith.constant 1 : index
    %swap3A_116 = arith.constant 0 : index
    %swap3A_117 = vector.load %arg11[%swap3A_113, %swap3A_114, %swap3A_115, %swap3A_116] : memref<1x32x128x256xf32, #tpu.memory_space<vmem>>, vector<1x32x1x256xf32>
    %swap3A_118 = vector.shape_cast %swap3A_117 : vector<1x32x1x256xf32> to vector<32x256xf32>
    %swap3A_119 = vector.shape_cast %add3A_112 : vector<32x256xf32> to vector<1x32x1x256xf32>
    tpu.vector_store %arg11[%swap3A_113, %swap3A_114, %swap3A_115, %swap3A_116], %swap3A_119 {strides = array<i32>} : memref<1x32x128x256xf32, #tpu.memory_space<vmem>>, vector<1x32x1x256xf32>,
    %slice3A_120 = vector.extract_strided_slice %convert_element_type3A_14 {offsets = [64, 0], sizes = [32, 256], strides = [1, 1]} : vector<4096x256xf32> to vector<32x256xf32>
    %slice3A_121 = vector.extract_strided_slice %transpose3A {offsets = [0, 64], sizes = [32, 32], strides = [1, 1]} : vector<32x4096xf32> to vector<32x32xf32>
    %dot_general3A_122 = arith.constant dense<0.000000e+00> : vector<32x256xf32>
    %dot_general3A_123 = tpu.matmul %slice3A_121, %slice3A_120, %dot_general3A_122 {dimension_numbers = #tpu.dot_dimension_numbers<[1], [0], [0], [1], [0, 0, 1, 1], [], []>, transpose_lhs_hint = false} : vector<32x32xf32>, vector<32x256xf32>, vector<32x256xf32> -> vector<32x256xf32>
    %slice3A_124 = vector.extract_strided_slice %transpose3A_91 {offsets = [0, 64], sizes = [32, 32], strides = [1, 1]} : vector<32x4096xf32> to vector<32x32xf32>
    %dot_general3A_125 = arith.constant dense<0.000000e+00> : vector<32x256xf32>
    %dot_general3A_126 = tpu.matmul %slice3A_124, %slice3A_120, %dot_general3A_125 {dimension_numbers = #tpu.dot_dimension_numbers<[1], [0], [0], [1], [0, 0, 1, 1], [], []>, transpose_lhs_hint = false} : vector<32x32xf32>, vector<32x256xf32>, vector<32x256xf32> -> vector<32x256xf32>
    %add3A_127 = arith.addf %dot_general3A_123, %dot_general3A_126 : vector<32x256xf32>
    %swap3A_128 = arith.constant 0 : index
    %swap3A_129 = arith.constant 0 : index
    %swap3A_130 = arith.constant 2 : index
    %swap3A_131 = arith.constant 0 : index
    %swap3A_132 = vector.load %arg11[%swap3A_128, %swap3A_129, %swap3A_130, %swap3A_131] : memref<1x32x128x256xf32, #tpu.memory_space<vmem>>, vector<1x32x1x256xf32>
    %swap3A_133 = vector.shape_cast %swap3A_132 : vector<1x32x1x256xf32> to vector<32x256xf32>
    %swap3A_134 = vector.shape_cast %add3A_127 : vector<32x256xf32> to vector<1x32x1x256xf32>
    tpu.vector_store %arg11[%swap3A_128, %swap3A_129, %swap3A_130, %swap3A_131], %swap3A_134 {strides = array<i32>} : memref<1x32x128x256xf32, #tpu.memory_space<vmem>>, vector<1x32x1x256xf32>,
    %slice3A_135 = vector.extract_strided_slice %convert_element_type3A_14 {offsets = [96, 0], sizes = [32, 256], strides = [1, 1]} : vector<4096x256xf32> to vector<32x256xf32>
    %slice3A_136 = vector.extract_strided_slice %transpose3A {offsets = [0, 96], sizes = [32, 32], strides = [1, 1]} : vector<32x4096xf32> to vector<32x32xf32>
    %dot_general3A_137 = arith.constant dense<0.000000e+00> : vector<32x256xf32>
    %dot_general3A_138 = tpu.matmul %slice3A_136, %slice3A_135, %dot_general3A_137 {dimension_numbers = #tpu.dot_dimension_numbers<[1], [0], [0], [1], [0, 0, 1, 1], [], []>, transpose_lhs_hint = false} : vector<32x32xf32>, vector<32x256xf32>, vector<32x256xf32> -> vector<32x256xf32>
    %slice3A_139 = vector.extract_strided_slice %transpose3A_91 {offsets = [0, 96], sizes = [32, 32], strides = [1, 1]} : vector<32x4096xf32> to vector<32x32xf32>
    %dot_general3A_140 = arith.constant dense<0.000000e+00> : vector<32x256xf32>
    %dot_general3A_141 = tpu.matmul %slice3A_139, %slice3A_135, %dot_general3A_140 {dimension_numbers = #tpu.dot_dimension_numbers<[1], [0], [0], [1], [0, 0, 1, 1], [], []>, transpose_lhs_hint = false} : vector<32x32xf32>, vector<32x256xf32>, vector<32x256xf32> -> vector<32x256xf32>
    %add3A_142 = arith.addf %dot_general3A_138, %dot_general3A_141 : vector<32x256xf32>
    %swap3A_143 = arith.constant 0 : index
    %swap3A_144 = arith.constant 0 : index
    %swap3A_145 = arith.constant 3 : index
    %swap3A_146 = arith.constant 0 : index
    %swap3A_147 = vector.load %arg11[%swap3A_143, %swap3A_144, %swap3A_145, %swap3A_146] : memref<1x32x128x256xf32, #tpu.memory_space<vmem>>, vector<1x32x1x256xf32>
    %swap3A_148 = vector.shape_cast %swap3A_147 : vector<1x32x1x256xf32> to vector<32x256xf32>
    %swap3A_149 = vector.shape_cast %add3A_142 : vector<32x256xf32> to vector<1x32x1x256xf32>
    tpu.vector_store %arg11[%swap3A_143, %swap3A_144, %swap3A_145, %swap3A_146], %swap3A_149 {strides = array<i32>} : memref<1x32x128x256xf32, #tpu.memory_space<vmem>>, vector<1x32x1x256xf32>,
    %slice3A_150 = vector.extract_strided_slice %convert_element_type3A_14 {offsets = [128, 0], sizes = [32, 256], strides = [1, 1]} : vector<4096x256xf32> to vector<32x256xf32>
    %slice3A_151 = vector.extract_strided_slice %transpose3A {offsets = [0, 128], sizes = [32, 32], strides = [1, 1]} : vector<32x4096xf32> to vector<32x32xf32>
    %dot_general3A_152 = arith.constant dense<0.000000e+00> : vector<32x256xf32>
    %dot_general3A_153 = tpu.matmul %slice3A_151, %slice3A_150, %dot_general3A_152 {dimension_numbers = #tpu.dot_dimension_numbers<[1], [0], [0], [1], [0, 0, 1, 1], [], []>, transpose_lhs_hint = false} : vector<32x32xf32>, vector<32x256xf32>, vector<32x256xf32> -> vector<32x256xf32>
    %slice3A_154 = vector.extract_strided_slice %transpose3A_91 {offsets = [0, 128], sizes = [32, 32], strides = [1, 1]} : vector<32x4096xf32> to vector<32x32xf32>
    %dot_general3A_155 = arith.constant dense<0.000000e+00> : vector<32x256xf32>
    %dot_general3A_156 = tpu.matmul %slice3A_154, %slice3A_150, %dot_general3A_155 {dimension_numbers = #tpu.dot_dimension_numbers<[1], [0], [0], [1], [0, 0, 1, 1], [], []>, transpose_lhs_hint = false} : vector<32x32xf32>, vector<32x256xf32>, vector<32x256xf32> -> vector<32x256xf32>
    %add3A_157 = arith.addf %dot_general3A_153, %dot_general3A_156 : vector<32x256xf32>
    %swap3A_158 = arith.constant 0 : index
    %swap3A_159 = arith.constant 0 : index
    %swap3A_160 = arith.constant 4 : index
    %swap3A_161 = arith.constant 0 : index
    %swap3A_162 = vector.load %arg11[%swap3A_158, %swap3A_159, %swap3A_160, %swap3A_161] : memref<1x32x128x256xf32, #tpu.memory_space<vmem>>, vector<1x32x1x256xf32>
    %swap3A_163 = vector.shape_cast %swap3A_162 : vector<1x32x1x256xf32> to vector<32x256xf32>
    %swap3A_164 = vector.shape_cast %add3A_157 : vector<32x256xf32> to vector<1x32x1x256xf32>
    tpu.vector_store %arg11[%swap3A_158, %swap3A_159, %swap3A_160, %swap3A_161], %swap3A_164 {strides = array<i32>} : memref<1x32x128x256xf32, #tpu.memory_space<vmem>>, vector<1x32x1x256xf32>,
    %slice3A_165 = vector.extract_strided_slice %convert_element_type3A_14 {offsets = [160, 0], sizes = [32, 256], strides = [1, 1]} : vector<4096x256xf32> to vector<32x256xf32>
    %slice3A_166 = vector.extract_strided_slice %transpose3A {offsets = [0, 160], sizes = [32, 32], strides = [1, 1]} : vector<32x4096xf32> to vector<32x32xf32>
    %dot_general3A_167 = arith.constant dense<0.000000e+00> : vector<32x256xf32>
    %dot_general3A_168 = tpu.matmul %slice3A_166, %slice3A_165, %dot_general3A_167 {dimension_numbers = #tpu.dot_dimension_numbers<[1], [0], [0], [1], [0, 0, 1, 1], [], []>, transpose_lhs_hint = false} : vector<32x32xf32>, vector<32x256xf32>, vector<32x256xf32> -> vector<32x256xf32>
    %slice3A_169 = vector.extract_strided_slice %transpose3A_91 {offsets = [0, 160], sizes = [32, 32], strides = [1, 1]} : vector<32x4096xf32> to vector<32x32xf32>
    %dot_general3A_170 = arith.constant dense<0.000000e+00> : vector<32x256xf32>
    %dot_general3A_171 = tpu.matmul %slice3A_169, %slice3A_165, %dot_general3A_170 {dimension_numbers = #tpu.dot_dimension_numbers<[1], [0], [0], [1], [0, 0, 1, 1], [], []>, transpose_lhs_hint = false} : vector<32x32xf32>, vector<32x256xf32>, vector<32x256xf32> -> vector<32x256xf32>
    %add3A_172 = arith.addf %dot_general3A_168, %dot_general3A_171 : vector<32x256xf32>
    %swap3A_173 = arith.constant 0 : index
    %swap3A_174 = arith.constant 0 : index
    %swap3A_175 = arith.constant 5 : index
    %swap3A_176 = arith.constant 0 : index
    %swap3A_177 = vector.load %arg11[%swap3A_173, %swap3A_174, %swap3A_175, %swap3A_176] : memref<1x32x128x256xf32, #tpu.memory_space<vmem>>, vector<1x32x1x256xf32>
    %swap3A_178 = vector.shape_cast %swap3A_177 : vector<1x32x1x256xf32> to vector<32x256xf32>
    %swap3A_179 = vector.shape_cast %add3A_172 : vector<32x256xf32> to vector<1x32x1x256xf32>
    tpu.vector_store %arg11[%swap3A_173, %swap3A_174, %swap3A_175, %swap3A_176], %swap3A_179 {strides = array<i32>} : memref<1x32x128x256xf32, #tpu.memory_space<vmem>>, vector<1x32x1x256xf32>,
    %slice3A_180 = vector.extract_strided_slice %convert_element_type3A_14 {offsets = [192, 0], sizes = [32, 256], strides = [1, 1]} : vector<4096x256xf32> to vector<32x256xf32>
    %slice3A_181 = vector.extract_strided_slice %transpose3A {offsets = [0, 192], sizes = [32, 32], strides = [1, 1]} : vector<32x4096xf32> to vector<32x32xf32>
    %dot_general3A_182 = arith.constant dense<0.000000e+00> : vector<32x256xf32>
    %dot_general3A_183 = tpu.matmul %slice3A_181, %slice3A_180, %dot_general3A_182 {dimension_numbers = #tpu.dot_dimension_numbers<[1], [0], [0], [1], [0, 0, 1, 1], [], []>, transpose_lhs_hint = false} : vector<32x32xf32>, vector<32x256xf32>, vector<32x256xf32> -> vector<32x256xf32>
    %slice3A_184 = vector.extract_strided_slice %transpose3A_91 {offsets = [0, 192], sizes = [32, 32], strides = [1, 1]} : vector<32x4096xf32> to vector<32x32xf32>
    %dot_general3A_185 = arith.constant dense<0.000000e+00> : vector<32x256xf32>
    %dot_general3A_186 = tpu.matmul %slice3A_184, %slice3A_180, %dot_general3A_185 {dimension_numbers = #tpu.dot_dimension_numbers<[1], [0], [0], [1], [0, 0, 1, 1], [], []>, transpose_lhs_hint = false} : vector<32x32xf32>, vector<32x256xf32>, vector<32x256xf32> -> vector<32x256xf32>
    %add3A_187 = arith.addf %dot_general3A_183, %dot_general3A_186 : vector<32x256xf32>
    %swap3A_188 = arith.constant 0 : index
    %swap3A_189 = arith.constant 0 : index
    %swap3A_190 = arith.constant 6 : index
    %swap3A_191 = arith.constant 0 : index
    %swap3A_192 = vector.load %arg11[%swap3A_188, %swap3A_189, %swap3A_190, %swap3A_191] : memref<1x32x128x256xf32, #tpu.memory_space<vmem>>, vector<1x32x1x256xf32>
    %swap3A_193 = vector.shape_cast %swap3A_192 : vector<1x32x1x256xf32> to vector<32x256xf32>
    %swap3A_194 = vector.shape_cast %add3A_187 : vector<32x256xf32> to vector<1x32x1x256xf32>
    tpu.vector_store %arg11[%swap3A_188, %swap3A_189, %swap3A_190, %swap3A_191], %swap3A_194 {strides = array<i32>} : memref<1x32x128x256xf32, #tpu.memory_space<vmem>>, vector<1x32x1x256xf32>,
    %slice3A_195 = vector.extract_strided_slice %convert_element_type3A_14 {offsets = [224, 0], sizes = [32, 256], strides = [1, 1]} : vector<4096x256xf32> to vector<32x256xf32>
    %slice3A_196 = vector.extract_strided_slice %transpose3A {offsets = [0, 224], sizes = [32, 32], strides = [1, 1]} : vector<32x4096xf32> to vector<32x32xf32>
    %dot_general3A_197 = arith.constant dense<0.000000e+00> : vector<32x256xf32>
    %dot_general3A_198 = tpu.matmul %slice3A_196, %slice3A_195, %dot_general3A_197 {dimension_numbers = #tpu.dot_dimension_numbers<[1], [0], [0], [1], [0, 0, 1, 1], [], []>, transpose_lhs_hint = false} : vector<32x32xf32>, vector<32x256xf32>, vector<32x256xf32> -> vector<32x256xf32>
    %slice3A_199 = vector.extract_strided_slice %transpose3A_91 {offsets = [0, 224], sizes = [32, 32], strides = [1, 1]} : vector<32x4096xf32> to vector<32x32xf32>
    %dot_general3A_200 = arith.constant dense<0.000000e+00> : vector<32x256xf32>
    %dot_general3A_201 = tpu.matmul %slice3A_199, %slice3A_195, %dot_general3A_200 {dimension_numbers = #tpu.dot_dimension_numbers<[1], [0], [0], [1], [0, 0, 1, 1], [], []>, transpose_lhs_hint = false} : vector<32x32xf32>, vector<32x256xf32>, vector<32x256xf32> -> vector<32x256xf32>
    %add3A_202 = arith.addf %dot_general3A_198, %dot_general3A_201 : vector<32x256xf32>
    %swap3A_203 = arith.constant 0 : index
    %swap3A_204 = arith.constant 0 : index
    %swap3A_205 = arith.constant 7 : index
    %swap3A_206 = arith.constant 0 : index
    %swap3A_207 = vector.load %arg11[%swap3A_203, %swap3A_204, %swap3A_205, %swap3A_206] : memref<1x32x128x256xf32, #tpu.memory_space<vmem>>, vector<1x32x1x256xf32>
    %swap3A_208 = vector.shape_cast %swap3A_207 : vector<1x32x1x256xf32> to vector<32x256xf32>
    %swap3A_209 = vector.shape_cast %add3A_202 : vector<32x256xf32> to vector<1x32x1x256xf32>
    tpu.vector_store %arg11[%swap3A_203, %swap3A_204, %swap3A_205, %swap3A_206], %swap3A_209 {strides = array<i32>} : memref<1x32x128x256xf32, #tpu.memory_space<vmem>>, vector<1x32x1x256xf32>,
    %slice3A_210 = vector.extract_strided_slice %convert_element_type3A_14 {offsets = [256, 0], sizes = [32, 256], strides = [1, 1]} : vector<4096x256xf32> to vector<32x256xf32>
    %slice3A_211 = vector.extract_strided_slice %transpose3A {offsets = [0, 256], sizes = [32, 32], strides = [1, 1]} : vector<32x4096xf32> to vector<32x32xf32>
    %dot_general3A_212 = arith.constant dense<0.000000e+00> : vector<32x256xf32>
    %dot_general3A_213 = tpu.matmul %slice3A_211, %slice3A_210, %dot_general3A_212 {dimension_numbers = #tpu.dot_dimension_numbers<[1], [0], [0], [1], [0, 0, 1, 1], [], []>, transpose_lhs_hint = false} : vector<32x32xf32>, vector<32x256xf32>, vector<32x256xf32> -> vector<32x256xf32>
    %slice3A_214 = vector.extract_strided_slice %transpose3A_91 {offsets = [0, 256], sizes = [32, 32], strides = [1, 1]} : vector<32x4096xf32> to vector<32x32xf32>
    %dot_general3A_215 = arith.constant dense<0.000000e+00> : vector<32x256xf32>
    %dot_general3A_216 = tpu.matmul %slice3A_214, %slice3A_210, %dot_general3A_215 {dimension_numbers = #tpu.dot_dimension_numbers<[1], [0], [0], [1], [0, 0, 1, 1], [], []>, transpose_lhs_hint = false} : vector<32x32xf32>, vector<32x256xf32>, vector<32x256xf32> -> vector<32x256xf32>
    %add3A_217 = arith.addf %dot_general3A_213, %dot_general3A_216 : vector<32x256xf32>
    %swap3A_218 = arith.constant 0 : index
    %swap3A_219 = arith.constant 0 : index
    %swap3A_220 = arith.constant 8 : index
    %swap3A_221 = arith.constant 0 : index
    %swap3A_222 = vector.load %arg11[%swap3A_218, %swap3A_219, %swap3A_220, %swap3A_221] : memref<1x32x128x256xf32, #tpu.memory_space<vmem>>, vector<1x32x1x256xf32>
    %swap3A_223 = vector.shape_cast %swap3A_222 : vector<1x32x1x256xf32> to vector<32x256xf32>
    %swap3A_224 = vector.shape_cast %add3A_217 : vector<32x256xf32> to vector<1x32x1x256xf32>
    tpu.vector_store %arg11[%swap3A_218, %swap3A_219, %swap3A_220, %swap3A_221], %swap3A_224 {strides = array<i32>} : memref<1x32x128x256xf32, #tpu.memory_space<vmem>>, vector<1x32x1x256xf32>,
    %slice3A_225 = vector.extract_strided_slice %convert_element_type3A_14 {offsets = [288, 0], sizes = [32, 256], strides = [1, 1]} : vector<4096x256xf32> to vector<32x256xf32>
    %slice3A_226 = vector.extract_strided_slice %transpose3A {offsets = [0, 288], sizes = [32, 32], strides = [1, 1]} : vector<32x4096xf32> to vector<32x32xf32>
    %dot_general3A_227 = arith.constant dense<0.000000e+00> : vector<32x256xf32>
    %dot_general3A_228 = tpu.matmul %slice3A_226, %slice3A_225, %dot_general3A_227 {dimension_numbers = #tpu.dot_dimension_numbers<[1], [0], [0], [1], [0, 0, 1, 1], [], []>, transpose_lhs_hint = false} : vector<32x32xf32>, vector<32x256xf32>, vector<32x256xf32> -> vector<32x256xf32>
    %slice3A_229 = vector.extract_strided_slice %transpose3A_91 {offsets = [0, 288], sizes = [32, 32], strides = [1, 1]} : vector<32x4096xf32> to vector<32x32xf32>
    %dot_general3A_230 = arith.constant dense<0.000000e+00> : vector<32x256xf32>
    %dot_general3A_231 = tpu.matmul %slice3A_229, %slice3A_225, %dot_general3A_230 {dimension_numbers = #tpu.dot_dimension_numbers<[1], [0], [0], [1], [0, 0, 1, 1], [], []>, transpose_lhs_hint = false} : vector<32x32xf32>, vector<32x256xf32>, vector<32x256xf32> -> vector<32x256xf32>
    %add3A_232 = arith.addf %dot_general3A_228, %dot_general3A_231 : vector<32x256xf32>
    %swap3A_233 = arith.constant 0 : index
    %swap3A_234 = arith.constant 0 : index
    %swap3A_235 = arith.constant 9 : index
    %swap3A_236 = arith.constant 0 : index
    %swap3A_237 = vector.load %arg11[%swap3A_233, %swap3A_234, %swap3A_235, %swap3A_236] : memref<1x32x128x256xf32, #tpu.memory_space<vmem>>, vector<1x32x1x256xf32>
    %swap3A_238 = vector.shape_cast %swap3A_237 : vector<1x32x1x256xf32> to vector<32x256xf32>
    %swap3A_239 = vector.shape_cast %add3A_232 : vector<32x256xf32> to vector<1x32x1x256xf32>
    tpu.vector_store %arg11[%swap3A_233, %swap3A_234, %swap3A_235, %swap3A_236], %swap3A_239 {strides = array<i32>} : memref<1x32x128x256xf32, #tpu.memory_space<vmem>>, vector<1x32x1x256xf32>,
    %slice3A_240 = vector.extract_strided_slice %convert_element_type3A_14 {offsets = [320, 0], sizes = [32, 256], strides = [1, 1]} : vector<4096x256xf32> to vector<32x256xf32>
    %slice3A_241 = vector.extract_strided_slice %transpose3A {offsets = [0, 320], sizes = [32, 32], strides = [1, 1]} : vector<32x4096xf32> to vector<32x32xf32>
    %dot_general3A_242 = arith.constant dense<0.000000e+00> : vector<32x256xf32>
    %dot_general3A_243 = tpu.matmul %slice3A_241, %slice3A_240, %dot_general3A_242 {dimension_numbers = #tpu.dot_dimension_numbers<[1], [0], [0], [1], [0, 0, 1, 1], [], []>, transpose_lhs_hint = false} : vector<32x32xf32>, vector<32x256xf32>, vector<32x256xf32> -> vector<32x256xf32>
    %slice3A_244 = vector.extract_strided_slice %transpose3A_91 {offsets = [0, 320], sizes = [32, 32], strides = [1, 1]} : vector<32x4096xf32> to vector<32x32xf32>
    %dot_general3A_245 = arith.constant dense<0.000000e+00> : vector<32x256xf32>
    %dot_general3A_246 = tpu.matmul %slice3A_244, %slice3A_240, %dot_general3A_245 {dimension_numbers = #tpu.dot_dimension_numbers<[1], [0], [0], [1], [0, 0, 1, 1], [], []>, transpose_lhs_hint = false} : vector<32x32xf32>, vector<32x256xf32>, vector<32x256xf32> -> vector<32x256xf32>
    %add3A_247 = arith.addf %dot_general3A_243, %dot_general3A_246 : vector<32x256xf32>
    %swap3A_248 = arith.constant 0 : index
    %swap3A_249 = arith.constant 0 : index
    %swap3A_250 = arith.constant 10 : index
    %swap3A_251 = arith.constant 0 : index
    %swap3A_252 = vector.load %arg11[%swap3A_248, %swap3A_249, %swap3A_250, %swap3A_251] : memref<1x32x128x256xf32, #tpu.memory_space<vmem>>, vector<1x32x1x256xf32>
    %swap3A_253 = vector.shape_cast %swap3A_252 : vector<1x32x1x256xf32> to vector<32x256xf32>
    %swap3A_254 = vector.shape_cast %add3A_247 : vector<32x256xf32> to vector<1x32x1x256xf32>
    tpu.vector_store %arg11[%swap3A_248, %swap3A_249, %swap3A_250, %swap3A_251], %swap3A_254 {strides = array<i32>} : memref<1x32x128x256xf32, #tpu.memory_space<vmem>>, vector<1x32x1x256xf32>,
    %slice3A_255 = vector.extract_strided_slice %convert_element_type3A_14 {offsets = [352, 0], sizes = [32, 256], strides = [1, 1]} : vector<4096x256xf32> to vector<32x256xf32>
    %slice3A_256 = vector.extract_strided_slice %transpose3A {offsets = [0, 352], sizes = [32, 32], strides = [1, 1]} : vector<32x4096xf32> to vector<32x32xf32>
    %dot_general3A_257 = arith.constant dense<0.000000e+00> : vector<32x256xf32>
    %dot_general3A_258 = tpu.matmul %slice3A_256, %slice3A_255, %dot_general3A_257 {dimension_numbers = #tpu.dot_dimension_numbers<[1], [0], [0], [1], [0, 0, 1, 1], [], []>, transpose_lhs_hint = false} : vector<32x32xf32>, vector<32x256xf32>, vector<32x256xf32> -> vector<32x256xf32>
    %slice3A_259 = vector.extract_strided_slice %transpose3A_91 {offsets = [0, 352], sizes = [32, 32], strides = [1, 1]} : vector<32x4096xf32> to vector<32x32xf32>
    %dot_general3A_260 = arith.constant dense<0.000000e+00> : vector<32x256xf32>
    %dot_general3A_261 = tpu.matmul %slice3A_259, %slice3A_255, %dot_general3A_260 {dimension_numbers = #tpu.dot_dimension_numbers<[1], [0], [0], [1], [0, 0, 1, 1], [], []>, transpose_lhs_hint = false} : vector<32x32xf32>, vector<32x256xf32>, vector<32x256xf32> -> vector<32x256xf32>
    %add3A_262 = arith.addf %dot_general3A_258, %dot_general3A_261 : vector<32x256xf32>
    %swap3A_263 = arith.constant 0 : index
    %swap3A_264 = arith.constant 0 : index
    %swap3A_265 = arith.constant 11 : index
    %swap3A_266 = arith.constant 0 : index
    %swap3A_267 = vector.load %arg11[%swap3A_263, %swap3A_264, %swap3A_265, %swap3A_266] : memref<1x32x128x256xf32, #tpu.memory_space<vmem>>, vector<1x32x1x256xf32>
    %swap3A_268 = vector.shape_cast %swap3A_267 : vector<1x32x1x256xf32> to vector<32x256xf32>
    %swap3A_269 = vector.shape_cast %add3A_262 : vector<32x256xf32> to vector<1x32x1x256xf32>
    tpu.vector_store %arg11[%swap3A_263, %swap3A_264, %swap3A_265, %swap3A_266], %swap3A_269 {strides = array<i32>} : memref<1x32x128x256xf32, #tpu.memory_space<vmem>>, vector<1x32x1x256xf32>,
    %slice3A_270 = vector.extract_strided_slice %convert_element_type3A_14 {offsets = [384, 0], sizes = [32, 256], strides = [1, 1]} : vector<4096x256xf32> to vector<32x256xf32>
    %slice3A_271 = vector.extract_strided_slice %transpose3A {offsets = [0, 384], sizes = [32, 32], strides = [1, 1]} : vector<32x4096xf32> to vector<32x32xf32>
    %dot_general3A_272 = arith.constant dense<0.000000e+00> : vector<32x256xf32>
    %dot_general3A_273 = tpu.matmul %slice3A_271, %slice3A_270, %dot_general3A_272 {dimension_numbers = #tpu.dot_dimension_numbers<[1], [0], [0], [1], [0, 0, 1, 1], [], []>, transpose_lhs_hint = false} : vector<32x32xf32>, vector<32x256xf32>, vector<32x256xf32> -> vector<32x256xf32>
    %slice3A_274 = vector.extract_strided_slice %transpose3A_91 {offsets = [0, 384], sizes = [32, 32], strides = [1, 1]} : vector<32x4096xf32> to vector<32x32xf32>
    %dot_general3A_275 = arith.constant dense<0.000000e+00> : vector<32x256xf32>
    %dot_general3A_276 = tpu.matmul %slice3A_274, %slice3A_270, %dot_general3A_275 {dimension_numbers = #tpu.dot_dimension_numbers<[1], [0], [0], [1], [0, 0, 1, 1], [], []>, transpose_lhs_hint = false} : vector<32x32xf32>, vector<32x256xf32>, vector<32x256xf32> -> vector<32x256xf32>
    %add3A_277 = arith.addf %dot_general3A_273, %dot_general3A_276 : vector<32x256xf32>
    %swap3A_278 = arith.constant 0 : index
    %swap3A_279 = arith.constant 0 : index
    %swap3A_280 = arith.constant 12 : index
    %swap3A_281 = arith.constant 0 : index
    %swap3A_282 = vector.load %arg11[%swap3A_278, %swap3A_279, %swap3A_280, %swap3A_281] : memref<1x32x128x256xf32, #tpu.memory_space<vmem>>, vector<1x32x1x256xf32>
    %swap3A_283 = vector.shape_cast %swap3A_282 : vector<1x32x1x256xf32> to vector<32x256xf32>
    %swap3A_284 = vector.shape_cast %add3A_277 : vector<32x256xf32> to vector<1x32x1x256xf32>
    tpu.vector_store %arg11[%swap3A_278, %swap3A_279, %swap3A_280, %swap3A_281], %swap3A_284 {strides = array<i32>} : memref<1x32x128x256xf32, #tpu.memory_space<vmem>>, vector<1x32x1x256xf32>,
    %slice3A_285 = vector.extract_strided_slice %convert_element_type3A_14 {offsets = [416, 0], sizes = [32, 256], strides = [1, 1]} : vector<4096x256xf32> to vector<32x256xf32>
    %slice3A_286 = vector.extract_strided_slice %transpose3A {offsets = [0, 416], sizes = [32, 32], strides = [1, 1]} : vector<32x4096xf32> to vector<32x32xf32>
    %dot_general3A_287 = arith.constant dense<0.000000e+00> : vector<32x256xf32>
    %dot_general3A_288 = tpu.matmul %slice3A_286, %slice3A_285, %dot_general3A_287 {dimension_numbers = #tpu.dot_dimension_numbers<[1], [0], [0], [1], [0, 0, 1, 1], [], []>, transpose_lhs_hint = false} : vector<32x32xf32>, vector<32x256xf32>, vector<32x256xf32> -> vector<32x256xf32>
    %slice3A_289 = vector.extract_strided_slice %transpose3A_91 {offsets = [0, 416], sizes = [32, 32], strides = [1, 1]} : vector<32x4096xf32> to vector<32x32xf32>
    %dot_general3A_290 = arith.constant dense<0.000000e+00> : vector<32x256xf32>
    %dot_general3A_291 = tpu.matmul %slice3A_289, %slice3A_285, %dot_general3A_290 {dimension_numbers = #tpu.dot_dimension_numbers<[1], [0], [0], [1], [0, 0, 1, 1], [], []>, transpose_lhs_hint = false} : vector<32x32xf32>, vector<32x256xf32>, vector<32x256xf32> -> vector<32x256xf32>
    %add3A_292 = arith.addf %dot_general3A_288, %dot_general3A_291 : vector<32x256xf32>
    %swap3A_293 = arith.constant 0 : index
    %swap3A_294 = arith.constant 0 : index
    %swap3A_295 = arith.constant 13 : index
    %swap3A_296 = arith.constant 0 : index
    %swap3A_297 = vector.load %arg11[%swap3A_293, %swap3A_294, %swap3A_295, %swap3A_296] : memref<1x32x128x256xf32, #tpu.memory_space<vmem>>, vector<1x32x1x256xf32>
    %swap3A_298 = vector.shape_cast %swap3A_297 : vector<1x32x1x256xf32> to vector<32x256xf32>
    %swap3A_299 = vector.shape_cast %add3A_292 : vector<32x256xf32> to vector<1x32x1x256xf32>
    tpu.vector_store %arg11[%swap3A_293, %swap3A_294, %swap3A_295, %swap3A_296], %swap3A_299 {strides = array<i32>} : memref<1x32x128x256xf32, #tpu.memory_space<vmem>>, vector<1x32x1x256xf32>,
    %slice3A_300 = vector.extract_strided_slice %convert_element_type3A_14 {offsets = [448, 0], sizes = [32, 256], strides = [1, 1]} : vector<4096x256xf32> to vector<32x256xf32>
    %slice3A_301 = vector.extract_strided_slice %transpose3A {offsets = [0, 448], sizes = [32, 32], strides = [1, 1]} : vector<32x4096xf32> to vector<32x32xf32>
    %dot_general3A_302 = arith.constant dense<0.000000e+00> : vector<32x256xf32>
    %dot_general3A_303 = tpu.matmul %slice3A_301, %slice3A_300, %dot_general3A_302 {dimension_numbers = #tpu.dot_dimension_numbers<[1], [0], [0], [1], [0, 0, 1, 1], [], []>, transpose_lhs_hint = false} : vector<32x32xf32>, vector<32x256xf32>, vector<32x256xf32> -> vector<32x256xf32>
    %slice3A_304 = vector.extract_strided_slice %transpose3A_91 {offsets = [0, 448], sizes = [32, 32], strides = [1, 1]} : vector<32x4096xf32> to vector<32x32xf32>
    %dot_general3A_305 = arith.constant dense<0.000000e+00> : vector<32x256xf32>
    %dot_general3A_306 = tpu.matmul %slice3A_304, %slice3A_300, %dot_general3A_305 {dimension_numbers = #tpu.dot_dimension_numbers<[1], [0], [0], [1], [0, 0, 1, 1], [], []>, transpose_lhs_hint = false} : vector<32x32xf32>, vector<32x256xf32>, vector<32x256xf32> -> vector<32x256xf32>
    %add3A_307 = arith.addf %dot_general3A_303, %dot_general3A_306 : vector<32x256xf32>
    %swap3A_308 = arith.constant 0 : index
    %swap3A_309 = arith.constant 0 : index
    %swap3A_310 = arith.constant 14 : index
    %swap3A_311 = arith.constant 0 : index
    %swap3A_312 = vector.load %arg11[%swap3A_308, %swap3A_309, %swap3A_310, %swap3A_311] : memref<1x32x128x256xf32, #tpu.memory_space<vmem>>, vector<1x32x1x256xf32>
    %swap3A_313 = vector.shape_cast %swap3A_312 : vector<1x32x1x256xf32> to vector<32x256xf32>
    %swap3A_314 = vector.shape_cast %add3A_307 : vector<32x256xf32> to vector<1x32x1x256xf32>
    tpu.vector_store %arg11[%swap3A_308, %swap3A_309, %swap3A_310, %swap3A_311], %swap3A_314 {strides = array<i32>} : memref<1x32x128x256xf32, #tpu.memory_space<vmem>>, vector<1x32x1x256xf32>,
    %slice3A_315 = vector.extract_strided_slice %convert_element_type3A_14 {offsets = [480, 0], sizes = [32, 256], strides = [1, 1]} : vector<4096x256xf32> to vector<32x256xf32>
    %slice3A_316 = vector.extract_strided_slice %transpose3A {offsets = [0, 480], sizes = [32, 32], strides = [1, 1]} : vector<32x4096xf32> to vector<32x32xf32>
    %dot_general3A_317 = arith.constant dense<0.000000e+00> : vector<32x256xf32>
    %dot_general3A_318 = tpu.matmul %slice3A_316, %slice3A_315, %dot_general3A_317 {dimension_numbers = #tpu.dot_dimension_numbers<[1], [0], [0], [1], [0, 0, 1, 1], [], []>, transpose_lhs_hint = false} : vector<32x32xf32>, vector<32x256xf32>, vector<32x256xf32> -> vector<32x256xf32>
    %slice3A_319 = vector.extract_strided_slice %transpose3A_91 {offsets = [0, 480], sizes = [32, 32], strides = [1, 1]} : vector<32x4096xf32> to vector<32x32xf32>
    %dot_general3A_320 = arith.constant dense<0.000000e+00> : vector<32x256xf32>
    %dot_general3A_321 = tpu.matmul %slice3A_319, %slice3A_315, %dot_general3A_320 {dimension_numbers = #tpu.dot_dimension_numbers<[1], [0], [0], [1], [0, 0, 1, 1], [], []>, transpose_lhs_hint = false} : vector<32x32xf32>, vector<32x256xf32>, vector<32x256xf32> -> vector<32x256xf32>
    %add3A_322 = arith.addf %dot_general3A_318, %dot_general3A_321 : vector<32x256xf32>
    %swap3A_323 = arith.constant 0 : index
    %swap3A_324 = arith.constant 0 : index
    %swap3A_325 = arith.constant 15 : index
    %swap3A_326 = arith.constant 0 : index
    %swap3A_327 = vector.load %arg11[%swap3A_323, %swap3A_324, %swap3A_325, %swap3A_326] : memref<1x32x128x256xf32, #tpu.memory_space<vmem>>, vector<1x32x1x256xf32>
    %swap3A_328 = vector.shape_cast %swap3A_327 : vector<1x32x1x256xf32> to vector<32x256xf32>
    %swap3A_329 = vector.shape_cast %add3A_322 : vector<32x256xf32> to vector<1x32x1x256xf32>
    tpu.vector_store %arg11[%swap3A_323, %swap3A_324, %swap3A_325, %swap3A_326], %swap3A_329 {strides = array<i32>} : memref<1x32x128x256xf32, #tpu.memory_space<vmem>>, vector<1x32x1x256xf32>,
    %slice3A_330 = vector.extract_strided_slice %convert_element_type3A_14 {offsets = [512, 0], sizes = [32, 256], strides = [1, 1]} : vector<4096x256xf32> to vector<32x256xf32>
    %slice3A_331 = vector.extract_strided_slice %transpose3A {offsets = [0, 512], sizes = [32, 32], strides = [1, 1]} : vector<32x4096xf32> to vector<32x32xf32>
    %dot_general3A_332 = arith.constant dense<0.000000e+00> : vector<32x256xf32>
    %dot_general3A_333 = tpu.matmul %slice3A_331, %slice3A_330, %dot_general3A_332 {dimension_numbers = #tpu.dot_dimension_numbers<[1], [0], [0], [1], [0, 0, 1, 1], [], []>, transpose_lhs_hint = false} : vector<32x32xf32>, vector<32x256xf32>, vector<32x256xf32> -> vector<32x256xf32>
    %slice3A_334 = vector.extract_strided_slice %transpose3A_91 {offsets = [0, 512], sizes = [32, 32], strides = [1, 1]} : vector<32x4096xf32> to vector<32x32xf32>
    %dot_general3A_335 = arith.constant dense<0.000000e+00> : vector<32x256xf32>
    %dot_general3A_336 = tpu.matmul %slice3A_334, %slice3A_330, %dot_general3A_335 {dimension_numbers = #tpu.dot_dimension_numbers<[1], [0], [0], [1], [0, 0, 1, 1], [], []>, transpose_lhs_hint = false} : vector<32x32xf32>, vector<32x256xf32>, vector<32x256xf32> -> vector<32x256xf32>
    %add3A_337 = arith.addf %dot_general3A_333, %dot_general3A_336 : vector<32x256xf32>
    %swap3A_338 = arith.constant 0 : index
    %swap3A_339 = arith.constant 0 : index
    %swap3A_340 = arith.constant 16 : index
    %swap3A_341 = arith.constant 0 : index
    %swap3A_342 = vector.load %arg11[%swap3A_338, %swap3A_339, %swap3A_340, %swap3A_341] : memref<1x32x128x256xf32, #tpu.memory_space<vmem>>, vector<1x32x1x256xf32>
    %swap3A_343 = vector.shape_cast %swap3A_342 : vector<1x32x1x256xf32> to vector<32x256xf32>
    %swap3A_344 = vector.shape_cast %add3A_337 : vector<32x256xf32> to vector<1x32x1x256xf32>
    tpu.vector_store %arg11[%swap3A_338, %swap3A_339, %swap3A_340, %swap3A_341], %swap3A_344 {strides = array<i32>} : memref<1x32x128x256xf32, #tpu.memory_space<vmem>>, vector<1x32x1x256xf32>,
    %slice3A_345 = vector.extract_strided_slice %convert_element_type3A_14 {offsets = [544, 0], sizes = [32, 256], strides = [1, 1]} : vector<4096x256xf32> to vector<32x256xf32>
    %slice3A_346 = vector.extract_strided_slice %transpose3A {offsets = [0, 544], sizes = [32, 32], strides = [1, 1]} : vector<32x4096xf32> to vector<32x32xf32>
    %dot_general3A_347 = arith.constant dense<0.000000e+00> : vector<32x256xf32>
    %dot_general3A_348 = tpu.matmul %slice3A_346, %slice3A_345, %dot_general3A_347 {dimension_numbers = #tpu.dot_dimension_numbers<[1], [0], [0], [1], [0, 0, 1, 1], [], []>, transpose_lhs_hint = false} : vector<32x32xf32>, vector<32x256xf32>, vector<32x256xf32> -> vector<32x256xf32>
    %slice3A_349 = vector.extract_strided_slice %transpose3A_91 {offsets = [0, 544], sizes = [32, 32], strides = [1, 1]} : vector<32x4096xf32> to vector<32x32xf32>
    %dot_general3A_350 = arith.constant dense<0.000000e+00> : vector<32x256xf32>
    %dot_general3A_351 = tpu.matmul %slice3A_349, %slice3A_345, %dot_general3A_350 {dimension_numbers = #tpu.dot_dimension_numbers<[1], [0], [0], [1], [0, 0, 1, 1], [], []>, transpose_lhs_hint = false} : vector<32x32xf32>, vector<32x256xf32>, vector<32x256xf32> -> vector<32x256xf32>
    %add3A_352 = arith.addf %dot_general3A_348, %dot_general3A_351 : vector<32x256xf32>
    %swap3A_353 = arith.constant 0 : index
    %swap3A_354 = arith.constant 0 : index
    %swap3A_355 = arith.constant 17 : index
    %swap3A_356 = arith.constant 0 : index
    %swap3A_357 = vector.load %arg11[%swap3A_353, %swap3A_354, %swap3A_355, %swap3A_356] : memref<1x32x128x256xf32, #tpu.memory_space<vmem>>, vector<1x32x1x256xf32>
    %swap3A_358 = vector.shape_cast %swap3A_357 : vector<1x32x1x256xf32> to vector<32x256xf32>
    %swap3A_359 = vector.shape_cast %add3A_352 : vector<32x256xf32> to vector<1x32x1x256xf32>
    tpu.vector_store %arg11[%swap3A_353, %swap3A_354, %swap3A_355, %swap3A_356], %swap3A_359 {strides = array<i32>} : memref<1x32x128x256xf32, #tpu.memory_space<vmem>>, vector<1x32x1x256xf32>,
    %slice3A_360 = vector.extract_strided_slice %convert_element_type3A_14 {offsets = [576, 0], sizes = [32, 256], strides = [1, 1]} : vector<4096x256xf32> to vector<32x256xf32>
    %slice3A_361 = vector.extract_strided_slice %transpose3A {offsets = [0, 576], sizes = [32, 32], strides = [1, 1]} : vector<32x4096xf32> to vector<32x32xf32>
    %dot_general3A_362 = arith.constant dense<0.000000e+00> : vector<32x256xf32>
    %dot_general3A_363 = tpu.matmul %slice3A_361, %slice3A_360, %dot_general3A_362 {dimension_numbers = #tpu.dot_dimension_numbers<[1], [0], [0], [1], [0, 0, 1, 1], [], []>, transpose_lhs_hint = false} : vector<32x32xf32>, vector<32x256xf32>, vector<32x256xf32> -> vector<32x256xf32>
    %slice3A_364 = vector.extract_strided_slice %transpose3A_91 {offsets = [0, 576], sizes = [32, 32], strides = [1, 1]} : vector<32x4096xf32> to vector<32x32xf32>
    %dot_general3A_365 = arith.constant dense<0.000000e+00> : vector<32x256xf32>
    %dot_general3A_366 = tpu.matmul %slice3A_364, %slice3A_360, %dot_general3A_365 {dimension_numbers = #tpu.dot_dimension_numbers<[1], [0], [0], [1], [0, 0, 1, 1], [], []>, transpose_lhs_hint = false} : vector<32x32xf32>, vector<32x256xf32>, vector<32x256xf32> -> vector<32x256xf32>
    %add3A_367 = arith.addf %dot_general3A_363, %dot_general3A_366 : vector<32x256xf32>
    %swap3A_368 = arith.constant 0 : index
    %swap3A_369 = arith.constant 0 : index
    %swap3A_370 = arith.constant 18 : index
    %swap3A_371 = arith.constant 0 : index
    %swap3A_372 = vector.load %arg11[%swap3A_368, %swap3A_369, %swap3A_370, %swap3A_371] : memref<1x32x128x256xf32, #tpu.memory_space<vmem>>, vector<1x32x1x256xf32>
    %swap3A_373 = vector.shape_cast %swap3A_372 : vector<1x32x1x256xf32> to vector<32x256xf32>
    %swap3A_374 = vector.shape_cast %add3A_367 : vector<32x256xf32> to vector<1x32x1x256xf32>
    tpu.vector_store %arg11[%swap3A_368, %swap3A_369, %swap3A_370, %swap3A_371], %swap3A_374 {strides = array<i32>} : memref<1x32x128x256xf32, #tpu.memory_space<vmem>>, vector<1x32x1x256xf32>,
    %slice3A_375 = vector.extract_strided_slice %convert_element_type3A_14 {offsets = [608, 0], sizes = [32, 256], strides = [1, 1]} : vector<4096x256xf32> to vector<32x256xf32>
    %slice3A_376 = vector.extract_strided_slice %transpose3A {offsets = [0, 608], sizes = [32, 32], strides = [1, 1]} : vector<32x4096xf32> to vector<32x32xf32>
    %dot_general3A_377 = arith.constant dense<0.000000e+00> : vector<32x256xf32>
    %dot_general3A_378 = tpu.matmul %slice3A_376, %slice3A_375, %dot_general3A_377 {dimension_numbers = #tpu.dot_dimension_numbers<[1], [0], [0], [1], [0, 0, 1, 1], [], []>, transpose_lhs_hint = false} : vector<32x32xf32>, vector<32x256xf32>, vector<32x256xf32> -> vector<32x256xf32>
    %slice3A_379 = vector.extract_strided_slice %transpose3A_91 {offsets = [0, 608], sizes = [32, 32], strides = [1, 1]} : vector<32x4096xf32> to vector<32x32xf32>
    %dot_general3A_380 = arith.constant dense<0.000000e+00> : vector<32x256xf32>
    %dot_general3A_381 = tpu.matmul %slice3A_379, %slice3A_375, %dot_general3A_380 {dimension_numbers = #tpu.dot_dimension_numbers<[1], [0], [0], [1], [0, 0, 1, 1], [], []>, transpose_lhs_hint = false} : vector<32x32xf32>, vector<32x256xf32>, vector<32x256xf32> -> vector<32x256xf32>
    %add3A_382 = arith.addf %dot_general3A_378, %dot_general3A_381 : vector<32x256xf32>
    %swap3A_383 = arith.constant 0 : index
    %swap3A_384 = arith.constant 0 : index
    %swap3A_385 = arith.constant 19 : index
    %swap3A_386 = arith.constant 0 : index
    %swap3A_387 = vector.load %arg11[%swap3A_383, %swap3A_384, %swap3A_385, %swap3A_386] : memref<1x32x128x256xf32, #tpu.memory_space<vmem>>, vector<1x32x1x256xf32>
    %swap3A_388 = vector.shape_cast %swap3A_387 : vector<1x32x1x256xf32> to vector<32x256xf32>
    %swap3A_389 = vector.shape_cast %add3A_382 : vector<32x256xf32> to vector<1x32x1x256xf32>
    tpu.vector_store %arg11[%swap3A_383, %swap3A_384, %swap3A_385, %swap3A_386], %swap3A_389 {strides = array<i32>} : memref<1x32x128x256xf32, #tpu.memory_space<vmem>>, vector<1x32x1x256xf32>,
    %slice3A_390 = vector.extract_strided_slice %convert_element_type3A_14 {offsets = [640, 0], sizes = [32, 256], strides = [1, 1]} : vector<4096x256xf32> to vector<32x256xf32>
    %slice3A_391 = vector.extract_strided_slice %transpose3A {offsets = [0, 640], sizes = [32, 32], strides = [1, 1]} : vector<32x4096xf32> to vector<32x32xf32>
    %dot_general3A_392 = arith.constant dense<0.000000e+00> : vector<32x256xf32>
    %dot_general3A_393 = tpu.matmul %slice3A_391, %slice3A_390, %dot_general3A_392 {dimension_numbers = #tpu.dot_dimension_numbers<[1], [0], [0], [1], [0, 0, 1, 1], [], []>, transpose_lhs_hint = false} : vector<32x32xf32>, vector<32x256xf32>, vector<32x256xf32> -> vector<32x256xf32>
    %slice3A_394 = vector.extract_strided_slice %transpose3A_91 {offsets = [0, 640], sizes = [32, 32], strides = [1, 1]} : vector<32x4096xf32> to vector<32x32xf32>
    %dot_general3A_395 = arith.constant dense<0.000000e+00> : vector<32x256xf32>
    %dot_general3A_396 = tpu.matmul %slice3A_394, %slice3A_390, %dot_general3A_395 {dimension_numbers = #tpu.dot_dimension_numbers<[1], [0], [0], [1], [0, 0, 1, 1], [], []>, transpose_lhs_hint = false} : vector<32x32xf32>, vector<32x256xf32>, vector<32x256xf32> -> vector<32x256xf32>
    %add3A_397 = arith.addf %dot_general3A_393, %dot_general3A_396 : vector<32x256xf32>
    %swap3A_398 = arith.constant 0 : index
    %swap3A_399 = arith.constant 0 : index
    %swap3A_400 = arith.constant 20 : index
    %swap3A_401 = arith.constant 0 : index
    %swap3A_402 = vector.load %arg11[%swap3A_398, %swap3A_399, %swap3A_400, %swap3A_401] : memref<1x32x128x256xf32, #tpu.memory_space<vmem>>, vector<1x32x1x256xf32>
    %swap3A_403 = vector.shape_cast %swap3A_402 : vector<1x32x1x256xf32> to vector<32x256xf32>
    %swap3A_404 = vector.shape_cast %add3A_397 : vector<32x256xf32> to vector<1x32x1x256xf32>
    tpu.vector_store %arg11[%swap3A_398, %swap3A_399, %swap3A_400, %swap3A_401], %swap3A_404 {strides = array<i32>} : memref<1x32x128x256xf32, #tpu.memory_space<vmem>>, vector<1x32x1x256xf32>,
    %slice3A_405 = vector.extract_strided_slice %convert_element_type3A_14 {offsets = [672, 0], sizes = [32, 256], strides = [1, 1]} : vector<4096x256xf32> to vector<32x256xf32>
    %slice3A_406 = vector.extract_strided_slice %transpose3A {offsets = [0, 672], sizes = [32, 32], strides = [1, 1]} : vector<32x4096xf32> to vector<32x32xf32>
    %dot_general3A_407 = arith.constant dense<0.000000e+00> : vector<32x256xf32>
    %dot_general3A_408 = tpu.matmul %slice3A_406, %slice3A_405, %dot_general3A_407 {dimension_numbers = #tpu.dot_dimension_numbers<[1], [0], [0], [1], [0, 0, 1, 1], [], []>, transpose_lhs_hint = false} : vector<32x32xf32>, vector<32x256xf32>, vector<32x256xf32> -> vector<32x256xf32>
    %slice3A_409 = vector.extract_strided_slice %transpose3A_91 {offsets = [0, 672], sizes = [32, 32], strides = [1, 1]} : vector<32x4096xf32> to vector<32x32xf32>
    %dot_general3A_410 = arith.constant dense<0.000000e+00> : vector<32x256xf32>
    %dot_general3A_411 = tpu.matmul %slice3A_409, %slice3A_405, %dot_general3A_410 {dimension_numbers = #tpu.dot_dimension_numbers<[1], [0], [0], [1], [0, 0, 1, 1], [], []>, transpose_lhs_hint = false} : vector<32x32xf32>, vector<32x256xf32>, vector<32x256xf32> -> vector<32x256xf32>
    %add3A_412 = arith.addf %dot_general3A_408, %dot_general3A_411 : vector<32x256xf32>
    %swap3A_413 = arith.constant 0 : index
    %swap3A_414 = arith.constant 0 : index
    %swap3A_415 = arith.constant 21 : index
    %swap3A_416 = arith.constant 0 : index
    %swap3A_417 = vector.load %arg11[%swap3A_413, %swap3A_414, %swap3A_415, %swap3A_416] : memref<1x32x128x256xf32, #tpu.memory_space<vmem>>, vector<1x32x1x256xf32>
    %swap3A_418 = vector.shape_cast %swap3A_417 : vector<1x32x1x256xf32> to vector<32x256xf32>
    %swap3A_419 = vector.shape_cast %add3A_412 : vector<32x256xf32> to vector<1x32x1x256xf32>
    tpu.vector_store %arg11[%swap3A_413, %swap3A_414, %swap3A_415, %swap3A_416], %swap3A_419 {strides = array<i32>} : memref<1x32x128x256xf32, #tpu.memory_space<vmem>>, vector<1x32x1x256xf32>,
    %slice3A_420 = vector.extract_strided_slice %convert_element_type3A_14 {offsets = [704, 0], sizes = [32, 256], strides = [1, 1]} : vector<4096x256xf32> to vector<32x256xf32>
    %slice3A_421 = vector.extract_strided_slice %transpose3A {offsets = [0, 704], sizes = [32, 32], strides = [1, 1]} : vector<32x4096xf32> to vector<32x32xf32>
    %dot_general3A_422 = arith.constant dense<0.000000e+00> : vector<32x256xf32>
    %dot_general3A_423 = tpu.matmul %slice3A_421, %slice3A_420, %dot_general3A_422 {dimension_numbers = #tpu.dot_dimension_numbers<[1], [0], [0], [1], [0, 0, 1, 1], [], []>, transpose_lhs_hint = false} : vector<32x32xf32>, vector<32x256xf32>, vector<32x256xf32> -> vector<32x256xf32>
    %slice3A_424 = vector.extract_strided_slice %transpose3A_91 {offsets = [0, 704], sizes = [32, 32], strides = [1, 1]} : vector<32x4096xf32> to vector<32x32xf32>
    %dot_general3A_425 = arith.constant dense<0.000000e+00> : vector<32x256xf32>
    %dot_general3A_426 = tpu.matmul %slice3A_424, %slice3A_420, %dot_general3A_425 {dimension_numbers = #tpu.dot_dimension_numbers<[1], [0], [0], [1], [0, 0, 1, 1], [], []>, transpose_lhs_hint = false} : vector<32x32xf32>, vector<32x256xf32>, vector<32x256xf32> -> vector<32x256xf32>
    %add3A_427 = arith.addf %dot_general3A_423, %dot_general3A_426 : vector<32x256xf32>
    %swap3A_428 = arith.constant 0 : index
    %swap3A_429 = arith.constant 0 : index
    %swap3A_430 = arith.constant 22 : index
    %swap3A_431 = arith.constant 0 : index
    %swap3A_432 = vector.load %arg11[%swap3A_428, %swap3A_429, %swap3A_430, %swap3A_431] : memref<1x32x128x256xf32, #tpu.memory_space<vmem>>, vector<1x32x1x256xf32>
    %swap3A_433 = vector.shape_cast %swap3A_432 : vector<1x32x1x256xf32> to vector<32x256xf32>
    %swap3A_434 = vector.shape_cast %add3A_427 : vector<32x256xf32> to vector<1x32x1x256xf32>
    tpu.vector_store %arg11[%swap3A_428, %swap3A_429, %swap3A_430, %swap3A_431], %swap3A_434 {strides = array<i32>} : memref<1x32x128x256xf32, #tpu.memory_space<vmem>>, vector<1x32x1x256xf32>,
    %slice3A_435 = vector.extract_strided_slice %convert_element_type3A_14 {offsets = [736, 0], sizes = [32, 256], strides = [1, 1]} : vector<4096x256xf32> to vector<32x256xf32>
    %slice3A_436 = vector.extract_strided_slice %transpose3A {offsets = [0, 736], sizes = [32, 32], strides = [1, 1]} : vector<32x4096xf32> to vector<32x32xf32>
    %dot_general3A_437 = arith.constant dense<0.000000e+00> : vector<32x256xf32>
    %dot_general3A_438 = tpu.matmul %slice3A_436, %slice3A_435, %dot_general3A_437 {dimension_numbers = #tpu.dot_dimension_numbers<[1], [0], [0], [1], [0, 0, 1, 1], [], []>, transpose_lhs_hint = false} : vector<32x32xf32>, vector<32x256xf32>, vector<32x256xf32> -> vector<32x256xf32>
    %slice3A_439 = vector.extract_strided_slice %transpose3A_91 {offsets = [0, 736], sizes = [32, 32], strides = [1, 1]} : vector<32x4096xf32> to vector<32x32xf32>
    %dot_general3A_440 = arith.constant dense<0.000000e+00> : vector<32x256xf32>
    %dot_general3A_441 = tpu.matmul %slice3A_439, %slice3A_435, %dot_general3A_440 {dimension_numbers = #tpu.dot_dimension_numbers<[1], [0], [0], [1], [0, 0, 1, 1], [], []>, transpose_lhs_hint = false} : vector<32x32xf32>, vector<32x256xf32>, vector<32x256xf32> -> vector<32x256xf32>
    %add3A_442 = arith.addf %dot_general3A_438, %dot_general3A_441 : vector<32x256xf32>
    %swap3A_443 = arith.constant 0 : index
    %swap3A_444 = arith.constant 0 : index
    %swap3A_445 = arith.constant 23 : index
    %swap3A_446 = arith.constant 0 : index
    %swap3A_447 = vector.load %arg11[%swap3A_443, %swap3A_444, %swap3A_445, %swap3A_446] : memref<1x32x128x256xf32, #tpu.memory_space<vmem>>, vector<1x32x1x256xf32>
    %swap3A_448 = vector.shape_cast %swap3A_447 : vector<1x32x1x256xf32> to vector<32x256xf32>
    %swap3A_449 = vector.shape_cast %add3A_442 : vector<32x256xf32> to vector<1x32x1x256xf32>
    tpu.vector_store %arg11[%swap3A_443, %swap3A_444, %swap3A_445, %swap3A_446], %swap3A_449 {strides = array<i32>} : memref<1x32x128x256xf32, #tpu.memory_space<vmem>>, vector<1x32x1x256xf32>,
    %slice3A_450 = vector.extract_strided_slice %convert_element_type3A_14 {offsets = [768, 0], sizes = [32, 256], strides = [1, 1]} : vector<4096x256xf32> to vector<32x256xf32>
    %slice3A_451 = vector.extract_strided_slice %transpose3A {offsets = [0, 768], sizes = [32, 32], strides = [1, 1]} : vector<32x4096xf32> to vector<32x32xf32>
    %dot_general3A_452 = arith.constant dense<0.000000e+00> : vector<32x256xf32>
    %dot_general3A_453 = tpu.matmul %slice3A_451, %slice3A_450, %dot_general3A_452 {dimension_numbers = #tpu.dot_dimension_numbers<[1], [0], [0], [1], [0, 0, 1, 1], [], []>, transpose_lhs_hint = false} : vector<32x32xf32>, vector<32x256xf32>, vector<32x256xf32> -> vector<32x256xf32>
    %slice3A_454 = vector.extract_strided_slice %transpose3A_91 {offsets = [0, 768], sizes = [32, 32], strides = [1, 1]} : vector<32x4096xf32> to vector<32x32xf32>
    %dot_general3A_455 = arith.constant dense<0.000000e+00> : vector<32x256xf32>
    %dot_general3A_456 = tpu.matmul %slice3A_454, %slice3A_450, %dot_general3A_455 {dimension_numbers = #tpu.dot_dimension_numbers<[1], [0], [0], [1], [0, 0, 1, 1], [], []>, transpose_lhs_hint = false} : vector<32x32xf32>, vector<32x256xf32>, vector<32x256xf32> -> vector<32x256xf32>
    %add3A_457 = arith.addf %dot_general3A_453, %dot_general3A_456 : vector<32x256xf32>
    %swap3A_458 = arith.constant 0 : index
    %swap3A_459 = arith.constant 0 : index
    %swap3A_460 = arith.constant 24 : index
    %swap3A_461 = arith.constant 0 : index
    %swap3A_462 = vector.load %arg11[%swap3A_458, %swap3A_459, %swap3A_460, %swap3A_461] : memref<1x32x128x256xf32, #tpu.memory_space<vmem>>, vector<1x32x1x256xf32>
    %swap3A_463 = vector.shape_cast %swap3A_462 : vector<1x32x1x256xf32> to vector<32x256xf32>
    %swap3A_464 = vector.shape_cast %add3A_457 : vector<32x256xf32> to vector<1x32x1x256xf32>
    tpu.vector_store %arg11[%swap3A_458, %swap3A_459, %swap3A_460, %swap3A_461], %swap3A_464 {strides = array<i32>} : memref<1x32x128x256xf32, #tpu.memory_space<vmem>>, vector<1x32x1x256xf32>,
    %slice3A_465 = vector.extract_strided_slice %convert_element_type3A_14 {offsets = [800, 0], sizes = [32, 256], strides = [1, 1]} : vector<4096x256xf32> to vector<32x256xf32>
    %slice3A_466 = vector.extract_strided_slice %transpose3A {offsets = [0, 800], sizes = [32, 32], strides = [1, 1]} : vector<32x4096xf32> to vector<32x32xf32>
    %dot_general3A_467 = arith.constant dense<0.000000e+00> : vector<32x256xf32>
    %dot_general3A_468 = tpu.matmul %slice3A_466, %slice3A_465, %dot_general3A_467 {dimension_numbers = #tpu.dot_dimension_numbers<[1], [0], [0], [1], [0, 0, 1, 1], [], []>, transpose_lhs_hint = false} : vector<32x32xf32>, vector<32x256xf32>, vector<32x256xf32> -> vector<32x256xf32>
    %slice3A_469 = vector.extract_strided_slice %transpose3A_91 {offsets = [0, 800], sizes = [32, 32], strides = [1, 1]} : vector<32x4096xf32> to vector<32x32xf32>
    %dot_general3A_470 = arith.constant dense<0.000000e+00> : vector<32x256xf32>
    %dot_general3A_471 = tpu.matmul %slice3A_469, %slice3A_465, %dot_general3A_470 {dimension_numbers = #tpu.dot_dimension_numbers<[1], [0], [0], [1], [0, 0, 1, 1], [], []>, transpose_lhs_hint = false} : vector<32x32xf32>, vector<32x256xf32>, vector<32x256xf32> -> vector<32x256xf32>
    %add3A_472 = arith.addf %dot_general3A_468, %dot_general3A_471 : vector<32x256xf32>
    %swap3A_473 = arith.constant 0 : index
    %swap3A_474 = arith.constant 0 : index
    %swap3A_475 = arith.constant 25 : index
    %swap3A_476 = arith.constant 0 : index
    %swap3A_477 = vector.load %arg11[%swap3A_473, %swap3A_474, %swap3A_475, %swap3A_476] : memref<1x32x128x256xf32, #tpu.memory_space<vmem>>, vector<1x32x1x256xf32>
    %swap3A_478 = vector.shape_cast %swap3A_477 : vector<1x32x1x256xf32> to vector<32x256xf32>
    %swap3A_479 = vector.shape_cast %add3A_472 : vector<32x256xf32> to vector<1x32x1x256xf32>
    tpu.vector_store %arg11[%swap3A_473, %swap3A_474, %swap3A_475, %swap3A_476], %swap3A_479 {strides = array<i32>} : memref<1x32x128x256xf32, #tpu.memory_space<vmem>>, vector<1x32x1x256xf32>,
    %slice3A_480 = vector.extract_strided_slice %convert_element_type3A_14 {offsets = [832, 0], sizes = [32, 256], strides = [1, 1]} : vector<4096x256xf32> to vector<32x256xf32>
    %slice3A_481 = vector.extract_strided_slice %transpose3A {offsets = [0, 832], sizes = [32, 32], strides = [1, 1]} : vector<32x4096xf32> to vector<32x32xf32>
    %dot_general3A_482 = arith.constant dense<0.000000e+00> : vector<32x256xf32>
    %dot_general3A_483 = tpu.matmul %slice3A_481, %slice3A_480, %dot_general3A_482 {dimension_numbers = #tpu.dot_dimension_numbers<[1], [0], [0], [1], [0, 0, 1, 1], [], []>, transpose_lhs_hint = false} : vector<32x32xf32>, vector<32x256xf32>, vector<32x256xf32> -> vector<32x256xf32>
    %slice3A_484 = vector.extract_strided_slice %transpose3A_91 {offsets = [0, 832], sizes = [32, 32], strides = [1, 1]} : vector<32x4096xf32> to vector<32x32xf32>
    %dot_general3A_485 = arith.constant dense<0.000000e+00> : vector<32x256xf32>
    %dot_general3A_486 = tpu.matmul %slice3A_484, %slice3A_480, %dot_general3A_485 {dimension_numbers = #tpu.dot_dimension_numbers<[1], [0], [0], [1], [0, 0, 1, 1], [], []>, transpose_lhs_hint = false} : vector<32x32xf32>, vector<32x256xf32>, vector<32x256xf32> -> vector<32x256xf32>
    %add3A_487 = arith.addf %dot_general3A_483, %dot_general3A_486 : vector<32x256xf32>
    %swap3A_488 = arith.constant 0 : index
    %swap3A_489 = arith.constant 0 : index
    %swap3A_490 = arith.constant 26 : index
    %swap3A_491 = arith.constant 0 : index
    %swap3A_492 = vector.load %arg11[%swap3A_488, %swap3A_489, %swap3A_490, %swap3A_491] : memref<1x32x128x256xf32, #tpu.memory_space<vmem>>, vector<1x32x1x256xf32>
    %swap3A_493 = vector.shape_cast %swap3A_492 : vector<1x32x1x256xf32> to vector<32x256xf32>
    %swap3A_494 = vector.shape_cast %add3A_487 : vector<32x256xf32> to vector<1x32x1x256xf32>
    tpu.vector_store %arg11[%swap3A_488, %swap3A_489, %swap3A_490, %swap3A_491], %swap3A_494 {strides = array<i32>} : memref<1x32x128x256xf32, #tpu.memory_space<vmem>>, vector<1x32x1x256xf32>,
    %slice3A_495 = vector.extract_strided_slice %convert_element_type3A_14 {offsets = [864, 0], sizes = [32, 256], strides = [1, 1]} : vector<4096x256xf32> to vector<32x256xf32>
    %slice3A_496 = vector.extract_strided_slice %transpose3A {offsets = [0, 864], sizes = [32, 32], strides = [1, 1]} : vector<32x4096xf32> to vector<32x32xf32>
    %dot_general3A_497 = arith.constant dense<0.000000e+00> : vector<32x256xf32>
    %dot_general3A_498 = tpu.matmul %slice3A_496, %slice3A_495, %dot_general3A_497 {dimension_numbers = #tpu.dot_dimension_numbers<[1], [0], [0], [1], [0, 0, 1, 1], [], []>, transpose_lhs_hint = false} : vector<32x32xf32>, vector<32x256xf32>, vector<32x256xf32> -> vector<32x256xf32>
    %slice3A_499 = vector.extract_strided_slice %transpose3A_91 {offsets = [0, 864], sizes = [32, 32], strides = [1, 1]} : vector<32x4096xf32> to vector<32x32xf32>
    %dot_general3A_500 = arith.constant dense<0.000000e+00> : vector<32x256xf32>
    %dot_general3A_501 = tpu.matmul %slice3A_499, %slice3A_495, %dot_general3A_500 {dimension_numbers = #tpu.dot_dimension_numbers<[1], [0], [0], [1], [0, 0, 1, 1], [], []>, transpose_lhs_hint = false} : vector<32x32xf32>, vector<32x256xf32>, vector<32x256xf32> -> vector<32x256xf32>
    %add3A_502 = arith.addf %dot_general3A_498, %dot_general3A_501 : vector<32x256xf32>
    %swap3A_503 = arith.constant 0 : index
    %swap3A_504 = arith.constant 0 : index
    %swap3A_505 = arith.constant 27 : index
    %swap3A_506 = arith.constant 0 : index
    %swap3A_507 = vector.load %arg11[%swap3A_503, %swap3A_504, %swap3A_505, %swap3A_506] : memref<1x32x128x256xf32, #tpu.memory_space<vmem>>, vector<1x32x1x256xf32>
    %swap3A_508 = vector.shape_cast %swap3A_507 : vector<1x32x1x256xf32> to vector<32x256xf32>
    %swap3A_509 = vector.shape_cast %add3A_502 : vector<32x256xf32> to vector<1x32x1x256xf32>
    tpu.vector_store %arg11[%swap3A_503, %swap3A_504, %swap3A_505, %swap3A_506], %swap3A_509 {strides = array<i32>} : memref<1x32x128x256xf32, #tpu.memory_space<vmem>>, vector<1x32x1x256xf32>,
    %slice3A_510 = vector.extract_strided_slice %convert_element_type3A_14 {offsets = [896, 0], sizes = [32, 256], strides = [1, 1]} : vector<4096x256xf32> to vector<32x256xf32>
    %slice3A_511 = vector.extract_strided_slice %transpose3A {offsets = [0, 896], sizes = [32, 32], strides = [1, 1]} : vector<32x4096xf32> to vector<32x32xf32>
    %dot_general3A_512 = arith.constant dense<0.000000e+00> : vector<32x256xf32>
    %dot_general3A_513 = tpu.matmul %slice3A_511, %slice3A_510, %dot_general3A_512 {dimension_numbers = #tpu.dot_dimension_numbers<[1], [0], [0], [1], [0, 0, 1, 1], [], []>, transpose_lhs_hint = false} : vector<32x32xf32>, vector<32x256xf32>, vector<32x256xf32> -> vector<32x256xf32>
    %slice3A_514 = vector.extract_strided_slice %transpose3A_91 {offsets = [0, 896], sizes = [32, 32], strides = [1, 1]} : vector<32x4096xf32> to vector<32x32xf32>
    %dot_general3A_515 = arith.constant dense<0.000000e+00> : vector<32x256xf32>
    %dot_general3A_516 = tpu.matmul %slice3A_514, %slice3A_510, %dot_general3A_515 {dimension_numbers = #tpu.dot_dimension_numbers<[1], [0], [0], [1], [0, 0, 1, 1], [], []>, transpose_lhs_hint = false} : vector<32x32xf32>, vector<32x256xf32>, vector<32x256xf32> -> vector<32x256xf32>
    %add3A_517 = arith.addf %dot_general3A_513, %dot_general3A_516 : vector<32x256xf32>
    %swap3A_518 = arith.constant 0 : index
    %swap3A_519 = arith.constant 0 : index
    %swap3A_520 = arith.constant 28 : index
    %swap3A_521 = arith.constant 0 : index
    %swap3A_522 = vector.load %arg11[%swap3A_518, %swap3A_519, %swap3A_520, %swap3A_521] : memref<1x32x128x256xf32, #tpu.memory_space<vmem>>, vector<1x32x1x256xf32>
    %swap3A_523 = vector.shape_cast %swap3A_522 : vector<1x32x1x256xf32> to vector<32x256xf32>
    %swap3A_524 = vector.shape_cast %add3A_517 : vector<32x256xf32> to vector<1x32x1x256xf32>
    tpu.vector_store %arg11[%swap3A_518, %swap3A_519, %swap3A_520, %swap3A_521], %swap3A_524 {strides = array<i32>} : memref<1x32x128x256xf32, #tpu.memory_space<vmem>>, vector<1x32x1x256xf32>,
    %slice3A_525 = vector.extract_strided_slice %convert_element_type3A_14 {offsets = [928, 0], sizes = [32, 256], strides = [1, 1]} : vector<4096x256xf32> to vector<32x256xf32>
    %slice3A_526 = vector.extract_strided_slice %transpose3A {offsets = [0, 928], sizes = [32, 32], strides = [1, 1]} : vector<32x4096xf32> to vector<32x32xf32>
    %dot_general3A_527 = arith.constant dense<0.000000e+00> : vector<32x256xf32>
    %dot_general3A_528 = tpu.matmul %slice3A_526, %slice3A_525, %dot_general3A_527 {dimension_numbers = #tpu.dot_dimension_numbers<[1], [0], [0], [1], [0, 0, 1, 1], [], []>, transpose_lhs_hint = false} : vector<32x32xf32>, vector<32x256xf32>, vector<32x256xf32> -> vector<32x256xf32>
    %slice3A_529 = vector.extract_strided_slice %transpose3A_91 {offsets = [0, 928], sizes = [32, 32], strides = [1, 1]} : vector<32x4096xf32> to vector<32x32xf32>
    %dot_general3A_530 = arith.constant dense<0.000000e+00> : vector<32x256xf32>
    %dot_general3A_531 = tpu.matmul %slice3A_529, %slice3A_525, %dot_general3A_530 {dimension_numbers = #tpu.dot_dimension_numbers<[1], [0], [0], [1], [0, 0, 1, 1], [], []>, transpose_lhs_hint = false} : vector<32x32xf32>, vector<32x256xf32>, vector<32x256xf32> -> vector<32x256xf32>
    %add3A_532 = arith.addf %dot_general3A_528, %dot_general3A_531 : vector<32x256xf32>
    %swap3A_533 = arith.constant 0 : index
    %swap3A_534 = arith.constant 0 : index
    %swap3A_535 = arith.constant 29 : index
    %swap3A_536 = arith.constant 0 : index
    %swap3A_537 = vector.load %arg11[%swap3A_533, %swap3A_534, %swap3A_535, %swap3A_536] : memref<1x32x128x256xf32, #tpu.memory_space<vmem>>, vector<1x32x1x256xf32>
    %swap3A_538 = vector.shape_cast %swap3A_537 : vector<1x32x1x256xf32> to vector<32x256xf32>
    %swap3A_539 = vector.shape_cast %add3A_532 : vector<32x256xf32> to vector<1x32x1x256xf32>
    tpu.vector_store %arg11[%swap3A_533, %swap3A_534, %swap3A_535, %swap3A_536], %swap3A_539 {strides = array<i32>} : memref<1x32x128x256xf32, #tpu.memory_space<vmem>>, vector<1x32x1x256xf32>,
    %slice3A_540 = vector.extract_strided_slice %convert_element_type3A_14 {offsets = [960, 0], sizes = [32, 256], strides = [1, 1]} : vector<4096x256xf32> to vector<32x256xf32>
    %slice3A_541 = vector.extract_strided_slice %transpose3A {offsets = [0, 960], sizes = [32, 32], strides = [1, 1]} : vector<32x4096xf32> to vector<32x32xf32>
    %dot_general3A_542 = arith.constant dense<0.000000e+00> : vector<32x256xf32>
    %dot_general3A_543 = tpu.matmul %slice3A_541, %slice3A_540, %dot_general3A_542 {dimension_numbers = #tpu.dot_dimension_numbers<[1], [0], [0], [1], [0, 0, 1, 1], [], []>, transpose_lhs_hint = false} : vector<32x32xf32>, vector<32x256xf32>, vector<32x256xf32> -> vector<32x256xf32>
    %slice3A_544 = vector.extract_strided_slice %transpose3A_91 {offsets = [0, 960], sizes = [32, 32], strides = [1, 1]} : vector<32x4096xf32> to vector<32x32xf32>
    %dot_general3A_545 = arith.constant dense<0.000000e+00> : vector<32x256xf32>
    %dot_general3A_546 = tpu.matmul %slice3A_544, %slice3A_540, %dot_general3A_545 {dimension_numbers = #tpu.dot_dimension_numbers<[1], [0], [0], [1], [0, 0, 1, 1], [], []>, transpose_lhs_hint = false} : vector<32x32xf32>, vector<32x256xf32>, vector<32x256xf32> -> vector<32x256xf32>
    %add3A_547 = arith.addf %dot_general3A_543, %dot_general3A_546 : vector<32x256xf32>
    %swap3A_548 = arith.constant 0 : index
    %swap3A_549 = arith.constant 0 : index
    %swap3A_550 = arith.constant 30 : index
    %swap3A_551 = arith.constant 0 : index
    %swap3A_552 = vector.load %arg11[%swap3A_548, %swap3A_549, %swap3A_550, %swap3A_551] : memref<1x32x128x256xf32, #tpu.memory_space<vmem>>, vector<1x32x1x256xf32>
    %swap3A_553 = vector.shape_cast %swap3A_552 : vector<1x32x1x256xf32> to vector<32x256xf32>
    %swap3A_554 = vector.shape_cast %add3A_547 : vector<32x256xf32> to vector<1x32x1x256xf32>
    tpu.vector_store %arg11[%swap3A_548, %swap3A_549, %swap3A_550, %swap3A_551], %swap3A_554 {strides = array<i32>} : memref<1x32x128x256xf32, #tpu.memory_space<vmem>>, vector<1x32x1x256xf32>,
    %slice3A_555 = vector.extract_strided_slice %convert_element_type3A_14 {offsets = [992, 0], sizes = [32, 256], strides = [1, 1]} : vector<4096x256xf32> to vector<32x256xf32>
    %slice3A_556 = vector.extract_strided_slice %transpose3A {offsets = [0, 992], sizes = [32, 32], strides = [1, 1]} : vector<32x4096xf32> to vector<32x32xf32>
    %dot_general3A_557 = arith.constant dense<0.000000e+00> : vector<32x256xf32>
    %dot_general3A_558 = tpu.matmul %slice3A_556, %slice3A_555, %dot_general3A_557 {dimension_numbers = #tpu.dot_dimension_numbers<[1], [0], [0], [1], [0, 0, 1, 1], [], []>, transpose_lhs_hint = false} : vector<32x32xf32>, vector<32x256xf32>, vector<32x256xf32> -> vector<32x256xf32>
    %slice3A_559 = vector.extract_strided_slice %transpose3A_91 {offsets = [0, 992], sizes = [32, 32], strides = [1, 1]} : vector<32x4096xf32> to vector<32x32xf32>
    %dot_general3A_560 = arith.constant dense<0.000000e+00> : vector<32x256xf32>
    %dot_general3A_561 = tpu.matmul %slice3A_559, %slice3A_555, %dot_general3A_560 {dimension_numbers = #tpu.dot_dimension_numbers<[1], [0], [0], [1], [0, 0, 1, 1], [], []>, transpose_lhs_hint = false} : vector<32x32xf32>, vector<32x256xf32>, vector<32x256xf32> -> vector<32x256xf32>
    %add3A_562 = arith.addf %dot_general3A_558, %dot_general3A_561 : vector<32x256xf32>
    %swap3A_563 = arith.constant 0 : index
    %swap3A_564 = arith.constant 0 : index
    %swap3A_565 = arith.constant 31 : index
    %swap3A_566 = arith.constant 0 : index
    %swap3A_567 = vector.load %arg11[%swap3A_563, %swap3A_564, %swap3A_565, %swap3A_566] : memref<1x32x128x256xf32, #tpu.memory_space<vmem>>, vector<1x32x1x256xf32>
    %swap3A_568 = vector.shape_cast %swap3A_567 : vector<1x32x1x256xf32> to vector<32x256xf32>
    %swap3A_569 = vector.shape_cast %add3A_562 : vector<32x256xf32> to vector<1x32x1x256xf32>
    tpu.vector_store %arg11[%swap3A_563, %swap3A_564, %swap3A_565, %swap3A_566], %swap3A_569 {strides = array<i32>} : memref<1x32x128x256xf32, #tpu.memory_space<vmem>>, vector<1x32x1x256xf32>,
    %slice3A_570 = vector.extract_strided_slice %convert_element_type3A_14 {offsets = [1024, 0], sizes = [32, 256], strides = [1, 1]} : vector<4096x256xf32> to vector<32x256xf32>
    %slice3A_571 = vector.extract_strided_slice %transpose3A {offsets = [0, 1024], sizes = [32, 32], strides = [1, 1]} : vector<32x4096xf32> to vector<32x32xf32>
    %dot_general3A_572 = arith.constant dense<0.000000e+00> : vector<32x256xf32>
    %dot_general3A_573 = tpu.matmul %slice3A_571, %slice3A_570, %dot_general3A_572 {dimension_numbers = #tpu.dot_dimension_numbers<[1], [0], [0], [1], [0, 0, 1, 1], [], []>, transpose_lhs_hint = false} : vector<32x32xf32>, vector<32x256xf32>, vector<32x256xf32> -> vector<32x256xf32>
    %slice3A_574 = vector.extract_strided_slice %transpose3A_91 {offsets = [0, 1024], sizes = [32, 32], strides = [1, 1]} : vector<32x4096xf32> to vector<32x32xf32>
    %dot_general3A_575 = arith.constant dense<0.000000e+00> : vector<32x256xf32>
    %dot_general3A_576 = tpu.matmul %slice3A_574, %slice3A_570, %dot_general3A_575 {dimension_numbers = #tpu.dot_dimension_numbers<[1], [0], [0], [1], [0, 0, 1, 1], [], []>, transpose_lhs_hint = false} : vector<32x32xf32>, vector<32x256xf32>, vector<32x256xf32> -> vector<32x256xf32>
    %add3A_577 = arith.addf %dot_general3A_573, %dot_general3A_576 : vector<32x256xf32>
    %swap3A_578 = arith.constant 0 : index
    %swap3A_579 = arith.constant 0 : index
    %swap3A_580 = arith.constant 32 : index
    %swap3A_581 = arith.constant 0 : index
    %swap3A_582 = vector.load %arg11[%swap3A_578, %swap3A_579, %swap3A_580, %swap3A_581] : memref<1x32x128x256xf32, #tpu.memory_space<vmem>>, vector<1x32x1x256xf32>
    %swap3A_583 = vector.shape_cast %swap3A_582 : vector<1x32x1x256xf32> to vector<32x256xf32>
    %swap3A_584 = vector.shape_cast %add3A_577 : vector<32x256xf32> to vector<1x32x1x256xf32>
    tpu.vector_store %arg11[%swap3A_578, %swap3A_579, %swap3A_580, %swap3A_581], %swap3A_584 {strides = array<i32>} : memref<1x32x128x256xf32, #tpu.memory_space<vmem>>, vector<1x32x1x256xf32>,
    %slice3A_585 = vector.extract_strided_slice %convert_element_type3A_14 {offsets = [1056, 0], sizes = [32, 256], strides = [1, 1]} : vector<4096x256xf32> to vector<32x256xf32>
    %slice3A_586 = vector.extract_strided_slice %transpose3A {offsets = [0, 1056], sizes = [32, 32], strides = [1, 1]} : vector<32x4096xf32> to vector<32x32xf32>
    %dot_general3A_587 = arith.constant dense<0.000000e+00> : vector<32x256xf32>
    %dot_general3A_588 = tpu.matmul %slice3A_586, %slice3A_585, %dot_general3A_587 {dimension_numbers = #tpu.dot_dimension_numbers<[1], [0], [0], [1], [0, 0, 1, 1], [], []>, transpose_lhs_hint = false} : vector<32x32xf32>, vector<32x256xf32>, vector<32x256xf32> -> vector<32x256xf32>
    %slice3A_589 = vector.extract_strided_slice %transpose3A_91 {offsets = [0, 1056], sizes = [32, 32], strides = [1, 1]} : vector<32x4096xf32> to vector<32x32xf32>
    %dot_general3A_590 = arith.constant dense<0.000000e+00> : vector<32x256xf32>
    %dot_general3A_591 = tpu.matmul %slice3A_589, %slice3A_585, %dot_general3A_590 {dimension_numbers = #tpu.dot_dimension_numbers<[1], [0], [0], [1], [0, 0, 1, 1], [], []>, transpose_lhs_hint = false} : vector<32x32xf32>, vector<32x256xf32>, vector<32x256xf32> -> vector<32x256xf32>
    %add3A_592 = arith.addf %dot_general3A_588, %dot_general3A_591 : vector<32x256xf32>
    %swap3A_593 = arith.constant 0 : index
    %swap3A_594 = arith.constant 0 : index
    %swap3A_595 = arith.constant 33 : index
    %swap3A_596 = arith.constant 0 : index
    %swap3A_597 = vector.load %arg11[%swap3A_593, %swap3A_594, %swap3A_595, %swap3A_596] : memref<1x32x128x256xf32, #tpu.memory_space<vmem>>, vector<1x32x1x256xf32>
    %swap3A_598 = vector.shape_cast %swap3A_597 : vector<1x32x1x256xf32> to vector<32x256xf32>
    %swap3A_599 = vector.shape_cast %add3A_592 : vector<32x256xf32> to vector<1x32x1x256xf32>
    tpu.vector_store %arg11[%swap3A_593, %swap3A_594, %swap3A_595, %swap3A_596], %swap3A_599 {strides = array<i32>} : memref<1x32x128x256xf32, #tpu.memory_space<vmem>>, vector<1x32x1x256xf32>,
    %slice3A_600 = vector.extract_strided_slice %convert_element_type3A_14 {offsets = [1088, 0], sizes = [32, 256], strides = [1, 1]} : vector<4096x256xf32> to vector<32x256xf32>
    %slice3A_601 = vector.extract_strided_slice %transpose3A {offsets = [0, 1088], sizes = [32, 32], strides = [1, 1]} : vector<32x4096xf32> to vector<32x32xf32>
    %dot_general3A_602 = arith.constant dense<0.000000e+00> : vector<32x256xf32>
    %dot_general3A_603 = tpu.matmul %slice3A_601, %slice3A_600, %dot_general3A_602 {dimension_numbers = #tpu.dot_dimension_numbers<[1], [0], [0], [1], [0, 0, 1, 1], [], []>, transpose_lhs_hint = false} : vector<32x32xf32>, vector<32x256xf32>, vector<32x256xf32> -> vector<32x256xf32>
    %slice3A_604 = vector.extract_strided_slice %transpose3A_91 {offsets = [0, 1088], sizes = [32, 32], strides = [1, 1]} : vector<32x4096xf32> to vector<32x32xf32>
    %dot_general3A_605 = arith.constant dense<0.000000e+00> : vector<32x256xf32>
    %dot_general3A_606 = tpu.matmul %slice3A_604, %slice3A_600, %dot_general3A_605 {dimension_numbers = #tpu.dot_dimension_numbers<[1], [0], [0], [1], [0, 0, 1, 1], [], []>, transpose_lhs_hint = false} : vector<32x32xf32>, vector<32x256xf32>, vector<32x256xf32> -> vector<32x256xf32>
    %add3A_607 = arith.addf %dot_general3A_603, %dot_general3A_606 : vector<32x256xf32>
    %swap3A_608 = arith.constant 0 : index
    %swap3A_609 = arith.constant 0 : index
    %swap3A_610 = arith.constant 34 : index
    %swap3A_611 = arith.constant 0 : index
    %swap3A_612 = vector.load %arg11[%swap3A_608, %swap3A_609, %swap3A_610, %swap3A_611] : memref<1x32x128x256xf32, #tpu.memory_space<vmem>>, vector<1x32x1x256xf32>
    %swap3A_613 = vector.shape_cast %swap3A_612 : vector<1x32x1x256xf32> to vector<32x256xf32>
    %swap3A_614 = vector.shape_cast %add3A_607 : vector<32x256xf32> to vector<1x32x1x256xf32>
    tpu.vector_store %arg11[%swap3A_608, %swap3A_609, %swap3A_610, %swap3A_611], %swap3A_614 {strides = array<i32>} : memref<1x32x128x256xf32, #tpu.memory_space<vmem>>, vector<1x32x1x256xf32>,
    %slice3A_615 = vector.extract_strided_slice %convert_element_type3A_14 {offsets = [1120, 0], sizes = [32, 256], strides = [1, 1]} : vector<4096x256xf32> to vector<32x256xf32>
    %slice3A_616 = vector.extract_strided_slice %transpose3A {offsets = [0, 1120], sizes = [32, 32], strides = [1, 1]} : vector<32x4096xf32> to vector<32x32xf32>
    %dot_general3A_617 = arith.constant dense<0.000000e+00> : vector<32x256xf32>
    %dot_general3A_618 = tpu.matmul %slice3A_616, %slice3A_615, %dot_general3A_617 {dimension_numbers = #tpu.dot_dimension_numbers<[1], [0], [0], [1], [0, 0, 1, 1], [], []>, transpose_lhs_hint = false} : vector<32x32xf32>, vector<32x256xf32>, vector<32x256xf32> -> vector<32x256xf32>
    %slice3A_619 = vector.extract_strided_slice %transpose3A_91 {offsets = [0, 1120], sizes = [32, 32], strides = [1, 1]} : vector<32x4096xf32> to vector<32x32xf32>
    %dot_general3A_620 = arith.constant dense<0.000000e+00> : vector<32x256xf32>
    %dot_general3A_621 = tpu.matmul %slice3A_619, %slice3A_615, %dot_general3A_620 {dimension_numbers = #tpu.dot_dimension_numbers<[1], [0], [0], [1], [0, 0, 1, 1], [], []>, transpose_lhs_hint = false} : vector<32x32xf32>, vector<32x256xf32>, vector<32x256xf32> -> vector<32x256xf32>
    %add3A_622 = arith.addf %dot_general3A_618, %dot_general3A_621 : vector<32x256xf32>
    %swap3A_623 = arith.constant 0 : index
    %swap3A_624 = arith.constant 0 : index
    %swap3A_625 = arith.constant 35 : index
    %swap3A_626 = arith.constant 0 : index
    %swap3A_627 = vector.load %arg11[%swap3A_623, %swap3A_624, %swap3A_625, %swap3A_626] : memref<1x32x128x256xf32, #tpu.memory_space<vmem>>, vector<1x32x1x256xf32>
    %swap3A_628 = vector.shape_cast %swap3A_627 : vector<1x32x1x256xf32> to vector<32x256xf32>
    %swap3A_629 = vector.shape_cast %add3A_622 : vector<32x256xf32> to vector<1x32x1x256xf32>
    tpu.vector_store %arg11[%swap3A_623, %swap3A_624, %swap3A_625, %swap3A_626], %swap3A_629 {strides = array<i32>} : memref<1x32x128x256xf32, #tpu.memory_space<vmem>>, vector<1x32x1x256xf32>,
    %slice3A_630 = vector.extract_strided_slice %convert_element_type3A_14 {offsets = [1152, 0], sizes = [32, 256], strides = [1, 1]} : vector<4096x256xf32> to vector<32x256xf32>
    %slice3A_631 = vector.extract_strided_slice %transpose3A {offsets = [0, 1152], sizes = [32, 32], strides = [1, 1]} : vector<32x4096xf32> to vector<32x32xf32>
    %dot_general3A_632 = arith.constant dense<0.000000e+00> : vector<32x256xf32>
    %dot_general3A_633 = tpu.matmul %slice3A_631, %slice3A_630, %dot_general3A_632 {dimension_numbers = #tpu.dot_dimension_numbers<[1], [0], [0], [1], [0, 0, 1, 1], [], []>, transpose_lhs_hint = false} : vector<32x32xf32>, vector<32x256xf32>, vector<32x256xf32> -> vector<32x256xf32>
    %slice3A_634 = vector.extract_strided_slice %transpose3A_91 {offsets = [0, 1152], sizes = [32, 32], strides = [1, 1]} : vector<32x4096xf32> to vector<32x32xf32>
    %dot_general3A_635 = arith.constant dense<0.000000e+00> : vector<32x256xf32>
    %dot_general3A_636 = tpu.matmul %slice3A_634, %slice3A_630, %dot_general3A_635 {dimension_numbers = #tpu.dot_dimension_numbers<[1], [0], [0], [1], [0, 0, 1, 1], [], []>, transpose_lhs_hint = false} : vector<32x32xf32>, vector<32x256xf32>, vector<32x256xf32> -> vector<32x256xf32>
    %add3A_637 = arith.addf %dot_general3A_633, %dot_general3A_636 : vector<32x256xf32>
    %swap3A_638 = arith.constant 0 : index
    %swap3A_639 = arith.constant 0 : index
    %swap3A_640 = arith.constant 36 : index
    %swap3A_641 = arith.constant 0 : index
    %swap3A_642 = vector.load %arg11[%swap3A_638, %swap3A_639, %swap3A_640, %swap3A_641] : memref<1x32x128x256xf32, #tpu.memory_space<vmem>>, vector<1x32x1x256xf32>
    %swap3A_643 = vector.shape_cast %swap3A_642 : vector<1x32x1x256xf32> to vector<32x256xf32>
    %swap3A_644 = vector.shape_cast %add3A_637 : vector<32x256xf32> to vector<1x32x1x256xf32>
    tpu.vector_store %arg11[%swap3A_638, %swap3A_639, %swap3A_640, %swap3A_641], %swap3A_644 {strides = array<i32>} : memref<1x32x128x256xf32, #tpu.memory_space<vmem>>, vector<1x32x1x256xf32>,
    %slice3A_645 = vector.extract_strided_slice %convert_element_type3A_14 {offsets = [1184, 0], sizes = [32, 256], strides = [1, 1]} : vector<4096x256xf32> to vector<32x256xf32>
    %slice3A_646 = vector.extract_strided_slice %transpose3A {offsets = [0, 1184], sizes = [32, 32], strides = [1, 1]} : vector<32x4096xf32> to vector<32x32xf32>
    %dot_general3A_647 = arith.constant dense<0.000000e+00> : vector<32x256xf32>
    %dot_general3A_648 = tpu.matmul %slice3A_646, %slice3A_645, %dot_general3A_647 {dimension_numbers = #tpu.dot_dimension_numbers<[1], [0], [0], [1], [0, 0, 1, 1], [], []>, transpose_lhs_hint = false} : vector<32x32xf32>, vector<32x256xf32>, vector<32x256xf32> -> vector<32x256xf32>
    %slice3A_649 = vector.extract_strided_slice %transpose3A_91 {offsets = [0, 1184], sizes = [32, 32], strides = [1, 1]} : vector<32x4096xf32> to vector<32x32xf32>
    %dot_general3A_650 = arith.constant dense<0.000000e+00> : vector<32x256xf32>
    %dot_general3A_651 = tpu.matmul %slice3A_649, %slice3A_645, %dot_general3A_650 {dimension_numbers = #tpu.dot_dimension_numbers<[1], [0], [0], [1], [0, 0, 1, 1], [], []>, transpose_lhs_hint = false} : vector<32x32xf32>, vector<32x256xf32>, vector<32x256xf32> -> vector<32x256xf32>
    %add3A_652 = arith.addf %dot_general3A_648, %dot_general3A_651 : vector<32x256xf32>
    %swap3A_653 = arith.constant 0 : index
    %swap3A_654 = arith.constant 0 : index
    %swap3A_655 = arith.constant 37 : index
    %swap3A_656 = arith.constant 0 : index
    %swap3A_657 = vector.load %arg11[%swap3A_653, %swap3A_654, %swap3A_655, %swap3A_656] : memref<1x32x128x256xf32, #tpu.memory_space<vmem>>, vector<1x32x1x256xf32>
    %swap3A_658 = vector.shape_cast %swap3A_657 : vector<1x32x1x256xf32> to vector<32x256xf32>
    %swap3A_659 = vector.shape_cast %add3A_652 : vector<32x256xf32> to vector<1x32x1x256xf32>
    tpu.vector_store %arg11[%swap3A_653, %swap3A_654, %swap3A_655, %swap3A_656], %swap3A_659 {strides = array<i32>} : memref<1x32x128x256xf32, #tpu.memory_space<vmem>>, vector<1x32x1x256xf32>,
    %slice3A_660 = vector.extract_strided_slice %convert_element_type3A_14 {offsets = [1216, 0], sizes = [32, 256], strides = [1, 1]} : vector<4096x256xf32> to vector<32x256xf32>
    %slice3A_661 = vector.extract_strided_slice %transpose3A {offsets = [0, 1216], sizes = [32, 32], strides = [1, 1]} : vector<32x4096xf32> to vector<32x32xf32>
    %dot_general3A_662 = arith.constant dense<0.000000e+00> : vector<32x256xf32>
    %dot_general3A_663 = tpu.matmul %slice3A_661, %slice3A_660, %dot_general3A_662 {dimension_numbers = #tpu.dot_dimension_numbers<[1], [0], [0], [1], [0, 0, 1, 1], [], []>, transpose_lhs_hint = false} : vector<32x32xf32>, vector<32x256xf32>, vector<32x256xf32> -> vector<32x256xf32>
    %slice3A_664 = vector.extract_strided_slice %transpose3A_91 {offsets = [0, 1216], sizes = [32, 32], strides = [1, 1]} : vector<32x4096xf32> to vector<32x32xf32>
    %dot_general3A_665 = arith.constant dense<0.000000e+00> : vector<32x256xf32>
    %dot_general3A_666 = tpu.matmul %slice3A_664, %slice3A_660, %dot_general3A_665 {dimension_numbers = #tpu.dot_dimension_numbers<[1], [0], [0], [1], [0, 0, 1, 1], [], []>, transpose_lhs_hint = false} : vector<32x32xf32>, vector<32x256xf32>, vector<32x256xf32> -> vector<32x256xf32>
    %add3A_667 = arith.addf %dot_general3A_663, %dot_general3A_666 : vector<32x256xf32>
    %swap3A_668 = arith.constant 0 : index
    %swap3A_669 = arith.constant 0 : index
    %swap3A_670 = arith.constant 38 : index
    %swap3A_671 = arith.constant 0 : index
    %swap3A_672 = vector.load %arg11[%swap3A_668, %swap3A_669, %swap3A_670, %swap3A_671] : memref<1x32x128x256xf32, #tpu.memory_space<vmem>>, vector<1x32x1x256xf32>
    %swap3A_673 = vector.shape_cast %swap3A_672 : vector<1x32x1x256xf32> to vector<32x256xf32>
    %swap3A_674 = vector.shape_cast %add3A_667 : vector<32x256xf32> to vector<1x32x1x256xf32>
    tpu.vector_store %arg11[%swap3A_668, %swap3A_669, %swap3A_670, %swap3A_671], %swap3A_674 {strides = array<i32>} : memref<1x32x128x256xf32, #tpu.memory_space<vmem>>, vector<1x32x1x256xf32>,
    %slice3A_675 = vector.extract_strided_slice %convert_element_type3A_14 {offsets = [1248, 0], sizes = [32, 256], strides = [1, 1]} : vector<4096x256xf32> to vector<32x256xf32>
    %slice3A_676 = vector.extract_strided_slice %transpose3A {offsets = [0, 1248], sizes = [32, 32], strides = [1, 1]} : vector<32x4096xf32> to vector<32x32xf32>
    %dot_general3A_677 = arith.constant dense<0.000000e+00> : vector<32x256xf32>
    %dot_general3A_678 = tpu.matmul %slice3A_676, %slice3A_675, %dot_general3A_677 {dimension_numbers = #tpu.dot_dimension_numbers<[1], [0], [0], [1], [0, 0, 1, 1], [], []>, transpose_lhs_hint = false} : vector<32x32xf32>, vector<32x256xf32>, vector<32x256xf32> -> vector<32x256xf32>
    %slice3A_679 = vector.extract_strided_slice %transpose3A_91 {offsets = [0, 1248], sizes = [32, 32], strides = [1, 1]} : vector<32x4096xf32> to vector<32x32xf32>
    %dot_general3A_680 = arith.constant dense<0.000000e+00> : vector<32x256xf32>
    %dot_general3A_681 = tpu.matmul %slice3A_679, %slice3A_675, %dot_general3A_680 {dimension_numbers = #tpu.dot_dimension_numbers<[1], [0], [0], [1], [0, 0, 1, 1], [], []>, transpose_lhs_hint = false} : vector<32x32xf32>, vector<32x256xf32>, vector<32x256xf32> -> vector<32x256xf32>
    %add3A_682 = arith.addf %dot_general3A_678, %dot_general3A_681 : vector<32x256xf32>
    %swap3A_683 = arith.constant 0 : index
    %swap3A_684 = arith.constant 0 : index
    %swap3A_685 = arith.constant 39 : index
    %swap3A_686 = arith.constant 0 : index
    %swap3A_687 = vector.load %arg11[%swap3A_683, %swap3A_684, %swap3A_685, %swap3A_686] : memref<1x32x128x256xf32, #tpu.memory_space<vmem>>, vector<1x32x1x256xf32>
    %swap3A_688 = vector.shape_cast %swap3A_687 : vector<1x32x1x256xf32> to vector<32x256xf32>
    %swap3A_689 = vector.shape_cast %add3A_682 : vector<32x256xf32> to vector<1x32x1x256xf32>
    tpu.vector_store %arg11[%swap3A_683, %swap3A_684, %swap3A_685, %swap3A_686], %swap3A_689 {strides = array<i32>} : memref<1x32x128x256xf32, #tpu.memory_space<vmem>>, vector<1x32x1x256xf32>,
    %slice3A_690 = vector.extract_strided_slice %convert_element_type3A_14 {offsets = [1280, 0], sizes = [32, 256], strides = [1, 1]} : vector<4096x256xf32> to vector<32x256xf32>
    %slice3A_691 = vector.extract_strided_slice %transpose3A {offsets = [0, 1280], sizes = [32, 32], strides = [1, 1]} : vector<32x4096xf32> to vector<32x32xf32>
    %dot_general3A_692 = arith.constant dense<0.000000e+00> : vector<32x256xf32>
    %dot_general3A_693 = tpu.matmul %slice3A_691, %slice3A_690, %dot_general3A_692 {dimension_numbers = #tpu.dot_dimension_numbers<[1], [0], [0], [1], [0, 0, 1, 1], [], []>, transpose_lhs_hint = false} : vector<32x32xf32>, vector<32x256xf32>, vector<32x256xf32> -> vector<32x256xf32>
    %slice3A_694 = vector.extract_strided_slice %transpose3A_91 {offsets = [0, 1280], sizes = [32, 32], strides = [1, 1]} : vector<32x4096xf32> to vector<32x32xf32>
    %dot_general3A_695 = arith.constant dense<0.000000e+00> : vector<32x256xf32>
    %dot_general3A_696 = tpu.matmul %slice3A_694, %slice3A_690, %dot_general3A_695 {dimension_numbers = #tpu.dot_dimension_numbers<[1], [0], [0], [1], [0, 0, 1, 1], [], []>, transpose_lhs_hint = false} : vector<32x32xf32>, vector<32x256xf32>, vector<32x256xf32> -> vector<32x256xf32>
    %add3A_697 = arith.addf %dot_general3A_693, %dot_general3A_696 : vector<32x256xf32>
    %swap3A_698 = arith.constant 0 : index
    %swap3A_699 = arith.constant 0 : index
    %swap3A_700 = arith.constant 40 : index
    %swap3A_701 = arith.constant 0 : index
    %swap3A_702 = vector.load %arg11[%swap3A_698, %swap3A_699, %swap3A_700, %swap3A_701] : memref<1x32x128x256xf32, #tpu.memory_space<vmem>>, vector<1x32x1x256xf32>
    %swap3A_703 = vector.shape_cast %swap3A_702 : vector<1x32x1x256xf32> to vector<32x256xf32>
    %swap3A_704 = vector.shape_cast %add3A_697 : vector<32x256xf32> to vector<1x32x1x256xf32>
    tpu.vector_store %arg11[%swap3A_698, %swap3A_699, %swap3A_700, %swap3A_701], %swap3A_704 {strides = array<i32>} : memref<1x32x128x256xf32, #tpu.memory_space<vmem>>, vector<1x32x1x256xf32>,
    %slice3A_705 = vector.extract_strided_slice %convert_element_type3A_14 {offsets = [1312, 0], sizes = [32, 256], strides = [1, 1]} : vector<4096x256xf32> to vector<32x256xf32>
    %slice3A_706 = vector.extract_strided_slice %transpose3A {offsets = [0, 1312], sizes = [32, 32], strides = [1, 1]} : vector<32x4096xf32> to vector<32x32xf32>
    %dot_general3A_707 = arith.constant dense<0.000000e+00> : vector<32x256xf32>
    %dot_general3A_708 = tpu.matmul %slice3A_706, %slice3A_705, %dot_general3A_707 {dimension_numbers = #tpu.dot_dimension_numbers<[1], [0], [0], [1], [0, 0, 1, 1], [], []>, transpose_lhs_hint = false} : vector<32x32xf32>, vector<32x256xf32>, vector<32x256xf32> -> vector<32x256xf32>
    %slice3A_709 = vector.extract_strided_slice %transpose3A_91 {offsets = [0, 1312], sizes = [32, 32], strides = [1, 1]} : vector<32x4096xf32> to vector<32x32xf32>
    %dot_general3A_710 = arith.constant dense<0.000000e+00> : vector<32x256xf32>
    %dot_general3A_711 = tpu.matmul %slice3A_709, %slice3A_705, %dot_general3A_710 {dimension_numbers = #tpu.dot_dimension_numbers<[1], [0], [0], [1], [0, 0, 1, 1], [], []>, transpose_lhs_hint = false} : vector<32x32xf32>, vector<32x256xf32>, vector<32x256xf32> -> vector<32x256xf32>
    %add3A_712 = arith.addf %dot_general3A_708, %dot_general3A_711 : vector<32x256xf32>
    %swap3A_713 = arith.constant 0 : index
    %swap3A_714 = arith.constant 0 : index
    %swap3A_715 = arith.constant 41 : index
    %swap3A_716 = arith.constant 0 : index
    %swap3A_717 = vector.load %arg11[%swap3A_713, %swap3A_714, %swap3A_715, %swap3A_716] : memref<1x32x128x256xf32, #tpu.memory_space<vmem>>, vector<1x32x1x256xf32>
    %swap3A_718 = vector.shape_cast %swap3A_717 : vector<1x32x1x256xf32> to vector<32x256xf32>
    %swap3A_719 = vector.shape_cast %add3A_712 : vector<32x256xf32> to vector<1x32x1x256xf32>
    tpu.vector_store %arg11[%swap3A_713, %swap3A_714, %swap3A_715, %swap3A_716], %swap3A_719 {strides = array<i32>} : memref<1x32x128x256xf32, #tpu.memory_space<vmem>>, vector<1x32x1x256xf32>,
    %slice3A_720 = vector.extract_strided_slice %convert_element_type3A_14 {offsets = [1344, 0], sizes = [32, 256], strides = [1, 1]} : vector<4096x256xf32> to vector<32x256xf32>
    %slice3A_721 = vector.extract_strided_slice %transpose3A {offsets = [0, 1344], sizes = [32, 32], strides = [1, 1]} : vector<32x4096xf32> to vector<32x32xf32>
    %dot_general3A_722 = arith.constant dense<0.000000e+00> : vector<32x256xf32>
    %dot_general3A_723 = tpu.matmul %slice3A_721, %slice3A_720, %dot_general3A_722 {dimension_numbers = #tpu.dot_dimension_numbers<[1], [0], [0], [1], [0, 0, 1, 1], [], []>, transpose_lhs_hint = false} : vector<32x32xf32>, vector<32x256xf32>, vector<32x256xf32> -> vector<32x256xf32>
    %slice3A_724 = vector.extract_strided_slice %transpose3A_91 {offsets = [0, 1344], sizes = [32, 32], strides = [1, 1]} : vector<32x4096xf32> to vector<32x32xf32>
    %dot_general3A_725 = arith.constant dense<0.000000e+00> : vector<32x256xf32>
    %dot_general3A_726 = tpu.matmul %slice3A_724, %slice3A_720, %dot_general3A_725 {dimension_numbers = #tpu.dot_dimension_numbers<[1], [0], [0], [1], [0, 0, 1, 1], [], []>, transpose_lhs_hint = false} : vector<32x32xf32>, vector<32x256xf32>, vector<32x256xf32> -> vector<32x256xf32>
    %add3A_727 = arith.addf %dot_general3A_723, %dot_general3A_726 : vector<32x256xf32>
    %swap3A_728 = arith.constant 0 : index
    %swap3A_729 = arith.constant 0 : index
    %swap3A_730 = arith.constant 42 : index
    %swap3A_731 = arith.constant 0 : index
    %swap3A_732 = vector.load %arg11[%swap3A_728, %swap3A_729, %swap3A_730, %swap3A_731] : memref<1x32x128x256xf32, #tpu.memory_space<vmem>>, vector<1x32x1x256xf32>
    %swap3A_733 = vector.shape_cast %swap3A_732 : vector<1x32x1x256xf32> to vector<32x256xf32>
    %swap3A_734 = vector.shape_cast %add3A_727 : vector<32x256xf32> to vector<1x32x1x256xf32>
    tpu.vector_store %arg11[%swap3A_728, %swap3A_729, %swap3A_730, %swap3A_731], %swap3A_734 {strides = array<i32>} : memref<1x32x128x256xf32, #tpu.memory_space<vmem>>, vector<1x32x1x256xf32>,
    %slice3A_735 = vector.extract_strided_slice %convert_element_type3A_14 {offsets = [1376, 0], sizes = [32, 256], strides = [1, 1]} : vector<4096x256xf32> to vector<32x256xf32>
    %slice3A_736 = vector.extract_strided_slice %transpose3A {offsets = [0, 1376], sizes = [32, 32], strides = [1, 1]} : vector<32x4096xf32> to vector<32x32xf32>
    %dot_general3A_737 = arith.constant dense<0.000000e+00> : vector<32x256xf32>
    %dot_general3A_738 = tpu.matmul %slice3A_736, %slice3A_735, %dot_general3A_737 {dimension_numbers = #tpu.dot_dimension_numbers<[1], [0], [0], [1], [0, 0, 1, 1], [], []>, transpose_lhs_hint = false} : vector<32x32xf32>, vector<32x256xf32>, vector<32x256xf32> -> vector<32x256xf32>
    %slice3A_739 = vector.extract_strided_slice %transpose3A_91 {offsets = [0, 1376], sizes = [32, 32], strides = [1, 1]} : vector<32x4096xf32> to vector<32x32xf32>
    %dot_general3A_740 = arith.constant dense<0.000000e+00> : vector<32x256xf32>
    %dot_general3A_741 = tpu.matmul %slice3A_739, %slice3A_735, %dot_general3A_740 {dimension_numbers = #tpu.dot_dimension_numbers<[1], [0], [0], [1], [0, 0, 1, 1], [], []>, transpose_lhs_hint = false} : vector<32x32xf32>, vector<32x256xf32>, vector<32x256xf32> -> vector<32x256xf32>
    %add3A_742 = arith.addf %dot_general3A_738, %dot_general3A_741 : vector<32x256xf32>
    %swap3A_743 = arith.constant 0 : index
    %swap3A_744 = arith.constant 0 : index
    %swap3A_745 = arith.constant 43 : index
    %swap3A_746 = arith.constant 0 : index
    %swap3A_747 = vector.load %arg11[%swap3A_743, %swap3A_744, %swap3A_745, %swap3A_746] : memref<1x32x128x256xf32, #tpu.memory_space<vmem>>, vector<1x32x1x256xf32>
    %swap3A_748 = vector.shape_cast %swap3A_747 : vector<1x32x1x256xf32> to vector<32x256xf32>
    %swap3A_749 = vector.shape_cast %add3A_742 : vector<32x256xf32> to vector<1x32x1x256xf32>
    tpu.vector_store %arg11[%swap3A_743, %swap3A_744, %swap3A_745, %swap3A_746], %swap3A_749 {strides = array<i32>} : memref<1x32x128x256xf32, #tpu.memory_space<vmem>>, vector<1x32x1x256xf32>,
    %slice3A_750 = vector.extract_strided_slice %convert_element_type3A_14 {offsets = [1408, 0], sizes = [32, 256], strides = [1, 1]} : vector<4096x256xf32> to vector<32x256xf32>
    %slice3A_751 = vector.extract_strided_slice %transpose3A {offsets = [0, 1408], sizes = [32, 32], strides = [1, 1]} : vector<32x4096xf32> to vector<32x32xf32>
    %dot_general3A_752 = arith.constant dense<0.000000e+00> : vector<32x256xf32>
    %dot_general3A_753 = tpu.matmul %slice3A_751, %slice3A_750, %dot_general3A_752 {dimension_numbers = #tpu.dot_dimension_numbers<[1], [0], [0], [1], [0, 0, 1, 1], [], []>, transpose_lhs_hint = false} : vector<32x32xf32>, vector<32x256xf32>, vector<32x256xf32> -> vector<32x256xf32>
    %slice3A_754 = vector.extract_strided_slice %transpose3A_91 {offsets = [0, 1408], sizes = [32, 32], strides = [1, 1]} : vector<32x4096xf32> to vector<32x32xf32>
    %dot_general3A_755 = arith.constant dense<0.000000e+00> : vector<32x256xf32>
    %dot_general3A_756 = tpu.matmul %slice3A_754, %slice3A_750, %dot_general3A_755 {dimension_numbers = #tpu.dot_dimension_numbers<[1], [0], [0], [1], [0, 0, 1, 1], [], []>, transpose_lhs_hint = false} : vector<32x32xf32>, vector<32x256xf32>, vector<32x256xf32> -> vector<32x256xf32>
    %add3A_757 = arith.addf %dot_general3A_753, %dot_general3A_756 : vector<32x256xf32>
    %swap3A_758 = arith.constant 0 : index
    %swap3A_759 = arith.constant 0 : index
    %swap3A_760 = arith.constant 44 : index
    %swap3A_761 = arith.constant 0 : index
    %swap3A_762 = vector.load %arg11[%swap3A_758, %swap3A_759, %swap3A_760, %swap3A_761] : memref<1x32x128x256xf32, #tpu.memory_space<vmem>>, vector<1x32x1x256xf32>
    %swap3A_763 = vector.shape_cast %swap3A_762 : vector<1x32x1x256xf32> to vector<32x256xf32>
    %swap3A_764 = vector.shape_cast %add3A_757 : vector<32x256xf32> to vector<1x32x1x256xf32>
    tpu.vector_store %arg11[%swap3A_758, %swap3A_759, %swap3A_760, %swap3A_761], %swap3A_764 {strides = array<i32>} : memref<1x32x128x256xf32, #tpu.memory_space<vmem>>, vector<1x32x1x256xf32>,
    %slice3A_765 = vector.extract_strided_slice %convert_element_type3A_14 {offsets = [1440, 0], sizes = [32, 256], strides = [1, 1]} : vector<4096x256xf32> to vector<32x256xf32>
    %slice3A_766 = vector.extract_strided_slice %transpose3A {offsets = [0, 1440], sizes = [32, 32], strides = [1, 1]} : vector<32x4096xf32> to vector<32x32xf32>
    %dot_general3A_767 = arith.constant dense<0.000000e+00> : vector<32x256xf32>
    %dot_general3A_768 = tpu.matmul %slice3A_766, %slice3A_765, %dot_general3A_767 {dimension_numbers = #tpu.dot_dimension_numbers<[1], [0], [0], [1], [0, 0, 1, 1], [], []>, transpose_lhs_hint = false} : vector<32x32xf32>, vector<32x256xf32>, vector<32x256xf32> -> vector<32x256xf32>
    %slice3A_769 = vector.extract_strided_slice %transpose3A_91 {offsets = [0, 1440], sizes = [32, 32], strides = [1, 1]} : vector<32x4096xf32> to vector<32x32xf32>
    %dot_general3A_770 = arith.constant dense<0.000000e+00> : vector<32x256xf32>
    %dot_general3A_771 = tpu.matmul %slice3A_769, %slice3A_765, %dot_general3A_770 {dimension_numbers = #tpu.dot_dimension_numbers<[1], [0], [0], [1], [0, 0, 1, 1], [], []>, transpose_lhs_hint = false} : vector<32x32xf32>, vector<32x256xf32>, vector<32x256xf32> -> vector<32x256xf32>
    %add3A_772 = arith.addf %dot_general3A_768, %dot_general3A_771 : vector<32x256xf32>
    %swap3A_773 = arith.constant 0 : index
    %swap3A_774 = arith.constant 0 : index
    %swap3A_775 = arith.constant 45 : index
    %swap3A_776 = arith.constant 0 : index
    %swap3A_777 = vector.load %arg11[%swap3A_773, %swap3A_774, %swap3A_775, %swap3A_776] : memref<1x32x128x256xf32, #tpu.memory_space<vmem>>, vector<1x32x1x256xf32>
    %swap3A_778 = vector.shape_cast %swap3A_777 : vector<1x32x1x256xf32> to vector<32x256xf32>
    %swap3A_779 = vector.shape_cast %add3A_772 : vector<32x256xf32> to vector<1x32x1x256xf32>
    tpu.vector_store %arg11[%swap3A_773, %swap3A_774, %swap3A_775, %swap3A_776], %swap3A_779 {strides = array<i32>} : memref<1x32x128x256xf32, #tpu.memory_space<vmem>>, vector<1x32x1x256xf32>,
    %slice3A_780 = vector.extract_strided_slice %convert_element_type3A_14 {offsets = [1472, 0], sizes = [32, 256], strides = [1, 1]} : vector<4096x256xf32> to vector<32x256xf32>
    %slice3A_781 = vector.extract_strided_slice %transpose3A {offsets = [0, 1472], sizes = [32, 32], strides = [1, 1]} : vector<32x4096xf32> to vector<32x32xf32>
    %dot_general3A_782 = arith.constant dense<0.000000e+00> : vector<32x256xf32>
    %dot_general3A_783 = tpu.matmul %slice3A_781, %slice3A_780, %dot_general3A_782 {dimension_numbers = #tpu.dot_dimension_numbers<[1], [0], [0], [1], [0, 0, 1, 1], [], []>, transpose_lhs_hint = false} : vector<32x32xf32>, vector<32x256xf32>, vector<32x256xf32> -> vector<32x256xf32>
    %slice3A_784 = vector.extract_strided_slice %transpose3A_91 {offsets = [0, 1472], sizes = [32, 32], strides = [1, 1]} : vector<32x4096xf32> to vector<32x32xf32>
    %dot_general3A_785 = arith.constant dense<0.000000e+00> : vector<32x256xf32>
    %dot_general3A_786 = tpu.matmul %slice3A_784, %slice3A_780, %dot_general3A_785 {dimension_numbers = #tpu.dot_dimension_numbers<[1], [0], [0], [1], [0, 0, 1, 1], [], []>, transpose_lhs_hint = false} : vector<32x32xf32>, vector<32x256xf32>, vector<32x256xf32> -> vector<32x256xf32>
    %add3A_787 = arith.addf %dot_general3A_783, %dot_general3A_786 : vector<32x256xf32>
    %swap3A_788 = arith.constant 0 : index
    %swap3A_789 = arith.constant 0 : index
    %swap3A_790 = arith.constant 46 : index
    %swap3A_791 = arith.constant 0 : index
    %swap3A_792 = vector.load %arg11[%swap3A_788, %swap3A_789, %swap3A_790, %swap3A_791] : memref<1x32x128x256xf32, #tpu.memory_space<vmem>>, vector<1x32x1x256xf32>
    %swap3A_793 = vector.shape_cast %swap3A_792 : vector<1x32x1x256xf32> to vector<32x256xf32>
    %swap3A_794 = vector.shape_cast %add3A_787 : vector<32x256xf32> to vector<1x32x1x256xf32>
    tpu.vector_store %arg11[%swap3A_788, %swap3A_789, %swap3A_790, %swap3A_791], %swap3A_794 {strides = array<i32>} : memref<1x32x128x256xf32, #tpu.memory_space<vmem>>, vector<1x32x1x256xf32>,
    %slice3A_795 = vector.extract_strided_slice %convert_element_type3A_14 {offsets = [1504, 0], sizes = [32, 256], strides = [1, 1]} : vector<4096x256xf32> to vector<32x256xf32>
    %slice3A_796 = vector.extract_strided_slice %transpose3A {offsets = [0, 1504], sizes = [32, 32], strides = [1, 1]} : vector<32x4096xf32> to vector<32x32xf32>
    %dot_general3A_797 = arith.constant dense<0.000000e+00> : vector<32x256xf32>
    %dot_general3A_798 = tpu.matmul %slice3A_796, %slice3A_795, %dot_general3A_797 {dimension_numbers = #tpu.dot_dimension_numbers<[1], [0], [0], [1], [0, 0, 1, 1], [], []>, transpose_lhs_hint = false} : vector<32x32xf32>, vector<32x256xf32>, vector<32x256xf32> -> vector<32x256xf32>
    %slice3A_799 = vector.extract_strided_slice %transpose3A_91 {offsets = [0, 1504], sizes = [32, 32], strides = [1, 1]} : vector<32x4096xf32> to vector<32x32xf32>
    %dot_general3A_800 = arith.constant dense<0.000000e+00> : vector<32x256xf32>
    %dot_general3A_801 = tpu.matmul %slice3A_799, %slice3A_795, %dot_general3A_800 {dimension_numbers = #tpu.dot_dimension_numbers<[1], [0], [0], [1], [0, 0, 1, 1], [], []>, transpose_lhs_hint = false} : vector<32x32xf32>, vector<32x256xf32>, vector<32x256xf32> -> vector<32x256xf32>
    %add3A_802 = arith.addf %dot_general3A_798, %dot_general3A_801 : vector<32x256xf32>
    %swap3A_803 = arith.constant 0 : index
    %swap3A_804 = arith.constant 0 : index
    %swap3A_805 = arith.constant 47 : index
    %swap3A_806 = arith.constant 0 : index
    %swap3A_807 = vector.load %arg11[%swap3A_803, %swap3A_804, %swap3A_805, %swap3A_806] : memref<1x32x128x256xf32, #tpu.memory_space<vmem>>, vector<1x32x1x256xf32>
    %swap3A_808 = vector.shape_cast %swap3A_807 : vector<1x32x1x256xf32> to vector<32x256xf32>
    %swap3A_809 = vector.shape_cast %add3A_802 : vector<32x256xf32> to vector<1x32x1x256xf32>
    tpu.vector_store %arg11[%swap3A_803, %swap3A_804, %swap3A_805, %swap3A_806], %swap3A_809 {strides = array<i32>} : memref<1x32x128x256xf32, #tpu.memory_space<vmem>>, vector<1x32x1x256xf32>,
    %slice3A_810 = vector.extract_strided_slice %convert_element_type3A_14 {offsets = [1536, 0], sizes = [32, 256], strides = [1, 1]} : vector<4096x256xf32> to vector<32x256xf32>
    %slice3A_811 = vector.extract_strided_slice %transpose3A {offsets = [0, 1536], sizes = [32, 32], strides = [1, 1]} : vector<32x4096xf32> to vector<32x32xf32>
    %dot_general3A_812 = arith.constant dense<0.000000e+00> : vector<32x256xf32>
    %dot_general3A_813 = tpu.matmul %slice3A_811, %slice3A_810, %dot_general3A_812 {dimension_numbers = #tpu.dot_dimension_numbers<[1], [0], [0], [1], [0, 0, 1, 1], [], []>, transpose_lhs_hint = false} : vector<32x32xf32>, vector<32x256xf32>, vector<32x256xf32> -> vector<32x256xf32>
    %slice3A_814 = vector.extract_strided_slice %transpose3A_91 {offsets = [0, 1536], sizes = [32, 32], strides = [1, 1]} : vector<32x4096xf32> to vector<32x32xf32>
    %dot_general3A_815 = arith.constant dense<0.000000e+00> : vector<32x256xf32>
    %dot_general3A_816 = tpu.matmul %slice3A_814, %slice3A_810, %dot_general3A_815 {dimension_numbers = #tpu.dot_dimension_numbers<[1], [0], [0], [1], [0, 0, 1, 1], [], []>, transpose_lhs_hint = false} : vector<32x32xf32>, vector<32x256xf32>, vector<32x256xf32> -> vector<32x256xf32>
    %add3A_817 = arith.addf %dot_general3A_813, %dot_general3A_816 : vector<32x256xf32>
    %swap3A_818 = arith.constant 0 : index
    %swap3A_819 = arith.constant 0 : index
    %swap3A_820 = arith.constant 48 : index
    %swap3A_821 = arith.constant 0 : index
    %swap3A_822 = vector.load %arg11[%swap3A_818, %swap3A_819, %swap3A_820, %swap3A_821] : memref<1x32x128x256xf32, #tpu.memory_space<vmem>>, vector<1x32x1x256xf32>
    %swap3A_823 = vector.shape_cast %swap3A_822 : vector<1x32x1x256xf32> to vector<32x256xf32>
    %swap3A_824 = vector.shape_cast %add3A_817 : vector<32x256xf32> to vector<1x32x1x256xf32>
    tpu.vector_store %arg11[%swap3A_818, %swap3A_819, %swap3A_820, %swap3A_821], %swap3A_824 {strides = array<i32>} : memref<1x32x128x256xf32, #tpu.memory_space<vmem>>, vector<1x32x1x256xf32>,
    %slice3A_825 = vector.extract_strided_slice %convert_element_type3A_14 {offsets = [1568, 0], sizes = [32, 256], strides = [1, 1]} : vector<4096x256xf32> to vector<32x256xf32>
    %slice3A_826 = vector.extract_strided_slice %transpose3A {offsets = [0, 1568], sizes = [32, 32], strides = [1, 1]} : vector<32x4096xf32> to vector<32x32xf32>
    %dot_general3A_827 = arith.constant dense<0.000000e+00> : vector<32x256xf32>
    %dot_general3A_828 = tpu.matmul %slice3A_826, %slice3A_825, %dot_general3A_827 {dimension_numbers = #tpu.dot_dimension_numbers<[1], [0], [0], [1], [0, 0, 1, 1], [], []>, transpose_lhs_hint = false} : vector<32x32xf32>, vector<32x256xf32>, vector<32x256xf32> -> vector<32x256xf32>
    %slice3A_829 = vector.extract_strided_slice %transpose3A_91 {offsets = [0, 1568], sizes = [32, 32], strides = [1, 1]} : vector<32x4096xf32> to vector<32x32xf32>
    %dot_general3A_830 = arith.constant dense<0.000000e+00> : vector<32x256xf32>
    %dot_general3A_831 = tpu.matmul %slice3A_829, %slice3A_825, %dot_general3A_830 {dimension_numbers = #tpu.dot_dimension_numbers<[1], [0], [0], [1], [0, 0, 1, 1], [], []>, transpose_lhs_hint = false} : vector<32x32xf32>, vector<32x256xf32>, vector<32x256xf32> -> vector<32x256xf32>
    %add3A_832 = arith.addf %dot_general3A_828, %dot_general3A_831 : vector<32x256xf32>
    %swap3A_833 = arith.constant 0 : index
    %swap3A_834 = arith.constant 0 : index
    %swap3A_835 = arith.constant 49 : index
    %swap3A_836 = arith.constant 0 : index
    %swap3A_837 = vector.load %arg11[%swap3A_833, %swap3A_834, %swap3A_835, %swap3A_836] : memref<1x32x128x256xf32, #tpu.memory_space<vmem>>, vector<1x32x1x256xf32>
    %swap3A_838 = vector.shape_cast %swap3A_837 : vector<1x32x1x256xf32> to vector<32x256xf32>
    %swap3A_839 = vector.shape_cast %add3A_832 : vector<32x256xf32> to vector<1x32x1x256xf32>
    tpu.vector_store %arg11[%swap3A_833, %swap3A_834, %swap3A_835, %swap3A_836], %swap3A_839 {strides = array<i32>} : memref<1x32x128x256xf32, #tpu.memory_space<vmem>>, vector<1x32x1x256xf32>,
    %slice3A_840 = vector.extract_strided_slice %convert_element_type3A_14 {offsets = [1600, 0], sizes = [32, 256], strides = [1, 1]} : vector<4096x256xf32> to vector<32x256xf32>
    %slice3A_841 = vector.extract_strided_slice %transpose3A {offsets = [0, 1600], sizes = [32, 32], strides = [1, 1]} : vector<32x4096xf32> to vector<32x32xf32>
    %dot_general3A_842 = arith.constant dense<0.000000e+00> : vector<32x256xf32>
    %dot_general3A_843 = tpu.matmul %slice3A_841, %slice3A_840, %dot_general3A_842 {dimension_numbers = #tpu.dot_dimension_numbers<[1], [0], [0], [1], [0, 0, 1, 1], [], []>, transpose_lhs_hint = false} : vector<32x32xf32>, vector<32x256xf32>, vector<32x256xf32> -> vector<32x256xf32>
    %slice3A_844 = vector.extract_strided_slice %transpose3A_91 {offsets = [0, 1600], sizes = [32, 32], strides = [1, 1]} : vector<32x4096xf32> to vector<32x32xf32>
    %dot_general3A_845 = arith.constant dense<0.000000e+00> : vector<32x256xf32>
    %dot_general3A_846 = tpu.matmul %slice3A_844, %slice3A_840, %dot_general3A_845 {dimension_numbers = #tpu.dot_dimension_numbers<[1], [0], [0], [1], [0, 0, 1, 1], [], []>, transpose_lhs_hint = false} : vector<32x32xf32>, vector<32x256xf32>, vector<32x256xf32> -> vector<32x256xf32>
    %add3A_847 = arith.addf %dot_general3A_843, %dot_general3A_846 : vector<32x256xf32>
    %swap3A_848 = arith.constant 0 : index
    %swap3A_849 = arith.constant 0 : index
    %swap3A_850 = arith.constant 50 : index
    %swap3A_851 = arith.constant 0 : index
    %swap3A_852 = vector.load %arg11[%swap3A_848, %swap3A_849, %swap3A_850, %swap3A_851] : memref<1x32x128x256xf32, #tpu.memory_space<vmem>>, vector<1x32x1x256xf32>
    %swap3A_853 = vector.shape_cast %swap3A_852 : vector<1x32x1x256xf32> to vector<32x256xf32>
    %swap3A_854 = vector.shape_cast %add3A_847 : vector<32x256xf32> to vector<1x32x1x256xf32>
    tpu.vector_store %arg11[%swap3A_848, %swap3A_849, %swap3A_850, %swap3A_851], %swap3A_854 {strides = array<i32>} : memref<1x32x128x256xf32, #tpu.memory_space<vmem>>, vector<1x32x1x256xf32>,
    %slice3A_855 = vector.extract_strided_slice %convert_element_type3A_14 {offsets = [1632, 0], sizes = [32, 256], strides = [1, 1]} : vector<4096x256xf32> to vector<32x256xf32>
    %slice3A_856 = vector.extract_strided_slice %transpose3A {offsets = [0, 1632], sizes = [32, 32], strides = [1, 1]} : vector<32x4096xf32> to vector<32x32xf32>
    %dot_general3A_857 = arith.constant dense<0.000000e+00> : vector<32x256xf32>
    %dot_general3A_858 = tpu.matmul %slice3A_856, %slice3A_855, %dot_general3A_857 {dimension_numbers = #tpu.dot_dimension_numbers<[1], [0], [0], [1], [0, 0, 1, 1], [], []>, transpose_lhs_hint = false} : vector<32x32xf32>, vector<32x256xf32>, vector<32x256xf32> -> vector<32x256xf32>
    %slice3A_859 = vector.extract_strided_slice %transpose3A_91 {offsets = [0, 1632], sizes = [32, 32], strides = [1, 1]} : vector<32x4096xf32> to vector<32x32xf32>
    %dot_general3A_860 = arith.constant dense<0.000000e+00> : vector<32x256xf32>
    %dot_general3A_861 = tpu.matmul %slice3A_859, %slice3A_855, %dot_general3A_860 {dimension_numbers = #tpu.dot_dimension_numbers<[1], [0], [0], [1], [0, 0, 1, 1], [], []>, transpose_lhs_hint = false} : vector<32x32xf32>, vector<32x256xf32>, vector<32x256xf32> -> vector<32x256xf32>
    %add3A_862 = arith.addf %dot_general3A_858, %dot_general3A_861 : vector<32x256xf32>
    %swap3A_863 = arith.constant 0 : index
    %swap3A_864 = arith.constant 0 : index
    %swap3A_865 = arith.constant 51 : index
    %swap3A_866 = arith.constant 0 : index
    %swap3A_867 = vector.load %arg11[%swap3A_863, %swap3A_864, %swap3A_865, %swap3A_866] : memref<1x32x128x256xf32, #tpu.memory_space<vmem>>, vector<1x32x1x256xf32>
    %swap3A_868 = vector.shape_cast %swap3A_867 : vector<1x32x1x256xf32> to vector<32x256xf32>
    %swap3A_869 = vector.shape_cast %add3A_862 : vector<32x256xf32> to vector<1x32x1x256xf32>
    tpu.vector_store %arg11[%swap3A_863, %swap3A_864, %swap3A_865, %swap3A_866], %swap3A_869 {strides = array<i32>} : memref<1x32x128x256xf32, #tpu.memory_space<vmem>>, vector<1x32x1x256xf32>,
    %slice3A_870 = vector.extract_strided_slice %convert_element_type3A_14 {offsets = [1664, 0], sizes = [32, 256], strides = [1, 1]} : vector<4096x256xf32> to vector<32x256xf32>
    %slice3A_871 = vector.extract_strided_slice %transpose3A {offsets = [0, 1664], sizes = [32, 32], strides = [1, 1]} : vector<32x4096xf32> to vector<32x32xf32>
    %dot_general3A_872 = arith.constant dense<0.000000e+00> : vector<32x256xf32>
    %dot_general3A_873 = tpu.matmul %slice3A_871, %slice3A_870, %dot_general3A_872 {dimension_numbers = #tpu.dot_dimension_numbers<[1], [0], [0], [1], [0, 0, 1, 1], [], []>, transpose_lhs_hint = false} : vector<32x32xf32>, vector<32x256xf32>, vector<32x256xf32> -> vector<32x256xf32>
    %slice3A_874 = vector.extract_strided_slice %transpose3A_91 {offsets = [0, 1664], sizes = [32, 32], strides = [1, 1]} : vector<32x4096xf32> to vector<32x32xf32>
    %dot_general3A_875 = arith.constant dense<0.000000e+00> : vector<32x256xf32>
    %dot_general3A_876 = tpu.matmul %slice3A_874, %slice3A_870, %dot_general3A_875 {dimension_numbers = #tpu.dot_dimension_numbers<[1], [0], [0], [1], [0, 0, 1, 1], [], []>, transpose_lhs_hint = false} : vector<32x32xf32>, vector<32x256xf32>, vector<32x256xf32> -> vector<32x256xf32>
    %add3A_877 = arith.addf %dot_general3A_873, %dot_general3A_876 : vector<32x256xf32>
    %swap3A_878 = arith.constant 0 : index
    %swap3A_879 = arith.constant 0 : index
    %swap3A_880 = arith.constant 52 : index
    %swap3A_881 = arith.constant 0 : index
    %swap3A_882 = vector.load %arg11[%swap3A_878, %swap3A_879, %swap3A_880, %swap3A_881] : memref<1x32x128x256xf32, #tpu.memory_space<vmem>>, vector<1x32x1x256xf32>
    %swap3A_883 = vector.shape_cast %swap3A_882 : vector<1x32x1x256xf32> to vector<32x256xf32>
    %swap3A_884 = vector.shape_cast %add3A_877 : vector<32x256xf32> to vector<1x32x1x256xf32>
    tpu.vector_store %arg11[%swap3A_878, %swap3A_879, %swap3A_880, %swap3A_881], %swap3A_884 {strides = array<i32>} : memref<1x32x128x256xf32, #tpu.memory_space<vmem>>, vector<1x32x1x256xf32>,
    %slice3A_885 = vector.extract_strided_slice %convert_element_type3A_14 {offsets = [1696, 0], sizes = [32, 256], strides = [1, 1]} : vector<4096x256xf32> to vector<32x256xf32>
    %slice3A_886 = vector.extract_strided_slice %transpose3A {offsets = [0, 1696], sizes = [32, 32], strides = [1, 1]} : vector<32x4096xf32> to vector<32x32xf32>
    %dot_general3A_887 = arith.constant dense<0.000000e+00> : vector<32x256xf32>
    %dot_general3A_888 = tpu.matmul %slice3A_886, %slice3A_885, %dot_general3A_887 {dimension_numbers = #tpu.dot_dimension_numbers<[1], [0], [0], [1], [0, 0, 1, 1], [], []>, transpose_lhs_hint = false} : vector<32x32xf32>, vector<32x256xf32>, vector<32x256xf32> -> vector<32x256xf32>
    %slice3A_889 = vector.extract_strided_slice %transpose3A_91 {offsets = [0, 1696], sizes = [32, 32], strides = [1, 1]} : vector<32x4096xf32> to vector<32x32xf32>
    %dot_general3A_890 = arith.constant dense<0.000000e+00> : vector<32x256xf32>
    %dot_general3A_891 = tpu.matmul %slice3A_889, %slice3A_885, %dot_general3A_890 {dimension_numbers = #tpu.dot_dimension_numbers<[1], [0], [0], [1], [0, 0, 1, 1], [], []>, transpose_lhs_hint = false} : vector<32x32xf32>, vector<32x256xf32>, vector<32x256xf32> -> vector<32x256xf32>
    %add3A_892 = arith.addf %dot_general3A_888, %dot_general3A_891 : vector<32x256xf32>
    %swap3A_893 = arith.constant 0 : index
    %swap3A_894 = arith.constant 0 : index
    %swap3A_895 = arith.constant 53 : index
    %swap3A_896 = arith.constant 0 : index
    %swap3A_897 = vector.load %arg11[%swap3A_893, %swap3A_894, %swap3A_895, %swap3A_896] : memref<1x32x128x256xf32, #tpu.memory_space<vmem>>, vector<1x32x1x256xf32>
    %swap3A_898 = vector.shape_cast %swap3A_897 : vector<1x32x1x256xf32> to vector<32x256xf32>
    %swap3A_899 = vector.shape_cast %add3A_892 : vector<32x256xf32> to vector<1x32x1x256xf32>
    tpu.vector_store %arg11[%swap3A_893, %swap3A_894, %swap3A_895, %swap3A_896], %swap3A_899 {strides = array<i32>} : memref<1x32x128x256xf32, #tpu.memory_space<vmem>>, vector<1x32x1x256xf32>,
    %slice3A_900 = vector.extract_strided_slice %convert_element_type3A_14 {offsets = [1728, 0], sizes = [32, 256], strides = [1, 1]} : vector<4096x256xf32> to vector<32x256xf32>
    %slice3A_901 = vector.extract_strided_slice %transpose3A {offsets = [0, 1728], sizes = [32, 32], strides = [1, 1]} : vector<32x4096xf32> to vector<32x32xf32>
    %dot_general3A_902 = arith.constant dense<0.000000e+00> : vector<32x256xf32>
    %dot_general3A_903 = tpu.matmul %slice3A_901, %slice3A_900, %dot_general3A_902 {dimension_numbers = #tpu.dot_dimension_numbers<[1], [0], [0], [1], [0, 0, 1, 1], [], []>, transpose_lhs_hint = false} : vector<32x32xf32>, vector<32x256xf32>, vector<32x256xf32> -> vector<32x256xf32>
    %slice3A_904 = vector.extract_strided_slice %transpose3A_91 {offsets = [0, 1728], sizes = [32, 32], strides = [1, 1]} : vector<32x4096xf32> to vector<32x32xf32>
    %dot_general3A_905 = arith.constant dense<0.000000e+00> : vector<32x256xf32>
    %dot_general3A_906 = tpu.matmul %slice3A_904, %slice3A_900, %dot_general3A_905 {dimension_numbers = #tpu.dot_dimension_numbers<[1], [0], [0], [1], [0, 0, 1, 1], [], []>, transpose_lhs_hint = false} : vector<32x32xf32>, vector<32x256xf32>, vector<32x256xf32> -> vector<32x256xf32>
    %add3A_907 = arith.addf %dot_general3A_903, %dot_general3A_906 : vector<32x256xf32>
    %swap3A_908 = arith.constant 0 : index
    %swap3A_909 = arith.constant 0 : index
    %swap3A_910 = arith.constant 54 : index
    %swap3A_911 = arith.constant 0 : index
    %swap3A_912 = vector.load %arg11[%swap3A_908, %swap3A_909, %swap3A_910, %swap3A_911] : memref<1x32x128x256xf32, #tpu.memory_space<vmem>>, vector<1x32x1x256xf32>
    %swap3A_913 = vector.shape_cast %swap3A_912 : vector<1x32x1x256xf32> to vector<32x256xf32>
    %swap3A_914 = vector.shape_cast %add3A_907 : vector<32x256xf32> to vector<1x32x1x256xf32>
    tpu.vector_store %arg11[%swap3A_908, %swap3A_909, %swap3A_910, %swap3A_911], %swap3A_914 {strides = array<i32>} : memref<1x32x128x256xf32, #tpu.memory_space<vmem>>, vector<1x32x1x256xf32>,
    %slice3A_915 = vector.extract_strided_slice %convert_element_type3A_14 {offsets = [1760, 0], sizes = [32, 256], strides = [1, 1]} : vector<4096x256xf32> to vector<32x256xf32>
    %slice3A_916 = vector.extract_strided_slice %transpose3A {offsets = [0, 1760], sizes = [32, 32], strides = [1, 1]} : vector<32x4096xf32> to vector<32x32xf32>
    %dot_general3A_917 = arith.constant dense<0.000000e+00> : vector<32x256xf32>
    %dot_general3A_918 = tpu.matmul %slice3A_916, %slice3A_915, %dot_general3A_917 {dimension_numbers = #tpu.dot_dimension_numbers<[1], [0], [0], [1], [0, 0, 1, 1], [], []>, transpose_lhs_hint = false} : vector<32x32xf32>, vector<32x256xf32>, vector<32x256xf32> -> vector<32x256xf32>
    %slice3A_919 = vector.extract_strided_slice %transpose3A_91 {offsets = [0, 1760], sizes = [32, 32], strides = [1, 1]} : vector<32x4096xf32> to vector<32x32xf32>
    %dot_general3A_920 = arith.constant dense<0.000000e+00> : vector<32x256xf32>
    %dot_general3A_921 = tpu.matmul %slice3A_919, %slice3A_915, %dot_general3A_920 {dimension_numbers = #tpu.dot_dimension_numbers<[1], [0], [0], [1], [0, 0, 1, 1], [], []>, transpose_lhs_hint = false} : vector<32x32xf32>, vector<32x256xf32>, vector<32x256xf32> -> vector<32x256xf32>
    %add3A_922 = arith.addf %dot_general3A_918, %dot_general3A_921 : vector<32x256xf32>
    %swap3A_923 = arith.constant 0 : index
    %swap3A_924 = arith.constant 0 : index
    %swap3A_925 = arith.constant 55 : index
    %swap3A_926 = arith.constant 0 : index
    %swap3A_927 = vector.load %arg11[%swap3A_923, %swap3A_924, %swap3A_925, %swap3A_926] : memref<1x32x128x256xf32, #tpu.memory_space<vmem>>, vector<1x32x1x256xf32>
    %swap3A_928 = vector.shape_cast %swap3A_927 : vector<1x32x1x256xf32> to vector<32x256xf32>
    %swap3A_929 = vector.shape_cast %add3A_922 : vector<32x256xf32> to vector<1x32x1x256xf32>
    tpu.vector_store %arg11[%swap3A_923, %swap3A_924, %swap3A_925, %swap3A_926], %swap3A_929 {strides = array<i32>} : memref<1x32x128x256xf32, #tpu.memory_space<vmem>>, vector<1x32x1x256xf32>,
    %slice3A_930 = vector.extract_strided_slice %convert_element_type3A_14 {offsets = [1792, 0], sizes = [32, 256], strides = [1, 1]} : vector<4096x256xf32> to vector<32x256xf32>
    %slice3A_931 = vector.extract_strided_slice %transpose3A {offsets = [0, 1792], sizes = [32, 32], strides = [1, 1]} : vector<32x4096xf32> to vector<32x32xf32>
    %dot_general3A_932 = arith.constant dense<0.000000e+00> : vector<32x256xf32>
    %dot_general3A_933 = tpu.matmul %slice3A_931, %slice3A_930, %dot_general3A_932 {dimension_numbers = #tpu.dot_dimension_numbers<[1], [0], [0], [1], [0, 0, 1, 1], [], []>, transpose_lhs_hint = false} : vector<32x32xf32>, vector<32x256xf32>, vector<32x256xf32> -> vector<32x256xf32>
    %slice3A_934 = vector.extract_strided_slice %transpose3A_91 {offsets = [0, 1792], sizes = [32, 32], strides = [1, 1]} : vector<32x4096xf32> to vector<32x32xf32>
    %dot_general3A_935 = arith.constant dense<0.000000e+00> : vector<32x256xf32>
    %dot_general3A_936 = tpu.matmul %slice3A_934, %slice3A_930, %dot_general3A_935 {dimension_numbers = #tpu.dot_dimension_numbers<[1], [0], [0], [1], [0, 0, 1, 1], [], []>, transpose_lhs_hint = false} : vector<32x32xf32>, vector<32x256xf32>, vector<32x256xf32> -> vector<32x256xf32>
    %add3A_937 = arith.addf %dot_general3A_933, %dot_general3A_936 : vector<32x256xf32>
    %swap3A_938 = arith.constant 0 : index
    %swap3A_939 = arith.constant 0 : index
    %swap3A_940 = arith.constant 56 : index
    %swap3A_941 = arith.constant 0 : index
    %swap3A_942 = vector.load %arg11[%swap3A_938, %swap3A_939, %swap3A_940, %swap3A_941] : memref<1x32x128x256xf32, #tpu.memory_space<vmem>>, vector<1x32x1x256xf32>
    %swap3A_943 = vector.shape_cast %swap3A_942 : vector<1x32x1x256xf32> to vector<32x256xf32>
    %swap3A_944 = vector.shape_cast %add3A_937 : vector<32x256xf32> to vector<1x32x1x256xf32>
    tpu.vector_store %arg11[%swap3A_938, %swap3A_939, %swap3A_940, %swap3A_941], %swap3A_944 {strides = array<i32>} : memref<1x32x128x256xf32, #tpu.memory_space<vmem>>, vector<1x32x1x256xf32>,
    %slice3A_945 = vector.extract_strided_slice %convert_element_type3A_14 {offsets = [1824, 0], sizes = [32, 256], strides = [1, 1]} : vector<4096x256xf32> to vector<32x256xf32>
    %slice3A_946 = vector.extract_strided_slice %transpose3A {offsets = [0, 1824], sizes = [32, 32], strides = [1, 1]} : vector<32x4096xf32> to vector<32x32xf32>
    %dot_general3A_947 = arith.constant dense<0.000000e+00> : vector<32x256xf32>
    %dot_general3A_948 = tpu.matmul %slice3A_946, %slice3A_945, %dot_general3A_947 {dimension_numbers = #tpu.dot_dimension_numbers<[1], [0], [0], [1], [0, 0, 1, 1], [], []>, transpose_lhs_hint = false} : vector<32x32xf32>, vector<32x256xf32>, vector<32x256xf32> -> vector<32x256xf32>
    %slice3A_949 = vector.extract_strided_slice %transpose3A_91 {offsets = [0, 1824], sizes = [32, 32], strides = [1, 1]} : vector<32x4096xf32> to vector<32x32xf32>
    %dot_general3A_950 = arith.constant dense<0.000000e+00> : vector<32x256xf32>
    %dot_general3A_951 = tpu.matmul %slice3A_949, %slice3A_945, %dot_general3A_950 {dimension_numbers = #tpu.dot_dimension_numbers<[1], [0], [0], [1], [0, 0, 1, 1], [], []>, transpose_lhs_hint = false} : vector<32x32xf32>, vector<32x256xf32>, vector<32x256xf32> -> vector<32x256xf32>
    %add3A_952 = arith.addf %dot_general3A_948, %dot_general3A_951 : vector<32x256xf32>
    %swap3A_953 = arith.constant 0 : index
    %swap3A_954 = arith.constant 0 : index
    %swap3A_955 = arith.constant 57 : index
    %swap3A_956 = arith.constant 0 : index
    %swap3A_957 = vector.load %arg11[%swap3A_953, %swap3A_954, %swap3A_955, %swap3A_956] : memref<1x32x128x256xf32, #tpu.memory_space<vmem>>, vector<1x32x1x256xf32>
    %swap3A_958 = vector.shape_cast %swap3A_957 : vector<1x32x1x256xf32> to vector<32x256xf32>
    %swap3A_959 = vector.shape_cast %add3A_952 : vector<32x256xf32> to vector<1x32x1x256xf32>
    tpu.vector_store %arg11[%swap3A_953, %swap3A_954, %swap3A_955, %swap3A_956], %swap3A_959 {strides = array<i32>} : memref<1x32x128x256xf32, #tpu.memory_space<vmem>>, vector<1x32x1x256xf32>,
    %slice3A_960 = vector.extract_strided_slice %convert_element_type3A_14 {offsets = [1856, 0], sizes = [32, 256], strides = [1, 1]} : vector<4096x256xf32> to vector<32x256xf32>
    %slice3A_961 = vector.extract_strided_slice %transpose3A {offsets = [0, 1856], sizes = [32, 32], strides = [1, 1]} : vector<32x4096xf32> to vector<32x32xf32>
    %dot_general3A_962 = arith.constant dense<0.000000e+00> : vector<32x256xf32>
    %dot_general3A_963 = tpu.matmul %slice3A_961, %slice3A_960, %dot_general3A_962 {dimension_numbers = #tpu.dot_dimension_numbers<[1], [0], [0], [1], [0, 0, 1, 1], [], []>, transpose_lhs_hint = false} : vector<32x32xf32>, vector<32x256xf32>, vector<32x256xf32> -> vector<32x256xf32>
    %slice3A_964 = vector.extract_strided_slice %transpose3A_91 {offsets = [0, 1856], sizes = [32, 32], strides = [1, 1]} : vector<32x4096xf32> to vector<32x32xf32>
    %dot_general3A_965 = arith.constant dense<0.000000e+00> : vector<32x256xf32>
    %dot_general3A_966 = tpu.matmul %slice3A_964, %slice3A_960, %dot_general3A_965 {dimension_numbers = #tpu.dot_dimension_numbers<[1], [0], [0], [1], [0, 0, 1, 1], [], []>, transpose_lhs_hint = false} : vector<32x32xf32>, vector<32x256xf32>, vector<32x256xf32> -> vector<32x256xf32>
    %add3A_967 = arith.addf %dot_general3A_963, %dot_general3A_966 : vector<32x256xf32>
    %swap3A_968 = arith.constant 0 : index
    %swap3A_969 = arith.constant 0 : index
    %swap3A_970 = arith.constant 58 : index
    %swap3A_971 = arith.constant 0 : index
    %swap3A_972 = vector.load %arg11[%swap3A_968, %swap3A_969, %swap3A_970, %swap3A_971] : memref<1x32x128x256xf32, #tpu.memory_space<vmem>>, vector<1x32x1x256xf32>
    %swap3A_973 = vector.shape_cast %swap3A_972 : vector<1x32x1x256xf32> to vector<32x256xf32>
    %swap3A_974 = vector.shape_cast %add3A_967 : vector<32x256xf32> to vector<1x32x1x256xf32>
    tpu.vector_store %arg11[%swap3A_968, %swap3A_969, %swap3A_970, %swap3A_971], %swap3A_974 {strides = array<i32>} : memref<1x32x128x256xf32, #tpu.memory_space<vmem>>, vector<1x32x1x256xf32>,
    %slice3A_975 = vector.extract_strided_slice %convert_element_type3A_14 {offsets = [1888, 0], sizes = [32, 256], strides = [1, 1]} : vector<4096x256xf32> to vector<32x256xf32>
    %slice3A_976 = vector.extract_strided_slice %transpose3A {offsets = [0, 1888], sizes = [32, 32], strides = [1, 1]} : vector<32x4096xf32> to vector<32x32xf32>
    %dot_general3A_977 = arith.constant dense<0.000000e+00> : vector<32x256xf32>
    %dot_general3A_978 = tpu.matmul %slice3A_976, %slice3A_975, %dot_general3A_977 {dimension_numbers = #tpu.dot_dimension_numbers<[1], [0], [0], [1], [0, 0, 1, 1], [], []>, transpose_lhs_hint = false} : vector<32x32xf32>, vector<32x256xf32>, vector<32x256xf32> -> vector<32x256xf32>
    %slice3A_979 = vector.extract_strided_slice %transpose3A_91 {offsets = [0, 1888], sizes = [32, 32], strides = [1, 1]} : vector<32x4096xf32> to vector<32x32xf32>
    %dot_general3A_980 = arith.constant dense<0.000000e+00> : vector<32x256xf32>
    %dot_general3A_981 = tpu.matmul %slice3A_979, %slice3A_975, %dot_general3A_980 {dimension_numbers = #tpu.dot_dimension_numbers<[1], [0], [0], [1], [0, 0, 1, 1], [], []>, transpose_lhs_hint = false} : vector<32x32xf32>, vector<32x256xf32>, vector<32x256xf32> -> vector<32x256xf32>
    %add3A_982 = arith.addf %dot_general3A_978, %dot_general3A_981 : vector<32x256xf32>
    %swap3A_983 = arith.constant 0 : index
    %swap3A_984 = arith.constant 0 : index
    %swap3A_985 = arith.constant 59 : index
    %swap3A_986 = arith.constant 0 : index
    %swap3A_987 = vector.load %arg11[%swap3A_983, %swap3A_984, %swap3A_985, %swap3A_986] : memref<1x32x128x256xf32, #tpu.memory_space<vmem>>, vector<1x32x1x256xf32>
    %swap3A_988 = vector.shape_cast %swap3A_987 : vector<1x32x1x256xf32> to vector<32x256xf32>
    %swap3A_989 = vector.shape_cast %add3A_982 : vector<32x256xf32> to vector<1x32x1x256xf32>
    tpu.vector_store %arg11[%swap3A_983, %swap3A_984, %swap3A_985, %swap3A_986], %swap3A_989 {strides = array<i32>} : memref<1x32x128x256xf32, #tpu.memory_space<vmem>>, vector<1x32x1x256xf32>,
    %slice3A_990 = vector.extract_strided_slice %convert_element_type3A_14 {offsets = [1920, 0], sizes = [32, 256], strides = [1, 1]} : vector<4096x256xf32> to vector<32x256xf32>
    %slice3A_991 = vector.extract_strided_slice %transpose3A {offsets = [0, 1920], sizes = [32, 32], strides = [1, 1]} : vector<32x4096xf32> to vector<32x32xf32>
    %dot_general3A_992 = arith.constant dense<0.000000e+00> : vector<32x256xf32>
    %dot_general3A_993 = tpu.matmul %slice3A_991, %slice3A_990, %dot_general3A_992 {dimension_numbers = #tpu.dot_dimension_numbers<[1], [0], [0], [1], [0, 0, 1, 1], [], []>, transpose_lhs_hint = false} : vector<32x32xf32>, vector<32x256xf32>, vector<32x256xf32> -> vector<32x256xf32>
    %slice3A_994 = vector.extract_strided_slice %transpose3A_91 {offsets = [0, 1920], sizes = [32, 32], strides = [1, 1]} : vector<32x4096xf32> to vector<32x32xf32>
    %dot_general3A_995 = arith.constant dense<0.000000e+00> : vector<32x256xf32>
    %dot_general3A_996 = tpu.matmul %slice3A_994, %slice3A_990, %dot_general3A_995 {dimension_numbers = #tpu.dot_dimension_numbers<[1], [0], [0], [1], [0, 0, 1, 1], [], []>, transpose_lhs_hint = false} : vector<32x32xf32>, vector<32x256xf32>, vector<32x256xf32> -> vector<32x256xf32>
    %add3A_997 = arith.addf %dot_general3A_993, %dot_general3A_996 : vector<32x256xf32>
    %swap3A_998 = arith.constant 0 : index
    %swap3A_999 = arith.constant 0 : index
    %swap3A_1000 = arith.constant 60 : index
    %swap3A_1001 = arith.constant 0 : index
    %swap3A_1002 = vector.load %arg11[%swap3A_998, %swap3A_999, %swap3A_1000, %swap3A_1001] : memref<1x32x128x256xf32, #tpu.memory_space<vmem>>, vector<1x32x1x256xf32>
    %swap3A_1003 = vector.shape_cast %swap3A_1002 : vector<1x32x1x256xf32> to vector<32x256xf32>
    %swap3A_1004 = vector.shape_cast %add3A_997 : vector<32x256xf32> to vector<1x32x1x256xf32>
    tpu.vector_store %arg11[%swap3A_998, %swap3A_999, %swap3A_1000, %swap3A_1001], %swap3A_1004 {strides = array<i32>} : memref<1x32x128x256xf32, #tpu.memory_space<vmem>>, vector<1x32x1x256xf32>,
    %slice3A_1005 = vector.extract_strided_slice %convert_element_type3A_14 {offsets = [1952, 0], sizes = [32, 256], strides = [1, 1]} : vector<4096x256xf32> to vector<32x256xf32>
    %slice3A_1006 = vector.extract_strided_slice %transpose3A {offsets = [0, 1952], sizes = [32, 32], strides = [1, 1]} : vector<32x4096xf32> to vector<32x32xf32>
    %dot_general3A_1007 = arith.constant dense<0.000000e+00> : vector<32x256xf32>
    %dot_general3A_1008 = tpu.matmul %slice3A_1006, %slice3A_1005, %dot_general3A_1007 {dimension_numbers = #tpu.dot_dimension_numbers<[1], [0], [0], [1], [0, 0, 1, 1], [], []>, transpose_lhs_hint = false} : vector<32x32xf32>, vector<32x256xf32>, vector<32x256xf32> -> vector<32x256xf32>
    %slice3A_1009 = vector.extract_strided_slice %transpose3A_91 {offsets = [0, 1952], sizes = [32, 32], strides = [1, 1]} : vector<32x4096xf32> to vector<32x32xf32>
    %dot_general3A_1010 = arith.constant dense<0.000000e+00> : vector<32x256xf32>
    %dot_general3A_1011 = tpu.matmul %slice3A_1009, %slice3A_1005, %dot_general3A_1010 {dimension_numbers = #tpu.dot_dimension_numbers<[1], [0], [0], [1], [0, 0, 1, 1], [], []>, transpose_lhs_hint = false} : vector<32x32xf32>, vector<32x256xf32>, vector<32x256xf32> -> vector<32x256xf32>
    %add3A_1012 = arith.addf %dot_general3A_1008, %dot_general3A_1011 : vector<32x256xf32>
    %swap3A_1013 = arith.constant 0 : index
    %swap3A_1014 = arith.constant 0 : index
    %swap3A_1015 = arith.constant 61 : index
    %swap3A_1016 = arith.constant 0 : index
    %swap3A_1017 = vector.load %arg11[%swap3A_1013, %swap3A_1014, %swap3A_1015, %swap3A_1016] : memref<1x32x128x256xf32, #tpu.memory_space<vmem>>, vector<1x32x1x256xf32>
    %swap3A_1018 = vector.shape_cast %swap3A_1017 : vector<1x32x1x256xf32> to vector<32x256xf32>
    %swap3A_1019 = vector.shape_cast %add3A_1012 : vector<32x256xf32> to vector<1x32x1x256xf32>
    tpu.vector_store %arg11[%swap3A_1013, %swap3A_1014, %swap3A_1015, %swap3A_1016], %swap3A_1019 {strides = array<i32>} : memref<1x32x128x256xf32, #tpu.memory_space<vmem>>, vector<1x32x1x256xf32>,
    %slice3A_1020 = vector.extract_strided_slice %convert_element_type3A_14 {offsets = [1984, 0], sizes = [32, 256], strides = [1, 1]} : vector<4096x256xf32> to vector<32x256xf32>
    %slice3A_1021 = vector.extract_strided_slice %transpose3A {offsets = [0, 1984], sizes = [32, 32], strides = [1, 1]} : vector<32x4096xf32> to vector<32x32xf32>
    %dot_general3A_1022 = arith.constant dense<0.000000e+00> : vector<32x256xf32>
    %dot_general3A_1023 = tpu.matmul %slice3A_1021, %slice3A_1020, %dot_general3A_1022 {dimension_numbers = #tpu.dot_dimension_numbers<[1], [0], [0], [1], [0, 0, 1, 1], [], []>, transpose_lhs_hint = false} : vector<32x32xf32>, vector<32x256xf32>, vector<32x256xf32> -> vector<32x256xf32>
    %slice3A_1024 = vector.extract_strided_slice %transpose3A_91 {offsets = [0, 1984], sizes = [32, 32], strides = [1, 1]} : vector<32x4096xf32> to vector<32x32xf32>
    %dot_general3A_1025 = arith.constant dense<0.000000e+00> : vector<32x256xf32>
    %dot_general3A_1026 = tpu.matmul %slice3A_1024, %slice3A_1020, %dot_general3A_1025 {dimension_numbers = #tpu.dot_dimension_numbers<[1], [0], [0], [1], [0, 0, 1, 1], [], []>, transpose_lhs_hint = false} : vector<32x32xf32>, vector<32x256xf32>, vector<32x256xf32> -> vector<32x256xf32>
    %add3A_1027 = arith.addf %dot_general3A_1023, %dot_general3A_1026 : vector<32x256xf32>
    %swap3A_1028 = arith.constant 0 : index
    %swap3A_1029 = arith.constant 0 : index
    %swap3A_1030 = arith.constant 62 : index
    %swap3A_1031 = arith.constant 0 : index
    %swap3A_1032 = vector.load %arg11[%swap3A_1028, %swap3A_1029, %swap3A_1030, %swap3A_1031] : memref<1x32x128x256xf32, #tpu.memory_space<vmem>>, vector<1x32x1x256xf32>
    %swap3A_1033 = vector.shape_cast %swap3A_1032 : vector<1x32x1x256xf32> to vector<32x256xf32>
    %swap3A_1034 = vector.shape_cast %add3A_1027 : vector<32x256xf32> to vector<1x32x1x256xf32>
    tpu.vector_store %arg11[%swap3A_1028, %swap3A_1029, %swap3A_1030, %swap3A_1031], %swap3A_1034 {strides = array<i32>} : memref<1x32x128x256xf32, #tpu.memory_space<vmem>>, vector<1x32x1x256xf32>,
    %slice3A_1035 = vector.extract_strided_slice %convert_element_type3A_14 {offsets = [2016, 0], sizes = [32, 256], strides = [1, 1]} : vector<4096x256xf32> to vector<32x256xf32>
    %slice3A_1036 = vector.extract_strided_slice %transpose3A {offsets = [0, 2016], sizes = [32, 32], strides = [1, 1]} : vector<32x4096xf32> to vector<32x32xf32>
    %dot_general3A_1037 = arith.constant dense<0.000000e+00> : vector<32x256xf32>
    %dot_general3A_1038 = tpu.matmul %slice3A_1036, %slice3A_1035, %dot_general3A_1037 {dimension_numbers = #tpu.dot_dimension_numbers<[1], [0], [0], [1], [0, 0, 1, 1], [], []>, transpose_lhs_hint = false} : vector<32x32xf32>, vector<32x256xf32>, vector<32x256xf32> -> vector<32x256xf32>
    %slice3A_1039 = vector.extract_strided_slice %transpose3A_91 {offsets = [0, 2016], sizes = [32, 32], strides = [1, 1]} : vector<32x4096xf32> to vector<32x32xf32>
    %dot_general3A_1040 = arith.constant dense<0.000000e+00> : vector<32x256xf32>
    %dot_general3A_1041 = tpu.matmul %slice3A_1039, %slice3A_1035, %dot_general3A_1040 {dimension_numbers = #tpu.dot_dimension_numbers<[1], [0], [0], [1], [0, 0, 1, 1], [], []>, transpose_lhs_hint = false} : vector<32x32xf32>, vector<32x256xf32>, vector<32x256xf32> -> vector<32x256xf32>
    %add3A_1042 = arith.addf %dot_general3A_1038, %dot_general3A_1041 : vector<32x256xf32>
    %swap3A_1043 = arith.constant 0 : index
    %swap3A_1044 = arith.constant 0 : index
    %swap3A_1045 = arith.constant 63 : index
    %swap3A_1046 = arith.constant 0 : index
    %swap3A_1047 = vector.load %arg11[%swap3A_1043, %swap3A_1044, %swap3A_1045, %swap3A_1046] : memref<1x32x128x256xf32, #tpu.memory_space<vmem>>, vector<1x32x1x256xf32>
    %swap3A_1048 = vector.shape_cast %swap3A_1047 : vector<1x32x1x256xf32> to vector<32x256xf32>
    %swap3A_1049 = vector.shape_cast %add3A_1042 : vector<32x256xf32> to vector<1x32x1x256xf32>
    tpu.vector_store %arg11[%swap3A_1043, %swap3A_1044, %swap3A_1045, %swap3A_1046], %swap3A_1049 {strides = array<i32>} : memref<1x32x128x256xf32, #tpu.memory_space<vmem>>, vector<1x32x1x256xf32>,
    %slice3A_1050 = vector.extract_strided_slice %convert_element_type3A_14 {offsets = [2048, 0], sizes = [32, 256], strides = [1, 1]} : vector<4096x256xf32> to vector<32x256xf32>
    %slice3A_1051 = vector.extract_strided_slice %transpose3A {offsets = [0, 2048], sizes = [32, 32], strides = [1, 1]} : vector<32x4096xf32> to vector<32x32xf32>
    %dot_general3A_1052 = arith.constant dense<0.000000e+00> : vector<32x256xf32>
    %dot_general3A_1053 = tpu.matmul %slice3A_1051, %slice3A_1050, %dot_general3A_1052 {dimension_numbers = #tpu.dot_dimension_numbers<[1], [0], [0], [1], [0, 0, 1, 1], [], []>, transpose_lhs_hint = false} : vector<32x32xf32>, vector<32x256xf32>, vector<32x256xf32> -> vector<32x256xf32>
    %slice3A_1054 = vector.extract_strided_slice %transpose3A_91 {offsets = [0, 2048], sizes = [32, 32], strides = [1, 1]} : vector<32x4096xf32> to vector<32x32xf32>
    %dot_general3A_1055 = arith.constant dense<0.000000e+00> : vector<32x256xf32>
    %dot_general3A_1056 = tpu.matmul %slice3A_1054, %slice3A_1050, %dot_general3A_1055 {dimension_numbers = #tpu.dot_dimension_numbers<[1], [0], [0], [1], [0, 0, 1, 1], [], []>, transpose_lhs_hint = false} : vector<32x32xf32>, vector<32x256xf32>, vector<32x256xf32> -> vector<32x256xf32>
    %add3A_1057 = arith.addf %dot_general3A_1053, %dot_general3A_1056 : vector<32x256xf32>
    %swap3A_1058 = arith.constant 0 : index
    %swap3A_1059 = arith.constant 0 : index
    %swap3A_1060 = arith.constant 64 : index
    %swap3A_1061 = arith.constant 0 : index
    %swap3A_1062 = vector.load %arg11[%swap3A_1058, %swap3A_1059, %swap3A_1060, %swap3A_1061] : memref<1x32x128x256xf32, #tpu.memory_space<vmem>>, vector<1x32x1x256xf32>
    %swap3A_1063 = vector.shape_cast %swap3A_1062 : vector<1x32x1x256xf32> to vector<32x256xf32>
    %swap3A_1064 = vector.shape_cast %add3A_1057 : vector<32x256xf32> to vector<1x32x1x256xf32>
    tpu.vector_store %arg11[%swap3A_1058, %swap3A_1059, %swap3A_1060, %swap3A_1061], %swap3A_1064 {strides = array<i32>} : memref<1x32x128x256xf32, #tpu.memory_space<vmem>>, vector<1x32x1x256xf32>,
    %slice3A_1065 = vector.extract_strided_slice %convert_element_type3A_14 {offsets = [2080, 0], sizes = [32, 256], strides = [1, 1]} : vector<4096x256xf32> to vector<32x256xf32>
    %slice3A_1066 = vector.extract_strided_slice %transpose3A {offsets = [0, 2080], sizes = [32, 32], strides = [1, 1]} : vector<32x4096xf32> to vector<32x32xf32>
    %dot_general3A_1067 = arith.constant dense<0.000000e+00> : vector<32x256xf32>
    %dot_general3A_1068 = tpu.matmul %slice3A_1066, %slice3A_1065, %dot_general3A_1067 {dimension_numbers = #tpu.dot_dimension_numbers<[1], [0], [0], [1], [0, 0, 1, 1], [], []>, transpose_lhs_hint = false} : vector<32x32xf32>, vector<32x256xf32>, vector<32x256xf32> -> vector<32x256xf32>
    %slice3A_1069 = vector.extract_strided_slice %transpose3A_91 {offsets = [0, 2080], sizes = [32, 32], strides = [1, 1]} : vector<32x4096xf32> to vector<32x32xf32>
    %dot_general3A_1070 = arith.constant dense<0.000000e+00> : vector<32x256xf32>
    %dot_general3A_1071 = tpu.matmul %slice3A_1069, %slice3A_1065, %dot_general3A_1070 {dimension_numbers = #tpu.dot_dimension_numbers<[1], [0], [0], [1], [0, 0, 1, 1], [], []>, transpose_lhs_hint = false} : vector<32x32xf32>, vector<32x256xf32>, vector<32x256xf32> -> vector<32x256xf32>
    %add3A_1072 = arith.addf %dot_general3A_1068, %dot_general3A_1071 : vector<32x256xf32>
    %swap3A_1073 = arith.constant 0 : index
    %swap3A_1074 = arith.constant 0 : index
    %swap3A_1075 = arith.constant 65 : index
    %swap3A_1076 = arith.constant 0 : index
    %swap3A_1077 = vector.load %arg11[%swap3A_1073, %swap3A_1074, %swap3A_1075, %swap3A_1076] : memref<1x32x128x256xf32, #tpu.memory_space<vmem>>, vector<1x32x1x256xf32>
    %swap3A_1078 = vector.shape_cast %swap3A_1077 : vector<1x32x1x256xf32> to vector<32x256xf32>
    %swap3A_1079 = vector.shape_cast %add3A_1072 : vector<32x256xf32> to vector<1x32x1x256xf32>
    tpu.vector_store %arg11[%swap3A_1073, %swap3A_1074, %swap3A_1075, %swap3A_1076], %swap3A_1079 {strides = array<i32>} : memref<1x32x128x256xf32, #tpu.memory_space<vmem>>, vector<1x32x1x256xf32>,
    %slice3A_1080 = vector.extract_strided_slice %convert_element_type3A_14 {offsets = [2112, 0], sizes = [32, 256], strides = [1, 1]} : vector<4096x256xf32> to vector<32x256xf32>
    %slice3A_1081 = vector.extract_strided_slice %transpose3A {offsets = [0, 2112], sizes = [32, 32], strides = [1, 1]} : vector<32x4096xf32> to vector<32x32xf32>
    %dot_general3A_1082 = arith.constant dense<0.000000e+00> : vector<32x256xf32>
    %dot_general3A_1083 = tpu.matmul %slice3A_1081, %slice3A_1080, %dot_general3A_1082 {dimension_numbers = #tpu.dot_dimension_numbers<[1], [0], [0], [1], [0, 0, 1, 1], [], []>, transpose_lhs_hint = false} : vector<32x32xf32>, vector<32x256xf32>, vector<32x256xf32> -> vector<32x256xf32>
    %slice3A_1084 = vector.extract_strided_slice %transpose3A_91 {offsets = [0, 2112], sizes = [32, 32], strides = [1, 1]} : vector<32x4096xf32> to vector<32x32xf32>
    %dot_general3A_1085 = arith.constant dense<0.000000e+00> : vector<32x256xf32>
    %dot_general3A_1086 = tpu.matmul %slice3A_1084, %slice3A_1080, %dot_general3A_1085 {dimension_numbers = #tpu.dot_dimension_numbers<[1], [0], [0], [1], [0, 0, 1, 1], [], []>, transpose_lhs_hint = false} : vector<32x32xf32>, vector<32x256xf32>, vector<32x256xf32> -> vector<32x256xf32>
    %add3A_1087 = arith.addf %dot_general3A_1083, %dot_general3A_1086 : vector<32x256xf32>
    %swap3A_1088 = arith.constant 0 : index
    %swap3A_1089 = arith.constant 0 : index
    %swap3A_1090 = arith.constant 66 : index
    %swap3A_1091 = arith.constant 0 : index
    %swap3A_1092 = vector.load %arg11[%swap3A_1088, %swap3A_1089, %swap3A_1090, %swap3A_1091] : memref<1x32x128x256xf32, #tpu.memory_space<vmem>>, vector<1x32x1x256xf32>
    %swap3A_1093 = vector.shape_cast %swap3A_1092 : vector<1x32x1x256xf32> to vector<32x256xf32>
    %swap3A_1094 = vector.shape_cast %add3A_1087 : vector<32x256xf32> to vector<1x32x1x256xf32>
    tpu.vector_store %arg11[%swap3A_1088, %swap3A_1089, %swap3A_1090, %swap3A_1091], %swap3A_1094 {strides = array<i32>} : memref<1x32x128x256xf32, #tpu.memory_space<vmem>>, vector<1x32x1x256xf32>,
    %slice3A_1095 = vector.extract_strided_slice %convert_element_type3A_14 {offsets = [2144, 0], sizes = [32, 256], strides = [1, 1]} : vector<4096x256xf32> to vector<32x256xf32>
    %slice3A_1096 = vector.extract_strided_slice %transpose3A {offsets = [0, 2144], sizes = [32, 32], strides = [1, 1]} : vector<32x4096xf32> to vector<32x32xf32>
    %dot_general3A_1097 = arith.constant dense<0.000000e+00> : vector<32x256xf32>
    %dot_general3A_1098 = tpu.matmul %slice3A_1096, %slice3A_1095, %dot_general3A_1097 {dimension_numbers = #tpu.dot_dimension_numbers<[1], [0], [0], [1], [0, 0, 1, 1], [], []>, transpose_lhs_hint = false} : vector<32x32xf32>, vector<32x256xf32>, vector<32x256xf32> -> vector<32x256xf32>
    %slice3A_1099 = vector.extract_strided_slice %transpose3A_91 {offsets = [0, 2144], sizes = [32, 32], strides = [1, 1]} : vector<32x4096xf32> to vector<32x32xf32>
    %dot_general3A_1100 = arith.constant dense<0.000000e+00> : vector<32x256xf32>
    %dot_general3A_1101 = tpu.matmul %slice3A_1099, %slice3A_1095, %dot_general3A_1100 {dimension_numbers = #tpu.dot_dimension_numbers<[1], [0], [0], [1], [0, 0, 1, 1], [], []>, transpose_lhs_hint = false} : vector<32x32xf32>, vector<32x256xf32>, vector<32x256xf32> -> vector<32x256xf32>
    %add3A_1102 = arith.addf %dot_general3A_1098, %dot_general3A_1101 : vector<32x256xf32>
    %swap3A_1103 = arith.constant 0 : index
    %swap3A_1104 = arith.constant 0 : index
    %swap3A_1105 = arith.constant 67 : index
    %swap3A_1106 = arith.constant 0 : index
    %swap3A_1107 = vector.load %arg11[%swap3A_1103, %swap3A_1104, %swap3A_1105, %swap3A_1106] : memref<1x32x128x256xf32, #tpu.memory_space<vmem>>, vector<1x32x1x256xf32>
    %swap3A_1108 = vector.shape_cast %swap3A_1107 : vector<1x32x1x256xf32> to vector<32x256xf32>
    %swap3A_1109 = vector.shape_cast %add3A_1102 : vector<32x256xf32> to vector<1x32x1x256xf32>
    tpu.vector_store %arg11[%swap3A_1103, %swap3A_1104, %swap3A_1105, %swap3A_1106], %swap3A_1109 {strides = array<i32>} : memref<1x32x128x256xf32, #tpu.memory_space<vmem>>, vector<1x32x1x256xf32>,
    %slice3A_1110 = vector.extract_strided_slice %convert_element_type3A_14 {offsets = [2176, 0], sizes = [32, 256], strides = [1, 1]} : vector<4096x256xf32> to vector<32x256xf32>
    %slice3A_1111 = vector.extract_strided_slice %transpose3A {offsets = [0, 2176], sizes = [32, 32], strides = [1, 1]} : vector<32x4096xf32> to vector<32x32xf32>
    %dot_general3A_1112 = arith.constant dense<0.000000e+00> : vector<32x256xf32>
    %dot_general3A_1113 = tpu.matmul %slice3A_1111, %slice3A_1110, %dot_general3A_1112 {dimension_numbers = #tpu.dot_dimension_numbers<[1], [0], [0], [1], [0, 0, 1, 1], [], []>, transpose_lhs_hint = false} : vector<32x32xf32>, vector<32x256xf32>, vector<32x256xf32> -> vector<32x256xf32>
    %slice3A_1114 = vector.extract_strided_slice %transpose3A_91 {offsets = [0, 2176], sizes = [32, 32], strides = [1, 1]} : vector<32x4096xf32> to vector<32x32xf32>
    %dot_general3A_1115 = arith.constant dense<0.000000e+00> : vector<32x256xf32>
    %dot_general3A_1116 = tpu.matmul %slice3A_1114, %slice3A_1110, %dot_general3A_1115 {dimension_numbers = #tpu.dot_dimension_numbers<[1], [0], [0], [1], [0, 0, 1, 1], [], []>, transpose_lhs_hint = false} : vector<32x32xf32>, vector<32x256xf32>, vector<32x256xf32> -> vector<32x256xf32>
    %add3A_1117 = arith.addf %dot_general3A_1113, %dot_general3A_1116 : vector<32x256xf32>
    %swap3A_1118 = arith.constant 0 : index
    %swap3A_1119 = arith.constant 0 : index
    %swap3A_1120 = arith.constant 68 : index
    %swap3A_1121 = arith.constant 0 : index
    %swap3A_1122 = vector.load %arg11[%swap3A_1118, %swap3A_1119, %swap3A_1120, %swap3A_1121] : memref<1x32x128x256xf32, #tpu.memory_space<vmem>>, vector<1x32x1x256xf32>
    %swap3A_1123 = vector.shape_cast %swap3A_1122 : vector<1x32x1x256xf32> to vector<32x256xf32>
    %swap3A_1124 = vector.shape_cast %add3A_1117 : vector<32x256xf32> to vector<1x32x1x256xf32>
    tpu.vector_store %arg11[%swap3A_1118, %swap3A_1119, %swap3A_1120, %swap3A_1121], %swap3A_1124 {strides = array<i32>} : memref<1x32x128x256xf32, #tpu.memory_space<vmem>>, vector<1x32x1x256xf32>,
    %slice3A_1125 = vector.extract_strided_slice %convert_element_type3A_14 {offsets = [2208, 0], sizes = [32, 256], strides = [1, 1]} : vector<4096x256xf32> to vector<32x256xf32>
    %slice3A_1126 = vector.extract_strided_slice %transpose3A {offsets = [0, 2208], sizes = [32, 32], strides = [1, 1]} : vector<32x4096xf32> to vector<32x32xf32>
    %dot_general3A_1127 = arith.constant dense<0.000000e+00> : vector<32x256xf32>
    %dot_general3A_1128 = tpu.matmul %slice3A_1126, %slice3A_1125, %dot_general3A_1127 {dimension_numbers = #tpu.dot_dimension_numbers<[1], [0], [0], [1], [0, 0, 1, 1], [], []>, transpose_lhs_hint = false} : vector<32x32xf32>, vector<32x256xf32>, vector<32x256xf32> -> vector<32x256xf32>
    %slice3A_1129 = vector.extract_strided_slice %transpose3A_91 {offsets = [0, 2208], sizes = [32, 32], strides = [1, 1]} : vector<32x4096xf32> to vector<32x32xf32>
    %dot_general3A_1130 = arith.constant dense<0.000000e+00> : vector<32x256xf32>
    %dot_general3A_1131 = tpu.matmul %slice3A_1129, %slice3A_1125, %dot_general3A_1130 {dimension_numbers = #tpu.dot_dimension_numbers<[1], [0], [0], [1], [0, 0, 1, 1], [], []>, transpose_lhs_hint = false} : vector<32x32xf32>, vector<32x256xf32>, vector<32x256xf32> -> vector<32x256xf32>
    %add3A_1132 = arith.addf %dot_general3A_1128, %dot_general3A_1131 : vector<32x256xf32>
    %swap3A_1133 = arith.constant 0 : index
    %swap3A_1134 = arith.constant 0 : index
    %swap3A_1135 = arith.constant 69 : index
    %swap3A_1136 = arith.constant 0 : index
    %swap3A_1137 = vector.load %arg11[%swap3A_1133, %swap3A_1134, %swap3A_1135, %swap3A_1136] : memref<1x32x128x256xf32, #tpu.memory_space<vmem>>, vector<1x32x1x256xf32>
    %swap3A_1138 = vector.shape_cast %swap3A_1137 : vector<1x32x1x256xf32> to vector<32x256xf32>
    %swap3A_1139 = vector.shape_cast %add3A_1132 : vector<32x256xf32> to vector<1x32x1x256xf32>
    tpu.vector_store %arg11[%swap3A_1133, %swap3A_1134, %swap3A_1135, %swap3A_1136], %swap3A_1139 {strides = array<i32>} : memref<1x32x128x256xf32, #tpu.memory_space<vmem>>, vector<1x32x1x256xf32>,
    %slice3A_1140 = vector.extract_strided_slice %convert_element_type3A_14 {offsets = [2240, 0], sizes = [32, 256], strides = [1, 1]} : vector<4096x256xf32> to vector<32x256xf32>
    %slice3A_1141 = vector.extract_strided_slice %transpose3A {offsets = [0, 2240], sizes = [32, 32], strides = [1, 1]} : vector<32x4096xf32> to vector<32x32xf32>
    %dot_general3A_1142 = arith.constant dense<0.000000e+00> : vector<32x256xf32>
    %dot_general3A_1143 = tpu.matmul %slice3A_1141, %slice3A_1140, %dot_general3A_1142 {dimension_numbers = #tpu.dot_dimension_numbers<[1], [0], [0], [1], [0, 0, 1, 1], [], []>, transpose_lhs_hint = false} : vector<32x32xf32>, vector<32x256xf32>, vector<32x256xf32> -> vector<32x256xf32>
    %slice3A_1144 = vector.extract_strided_slice %transpose3A_91 {offsets = [0, 2240], sizes = [32, 32], strides = [1, 1]} : vector<32x4096xf32> to vector<32x32xf32>
    %dot_general3A_1145 = arith.constant dense<0.000000e+00> : vector<32x256xf32>
    %dot_general3A_1146 = tpu.matmul %slice3A_1144, %slice3A_1140, %dot_general3A_1145 {dimension_numbers = #tpu.dot_dimension_numbers<[1], [0], [0], [1], [0, 0, 1, 1], [], []>, transpose_lhs_hint = false} : vector<32x32xf32>, vector<32x256xf32>, vector<32x256xf32> -> vector<32x256xf32>
    %add3A_1147 = arith.addf %dot_general3A_1143, %dot_general3A_1146 : vector<32x256xf32>
    %swap3A_1148 = arith.constant 0 : index
    %swap3A_1149 = arith.constant 0 : index
    %swap3A_1150 = arith.constant 70 : index
    %swap3A_1151 = arith.constant 0 : index
    %swap3A_1152 = vector.load %arg11[%swap3A_1148, %swap3A_1149, %swap3A_1150, %swap3A_1151] : memref<1x32x128x256xf32, #tpu.memory_space<vmem>>, vector<1x32x1x256xf32>
    %swap3A_1153 = vector.shape_cast %swap3A_1152 : vector<1x32x1x256xf32> to vector<32x256xf32>
    %swap3A_1154 = vector.shape_cast %add3A_1147 : vector<32x256xf32> to vector<1x32x1x256xf32>
    tpu.vector_store %arg11[%swap3A_1148, %swap3A_1149, %swap3A_1150, %swap3A_1151], %swap3A_1154 {strides = array<i32>} : memref<1x32x128x256xf32, #tpu.memory_space<vmem>>, vector<1x32x1x256xf32>,
    %slice3A_1155 = vector.extract_strided_slice %convert_element_type3A_14 {offsets = [2272, 0], sizes = [32, 256], strides = [1, 1]} : vector<4096x256xf32> to vector<32x256xf32>
    %slice3A_1156 = vector.extract_strided_slice %transpose3A {offsets = [0, 2272], sizes = [32, 32], strides = [1, 1]} : vector<32x4096xf32> to vector<32x32xf32>
    %dot_general3A_1157 = arith.constant dense<0.000000e+00> : vector<32x256xf32>
    %dot_general3A_1158 = tpu.matmul %slice3A_1156, %slice3A_1155, %dot_general3A_1157 {dimension_numbers = #tpu.dot_dimension_numbers<[1], [0], [0], [1], [0, 0, 1, 1], [], []>, transpose_lhs_hint = false} : vector<32x32xf32>, vector<32x256xf32>, vector<32x256xf32> -> vector<32x256xf32>
    %slice3A_1159 = vector.extract_strided_slice %transpose3A_91 {offsets = [0, 2272], sizes = [32, 32], strides = [1, 1]} : vector<32x4096xf32> to vector<32x32xf32>
    %dot_general3A_1160 = arith.constant dense<0.000000e+00> : vector<32x256xf32>
    %dot_general3A_1161 = tpu.matmul %slice3A_1159, %slice3A_1155, %dot_general3A_1160 {dimension_numbers = #tpu.dot_dimension_numbers<[1], [0], [0], [1], [0, 0, 1, 1], [], []>, transpose_lhs_hint = false} : vector<32x32xf32>, vector<32x256xf32>, vector<32x256xf32> -> vector<32x256xf32>
    %add3A_1162 = arith.addf %dot_general3A_1158, %dot_general3A_1161 : vector<32x256xf32>
    %swap3A_1163 = arith.constant 0 : index
    %swap3A_1164 = arith.constant 0 : index
    %swap3A_1165 = arith.constant 71 : index
    %swap3A_1166 = arith.constant 0 : index
    %swap3A_1167 = vector.load %arg11[%swap3A_1163, %swap3A_1164, %swap3A_1165, %swap3A_1166] : memref<1x32x128x256xf32, #tpu.memory_space<vmem>>, vector<1x32x1x256xf32>
    %swap3A_1168 = vector.shape_cast %swap3A_1167 : vector<1x32x1x256xf32> to vector<32x256xf32>
    %swap3A_1169 = vector.shape_cast %add3A_1162 : vector<32x256xf32> to vector<1x32x1x256xf32>
    tpu.vector_store %arg11[%swap3A_1163, %swap3A_1164, %swap3A_1165, %swap3A_1166], %swap3A_1169 {strides = array<i32>} : memref<1x32x128x256xf32, #tpu.memory_space<vmem>>, vector<1x32x1x256xf32>,
    %slice3A_1170 = vector.extract_strided_slice %convert_element_type3A_14 {offsets = [2304, 0], sizes = [32, 256], strides = [1, 1]} : vector<4096x256xf32> to vector<32x256xf32>
    %slice3A_1171 = vector.extract_strided_slice %transpose3A {offsets = [0, 2304], sizes = [32, 32], strides = [1, 1]} : vector<32x4096xf32> to vector<32x32xf32>
    %dot_general3A_1172 = arith.constant dense<0.000000e+00> : vector<32x256xf32>
    %dot_general3A_1173 = tpu.matmul %slice3A_1171, %slice3A_1170, %dot_general3A_1172 {dimension_numbers = #tpu.dot_dimension_numbers<[1], [0], [0], [1], [0, 0, 1, 1], [], []>, transpose_lhs_hint = false} : vector<32x32xf32>, vector<32x256xf32>, vector<32x256xf32> -> vector<32x256xf32>
    %slice3A_1174 = vector.extract_strided_slice %transpose3A_91 {offsets = [0, 2304], sizes = [32, 32], strides = [1, 1]} : vector<32x4096xf32> to vector<32x32xf32>
    %dot_general3A_1175 = arith.constant dense<0.000000e+00> : vector<32x256xf32>
    %dot_general3A_1176 = tpu.matmul %slice3A_1174, %slice3A_1170, %dot_general3A_1175 {dimension_numbers = #tpu.dot_dimension_numbers<[1], [0], [0], [1], [0, 0, 1, 1], [], []>, transpose_lhs_hint = false} : vector<32x32xf32>, vector<32x256xf32>, vector<32x256xf32> -> vector<32x256xf32>
    %add3A_1177 = arith.addf %dot_general3A_1173, %dot_general3A_1176 : vector<32x256xf32>
    %swap3A_1178 = arith.constant 0 : index
    %swap3A_1179 = arith.constant 0 : index
    %swap3A_1180 = arith.constant 72 : index
    %swap3A_1181 = arith.constant 0 : index
    %swap3A_1182 = vector.load %arg11[%swap3A_1178, %swap3A_1179, %swap3A_1180, %swap3A_1181] : memref<1x32x128x256xf32, #tpu.memory_space<vmem>>, vector<1x32x1x256xf32>
    %swap3A_1183 = vector.shape_cast %swap3A_1182 : vector<1x32x1x256xf32> to vector<32x256xf32>
    %swap3A_1184 = vector.shape_cast %add3A_1177 : vector<32x256xf32> to vector<1x32x1x256xf32>
    tpu.vector_store %arg11[%swap3A_1178, %swap3A_1179, %swap3A_1180, %swap3A_1181], %swap3A_1184 {strides = array<i32>} : memref<1x32x128x256xf32, #tpu.memory_space<vmem>>, vector<1x32x1x256xf32>,
    %slice3A_1185 = vector.extract_strided_slice %convert_element_type3A_14 {offsets = [2336, 0], sizes = [32, 256], strides = [1, 1]} : vector<4096x256xf32> to vector<32x256xf32>
    %slice3A_1186 = vector.extract_strided_slice %transpose3A {offsets = [0, 2336], sizes = [32, 32], strides = [1, 1]} : vector<32x4096xf32> to vector<32x32xf32>
    %dot_general3A_1187 = arith.constant dense<0.000000e+00> : vector<32x256xf32>
    %dot_general3A_1188 = tpu.matmul %slice3A_1186, %slice3A_1185, %dot_general3A_1187 {dimension_numbers = #tpu.dot_dimension_numbers<[1], [0], [0], [1], [0, 0, 1, 1], [], []>, transpose_lhs_hint = false} : vector<32x32xf32>, vector<32x256xf32>, vector<32x256xf32> -> vector<32x256xf32>
    %slice3A_1189 = vector.extract_strided_slice %transpose3A_91 {offsets = [0, 2336], sizes = [32, 32], strides = [1, 1]} : vector<32x4096xf32> to vector<32x32xf32>
    %dot_general3A_1190 = arith.constant dense<0.000000e+00> : vector<32x256xf32>
    %dot_general3A_1191 = tpu.matmul %slice3A_1189, %slice3A_1185, %dot_general3A_1190 {dimension_numbers = #tpu.dot_dimension_numbers<[1], [0], [0], [1], [0, 0, 1, 1], [], []>, transpose_lhs_hint = false} : vector<32x32xf32>, vector<32x256xf32>, vector<32x256xf32> -> vector<32x256xf32>
    %add3A_1192 = arith.addf %dot_general3A_1188, %dot_general3A_1191 : vector<32x256xf32>
    %swap3A_1193 = arith.constant 0 : index
    %swap3A_1194 = arith.constant 0 : index
    %swap3A_1195 = arith.constant 73 : index
    %swap3A_1196 = arith.constant 0 : index
    %swap3A_1197 = vector.load %arg11[%swap3A_1193, %swap3A_1194, %swap3A_1195, %swap3A_1196] : memref<1x32x128x256xf32, #tpu.memory_space<vmem>>, vector<1x32x1x256xf32>
    %swap3A_1198 = vector.shape_cast %swap3A_1197 : vector<1x32x1x256xf32> to vector<32x256xf32>
    %swap3A_1199 = vector.shape_cast %add3A_1192 : vector<32x256xf32> to vector<1x32x1x256xf32>
    tpu.vector_store %arg11[%swap3A_1193, %swap3A_1194, %swap3A_1195, %swap3A_1196], %swap3A_1199 {strides = array<i32>} : memref<1x32x128x256xf32, #tpu.memory_space<vmem>>, vector<1x32x1x256xf32>,
    %slice3A_1200 = vector.extract_strided_slice %convert_element_type3A_14 {offsets = [2368, 0], sizes = [32, 256], strides = [1, 1]} : vector<4096x256xf32> to vector<32x256xf32>
    %slice3A_1201 = vector.extract_strided_slice %transpose3A {offsets = [0, 2368], sizes = [32, 32], strides = [1, 1]} : vector<32x4096xf32> to vector<32x32xf32>
    %dot_general3A_1202 = arith.constant dense<0.000000e+00> : vector<32x256xf32>
    %dot_general3A_1203 = tpu.matmul %slice3A_1201, %slice3A_1200, %dot_general3A_1202 {dimension_numbers = #tpu.dot_dimension_numbers<[1], [0], [0], [1], [0, 0, 1, 1], [], []>, transpose_lhs_hint = false} : vector<32x32xf32>, vector<32x256xf32>, vector<32x256xf32> -> vector<32x256xf32>
    %slice3A_1204 = vector.extract_strided_slice %transpose3A_91 {offsets = [0, 2368], sizes = [32, 32], strides = [1, 1]} : vector<32x4096xf32> to vector<32x32xf32>
    %dot_general3A_1205 = arith.constant dense<0.000000e+00> : vector<32x256xf32>
    %dot_general3A_1206 = tpu.matmul %slice3A_1204, %slice3A_1200, %dot_general3A_1205 {dimension_numbers = #tpu.dot_dimension_numbers<[1], [0], [0], [1], [0, 0, 1, 1], [], []>, transpose_lhs_hint = false} : vector<32x32xf32>, vector<32x256xf32>, vector<32x256xf32> -> vector<32x256xf32>
    %add3A_1207 = arith.addf %dot_general3A_1203, %dot_general3A_1206 : vector<32x256xf32>
    %swap3A_1208 = arith.constant 0 : index
    %swap3A_1209 = arith.constant 0 : index
    %swap3A_1210 = arith.constant 74 : index
    %swap3A_1211 = arith.constant 0 : index
    %swap3A_1212 = vector.load %arg11[%swap3A_1208, %swap3A_1209, %swap3A_1210, %swap3A_1211] : memref<1x32x128x256xf32, #tpu.memory_space<vmem>>, vector<1x32x1x256xf32>
    %swap3A_1213 = vector.shape_cast %swap3A_1212 : vector<1x32x1x256xf32> to vector<32x256xf32>
    %swap3A_1214 = vector.shape_cast %add3A_1207 : vector<32x256xf32> to vector<1x32x1x256xf32>
    tpu.vector_store %arg11[%swap3A_1208, %swap3A_1209, %swap3A_1210, %swap3A_1211], %swap3A_1214 {strides = array<i32>} : memref<1x32x128x256xf32, #tpu.memory_space<vmem>>, vector<1x32x1x256xf32>,
    %slice3A_1215 = vector.extract_strided_slice %convert_element_type3A_14 {offsets = [2400, 0], sizes = [32, 256], strides = [1, 1]} : vector<4096x256xf32> to vector<32x256xf32>
    %slice3A_1216 = vector.extract_strided_slice %transpose3A {offsets = [0, 2400], sizes = [32, 32], strides = [1, 1]} : vector<32x4096xf32> to vector<32x32xf32>
    %dot_general3A_1217 = arith.constant dense<0.000000e+00> : vector<32x256xf32>
    %dot_general3A_1218 = tpu.matmul %slice3A_1216, %slice3A_1215, %dot_general3A_1217 {dimension_numbers = #tpu.dot_dimension_numbers<[1], [0], [0], [1], [0, 0, 1, 1], [], []>, transpose_lhs_hint = false} : vector<32x32xf32>, vector<32x256xf32>, vector<32x256xf32> -> vector<32x256xf32>
    %slice3A_1219 = vector.extract_strided_slice %transpose3A_91 {offsets = [0, 2400], sizes = [32, 32], strides = [1, 1]} : vector<32x4096xf32> to vector<32x32xf32>
    %dot_general3A_1220 = arith.constant dense<0.000000e+00> : vector<32x256xf32>
    %dot_general3A_1221 = tpu.matmul %slice3A_1219, %slice3A_1215, %dot_general3A_1220 {dimension_numbers = #tpu.dot_dimension_numbers<[1], [0], [0], [1], [0, 0, 1, 1], [], []>, transpose_lhs_hint = false} : vector<32x32xf32>, vector<32x256xf32>, vector<32x256xf32> -> vector<32x256xf32>
    %add3A_1222 = arith.addf %dot_general3A_1218, %dot_general3A_1221 : vector<32x256xf32>
    %swap3A_1223 = arith.constant 0 : index
    %swap3A_1224 = arith.constant 0 : index
    %swap3A_1225 = arith.constant 75 : index
    %swap3A_1226 = arith.constant 0 : index
    %swap3A_1227 = vector.load %arg11[%swap3A_1223, %swap3A_1224, %swap3A_1225, %swap3A_1226] : memref<1x32x128x256xf32, #tpu.memory_space<vmem>>, vector<1x32x1x256xf32>
    %swap3A_1228 = vector.shape_cast %swap3A_1227 : vector<1x32x1x256xf32> to vector<32x256xf32>
    %swap3A_1229 = vector.shape_cast %add3A_1222 : vector<32x256xf32> to vector<1x32x1x256xf32>
    tpu.vector_store %arg11[%swap3A_1223, %swap3A_1224, %swap3A_1225, %swap3A_1226], %swap3A_1229 {strides = array<i32>} : memref<1x32x128x256xf32, #tpu.memory_space<vmem>>, vector<1x32x1x256xf32>,
    %slice3A_1230 = vector.extract_strided_slice %convert_element_type3A_14 {offsets = [2432, 0], sizes = [32, 256], strides = [1, 1]} : vector<4096x256xf32> to vector<32x256xf32>
    %slice3A_1231 = vector.extract_strided_slice %transpose3A {offsets = [0, 2432], sizes = [32, 32], strides = [1, 1]} : vector<32x4096xf32> to vector<32x32xf32>
    %dot_general3A_1232 = arith.constant dense<0.000000e+00> : vector<32x256xf32>
    %dot_general3A_1233 = tpu.matmul %slice3A_1231, %slice3A_1230, %dot_general3A_1232 {dimension_numbers = #tpu.dot_dimension_numbers<[1], [0], [0], [1], [0, 0, 1, 1], [], []>, transpose_lhs_hint = false} : vector<32x32xf32>, vector<32x256xf32>, vector<32x256xf32> -> vector<32x256xf32>
    %slice3A_1234 = vector.extract_strided_slice %transpose3A_91 {offsets = [0, 2432], sizes = [32, 32], strides = [1, 1]} : vector<32x4096xf32> to vector<32x32xf32>
    %dot_general3A_1235 = arith.constant dense<0.000000e+00> : vector<32x256xf32>
    %dot_general3A_1236 = tpu.matmul %slice3A_1234, %slice3A_1230, %dot_general3A_1235 {dimension_numbers = #tpu.dot_dimension_numbers<[1], [0], [0], [1], [0, 0, 1, 1], [], []>, transpose_lhs_hint = false} : vector<32x32xf32>, vector<32x256xf32>, vector<32x256xf32> -> vector<32x256xf32>
    %add3A_1237 = arith.addf %dot_general3A_1233, %dot_general3A_1236 : vector<32x256xf32>
    %swap3A_1238 = arith.constant 0 : index
    %swap3A_1239 = arith.constant 0 : index
    %swap3A_1240 = arith.constant 76 : index
    %swap3A_1241 = arith.constant 0 : index
    %swap3A_1242 = vector.load %arg11[%swap3A_1238, %swap3A_1239, %swap3A_1240, %swap3A_1241] : memref<1x32x128x256xf32, #tpu.memory_space<vmem>>, vector<1x32x1x256xf32>
    %swap3A_1243 = vector.shape_cast %swap3A_1242 : vector<1x32x1x256xf32> to vector<32x256xf32>
    %swap3A_1244 = vector.shape_cast %add3A_1237 : vector<32x256xf32> to vector<1x32x1x256xf32>
    tpu.vector_store %arg11[%swap3A_1238, %swap3A_1239, %swap3A_1240, %swap3A_1241], %swap3A_1244 {strides = array<i32>} : memref<1x32x128x256xf32, #tpu.memory_space<vmem>>, vector<1x32x1x256xf32>,
    %slice3A_1245 = vector.extract_strided_slice %convert_element_type3A_14 {offsets = [2464, 0], sizes = [32, 256], strides = [1, 1]} : vector<4096x256xf32> to vector<32x256xf32>
    %slice3A_1246 = vector.extract_strided_slice %transpose3A {offsets = [0, 2464], sizes = [32, 32], strides = [1, 1]} : vector<32x4096xf32> to vector<32x32xf32>
    %dot_general3A_1247 = arith.constant dense<0.000000e+00> : vector<32x256xf32>
    %dot_general3A_1248 = tpu.matmul %slice3A_1246, %slice3A_1245, %dot_general3A_1247 {dimension_numbers = #tpu.dot_dimension_numbers<[1], [0], [0], [1], [0, 0, 1, 1], [], []>, transpose_lhs_hint = false} : vector<32x32xf32>, vector<32x256xf32>, vector<32x256xf32> -> vector<32x256xf32>
    %slice3A_1249 = vector.extract_strided_slice %transpose3A_91 {offsets = [0, 2464], sizes = [32, 32], strides = [1, 1]} : vector<32x4096xf32> to vector<32x32xf32>
    %dot_general3A_1250 = arith.constant dense<0.000000e+00> : vector<32x256xf32>
    %dot_general3A_1251 = tpu.matmul %slice3A_1249, %slice3A_1245, %dot_general3A_1250 {dimension_numbers = #tpu.dot_dimension_numbers<[1], [0], [0], [1], [0, 0, 1, 1], [], []>, transpose_lhs_hint = false} : vector<32x32xf32>, vector<32x256xf32>, vector<32x256xf32> -> vector<32x256xf32>
    %add3A_1252 = arith.addf %dot_general3A_1248, %dot_general3A_1251 : vector<32x256xf32>
    %swap3A_1253 = arith.constant 0 : index
    %swap3A_1254 = arith.constant 0 : index
    %swap3A_1255 = arith.constant 77 : index
    %swap3A_1256 = arith.constant 0 : index
    %swap3A_1257 = vector.load %arg11[%swap3A_1253, %swap3A_1254, %swap3A_1255, %swap3A_1256] : memref<1x32x128x256xf32, #tpu.memory_space<vmem>>, vector<1x32x1x256xf32>
    %swap3A_1258 = vector.shape_cast %swap3A_1257 : vector<1x32x1x256xf32> to vector<32x256xf32>
    %swap3A_1259 = vector.shape_cast %add3A_1252 : vector<32x256xf32> to vector<1x32x1x256xf32>
    tpu.vector_store %arg11[%swap3A_1253, %swap3A_1254, %swap3A_1255, %swap3A_1256], %swap3A_1259 {strides = array<i32>} : memref<1x32x128x256xf32, #tpu.memory_space<vmem>>, vector<1x32x1x256xf32>,
    %slice3A_1260 = vector.extract_strided_slice %convert_element_type3A_14 {offsets = [2496, 0], sizes = [32, 256], strides = [1, 1]} : vector<4096x256xf32> to vector<32x256xf32>
    %slice3A_1261 = vector.extract_strided_slice %transpose3A {offsets = [0, 2496], sizes = [32, 32], strides = [1, 1]} : vector<32x4096xf32> to vector<32x32xf32>
    %dot_general3A_1262 = arith.constant dense<0.000000e+00> : vector<32x256xf32>
    %dot_general3A_1263 = tpu.matmul %slice3A_1261, %slice3A_1260, %dot_general3A_1262 {dimension_numbers = #tpu.dot_dimension_numbers<[1], [0], [0], [1], [0, 0, 1, 1], [], []>, transpose_lhs_hint = false} : vector<32x32xf32>, vector<32x256xf32>, vector<32x256xf32> -> vector<32x256xf32>
    %slice3A_1264 = vector.extract_strided_slice %transpose3A_91 {offsets = [0, 2496], sizes = [32, 32], strides = [1, 1]} : vector<32x4096xf32> to vector<32x32xf32>
    %dot_general3A_1265 = arith.constant dense<0.000000e+00> : vector<32x256xf32>
    %dot_general3A_1266 = tpu.matmul %slice3A_1264, %slice3A_1260, %dot_general3A_1265 {dimension_numbers = #tpu.dot_dimension_numbers<[1], [0], [0], [1], [0, 0, 1, 1], [], []>, transpose_lhs_hint = false} : vector<32x32xf32>, vector<32x256xf32>, vector<32x256xf32> -> vector<32x256xf32>
    %add3A_1267 = arith.addf %dot_general3A_1263, %dot_general3A_1266 : vector<32x256xf32>
    %swap3A_1268 = arith.constant 0 : index
    %swap3A_1269 = arith.constant 0 : index
    %swap3A_1270 = arith.constant 78 : index
    %swap3A_1271 = arith.constant 0 : index
    %swap3A_1272 = vector.load %arg11[%swap3A_1268, %swap3A_1269, %swap3A_1270, %swap3A_1271] : memref<1x32x128x256xf32, #tpu.memory_space<vmem>>, vector<1x32x1x256xf32>
    %swap3A_1273 = vector.shape_cast %swap3A_1272 : vector<1x32x1x256xf32> to vector<32x256xf32>
    %swap3A_1274 = vector.shape_cast %add3A_1267 : vector<32x256xf32> to vector<1x32x1x256xf32>
    tpu.vector_store %arg11[%swap3A_1268, %swap3A_1269, %swap3A_1270, %swap3A_1271], %swap3A_1274 {strides = array<i32>} : memref<1x32x128x256xf32, #tpu.memory_space<vmem>>, vector<1x32x1x256xf32>,
    %slice3A_1275 = vector.extract_strided_slice %convert_element_type3A_14 {offsets = [2528, 0], sizes = [32, 256], strides = [1, 1]} : vector<4096x256xf32> to vector<32x256xf32>
    %slice3A_1276 = vector.extract_strided_slice %transpose3A {offsets = [0, 2528], sizes = [32, 32], strides = [1, 1]} : vector<32x4096xf32> to vector<32x32xf32>
    %dot_general3A_1277 = arith.constant dense<0.000000e+00> : vector<32x256xf32>
    %dot_general3A_1278 = tpu.matmul %slice3A_1276, %slice3A_1275, %dot_general3A_1277 {dimension_numbers = #tpu.dot_dimension_numbers<[1], [0], [0], [1], [0, 0, 1, 1], [], []>, transpose_lhs_hint = false} : vector<32x32xf32>, vector<32x256xf32>, vector<32x256xf32> -> vector<32x256xf32>
    %slice3A_1279 = vector.extract_strided_slice %transpose3A_91 {offsets = [0, 2528], sizes = [32, 32], strides = [1, 1]} : vector<32x4096xf32> to vector<32x32xf32>
    %dot_general3A_1280 = arith.constant dense<0.000000e+00> : vector<32x256xf32>
    %dot_general3A_1281 = tpu.matmul %slice3A_1279, %slice3A_1275, %dot_general3A_1280 {dimension_numbers = #tpu.dot_dimension_numbers<[1], [0], [0], [1], [0, 0, 1, 1], [], []>, transpose_lhs_hint = false} : vector<32x32xf32>, vector<32x256xf32>, vector<32x256xf32> -> vector<32x256xf32>
    %add3A_1282 = arith.addf %dot_general3A_1278, %dot_general3A_1281 : vector<32x256xf32>
    %swap3A_1283 = arith.constant 0 : index
    %swap3A_1284 = arith.constant 0 : index
    %swap3A_1285 = arith.constant 79 : index
    %swap3A_1286 = arith.constant 0 : index
    %swap3A_1287 = vector.load %arg11[%swap3A_1283, %swap3A_1284, %swap3A_1285, %swap3A_1286] : memref<1x32x128x256xf32, #tpu.memory_space<vmem>>, vector<1x32x1x256xf32>
    %swap3A_1288 = vector.shape_cast %swap3A_1287 : vector<1x32x1x256xf32> to vector<32x256xf32>
    %swap3A_1289 = vector.shape_cast %add3A_1282 : vector<32x256xf32> to vector<1x32x1x256xf32>
    tpu.vector_store %arg11[%swap3A_1283, %swap3A_1284, %swap3A_1285, %swap3A_1286], %swap3A_1289 {strides = array<i32>} : memref<1x32x128x256xf32, #tpu.memory_space<vmem>>, vector<1x32x1x256xf32>,
    %slice3A_1290 = vector.extract_strided_slice %convert_element_type3A_14 {offsets = [2560, 0], sizes = [32, 256], strides = [1, 1]} : vector<4096x256xf32> to vector<32x256xf32>
    %slice3A_1291 = vector.extract_strided_slice %transpose3A {offsets = [0, 2560], sizes = [32, 32], strides = [1, 1]} : vector<32x4096xf32> to vector<32x32xf32>
    %dot_general3A_1292 = arith.constant dense<0.000000e+00> : vector<32x256xf32>
    %dot_general3A_1293 = tpu.matmul %slice3A_1291, %slice3A_1290, %dot_general3A_1292 {dimension_numbers = #tpu.dot_dimension_numbers<[1], [0], [0], [1], [0, 0, 1, 1], [], []>, transpose_lhs_hint = false} : vector<32x32xf32>, vector<32x256xf32>, vector<32x256xf32> -> vector<32x256xf32>
    %slice3A_1294 = vector.extract_strided_slice %transpose3A_91 {offsets = [0, 2560], sizes = [32, 32], strides = [1, 1]} : vector<32x4096xf32> to vector<32x32xf32>
    %dot_general3A_1295 = arith.constant dense<0.000000e+00> : vector<32x256xf32>
    %dot_general3A_1296 = tpu.matmul %slice3A_1294, %slice3A_1290, %dot_general3A_1295 {dimension_numbers = #tpu.dot_dimension_numbers<[1], [0], [0], [1], [0, 0, 1, 1], [], []>, transpose_lhs_hint = false} : vector<32x32xf32>, vector<32x256xf32>, vector<32x256xf32> -> vector<32x256xf32>
    %add3A_1297 = arith.addf %dot_general3A_1293, %dot_general3A_1296 : vector<32x256xf32>
    %swap3A_1298 = arith.constant 0 : index
    %swap3A_1299 = arith.constant 0 : index
    %swap3A_1300 = arith.constant 80 : index
    %swap3A_1301 = arith.constant 0 : index
    %swap3A_1302 = vector.load %arg11[%swap3A_1298, %swap3A_1299, %swap3A_1300, %swap3A_1301] : memref<1x32x128x256xf32, #tpu.memory_space<vmem>>, vector<1x32x1x256xf32>
    %swap3A_1303 = vector.shape_cast %swap3A_1302 : vector<1x32x1x256xf32> to vector<32x256xf32>
    %swap3A_1304 = vector.shape_cast %add3A_1297 : vector<32x256xf32> to vector<1x32x1x256xf32>
    tpu.vector_store %arg11[%swap3A_1298, %swap3A_1299, %swap3A_1300, %swap3A_1301], %swap3A_1304 {strides = array<i32>} : memref<1x32x128x256xf32, #tpu.memory_space<vmem>>, vector<1x32x1x256xf32>,
    %slice3A_1305 = vector.extract_strided_slice %convert_element_type3A_14 {offsets = [2592, 0], sizes = [32, 256], strides = [1, 1]} : vector<4096x256xf32> to vector<32x256xf32>
    %slice3A_1306 = vector.extract_strided_slice %transpose3A {offsets = [0, 2592], sizes = [32, 32], strides = [1, 1]} : vector<32x4096xf32> to vector<32x32xf32>
    %dot_general3A_1307 = arith.constant dense<0.000000e+00> : vector<32x256xf32>
    %dot_general3A_1308 = tpu.matmul %slice3A_1306, %slice3A_1305, %dot_general3A_1307 {dimension_numbers = #tpu.dot_dimension_numbers<[1], [0], [0], [1], [0, 0, 1, 1], [], []>, transpose_lhs_hint = false} : vector<32x32xf32>, vector<32x256xf32>, vector<32x256xf32> -> vector<32x256xf32>
    %slice3A_1309 = vector.extract_strided_slice %transpose3A_91 {offsets = [0, 2592], sizes = [32, 32], strides = [1, 1]} : vector<32x4096xf32> to vector<32x32xf32>
    %dot_general3A_1310 = arith.constant dense<0.000000e+00> : vector<32x256xf32>
    %dot_general3A_1311 = tpu.matmul %slice3A_1309, %slice3A_1305, %dot_general3A_1310 {dimension_numbers = #tpu.dot_dimension_numbers<[1], [0], [0], [1], [0, 0, 1, 1], [], []>, transpose_lhs_hint = false} : vector<32x32xf32>, vector<32x256xf32>, vector<32x256xf32> -> vector<32x256xf32>
    %add3A_1312 = arith.addf %dot_general3A_1308, %dot_general3A_1311 : vector<32x256xf32>
    %swap3A_1313 = arith.constant 0 : index
    %swap3A_1314 = arith.constant 0 : index
    %swap3A_1315 = arith.constant 81 : index
    %swap3A_1316 = arith.constant 0 : index
    %swap3A_1317 = vector.load %arg11[%swap3A_1313, %swap3A_1314, %swap3A_1315, %swap3A_1316] : memref<1x32x128x256xf32, #tpu.memory_space<vmem>>, vector<1x32x1x256xf32>
    %swap3A_1318 = vector.shape_cast %swap3A_1317 : vector<1x32x1x256xf32> to vector<32x256xf32>
    %swap3A_1319 = vector.shape_cast %add3A_1312 : vector<32x256xf32> to vector<1x32x1x256xf32>
    tpu.vector_store %arg11[%swap3A_1313, %swap3A_1314, %swap3A_1315, %swap3A_1316], %swap3A_1319 {strides = array<i32>} : memref<1x32x128x256xf32, #tpu.memory_space<vmem>>, vector<1x32x1x256xf32>,
    %slice3A_1320 = vector.extract_strided_slice %convert_element_type3A_14 {offsets = [2624, 0], sizes = [32, 256], strides = [1, 1]} : vector<4096x256xf32> to vector<32x256xf32>
    %slice3A_1321 = vector.extract_strided_slice %transpose3A {offsets = [0, 2624], sizes = [32, 32], strides = [1, 1]} : vector<32x4096xf32> to vector<32x32xf32>
    %dot_general3A_1322 = arith.constant dense<0.000000e+00> : vector<32x256xf32>
    %dot_general3A_1323 = tpu.matmul %slice3A_1321, %slice3A_1320, %dot_general3A_1322 {dimension_numbers = #tpu.dot_dimension_numbers<[1], [0], [0], [1], [0, 0, 1, 1], [], []>, transpose_lhs_hint = false} : vector<32x32xf32>, vector<32x256xf32>, vector<32x256xf32> -> vector<32x256xf32>
    %slice3A_1324 = vector.extract_strided_slice %transpose3A_91 {offsets = [0, 2624], sizes = [32, 32], strides = [1, 1]} : vector<32x4096xf32> to vector<32x32xf32>
    %dot_general3A_1325 = arith.constant dense<0.000000e+00> : vector<32x256xf32>
    %dot_general3A_1326 = tpu.matmul %slice3A_1324, %slice3A_1320, %dot_general3A_1325 {dimension_numbers = #tpu.dot_dimension_numbers<[1], [0], [0], [1], [0, 0, 1, 1], [], []>, transpose_lhs_hint = false} : vector<32x32xf32>, vector<32x256xf32>, vector<32x256xf32> -> vector<32x256xf32>
    %add3A_1327 = arith.addf %dot_general3A_1323, %dot_general3A_1326 : vector<32x256xf32>
    %swap3A_1328 = arith.constant 0 : index
    %swap3A_1329 = arith.constant 0 : index
    %swap3A_1330 = arith.constant 82 : index
    %swap3A_1331 = arith.constant 0 : index
    %swap3A_1332 = vector.load %arg11[%swap3A_1328, %swap3A_1329, %swap3A_1330, %swap3A_1331] : memref<1x32x128x256xf32, #tpu.memory_space<vmem>>, vector<1x32x1x256xf32>
    %swap3A_1333 = vector.shape_cast %swap3A_1332 : vector<1x32x1x256xf32> to vector<32x256xf32>
    %swap3A_1334 = vector.shape_cast %add3A_1327 : vector<32x256xf32> to vector<1x32x1x256xf32>
    tpu.vector_store %arg11[%swap3A_1328, %swap3A_1329, %swap3A_1330, %swap3A_1331], %swap3A_1334 {strides = array<i32>} : memref<1x32x128x256xf32, #tpu.memory_space<vmem>>, vector<1x32x1x256xf32>,
    %slice3A_1335 = vector.extract_strided_slice %convert_element_type3A_14 {offsets = [2656, 0], sizes = [32, 256], strides = [1, 1]} : vector<4096x256xf32> to vector<32x256xf32>
    %slice3A_1336 = vector.extract_strided_slice %transpose3A {offsets = [0, 2656], sizes = [32, 32], strides = [1, 1]} : vector<32x4096xf32> to vector<32x32xf32>
    %dot_general3A_1337 = arith.constant dense<0.000000e+00> : vector<32x256xf32>
    %dot_general3A_1338 = tpu.matmul %slice3A_1336, %slice3A_1335, %dot_general3A_1337 {dimension_numbers = #tpu.dot_dimension_numbers<[1], [0], [0], [1], [0, 0, 1, 1], [], []>, transpose_lhs_hint = false} : vector<32x32xf32>, vector<32x256xf32>, vector<32x256xf32> -> vector<32x256xf32>
    %slice3A_1339 = vector.extract_strided_slice %transpose3A_91 {offsets = [0, 2656], sizes = [32, 32], strides = [1, 1]} : vector<32x4096xf32> to vector<32x32xf32>
    %dot_general3A_1340 = arith.constant dense<0.000000e+00> : vector<32x256xf32>
    %dot_general3A_1341 = tpu.matmul %slice3A_1339, %slice3A_1335, %dot_general3A_1340 {dimension_numbers = #tpu.dot_dimension_numbers<[1], [0], [0], [1], [0, 0, 1, 1], [], []>, transpose_lhs_hint = false} : vector<32x32xf32>, vector<32x256xf32>, vector<32x256xf32> -> vector<32x256xf32>
    %add3A_1342 = arith.addf %dot_general3A_1338, %dot_general3A_1341 : vector<32x256xf32>
    %swap3A_1343 = arith.constant 0 : index
    %swap3A_1344 = arith.constant 0 : index
    %swap3A_1345 = arith.constant 83 : index
    %swap3A_1346 = arith.constant 0 : index
    %swap3A_1347 = vector.load %arg11[%swap3A_1343, %swap3A_1344, %swap3A_1345, %swap3A_1346] : memref<1x32x128x256xf32, #tpu.memory_space<vmem>>, vector<1x32x1x256xf32>
    %swap3A_1348 = vector.shape_cast %swap3A_1347 : vector<1x32x1x256xf32> to vector<32x256xf32>
    %swap3A_1349 = vector.shape_cast %add3A_1342 : vector<32x256xf32> to vector<1x32x1x256xf32>
    tpu.vector_store %arg11[%swap3A_1343, %swap3A_1344, %swap3A_1345, %swap3A_1346], %swap3A_1349 {strides = array<i32>} : memref<1x32x128x256xf32, #tpu.memory_space<vmem>>, vector<1x32x1x256xf32>,
    %slice3A_1350 = vector.extract_strided_slice %convert_element_type3A_14 {offsets = [2688, 0], sizes = [32, 256], strides = [1, 1]} : vector<4096x256xf32> to vector<32x256xf32>
    %slice3A_1351 = vector.extract_strided_slice %transpose3A {offsets = [0, 2688], sizes = [32, 32], strides = [1, 1]} : vector<32x4096xf32> to vector<32x32xf32>
    %dot_general3A_1352 = arith.constant dense<0.000000e+00> : vector<32x256xf32>
    %dot_general3A_1353 = tpu.matmul %slice3A_1351, %slice3A_1350, %dot_general3A_1352 {dimension_numbers = #tpu.dot_dimension_numbers<[1], [0], [0], [1], [0, 0, 1, 1], [], []>, transpose_lhs_hint = false} : vector<32x32xf32>, vector<32x256xf32>, vector<32x256xf32> -> vector<32x256xf32>
    %slice3A_1354 = vector.extract_strided_slice %transpose3A_91 {offsets = [0, 2688], sizes = [32, 32], strides = [1, 1]} : vector<32x4096xf32> to vector<32x32xf32>
    %dot_general3A_1355 = arith.constant dense<0.000000e+00> : vector<32x256xf32>
    %dot_general3A_1356 = tpu.matmul %slice3A_1354, %slice3A_1350, %dot_general3A_1355 {dimension_numbers = #tpu.dot_dimension_numbers<[1], [0], [0], [1], [0, 0, 1, 1], [], []>, transpose_lhs_hint = false} : vector<32x32xf32>, vector<32x256xf32>, vector<32x256xf32> -> vector<32x256xf32>
    %add3A_1357 = arith.addf %dot_general3A_1353, %dot_general3A_1356 : vector<32x256xf32>
    %swap3A_1358 = arith.constant 0 : index
    %swap3A_1359 = arith.constant 0 : index
    %swap3A_1360 = arith.constant 84 : index
    %swap3A_1361 = arith.constant 0 : index
    %swap3A_1362 = vector.load %arg11[%swap3A_1358, %swap3A_1359, %swap3A_1360, %swap3A_1361] : memref<1x32x128x256xf32, #tpu.memory_space<vmem>>, vector<1x32x1x256xf32>
    %swap3A_1363 = vector.shape_cast %swap3A_1362 : vector<1x32x1x256xf32> to vector<32x256xf32>
    %swap3A_1364 = vector.shape_cast %add3A_1357 : vector<32x256xf32> to vector<1x32x1x256xf32>
    tpu.vector_store %arg11[%swap3A_1358, %swap3A_1359, %swap3A_1360, %swap3A_1361], %swap3A_1364 {strides = array<i32>} : memref<1x32x128x256xf32, #tpu.memory_space<vmem>>, vector<1x32x1x256xf32>,
    %slice3A_1365 = vector.extract_strided_slice %convert_element_type3A_14 {offsets = [2720, 0], sizes = [32, 256], strides = [1, 1]} : vector<4096x256xf32> to vector<32x256xf32>
    %slice3A_1366 = vector.extract_strided_slice %transpose3A {offsets = [0, 2720], sizes = [32, 32], strides = [1, 1]} : vector<32x4096xf32> to vector<32x32xf32>
    %dot_general3A_1367 = arith.constant dense<0.000000e+00> : vector<32x256xf32>
    %dot_general3A_1368 = tpu.matmul %slice3A_1366, %slice3A_1365, %dot_general3A_1367 {dimension_numbers = #tpu.dot_dimension_numbers<[1], [0], [0], [1], [0, 0, 1, 1], [], []>, transpose_lhs_hint = false} : vector<32x32xf32>, vector<32x256xf32>, vector<32x256xf32> -> vector<32x256xf32>
    %slice3A_1369 = vector.extract_strided_slice %transpose3A_91 {offsets = [0, 2720], sizes = [32, 32], strides = [1, 1]} : vector<32x4096xf32> to vector<32x32xf32>
    %dot_general3A_1370 = arith.constant dense<0.000000e+00> : vector<32x256xf32>
    %dot_general3A_1371 = tpu.matmul %slice3A_1369, %slice3A_1365, %dot_general3A_1370 {dimension_numbers = #tpu.dot_dimension_numbers<[1], [0], [0], [1], [0, 0, 1, 1], [], []>, transpose_lhs_hint = false} : vector<32x32xf32>, vector<32x256xf32>, vector<32x256xf32> -> vector<32x256xf32>
    %add3A_1372 = arith.addf %dot_general3A_1368, %dot_general3A_1371 : vector<32x256xf32>
    %swap3A_1373 = arith.constant 0 : index
    %swap3A_1374 = arith.constant 0 : index
    %swap3A_1375 = arith.constant 85 : index
    %swap3A_1376 = arith.constant 0 : index
    %swap3A_1377 = vector.load %arg11[%swap3A_1373, %swap3A_1374, %swap3A_1375, %swap3A_1376] : memref<1x32x128x256xf32, #tpu.memory_space<vmem>>, vector<1x32x1x256xf32>
    %swap3A_1378 = vector.shape_cast %swap3A_1377 : vector<1x32x1x256xf32> to vector<32x256xf32>
    %swap3A_1379 = vector.shape_cast %add3A_1372 : vector<32x256xf32> to vector<1x32x1x256xf32>
    tpu.vector_store %arg11[%swap3A_1373, %swap3A_1374, %swap3A_1375, %swap3A_1376], %swap3A_1379 {strides = array<i32>} : memref<1x32x128x256xf32, #tpu.memory_space<vmem>>, vector<1x32x1x256xf32>,
    %slice3A_1380 = vector.extract_strided_slice %convert_element_type3A_14 {offsets = [2752, 0], sizes = [32, 256], strides = [1, 1]} : vector<4096x256xf32> to vector<32x256xf32>
    %slice3A_1381 = vector.extract_strided_slice %transpose3A {offsets = [0, 2752], sizes = [32, 32], strides = [1, 1]} : vector<32x4096xf32> to vector<32x32xf32>
    %dot_general3A_1382 = arith.constant dense<0.000000e+00> : vector<32x256xf32>
    %dot_general3A_1383 = tpu.matmul %slice3A_1381, %slice3A_1380, %dot_general3A_1382 {dimension_numbers = #tpu.dot_dimension_numbers<[1], [0], [0], [1], [0, 0, 1, 1], [], []>, transpose_lhs_hint = false} : vector<32x32xf32>, vector<32x256xf32>, vector<32x256xf32> -> vector<32x256xf32>
    %slice3A_1384 = vector.extract_strided_slice %transpose3A_91 {offsets = [0, 2752], sizes = [32, 32], strides = [1, 1]} : vector<32x4096xf32> to vector<32x32xf32>
    %dot_general3A_1385 = arith.constant dense<0.000000e+00> : vector<32x256xf32>
    %dot_general3A_1386 = tpu.matmul %slice3A_1384, %slice3A_1380, %dot_general3A_1385 {dimension_numbers = #tpu.dot_dimension_numbers<[1], [0], [0], [1], [0, 0, 1, 1], [], []>, transpose_lhs_hint = false} : vector<32x32xf32>, vector<32x256xf32>, vector<32x256xf32> -> vector<32x256xf32>
    %add3A_1387 = arith.addf %dot_general3A_1383, %dot_general3A_1386 : vector<32x256xf32>
    %swap3A_1388 = arith.constant 0 : index
    %swap3A_1389 = arith.constant 0 : index
    %swap3A_1390 = arith.constant 86 : index
    %swap3A_1391 = arith.constant 0 : index
    %swap3A_1392 = vector.load %arg11[%swap3A_1388, %swap3A_1389, %swap3A_1390, %swap3A_1391] : memref<1x32x128x256xf32, #tpu.memory_space<vmem>>, vector<1x32x1x256xf32>
    %swap3A_1393 = vector.shape_cast %swap3A_1392 : vector<1x32x1x256xf32> to vector<32x256xf32>
    %swap3A_1394 = vector.shape_cast %add3A_1387 : vector<32x256xf32> to vector<1x32x1x256xf32>
    tpu.vector_store %arg11[%swap3A_1388, %swap3A_1389, %swap3A_1390, %swap3A_1391], %swap3A_1394 {strides = array<i32>} : memref<1x32x128x256xf32, #tpu.memory_space<vmem>>, vector<1x32x1x256xf32>,
    %slice3A_1395 = vector.extract_strided_slice %convert_element_type3A_14 {offsets = [2784, 0], sizes = [32, 256], strides = [1, 1]} : vector<4096x256xf32> to vector<32x256xf32>
    %slice3A_1396 = vector.extract_strided_slice %transpose3A {offsets = [0, 2784], sizes = [32, 32], strides = [1, 1]} : vector<32x4096xf32> to vector<32x32xf32>
    %dot_general3A_1397 = arith.constant dense<0.000000e+00> : vector<32x256xf32>
    %dot_general3A_1398 = tpu.matmul %slice3A_1396, %slice3A_1395, %dot_general3A_1397 {dimension_numbers = #tpu.dot_dimension_numbers<[1], [0], [0], [1], [0, 0, 1, 1], [], []>, transpose_lhs_hint = false} : vector<32x32xf32>, vector<32x256xf32>, vector<32x256xf32> -> vector<32x256xf32>
    %slice3A_1399 = vector.extract_strided_slice %transpose3A_91 {offsets = [0, 2784], sizes = [32, 32], strides = [1, 1]} : vector<32x4096xf32> to vector<32x32xf32>
    %dot_general3A_1400 = arith.constant dense<0.000000e+00> : vector<32x256xf32>
    %dot_general3A_1401 = tpu.matmul %slice3A_1399, %slice3A_1395, %dot_general3A_1400 {dimension_numbers = #tpu.dot_dimension_numbers<[1], [0], [0], [1], [0, 0, 1, 1], [], []>, transpose_lhs_hint = false} : vector<32x32xf32>, vector<32x256xf32>, vector<32x256xf32> -> vector<32x256xf32>
    %add3A_1402 = arith.addf %dot_general3A_1398, %dot_general3A_1401 : vector<32x256xf32>
    %swap3A_1403 = arith.constant 0 : index
    %swap3A_1404 = arith.constant 0 : index
    %swap3A_1405 = arith.constant 87 : index
    %swap3A_1406 = arith.constant 0 : index
    %swap3A_1407 = vector.load %arg11[%swap3A_1403, %swap3A_1404, %swap3A_1405, %swap3A_1406] : memref<1x32x128x256xf32, #tpu.memory_space<vmem>>, vector<1x32x1x256xf32>
    %swap3A_1408 = vector.shape_cast %swap3A_1407 : vector<1x32x1x256xf32> to vector<32x256xf32>
    %swap3A_1409 = vector.shape_cast %add3A_1402 : vector<32x256xf32> to vector<1x32x1x256xf32>
    tpu.vector_store %arg11[%swap3A_1403, %swap3A_1404, %swap3A_1405, %swap3A_1406], %swap3A_1409 {strides = array<i32>} : memref<1x32x128x256xf32, #tpu.memory_space<vmem>>, vector<1x32x1x256xf32>,
    %slice3A_1410 = vector.extract_strided_slice %convert_element_type3A_14 {offsets = [2816, 0], sizes = [32, 256], strides = [1, 1]} : vector<4096x256xf32> to vector<32x256xf32>
    %slice3A_1411 = vector.extract_strided_slice %transpose3A {offsets = [0, 2816], sizes = [32, 32], strides = [1, 1]} : vector<32x4096xf32> to vector<32x32xf32>
    %dot_general3A_1412 = arith.constant dense<0.000000e+00> : vector<32x256xf32>
    %dot_general3A_1413 = tpu.matmul %slice3A_1411, %slice3A_1410, %dot_general3A_1412 {dimension_numbers = #tpu.dot_dimension_numbers<[1], [0], [0], [1], [0, 0, 1, 1], [], []>, transpose_lhs_hint = false} : vector<32x32xf32>, vector<32x256xf32>, vector<32x256xf32> -> vector<32x256xf32>
    %slice3A_1414 = vector.extract_strided_slice %transpose3A_91 {offsets = [0, 2816], sizes = [32, 32], strides = [1, 1]} : vector<32x4096xf32> to vector<32x32xf32>
    %dot_general3A_1415 = arith.constant dense<0.000000e+00> : vector<32x256xf32>
    %dot_general3A_1416 = tpu.matmul %slice3A_1414, %slice3A_1410, %dot_general3A_1415 {dimension_numbers = #tpu.dot_dimension_numbers<[1], [0], [0], [1], [0, 0, 1, 1], [], []>, transpose_lhs_hint = false} : vector<32x32xf32>, vector<32x256xf32>, vector<32x256xf32> -> vector<32x256xf32>
    %add3A_1417 = arith.addf %dot_general3A_1413, %dot_general3A_1416 : vector<32x256xf32>
    %swap3A_1418 = arith.constant 0 : index
    %swap3A_1419 = arith.constant 0 : index
    %swap3A_1420 = arith.constant 88 : index
    %swap3A_1421 = arith.constant 0 : index
    %swap3A_1422 = vector.load %arg11[%swap3A_1418, %swap3A_1419, %swap3A_1420, %swap3A_1421] : memref<1x32x128x256xf32, #tpu.memory_space<vmem>>, vector<1x32x1x256xf32>
    %swap3A_1423 = vector.shape_cast %swap3A_1422 : vector<1x32x1x256xf32> to vector<32x256xf32>
    %swap3A_1424 = vector.shape_cast %add3A_1417 : vector<32x256xf32> to vector<1x32x1x256xf32>
    tpu.vector_store %arg11[%swap3A_1418, %swap3A_1419, %swap3A_1420, %swap3A_1421], %swap3A_1424 {strides = array<i32>} : memref<1x32x128x256xf32, #tpu.memory_space<vmem>>, vector<1x32x1x256xf32>,
    %slice3A_1425 = vector.extract_strided_slice %convert_element_type3A_14 {offsets = [2848, 0], sizes = [32, 256], strides = [1, 1]} : vector<4096x256xf32> to vector<32x256xf32>
    %slice3A_1426 = vector.extract_strided_slice %transpose3A {offsets = [0, 2848], sizes = [32, 32], strides = [1, 1]} : vector<32x4096xf32> to vector<32x32xf32>
    %dot_general3A_1427 = arith.constant dense<0.000000e+00> : vector<32x256xf32>
    %dot_general3A_1428 = tpu.matmul %slice3A_1426, %slice3A_1425, %dot_general3A_1427 {dimension_numbers = #tpu.dot_dimension_numbers<[1], [0], [0], [1], [0, 0, 1, 1], [], []>, transpose_lhs_hint = false} : vector<32x32xf32>, vector<32x256xf32>, vector<32x256xf32> -> vector<32x256xf32>
    %slice3A_1429 = vector.extract_strided_slice %transpose3A_91 {offsets = [0, 2848], sizes = [32, 32], strides = [1, 1]} : vector<32x4096xf32> to vector<32x32xf32>
    %dot_general3A_1430 = arith.constant dense<0.000000e+00> : vector<32x256xf32>
    %dot_general3A_1431 = tpu.matmul %slice3A_1429, %slice3A_1425, %dot_general3A_1430 {dimension_numbers = #tpu.dot_dimension_numbers<[1], [0], [0], [1], [0, 0, 1, 1], [], []>, transpose_lhs_hint = false} : vector<32x32xf32>, vector<32x256xf32>, vector<32x256xf32> -> vector<32x256xf32>
    %add3A_1432 = arith.addf %dot_general3A_1428, %dot_general3A_1431 : vector<32x256xf32>
    %swap3A_1433 = arith.constant 0 : index
    %swap3A_1434 = arith.constant 0 : index
    %swap3A_1435 = arith.constant 89 : index
    %swap3A_1436 = arith.constant 0 : index
    %swap3A_1437 = vector.load %arg11[%swap3A_1433, %swap3A_1434, %swap3A_1435, %swap3A_1436] : memref<1x32x128x256xf32, #tpu.memory_space<vmem>>, vector<1x32x1x256xf32>
    %swap3A_1438 = vector.shape_cast %swap3A_1437 : vector<1x32x1x256xf32> to vector<32x256xf32>
    %swap3A_1439 = vector.shape_cast %add3A_1432 : vector<32x256xf32> to vector<1x32x1x256xf32>
    tpu.vector_store %arg11[%swap3A_1433, %swap3A_1434, %swap3A_1435, %swap3A_1436], %swap3A_1439 {strides = array<i32>} : memref<1x32x128x256xf32, #tpu.memory_space<vmem>>, vector<1x32x1x256xf32>,
    %slice3A_1440 = vector.extract_strided_slice %convert_element_type3A_14 {offsets = [2880, 0], sizes = [32, 256], strides = [1, 1]} : vector<4096x256xf32> to vector<32x256xf32>
    %slice3A_1441 = vector.extract_strided_slice %transpose3A {offsets = [0, 2880], sizes = [32, 32], strides = [1, 1]} : vector<32x4096xf32> to vector<32x32xf32>
    %dot_general3A_1442 = arith.constant dense<0.000000e+00> : vector<32x256xf32>
    %dot_general3A_1443 = tpu.matmul %slice3A_1441, %slice3A_1440, %dot_general3A_1442 {dimension_numbers = #tpu.dot_dimension_numbers<[1], [0], [0], [1], [0, 0, 1, 1], [], []>, transpose_lhs_hint = false} : vector<32x32xf32>, vector<32x256xf32>, vector<32x256xf32> -> vector<32x256xf32>
    %slice3A_1444 = vector.extract_strided_slice %transpose3A_91 {offsets = [0, 2880], sizes = [32, 32], strides = [1, 1]} : vector<32x4096xf32> to vector<32x32xf32>
    %dot_general3A_1445 = arith.constant dense<0.000000e+00> : vector<32x256xf32>
    %dot_general3A_1446 = tpu.matmul %slice3A_1444, %slice3A_1440, %dot_general3A_1445 {dimension_numbers = #tpu.dot_dimension_numbers<[1], [0], [0], [1], [0, 0, 1, 1], [], []>, transpose_lhs_hint = false} : vector<32x32xf32>, vector<32x256xf32>, vector<32x256xf32> -> vector<32x256xf32>
    %add3A_1447 = arith.addf %dot_general3A_1443, %dot_general3A_1446 : vector<32x256xf32>
    %swap3A_1448 = arith.constant 0 : index
    %swap3A_1449 = arith.constant 0 : index
    %swap3A_1450 = arith.constant 90 : index
    %swap3A_1451 = arith.constant 0 : index
    %swap3A_1452 = vector.load %arg11[%swap3A_1448, %swap3A_1449, %swap3A_1450, %swap3A_1451] : memref<1x32x128x256xf32, #tpu.memory_space<vmem>>, vector<1x32x1x256xf32>
    %swap3A_1453 = vector.shape_cast %swap3A_1452 : vector<1x32x1x256xf32> to vector<32x256xf32>
    %swap3A_1454 = vector.shape_cast %add3A_1447 : vector<32x256xf32> to vector<1x32x1x256xf32>
    tpu.vector_store %arg11[%swap3A_1448, %swap3A_1449, %swap3A_1450, %swap3A_1451], %swap3A_1454 {strides = array<i32>} : memref<1x32x128x256xf32, #tpu.memory_space<vmem>>, vector<1x32x1x256xf32>,
    %slice3A_1455 = vector.extract_strided_slice %convert_element_type3A_14 {offsets = [2912, 0], sizes = [32, 256], strides = [1, 1]} : vector<4096x256xf32> to vector<32x256xf32>
    %slice3A_1456 = vector.extract_strided_slice %transpose3A {offsets = [0, 2912], sizes = [32, 32], strides = [1, 1]} : vector<32x4096xf32> to vector<32x32xf32>
    %dot_general3A_1457 = arith.constant dense<0.000000e+00> : vector<32x256xf32>
    %dot_general3A_1458 = tpu.matmul %slice3A_1456, %slice3A_1455, %dot_general3A_1457 {dimension_numbers = #tpu.dot_dimension_numbers<[1], [0], [0], [1], [0, 0, 1, 1], [], []>, transpose_lhs_hint = false} : vector<32x32xf32>, vector<32x256xf32>, vector<32x256xf32> -> vector<32x256xf32>
    %slice3A_1459 = vector.extract_strided_slice %transpose3A_91 {offsets = [0, 2912], sizes = [32, 32], strides = [1, 1]} : vector<32x4096xf32> to vector<32x32xf32>
    %dot_general3A_1460 = arith.constant dense<0.000000e+00> : vector<32x256xf32>
    %dot_general3A_1461 = tpu.matmul %slice3A_1459, %slice3A_1455, %dot_general3A_1460 {dimension_numbers = #tpu.dot_dimension_numbers<[1], [0], [0], [1], [0, 0, 1, 1], [], []>, transpose_lhs_hint = false} : vector<32x32xf32>, vector<32x256xf32>, vector<32x256xf32> -> vector<32x256xf32>
    %add3A_1462 = arith.addf %dot_general3A_1458, %dot_general3A_1461 : vector<32x256xf32>
    %swap3A_1463 = arith.constant 0 : index
    %swap3A_1464 = arith.constant 0 : index
    %swap3A_1465 = arith.constant 91 : index
    %swap3A_1466 = arith.constant 0 : index
    %swap3A_1467 = vector.load %arg11[%swap3A_1463, %swap3A_1464, %swap3A_1465, %swap3A_1466] : memref<1x32x128x256xf32, #tpu.memory_space<vmem>>, vector<1x32x1x256xf32>
    %swap3A_1468 = vector.shape_cast %swap3A_1467 : vector<1x32x1x256xf32> to vector<32x256xf32>
    %swap3A_1469 = vector.shape_cast %add3A_1462 : vector<32x256xf32> to vector<1x32x1x256xf32>
    tpu.vector_store %arg11[%swap3A_1463, %swap3A_1464, %swap3A_1465, %swap3A_1466], %swap3A_1469 {strides = array<i32>} : memref<1x32x128x256xf32, #tpu.memory_space<vmem>>, vector<1x32x1x256xf32>,
    %slice3A_1470 = vector.extract_strided_slice %convert_element_type3A_14 {offsets = [2944, 0], sizes = [32, 256], strides = [1, 1]} : vector<4096x256xf32> to vector<32x256xf32>
    %slice3A_1471 = vector.extract_strided_slice %transpose3A {offsets = [0, 2944], sizes = [32, 32], strides = [1, 1]} : vector<32x4096xf32> to vector<32x32xf32>
    %dot_general3A_1472 = arith.constant dense<0.000000e+00> : vector<32x256xf32>
    %dot_general3A_1473 = tpu.matmul %slice3A_1471, %slice3A_1470, %dot_general3A_1472 {dimension_numbers = #tpu.dot_dimension_numbers<[1], [0], [0], [1], [0, 0, 1, 1], [], []>, transpose_lhs_hint = false} : vector<32x32xf32>, vector<32x256xf32>, vector<32x256xf32> -> vector<32x256xf32>
    %slice3A_1474 = vector.extract_strided_slice %transpose3A_91 {offsets = [0, 2944], sizes = [32, 32], strides = [1, 1]} : vector<32x4096xf32> to vector<32x32xf32>
    %dot_general3A_1475 = arith.constant dense<0.000000e+00> : vector<32x256xf32>
    %dot_general3A_1476 = tpu.matmul %slice3A_1474, %slice3A_1470, %dot_general3A_1475 {dimension_numbers = #tpu.dot_dimension_numbers<[1], [0], [0], [1], [0, 0, 1, 1], [], []>, transpose_lhs_hint = false} : vector<32x32xf32>, vector<32x256xf32>, vector<32x256xf32> -> vector<32x256xf32>
    %add3A_1477 = arith.addf %dot_general3A_1473, %dot_general3A_1476 : vector<32x256xf32>
    %swap3A_1478 = arith.constant 0 : index
    %swap3A_1479 = arith.constant 0 : index
    %swap3A_1480 = arith.constant 92 : index
    %swap3A_1481 = arith.constant 0 : index
    %swap3A_1482 = vector.load %arg11[%swap3A_1478, %swap3A_1479, %swap3A_1480, %swap3A_1481] : memref<1x32x128x256xf32, #tpu.memory_space<vmem>>, vector<1x32x1x256xf32>
    %swap3A_1483 = vector.shape_cast %swap3A_1482 : vector<1x32x1x256xf32> to vector<32x256xf32>
    %swap3A_1484 = vector.shape_cast %add3A_1477 : vector<32x256xf32> to vector<1x32x1x256xf32>
    tpu.vector_store %arg11[%swap3A_1478, %swap3A_1479, %swap3A_1480, %swap3A_1481], %swap3A_1484 {strides = array<i32>} : memref<1x32x128x256xf32, #tpu.memory_space<vmem>>, vector<1x32x1x256xf32>,
    %slice3A_1485 = vector.extract_strided_slice %convert_element_type3A_14 {offsets = [2976, 0], sizes = [32, 256], strides = [1, 1]} : vector<4096x256xf32> to vector<32x256xf32>
    %slice3A_1486 = vector.extract_strided_slice %transpose3A {offsets = [0, 2976], sizes = [32, 32], strides = [1, 1]} : vector<32x4096xf32> to vector<32x32xf32>
    %dot_general3A_1487 = arith.constant dense<0.000000e+00> : vector<32x256xf32>
    %dot_general3A_1488 = tpu.matmul %slice3A_1486, %slice3A_1485, %dot_general3A_1487 {dimension_numbers = #tpu.dot_dimension_numbers<[1], [0], [0], [1], [0, 0, 1, 1], [], []>, transpose_lhs_hint = false} : vector<32x32xf32>, vector<32x256xf32>, vector<32x256xf32> -> vector<32x256xf32>
    %slice3A_1489 = vector.extract_strided_slice %transpose3A_91 {offsets = [0, 2976], sizes = [32, 32], strides = [1, 1]} : vector<32x4096xf32> to vector<32x32xf32>
    %dot_general3A_1490 = arith.constant dense<0.000000e+00> : vector<32x256xf32>
    %dot_general3A_1491 = tpu.matmul %slice3A_1489, %slice3A_1485, %dot_general3A_1490 {dimension_numbers = #tpu.dot_dimension_numbers<[1], [0], [0], [1], [0, 0, 1, 1], [], []>, transpose_lhs_hint = false} : vector<32x32xf32>, vector<32x256xf32>, vector<32x256xf32> -> vector<32x256xf32>
    %add3A_1492 = arith.addf %dot_general3A_1488, %dot_general3A_1491 : vector<32x256xf32>
    %swap3A_1493 = arith.constant 0 : index
    %swap3A_1494 = arith.constant 0 : index
    %swap3A_1495 = arith.constant 93 : index
    %swap3A_1496 = arith.constant 0 : index
    %swap3A_1497 = vector.load %arg11[%swap3A_1493, %swap3A_1494, %swap3A_1495, %swap3A_1496] : memref<1x32x128x256xf32, #tpu.memory_space<vmem>>, vector<1x32x1x256xf32>
    %swap3A_1498 = vector.shape_cast %swap3A_1497 : vector<1x32x1x256xf32> to vector<32x256xf32>
    %swap3A_1499 = vector.shape_cast %add3A_1492 : vector<32x256xf32> to vector<1x32x1x256xf32>
    tpu.vector_store %arg11[%swap3A_1493, %swap3A_1494, %swap3A_1495, %swap3A_1496], %swap3A_1499 {strides = array<i32>} : memref<1x32x128x256xf32, #tpu.memory_space<vmem>>, vector<1x32x1x256xf32>,
    %slice3A_1500 = vector.extract_strided_slice %convert_element_type3A_14 {offsets = [3008, 0], sizes = [32, 256], strides = [1, 1]} : vector<4096x256xf32> to vector<32x256xf32>
    %slice3A_1501 = vector.extract_strided_slice %transpose3A {offsets = [0, 3008], sizes = [32, 32], strides = [1, 1]} : vector<32x4096xf32> to vector<32x32xf32>
    %dot_general3A_1502 = arith.constant dense<0.000000e+00> : vector<32x256xf32>
    %dot_general3A_1503 = tpu.matmul %slice3A_1501, %slice3A_1500, %dot_general3A_1502 {dimension_numbers = #tpu.dot_dimension_numbers<[1], [0], [0], [1], [0, 0, 1, 1], [], []>, transpose_lhs_hint = false} : vector<32x32xf32>, vector<32x256xf32>, vector<32x256xf32> -> vector<32x256xf32>
    %slice3A_1504 = vector.extract_strided_slice %transpose3A_91 {offsets = [0, 3008], sizes = [32, 32], strides = [1, 1]} : vector<32x4096xf32> to vector<32x32xf32>
    %dot_general3A_1505 = arith.constant dense<0.000000e+00> : vector<32x256xf32>
    %dot_general3A_1506 = tpu.matmul %slice3A_1504, %slice3A_1500, %dot_general3A_1505 {dimension_numbers = #tpu.dot_dimension_numbers<[1], [0], [0], [1], [0, 0, 1, 1], [], []>, transpose_lhs_hint = false} : vector<32x32xf32>, vector<32x256xf32>, vector<32x256xf32> -> vector<32x256xf32>
    %add3A_1507 = arith.addf %dot_general3A_1503, %dot_general3A_1506 : vector<32x256xf32>
    %swap3A_1508 = arith.constant 0 : index
    %swap3A_1509 = arith.constant 0 : index
    %swap3A_1510 = arith.constant 94 : index
    %swap3A_1511 = arith.constant 0 : index
    %swap3A_1512 = vector.load %arg11[%swap3A_1508, %swap3A_1509, %swap3A_1510, %swap3A_1511] : memref<1x32x128x256xf32, #tpu.memory_space<vmem>>, vector<1x32x1x256xf32>
    %swap3A_1513 = vector.shape_cast %swap3A_1512 : vector<1x32x1x256xf32> to vector<32x256xf32>
    %swap3A_1514 = vector.shape_cast %add3A_1507 : vector<32x256xf32> to vector<1x32x1x256xf32>
    tpu.vector_store %arg11[%swap3A_1508, %swap3A_1509, %swap3A_1510, %swap3A_1511], %swap3A_1514 {strides = array<i32>} : memref<1x32x128x256xf32, #tpu.memory_space<vmem>>, vector<1x32x1x256xf32>,
    %slice3A_1515 = vector.extract_strided_slice %convert_element_type3A_14 {offsets = [3040, 0], sizes = [32, 256], strides = [1, 1]} : vector<4096x256xf32> to vector<32x256xf32>
    %slice3A_1516 = vector.extract_strided_slice %transpose3A {offsets = [0, 3040], sizes = [32, 32], strides = [1, 1]} : vector<32x4096xf32> to vector<32x32xf32>
    %dot_general3A_1517 = arith.constant dense<0.000000e+00> : vector<32x256xf32>
    %dot_general3A_1518 = tpu.matmul %slice3A_1516, %slice3A_1515, %dot_general3A_1517 {dimension_numbers = #tpu.dot_dimension_numbers<[1], [0], [0], [1], [0, 0, 1, 1], [], []>, transpose_lhs_hint = false} : vector<32x32xf32>, vector<32x256xf32>, vector<32x256xf32> -> vector<32x256xf32>
    %slice3A_1519 = vector.extract_strided_slice %transpose3A_91 {offsets = [0, 3040], sizes = [32, 32], strides = [1, 1]} : vector<32x4096xf32> to vector<32x32xf32>
    %dot_general3A_1520 = arith.constant dense<0.000000e+00> : vector<32x256xf32>
    %dot_general3A_1521 = tpu.matmul %slice3A_1519, %slice3A_1515, %dot_general3A_1520 {dimension_numbers = #tpu.dot_dimension_numbers<[1], [0], [0], [1], [0, 0, 1, 1], [], []>, transpose_lhs_hint = false} : vector<32x32xf32>, vector<32x256xf32>, vector<32x256xf32> -> vector<32x256xf32>
    %add3A_1522 = arith.addf %dot_general3A_1518, %dot_general3A_1521 : vector<32x256xf32>
    %swap3A_1523 = arith.constant 0 : index
    %swap3A_1524 = arith.constant 0 : index
    %swap3A_1525 = arith.constant 95 : index
    %swap3A_1526 = arith.constant 0 : index
    %swap3A_1527 = vector.load %arg11[%swap3A_1523, %swap3A_1524, %swap3A_1525, %swap3A_1526] : memref<1x32x128x256xf32, #tpu.memory_space<vmem>>, vector<1x32x1x256xf32>
    %swap3A_1528 = vector.shape_cast %swap3A_1527 : vector<1x32x1x256xf32> to vector<32x256xf32>
    %swap3A_1529 = vector.shape_cast %add3A_1522 : vector<32x256xf32> to vector<1x32x1x256xf32>
    tpu.vector_store %arg11[%swap3A_1523, %swap3A_1524, %swap3A_1525, %swap3A_1526], %swap3A_1529 {strides = array<i32>} : memref<1x32x128x256xf32, #tpu.memory_space<vmem>>, vector<1x32x1x256xf32>,
    %slice3A_1530 = vector.extract_strided_slice %convert_element_type3A_14 {offsets = [3072, 0], sizes = [32, 256], strides = [1, 1]} : vector<4096x256xf32> to vector<32x256xf32>
    %slice3A_1531 = vector.extract_strided_slice %transpose3A {offsets = [0, 3072], sizes = [32, 32], strides = [1, 1]} : vector<32x4096xf32> to vector<32x32xf32>
    %dot_general3A_1532 = arith.constant dense<0.000000e+00> : vector<32x256xf32>
    %dot_general3A_1533 = tpu.matmul %slice3A_1531, %slice3A_1530, %dot_general3A_1532 {dimension_numbers = #tpu.dot_dimension_numbers<[1], [0], [0], [1], [0, 0, 1, 1], [], []>, transpose_lhs_hint = false} : vector<32x32xf32>, vector<32x256xf32>, vector<32x256xf32> -> vector<32x256xf32>
    %slice3A_1534 = vector.extract_strided_slice %transpose3A_91 {offsets = [0, 3072], sizes = [32, 32], strides = [1, 1]} : vector<32x4096xf32> to vector<32x32xf32>
    %dot_general3A_1535 = arith.constant dense<0.000000e+00> : vector<32x256xf32>
    %dot_general3A_1536 = tpu.matmul %slice3A_1534, %slice3A_1530, %dot_general3A_1535 {dimension_numbers = #tpu.dot_dimension_numbers<[1], [0], [0], [1], [0, 0, 1, 1], [], []>, transpose_lhs_hint = false} : vector<32x32xf32>, vector<32x256xf32>, vector<32x256xf32> -> vector<32x256xf32>
    %add3A_1537 = arith.addf %dot_general3A_1533, %dot_general3A_1536 : vector<32x256xf32>
    %swap3A_1538 = arith.constant 0 : index
    %swap3A_1539 = arith.constant 0 : index
    %swap3A_1540 = arith.constant 96 : index
    %swap3A_1541 = arith.constant 0 : index
    %swap3A_1542 = vector.load %arg11[%swap3A_1538, %swap3A_1539, %swap3A_1540, %swap3A_1541] : memref<1x32x128x256xf32, #tpu.memory_space<vmem>>, vector<1x32x1x256xf32>
    %swap3A_1543 = vector.shape_cast %swap3A_1542 : vector<1x32x1x256xf32> to vector<32x256xf32>
    %swap3A_1544 = vector.shape_cast %add3A_1537 : vector<32x256xf32> to vector<1x32x1x256xf32>
    tpu.vector_store %arg11[%swap3A_1538, %swap3A_1539, %swap3A_1540, %swap3A_1541], %swap3A_1544 {strides = array<i32>} : memref<1x32x128x256xf32, #tpu.memory_space<vmem>>, vector<1x32x1x256xf32>,
    %slice3A_1545 = vector.extract_strided_slice %convert_element_type3A_14 {offsets = [3104, 0], sizes = [32, 256], strides = [1, 1]} : vector<4096x256xf32> to vector<32x256xf32>
    %slice3A_1546 = vector.extract_strided_slice %transpose3A {offsets = [0, 3104], sizes = [32, 32], strides = [1, 1]} : vector<32x4096xf32> to vector<32x32xf32>
    %dot_general3A_1547 = arith.constant dense<0.000000e+00> : vector<32x256xf32>
    %dot_general3A_1548 = tpu.matmul %slice3A_1546, %slice3A_1545, %dot_general3A_1547 {dimension_numbers = #tpu.dot_dimension_numbers<[1], [0], [0], [1], [0, 0, 1, 1], [], []>, transpose_lhs_hint = false} : vector<32x32xf32>, vector<32x256xf32>, vector<32x256xf32> -> vector<32x256xf32>
    %slice3A_1549 = vector.extract_strided_slice %transpose3A_91 {offsets = [0, 3104], sizes = [32, 32], strides = [1, 1]} : vector<32x4096xf32> to vector<32x32xf32>
    %dot_general3A_1550 = arith.constant dense<0.000000e+00> : vector<32x256xf32>
    %dot_general3A_1551 = tpu.matmul %slice3A_1549, %slice3A_1545, %dot_general3A_1550 {dimension_numbers = #tpu.dot_dimension_numbers<[1], [0], [0], [1], [0, 0, 1, 1], [], []>, transpose_lhs_hint = false} : vector<32x32xf32>, vector<32x256xf32>, vector<32x256xf32> -> vector<32x256xf32>
    %add3A_1552 = arith.addf %dot_general3A_1548, %dot_general3A_1551 : vector<32x256xf32>
    %swap3A_1553 = arith.constant 0 : index
    %swap3A_1554 = arith.constant 0 : index
    %swap3A_1555 = arith.constant 97 : index
    %swap3A_1556 = arith.constant 0 : index
    %swap3A_1557 = vector.load %arg11[%swap3A_1553, %swap3A_1554, %swap3A_1555, %swap3A_1556] : memref<1x32x128x256xf32, #tpu.memory_space<vmem>>, vector<1x32x1x256xf32>
    %swap3A_1558 = vector.shape_cast %swap3A_1557 : vector<1x32x1x256xf32> to vector<32x256xf32>
    %swap3A_1559 = vector.shape_cast %add3A_1552 : vector<32x256xf32> to vector<1x32x1x256xf32>
    tpu.vector_store %arg11[%swap3A_1553, %swap3A_1554, %swap3A_1555, %swap3A_1556], %swap3A_1559 {strides = array<i32>} : memref<1x32x128x256xf32, #tpu.memory_space<vmem>>, vector<1x32x1x256xf32>,
    %slice3A_1560 = vector.extract_strided_slice %convert_element_type3A_14 {offsets = [3136, 0], sizes = [32, 256], strides = [1, 1]} : vector<4096x256xf32> to vector<32x256xf32>
    %slice3A_1561 = vector.extract_strided_slice %transpose3A {offsets = [0, 3136], sizes = [32, 32], strides = [1, 1]} : vector<32x4096xf32> to vector<32x32xf32>
    %dot_general3A_1562 = arith.constant dense<0.000000e+00> : vector<32x256xf32>
    %dot_general3A_1563 = tpu.matmul %slice3A_1561, %slice3A_1560, %dot_general3A_1562 {dimension_numbers = #tpu.dot_dimension_numbers<[1], [0], [0], [1], [0, 0, 1, 1], [], []>, transpose_lhs_hint = false} : vector<32x32xf32>, vector<32x256xf32>, vector<32x256xf32> -> vector<32x256xf32>
    %slice3A_1564 = vector.extract_strided_slice %transpose3A_91 {offsets = [0, 3136], sizes = [32, 32], strides = [1, 1]} : vector<32x4096xf32> to vector<32x32xf32>
    %dot_general3A_1565 = arith.constant dense<0.000000e+00> : vector<32x256xf32>
    %dot_general3A_1566 = tpu.matmul %slice3A_1564, %slice3A_1560, %dot_general3A_1565 {dimension_numbers = #tpu.dot_dimension_numbers<[1], [0], [0], [1], [0, 0, 1, 1], [], []>, transpose_lhs_hint = false} : vector<32x32xf32>, vector<32x256xf32>, vector<32x256xf32> -> vector<32x256xf32>
    %add3A_1567 = arith.addf %dot_general3A_1563, %dot_general3A_1566 : vector<32x256xf32>
    %swap3A_1568 = arith.constant 0 : index
    %swap3A_1569 = arith.constant 0 : index
    %swap3A_1570 = arith.constant 98 : index
    %swap3A_1571 = arith.constant 0 : index
    %swap3A_1572 = vector.load %arg11[%swap3A_1568, %swap3A_1569, %swap3A_1570, %swap3A_1571] : memref<1x32x128x256xf32, #tpu.memory_space<vmem>>, vector<1x32x1x256xf32>
    %swap3A_1573 = vector.shape_cast %swap3A_1572 : vector<1x32x1x256xf32> to vector<32x256xf32>
    %swap3A_1574 = vector.shape_cast %add3A_1567 : vector<32x256xf32> to vector<1x32x1x256xf32>
    tpu.vector_store %arg11[%swap3A_1568, %swap3A_1569, %swap3A_1570, %swap3A_1571], %swap3A_1574 {strides = array<i32>} : memref<1x32x128x256xf32, #tpu.memory_space<vmem>>, vector<1x32x1x256xf32>,
    %slice3A_1575 = vector.extract_strided_slice %convert_element_type3A_14 {offsets = [3168, 0], sizes = [32, 256], strides = [1, 1]} : vector<4096x256xf32> to vector<32x256xf32>
    %slice3A_1576 = vector.extract_strided_slice %transpose3A {offsets = [0, 3168], sizes = [32, 32], strides = [1, 1]} : vector<32x4096xf32> to vector<32x32xf32>
    %dot_general3A_1577 = arith.constant dense<0.000000e+00> : vector<32x256xf32>
    %dot_general3A_1578 = tpu.matmul %slice3A_1576, %slice3A_1575, %dot_general3A_1577 {dimension_numbers = #tpu.dot_dimension_numbers<[1], [0], [0], [1], [0, 0, 1, 1], [], []>, transpose_lhs_hint = false} : vector<32x32xf32>, vector<32x256xf32>, vector<32x256xf32> -> vector<32x256xf32>
    %slice3A_1579 = vector.extract_strided_slice %transpose3A_91 {offsets = [0, 3168], sizes = [32, 32], strides = [1, 1]} : vector<32x4096xf32> to vector<32x32xf32>
    %dot_general3A_1580 = arith.constant dense<0.000000e+00> : vector<32x256xf32>
    %dot_general3A_1581 = tpu.matmul %slice3A_1579, %slice3A_1575, %dot_general3A_1580 {dimension_numbers = #tpu.dot_dimension_numbers<[1], [0], [0], [1], [0, 0, 1, 1], [], []>, transpose_lhs_hint = false} : vector<32x32xf32>, vector<32x256xf32>, vector<32x256xf32> -> vector<32x256xf32>
    %add3A_1582 = arith.addf %dot_general3A_1578, %dot_general3A_1581 : vector<32x256xf32>
    %swap3A_1583 = arith.constant 0 : index
    %swap3A_1584 = arith.constant 0 : index
    %swap3A_1585 = arith.constant 99 : index
    %swap3A_1586 = arith.constant 0 : index
    %swap3A_1587 = vector.load %arg11[%swap3A_1583, %swap3A_1584, %swap3A_1585, %swap3A_1586] : memref<1x32x128x256xf32, #tpu.memory_space<vmem>>, vector<1x32x1x256xf32>
    %swap3A_1588 = vector.shape_cast %swap3A_1587 : vector<1x32x1x256xf32> to vector<32x256xf32>
    %swap3A_1589 = vector.shape_cast %add3A_1582 : vector<32x256xf32> to vector<1x32x1x256xf32>
    tpu.vector_store %arg11[%swap3A_1583, %swap3A_1584, %swap3A_1585, %swap3A_1586], %swap3A_1589 {strides = array<i32>} : memref<1x32x128x256xf32, #tpu.memory_space<vmem>>, vector<1x32x1x256xf32>,
    %slice3A_1590 = vector.extract_strided_slice %convert_element_type3A_14 {offsets = [3200, 0], sizes = [32, 256], strides = [1, 1]} : vector<4096x256xf32> to vector<32x256xf32>
    %slice3A_1591 = vector.extract_strided_slice %transpose3A {offsets = [0, 3200], sizes = [32, 32], strides = [1, 1]} : vector<32x4096xf32> to vector<32x32xf32>
    %dot_general3A_1592 = arith.constant dense<0.000000e+00> : vector<32x256xf32>
    %dot_general3A_1593 = tpu.matmul %slice3A_1591, %slice3A_1590, %dot_general3A_1592 {dimension_numbers = #tpu.dot_dimension_numbers<[1], [0], [0], [1], [0, 0, 1, 1], [], []>, transpose_lhs_hint = false} : vector<32x32xf32>, vector<32x256xf32>, vector<32x256xf32> -> vector<32x256xf32>
    %slice3A_1594 = vector.extract_strided_slice %transpose3A_91 {offsets = [0, 3200], sizes = [32, 32], strides = [1, 1]} : vector<32x4096xf32> to vector<32x32xf32>
    %dot_general3A_1595 = arith.constant dense<0.000000e+00> : vector<32x256xf32>
    %dot_general3A_1596 = tpu.matmul %slice3A_1594, %slice3A_1590, %dot_general3A_1595 {dimension_numbers = #tpu.dot_dimension_numbers<[1], [0], [0], [1], [0, 0, 1, 1], [], []>, transpose_lhs_hint = false} : vector<32x32xf32>, vector<32x256xf32>, vector<32x256xf32> -> vector<32x256xf32>
    %add3A_1597 = arith.addf %dot_general3A_1593, %dot_general3A_1596 : vector<32x256xf32>
    %swap3A_1598 = arith.constant 0 : index
    %swap3A_1599 = arith.constant 0 : index
    %swap3A_1600 = arith.constant 100 : index
    %swap3A_1601 = arith.constant 0 : index
    %swap3A_1602 = vector.load %arg11[%swap3A_1598, %swap3A_1599, %swap3A_1600, %swap3A_1601] : memref<1x32x128x256xf32, #tpu.memory_space<vmem>>, vector<1x32x1x256xf32>
    %swap3A_1603 = vector.shape_cast %swap3A_1602 : vector<1x32x1x256xf32> to vector<32x256xf32>
    %swap3A_1604 = vector.shape_cast %add3A_1597 : vector<32x256xf32> to vector<1x32x1x256xf32>
    tpu.vector_store %arg11[%swap3A_1598, %swap3A_1599, %swap3A_1600, %swap3A_1601], %swap3A_1604 {strides = array<i32>} : memref<1x32x128x256xf32, #tpu.memory_space<vmem>>, vector<1x32x1x256xf32>,
    %slice3A_1605 = vector.extract_strided_slice %convert_element_type3A_14 {offsets = [3232, 0], sizes = [32, 256], strides = [1, 1]} : vector<4096x256xf32> to vector<32x256xf32>
    %slice3A_1606 = vector.extract_strided_slice %transpose3A {offsets = [0, 3232], sizes = [32, 32], strides = [1, 1]} : vector<32x4096xf32> to vector<32x32xf32>
    %dot_general3A_1607 = arith.constant dense<0.000000e+00> : vector<32x256xf32>
    %dot_general3A_1608 = tpu.matmul %slice3A_1606, %slice3A_1605, %dot_general3A_1607 {dimension_numbers = #tpu.dot_dimension_numbers<[1], [0], [0], [1], [0, 0, 1, 1], [], []>, transpose_lhs_hint = false} : vector<32x32xf32>, vector<32x256xf32>, vector<32x256xf32> -> vector<32x256xf32>
    %slice3A_1609 = vector.extract_strided_slice %transpose3A_91 {offsets = [0, 3232], sizes = [32, 32], strides = [1, 1]} : vector<32x4096xf32> to vector<32x32xf32>
    %dot_general3A_1610 = arith.constant dense<0.000000e+00> : vector<32x256xf32>
    %dot_general3A_1611 = tpu.matmul %slice3A_1609, %slice3A_1605, %dot_general3A_1610 {dimension_numbers = #tpu.dot_dimension_numbers<[1], [0], [0], [1], [0, 0, 1, 1], [], []>, transpose_lhs_hint = false} : vector<32x32xf32>, vector<32x256xf32>, vector<32x256xf32> -> vector<32x256xf32>
    %add3A_1612 = arith.addf %dot_general3A_1608, %dot_general3A_1611 : vector<32x256xf32>
    %swap3A_1613 = arith.constant 0 : index
    %swap3A_1614 = arith.constant 0 : index
    %swap3A_1615 = arith.constant 101 : index
    %swap3A_1616 = arith.constant 0 : index
    %swap3A_1617 = vector.load %arg11[%swap3A_1613, %swap3A_1614, %swap3A_1615, %swap3A_1616] : memref<1x32x128x256xf32, #tpu.memory_space<vmem>>, vector<1x32x1x256xf32>
    %swap3A_1618 = vector.shape_cast %swap3A_1617 : vector<1x32x1x256xf32> to vector<32x256xf32>
    %swap3A_1619 = vector.shape_cast %add3A_1612 : vector<32x256xf32> to vector<1x32x1x256xf32>
    tpu.vector_store %arg11[%swap3A_1613, %swap3A_1614, %swap3A_1615, %swap3A_1616], %swap3A_1619 {strides = array<i32>} : memref<1x32x128x256xf32, #tpu.memory_space<vmem>>, vector<1x32x1x256xf32>,
    %slice3A_1620 = vector.extract_strided_slice %convert_element_type3A_14 {offsets = [3264, 0], sizes = [32, 256], strides = [1, 1]} : vector<4096x256xf32> to vector<32x256xf32>
    %slice3A_1621 = vector.extract_strided_slice %transpose3A {offsets = [0, 3264], sizes = [32, 32], strides = [1, 1]} : vector<32x4096xf32> to vector<32x32xf32>
    %dot_general3A_1622 = arith.constant dense<0.000000e+00> : vector<32x256xf32>
    %dot_general3A_1623 = tpu.matmul %slice3A_1621, %slice3A_1620, %dot_general3A_1622 {dimension_numbers = #tpu.dot_dimension_numbers<[1], [0], [0], [1], [0, 0, 1, 1], [], []>, transpose_lhs_hint = false} : vector<32x32xf32>, vector<32x256xf32>, vector<32x256xf32> -> vector<32x256xf32>
    %slice3A_1624 = vector.extract_strided_slice %transpose3A_91 {offsets = [0, 3264], sizes = [32, 32], strides = [1, 1]} : vector<32x4096xf32> to vector<32x32xf32>
    %dot_general3A_1625 = arith.constant dense<0.000000e+00> : vector<32x256xf32>
    %dot_general3A_1626 = tpu.matmul %slice3A_1624, %slice3A_1620, %dot_general3A_1625 {dimension_numbers = #tpu.dot_dimension_numbers<[1], [0], [0], [1], [0, 0, 1, 1], [], []>, transpose_lhs_hint = false} : vector<32x32xf32>, vector<32x256xf32>, vector<32x256xf32> -> vector<32x256xf32>
    %add3A_1627 = arith.addf %dot_general3A_1623, %dot_general3A_1626 : vector<32x256xf32>
    %swap3A_1628 = arith.constant 0 : index
    %swap3A_1629 = arith.constant 0 : index
    %swap3A_1630 = arith.constant 102 : index
    %swap3A_1631 = arith.constant 0 : index
    %swap3A_1632 = vector.load %arg11[%swap3A_1628, %swap3A_1629, %swap3A_1630, %swap3A_1631] : memref<1x32x128x256xf32, #tpu.memory_space<vmem>>, vector<1x32x1x256xf32>
    %swap3A_1633 = vector.shape_cast %swap3A_1632 : vector<1x32x1x256xf32> to vector<32x256xf32>
    %swap3A_1634 = vector.shape_cast %add3A_1627 : vector<32x256xf32> to vector<1x32x1x256xf32>
    tpu.vector_store %arg11[%swap3A_1628, %swap3A_1629, %swap3A_1630, %swap3A_1631], %swap3A_1634 {strides = array<i32>} : memref<1x32x128x256xf32, #tpu.memory_space<vmem>>, vector<1x32x1x256xf32>,
    %slice3A_1635 = vector.extract_strided_slice %convert_element_type3A_14 {offsets = [3296, 0], sizes = [32, 256], strides = [1, 1]} : vector<4096x256xf32> to vector<32x256xf32>
    %slice3A_1636 = vector.extract_strided_slice %transpose3A {offsets = [0, 3296], sizes = [32, 32], strides = [1, 1]} : vector<32x4096xf32> to vector<32x32xf32>
    %dot_general3A_1637 = arith.constant dense<0.000000e+00> : vector<32x256xf32>
    %dot_general3A_1638 = tpu.matmul %slice3A_1636, %slice3A_1635, %dot_general3A_1637 {dimension_numbers = #tpu.dot_dimension_numbers<[1], [0], [0], [1], [0, 0, 1, 1], [], []>, transpose_lhs_hint = false} : vector<32x32xf32>, vector<32x256xf32>, vector<32x256xf32> -> vector<32x256xf32>
    %slice3A_1639 = vector.extract_strided_slice %transpose3A_91 {offsets = [0, 3296], sizes = [32, 32], strides = [1, 1]} : vector<32x4096xf32> to vector<32x32xf32>
    %dot_general3A_1640 = arith.constant dense<0.000000e+00> : vector<32x256xf32>
    %dot_general3A_1641 = tpu.matmul %slice3A_1639, %slice3A_1635, %dot_general3A_1640 {dimension_numbers = #tpu.dot_dimension_numbers<[1], [0], [0], [1], [0, 0, 1, 1], [], []>, transpose_lhs_hint = false} : vector<32x32xf32>, vector<32x256xf32>, vector<32x256xf32> -> vector<32x256xf32>
    %add3A_1642 = arith.addf %dot_general3A_1638, %dot_general3A_1641 : vector<32x256xf32>
    %swap3A_1643 = arith.constant 0 : index
    %swap3A_1644 = arith.constant 0 : index
    %swap3A_1645 = arith.constant 103 : index
    %swap3A_1646 = arith.constant 0 : index
    %swap3A_1647 = vector.load %arg11[%swap3A_1643, %swap3A_1644, %swap3A_1645, %swap3A_1646] : memref<1x32x128x256xf32, #tpu.memory_space<vmem>>, vector<1x32x1x256xf32>
    %swap3A_1648 = vector.shape_cast %swap3A_1647 : vector<1x32x1x256xf32> to vector<32x256xf32>
    %swap3A_1649 = vector.shape_cast %add3A_1642 : vector<32x256xf32> to vector<1x32x1x256xf32>
    tpu.vector_store %arg11[%swap3A_1643, %swap3A_1644, %swap3A_1645, %swap3A_1646], %swap3A_1649 {strides = array<i32>} : memref<1x32x128x256xf32, #tpu.memory_space<vmem>>, vector<1x32x1x256xf32>,
    %slice3A_1650 = vector.extract_strided_slice %convert_element_type3A_14 {offsets = [3328, 0], sizes = [32, 256], strides = [1, 1]} : vector<4096x256xf32> to vector<32x256xf32>
    %slice3A_1651 = vector.extract_strided_slice %transpose3A {offsets = [0, 3328], sizes = [32, 32], strides = [1, 1]} : vector<32x4096xf32> to vector<32x32xf32>
    %dot_general3A_1652 = arith.constant dense<0.000000e+00> : vector<32x256xf32>
    %dot_general3A_1653 = tpu.matmul %slice3A_1651, %slice3A_1650, %dot_general3A_1652 {dimension_numbers = #tpu.dot_dimension_numbers<[1], [0], [0], [1], [0, 0, 1, 1], [], []>, transpose_lhs_hint = false} : vector<32x32xf32>, vector<32x256xf32>, vector<32x256xf32> -> vector<32x256xf32>
    %slice3A_1654 = vector.extract_strided_slice %transpose3A_91 {offsets = [0, 3328], sizes = [32, 32], strides = [1, 1]} : vector<32x4096xf32> to vector<32x32xf32>
    %dot_general3A_1655 = arith.constant dense<0.000000e+00> : vector<32x256xf32>
    %dot_general3A_1656 = tpu.matmul %slice3A_1654, %slice3A_1650, %dot_general3A_1655 {dimension_numbers = #tpu.dot_dimension_numbers<[1], [0], [0], [1], [0, 0, 1, 1], [], []>, transpose_lhs_hint = false} : vector<32x32xf32>, vector<32x256xf32>, vector<32x256xf32> -> vector<32x256xf32>
    %add3A_1657 = arith.addf %dot_general3A_1653, %dot_general3A_1656 : vector<32x256xf32>
    %swap3A_1658 = arith.constant 0 : index
    %swap3A_1659 = arith.constant 0 : index
    %swap3A_1660 = arith.constant 104 : index
    %swap3A_1661 = arith.constant 0 : index
    %swap3A_1662 = vector.load %arg11[%swap3A_1658, %swap3A_1659, %swap3A_1660, %swap3A_1661] : memref<1x32x128x256xf32, #tpu.memory_space<vmem>>, vector<1x32x1x256xf32>
    %swap3A_1663 = vector.shape_cast %swap3A_1662 : vector<1x32x1x256xf32> to vector<32x256xf32>
    %swap3A_1664 = vector.shape_cast %add3A_1657 : vector<32x256xf32> to vector<1x32x1x256xf32>
    tpu.vector_store %arg11[%swap3A_1658, %swap3A_1659, %swap3A_1660, %swap3A_1661], %swap3A_1664 {strides = array<i32>} : memref<1x32x128x256xf32, #tpu.memory_space<vmem>>, vector<1x32x1x256xf32>,
    %slice3A_1665 = vector.extract_strided_slice %convert_element_type3A_14 {offsets = [3360, 0], sizes = [32, 256], strides = [1, 1]} : vector<4096x256xf32> to vector<32x256xf32>
    %slice3A_1666 = vector.extract_strided_slice %transpose3A {offsets = [0, 3360], sizes = [32, 32], strides = [1, 1]} : vector<32x4096xf32> to vector<32x32xf32>
    %dot_general3A_1667 = arith.constant dense<0.000000e+00> : vector<32x256xf32>
    %dot_general3A_1668 = tpu.matmul %slice3A_1666, %slice3A_1665, %dot_general3A_1667 {dimension_numbers = #tpu.dot_dimension_numbers<[1], [0], [0], [1], [0, 0, 1, 1], [], []>, transpose_lhs_hint = false} : vector<32x32xf32>, vector<32x256xf32>, vector<32x256xf32> -> vector<32x256xf32>
    %slice3A_1669 = vector.extract_strided_slice %transpose3A_91 {offsets = [0, 3360], sizes = [32, 32], strides = [1, 1]} : vector<32x4096xf32> to vector<32x32xf32>
    %dot_general3A_1670 = arith.constant dense<0.000000e+00> : vector<32x256xf32>
    %dot_general3A_1671 = tpu.matmul %slice3A_1669, %slice3A_1665, %dot_general3A_1670 {dimension_numbers = #tpu.dot_dimension_numbers<[1], [0], [0], [1], [0, 0, 1, 1], [], []>, transpose_lhs_hint = false} : vector<32x32xf32>, vector<32x256xf32>, vector<32x256xf32> -> vector<32x256xf32>
    %add3A_1672 = arith.addf %dot_general3A_1668, %dot_general3A_1671 : vector<32x256xf32>
    %swap3A_1673 = arith.constant 0 : index
    %swap3A_1674 = arith.constant 0 : index
    %swap3A_1675 = arith.constant 105 : index
    %swap3A_1676 = arith.constant 0 : index
    %swap3A_1677 = vector.load %arg11[%swap3A_1673, %swap3A_1674, %swap3A_1675, %swap3A_1676] : memref<1x32x128x256xf32, #tpu.memory_space<vmem>>, vector<1x32x1x256xf32>
    %swap3A_1678 = vector.shape_cast %swap3A_1677 : vector<1x32x1x256xf32> to vector<32x256xf32>
    %swap3A_1679 = vector.shape_cast %add3A_1672 : vector<32x256xf32> to vector<1x32x1x256xf32>
    tpu.vector_store %arg11[%swap3A_1673, %swap3A_1674, %swap3A_1675, %swap3A_1676], %swap3A_1679 {strides = array<i32>} : memref<1x32x128x256xf32, #tpu.memory_space<vmem>>, vector<1x32x1x256xf32>,
    %slice3A_1680 = vector.extract_strided_slice %convert_element_type3A_14 {offsets = [3392, 0], sizes = [32, 256], strides = [1, 1]} : vector<4096x256xf32> to vector<32x256xf32>
    %slice3A_1681 = vector.extract_strided_slice %transpose3A {offsets = [0, 3392], sizes = [32, 32], strides = [1, 1]} : vector<32x4096xf32> to vector<32x32xf32>
    %dot_general3A_1682 = arith.constant dense<0.000000e+00> : vector<32x256xf32>
    %dot_general3A_1683 = tpu.matmul %slice3A_1681, %slice3A_1680, %dot_general3A_1682 {dimension_numbers = #tpu.dot_dimension_numbers<[1], [0], [0], [1], [0, 0, 1, 1], [], []>, transpose_lhs_hint = false} : vector<32x32xf32>, vector<32x256xf32>, vector<32x256xf32> -> vector<32x256xf32>
    %slice3A_1684 = vector.extract_strided_slice %transpose3A_91 {offsets = [0, 3392], sizes = [32, 32], strides = [1, 1]} : vector<32x4096xf32> to vector<32x32xf32>
    %dot_general3A_1685 = arith.constant dense<0.000000e+00> : vector<32x256xf32>
    %dot_general3A_1686 = tpu.matmul %slice3A_1684, %slice3A_1680, %dot_general3A_1685 {dimension_numbers = #tpu.dot_dimension_numbers<[1], [0], [0], [1], [0, 0, 1, 1], [], []>, transpose_lhs_hint = false} : vector<32x32xf32>, vector<32x256xf32>, vector<32x256xf32> -> vector<32x256xf32>
    %add3A_1687 = arith.addf %dot_general3A_1683, %dot_general3A_1686 : vector<32x256xf32>
    %swap3A_1688 = arith.constant 0 : index
    %swap3A_1689 = arith.constant 0 : index
    %swap3A_1690 = arith.constant 106 : index
    %swap3A_1691 = arith.constant 0 : index
    %swap3A_1692 = vector.load %arg11[%swap3A_1688, %swap3A_1689, %swap3A_1690, %swap3A_1691] : memref<1x32x128x256xf32, #tpu.memory_space<vmem>>, vector<1x32x1x256xf32>
    %swap3A_1693 = vector.shape_cast %swap3A_1692 : vector<1x32x1x256xf32> to vector<32x256xf32>
    %swap3A_1694 = vector.shape_cast %add3A_1687 : vector<32x256xf32> to vector<1x32x1x256xf32>
    tpu.vector_store %arg11[%swap3A_1688, %swap3A_1689, %swap3A_1690, %swap3A_1691], %swap3A_1694 {strides = array<i32>} : memref<1x32x128x256xf32, #tpu.memory_space<vmem>>, vector<1x32x1x256xf32>,
    %slice3A_1695 = vector.extract_strided_slice %convert_element_type3A_14 {offsets = [3424, 0], sizes = [32, 256], strides = [1, 1]} : vector<4096x256xf32> to vector<32x256xf32>
    %slice3A_1696 = vector.extract_strided_slice %transpose3A {offsets = [0, 3424], sizes = [32, 32], strides = [1, 1]} : vector<32x4096xf32> to vector<32x32xf32>
    %dot_general3A_1697 = arith.constant dense<0.000000e+00> : vector<32x256xf32>
    %dot_general3A_1698 = tpu.matmul %slice3A_1696, %slice3A_1695, %dot_general3A_1697 {dimension_numbers = #tpu.dot_dimension_numbers<[1], [0], [0], [1], [0, 0, 1, 1], [], []>, transpose_lhs_hint = false} : vector<32x32xf32>, vector<32x256xf32>, vector<32x256xf32> -> vector<32x256xf32>
    %slice3A_1699 = vector.extract_strided_slice %transpose3A_91 {offsets = [0, 3424], sizes = [32, 32], strides = [1, 1]} : vector<32x4096xf32> to vector<32x32xf32>
    %dot_general3A_1700 = arith.constant dense<0.000000e+00> : vector<32x256xf32>
    %dot_general3A_1701 = tpu.matmul %slice3A_1699, %slice3A_1695, %dot_general3A_1700 {dimension_numbers = #tpu.dot_dimension_numbers<[1], [0], [0], [1], [0, 0, 1, 1], [], []>, transpose_lhs_hint = false} : vector<32x32xf32>, vector<32x256xf32>, vector<32x256xf32> -> vector<32x256xf32>
    %add3A_1702 = arith.addf %dot_general3A_1698, %dot_general3A_1701 : vector<32x256xf32>
    %swap3A_1703 = arith.constant 0 : index
    %swap3A_1704 = arith.constant 0 : index
    %swap3A_1705 = arith.constant 107 : index
    %swap3A_1706 = arith.constant 0 : index
    %swap3A_1707 = vector.load %arg11[%swap3A_1703, %swap3A_1704, %swap3A_1705, %swap3A_1706] : memref<1x32x128x256xf32, #tpu.memory_space<vmem>>, vector<1x32x1x256xf32>
    %swap3A_1708 = vector.shape_cast %swap3A_1707 : vector<1x32x1x256xf32> to vector<32x256xf32>
    %swap3A_1709 = vector.shape_cast %add3A_1702 : vector<32x256xf32> to vector<1x32x1x256xf32>
    tpu.vector_store %arg11[%swap3A_1703, %swap3A_1704, %swap3A_1705, %swap3A_1706], %swap3A_1709 {strides = array<i32>} : memref<1x32x128x256xf32, #tpu.memory_space<vmem>>, vector<1x32x1x256xf32>,
    %slice3A_1710 = vector.extract_strided_slice %convert_element_type3A_14 {offsets = [3456, 0], sizes = [32, 256], strides = [1, 1]} : vector<4096x256xf32> to vector<32x256xf32>
    %slice3A_1711 = vector.extract_strided_slice %transpose3A {offsets = [0, 3456], sizes = [32, 32], strides = [1, 1]} : vector<32x4096xf32> to vector<32x32xf32>
    %dot_general3A_1712 = arith.constant dense<0.000000e+00> : vector<32x256xf32>
    %dot_general3A_1713 = tpu.matmul %slice3A_1711, %slice3A_1710, %dot_general3A_1712 {dimension_numbers = #tpu.dot_dimension_numbers<[1], [0], [0], [1], [0, 0, 1, 1], [], []>, transpose_lhs_hint = false} : vector<32x32xf32>, vector<32x256xf32>, vector<32x256xf32> -> vector<32x256xf32>
    %slice3A_1714 = vector.extract_strided_slice %transpose3A_91 {offsets = [0, 3456], sizes = [32, 32], strides = [1, 1]} : vector<32x4096xf32> to vector<32x32xf32>
    %dot_general3A_1715 = arith.constant dense<0.000000e+00> : vector<32x256xf32>
    %dot_general3A_1716 = tpu.matmul %slice3A_1714, %slice3A_1710, %dot_general3A_1715 {dimension_numbers = #tpu.dot_dimension_numbers<[1], [0], [0], [1], [0, 0, 1, 1], [], []>, transpose_lhs_hint = false} : vector<32x32xf32>, vector<32x256xf32>, vector<32x256xf32> -> vector<32x256xf32>
    %add3A_1717 = arith.addf %dot_general3A_1713, %dot_general3A_1716 : vector<32x256xf32>
    %swap3A_1718 = arith.constant 0 : index
    %swap3A_1719 = arith.constant 0 : index
    %swap3A_1720 = arith.constant 108 : index
    %swap3A_1721 = arith.constant 0 : index
    %swap3A_1722 = vector.load %arg11[%swap3A_1718, %swap3A_1719, %swap3A_1720, %swap3A_1721] : memref<1x32x128x256xf32, #tpu.memory_space<vmem>>, vector<1x32x1x256xf32>
    %swap3A_1723 = vector.shape_cast %swap3A_1722 : vector<1x32x1x256xf32> to vector<32x256xf32>
    %swap3A_1724 = vector.shape_cast %add3A_1717 : vector<32x256xf32> to vector<1x32x1x256xf32>
    tpu.vector_store %arg11[%swap3A_1718, %swap3A_1719, %swap3A_1720, %swap3A_1721], %swap3A_1724 {strides = array<i32>} : memref<1x32x128x256xf32, #tpu.memory_space<vmem>>, vector<1x32x1x256xf32>,
    %slice3A_1725 = vector.extract_strided_slice %convert_element_type3A_14 {offsets = [3488, 0], sizes = [32, 256], strides = [1, 1]} : vector<4096x256xf32> to vector<32x256xf32>
    %slice3A_1726 = vector.extract_strided_slice %transpose3A {offsets = [0, 3488], sizes = [32, 32], strides = [1, 1]} : vector<32x4096xf32> to vector<32x32xf32>
    %dot_general3A_1727 = arith.constant dense<0.000000e+00> : vector<32x256xf32>
    %dot_general3A_1728 = tpu.matmul %slice3A_1726, %slice3A_1725, %dot_general3A_1727 {dimension_numbers = #tpu.dot_dimension_numbers<[1], [0], [0], [1], [0, 0, 1, 1], [], []>, transpose_lhs_hint = false} : vector<32x32xf32>, vector<32x256xf32>, vector<32x256xf32> -> vector<32x256xf32>
    %slice3A_1729 = vector.extract_strided_slice %transpose3A_91 {offsets = [0, 3488], sizes = [32, 32], strides = [1, 1]} : vector<32x4096xf32> to vector<32x32xf32>
    %dot_general3A_1730 = arith.constant dense<0.000000e+00> : vector<32x256xf32>
    %dot_general3A_1731 = tpu.matmul %slice3A_1729, %slice3A_1725, %dot_general3A_1730 {dimension_numbers = #tpu.dot_dimension_numbers<[1], [0], [0], [1], [0, 0, 1, 1], [], []>, transpose_lhs_hint = false} : vector<32x32xf32>, vector<32x256xf32>, vector<32x256xf32> -> vector<32x256xf32>
    %add3A_1732 = arith.addf %dot_general3A_1728, %dot_general3A_1731 : vector<32x256xf32>
    %swap3A_1733 = arith.constant 0 : index
    %swap3A_1734 = arith.constant 0 : index
    %swap3A_1735 = arith.constant 109 : index
    %swap3A_1736 = arith.constant 0 : index
    %swap3A_1737 = vector.load %arg11[%swap3A_1733, %swap3A_1734, %swap3A_1735, %swap3A_1736] : memref<1x32x128x256xf32, #tpu.memory_space<vmem>>, vector<1x32x1x256xf32>
    %swap3A_1738 = vector.shape_cast %swap3A_1737 : vector<1x32x1x256xf32> to vector<32x256xf32>
    %swap3A_1739 = vector.shape_cast %add3A_1732 : vector<32x256xf32> to vector<1x32x1x256xf32>
    tpu.vector_store %arg11[%swap3A_1733, %swap3A_1734, %swap3A_1735, %swap3A_1736], %swap3A_1739 {strides = array<i32>} : memref<1x32x128x256xf32, #tpu.memory_space<vmem>>, vector<1x32x1x256xf32>,
    %slice3A_1740 = vector.extract_strided_slice %convert_element_type3A_14 {offsets = [3520, 0], sizes = [32, 256], strides = [1, 1]} : vector<4096x256xf32> to vector<32x256xf32>
    %slice3A_1741 = vector.extract_strided_slice %transpose3A {offsets = [0, 3520], sizes = [32, 32], strides = [1, 1]} : vector<32x4096xf32> to vector<32x32xf32>
    %dot_general3A_1742 = arith.constant dense<0.000000e+00> : vector<32x256xf32>
    %dot_general3A_1743 = tpu.matmul %slice3A_1741, %slice3A_1740, %dot_general3A_1742 {dimension_numbers = #tpu.dot_dimension_numbers<[1], [0], [0], [1], [0, 0, 1, 1], [], []>, transpose_lhs_hint = false} : vector<32x32xf32>, vector<32x256xf32>, vector<32x256xf32> -> vector<32x256xf32>
    %slice3A_1744 = vector.extract_strided_slice %transpose3A_91 {offsets = [0, 3520], sizes = [32, 32], strides = [1, 1]} : vector<32x4096xf32> to vector<32x32xf32>
    %dot_general3A_1745 = arith.constant dense<0.000000e+00> : vector<32x256xf32>
    %dot_general3A_1746 = tpu.matmul %slice3A_1744, %slice3A_1740, %dot_general3A_1745 {dimension_numbers = #tpu.dot_dimension_numbers<[1], [0], [0], [1], [0, 0, 1, 1], [], []>, transpose_lhs_hint = false} : vector<32x32xf32>, vector<32x256xf32>, vector<32x256xf32> -> vector<32x256xf32>
    %add3A_1747 = arith.addf %dot_general3A_1743, %dot_general3A_1746 : vector<32x256xf32>
    %swap3A_1748 = arith.constant 0 : index
    %swap3A_1749 = arith.constant 0 : index
    %swap3A_1750 = arith.constant 110 : index
    %swap3A_1751 = arith.constant 0 : index
    %swap3A_1752 = vector.load %arg11[%swap3A_1748, %swap3A_1749, %swap3A_1750, %swap3A_1751] : memref<1x32x128x256xf32, #tpu.memory_space<vmem>>, vector<1x32x1x256xf32>
    %swap3A_1753 = vector.shape_cast %swap3A_1752 : vector<1x32x1x256xf32> to vector<32x256xf32>
    %swap3A_1754 = vector.shape_cast %add3A_1747 : vector<32x256xf32> to vector<1x32x1x256xf32>
    tpu.vector_store %arg11[%swap3A_1748, %swap3A_1749, %swap3A_1750, %swap3A_1751], %swap3A_1754 {strides = array<i32>} : memref<1x32x128x256xf32, #tpu.memory_space<vmem>>, vector<1x32x1x256xf32>,
    %slice3A_1755 = vector.extract_strided_slice %convert_element_type3A_14 {offsets = [3552, 0], sizes = [32, 256], strides = [1, 1]} : vector<4096x256xf32> to vector<32x256xf32>
    %slice3A_1756 = vector.extract_strided_slice %transpose3A {offsets = [0, 3552], sizes = [32, 32], strides = [1, 1]} : vector<32x4096xf32> to vector<32x32xf32>
    %dot_general3A_1757 = arith.constant dense<0.000000e+00> : vector<32x256xf32>
    %dot_general3A_1758 = tpu.matmul %slice3A_1756, %slice3A_1755, %dot_general3A_1757 {dimension_numbers = #tpu.dot_dimension_numbers<[1], [0], [0], [1], [0, 0, 1, 1], [], []>, transpose_lhs_hint = false} : vector<32x32xf32>, vector<32x256xf32>, vector<32x256xf32> -> vector<32x256xf32>
    %slice3A_1759 = vector.extract_strided_slice %transpose3A_91 {offsets = [0, 3552], sizes = [32, 32], strides = [1, 1]} : vector<32x4096xf32> to vector<32x32xf32>
    %dot_general3A_1760 = arith.constant dense<0.000000e+00> : vector<32x256xf32>
    %dot_general3A_1761 = tpu.matmul %slice3A_1759, %slice3A_1755, %dot_general3A_1760 {dimension_numbers = #tpu.dot_dimension_numbers<[1], [0], [0], [1], [0, 0, 1, 1], [], []>, transpose_lhs_hint = false} : vector<32x32xf32>, vector<32x256xf32>, vector<32x256xf32> -> vector<32x256xf32>
    %add3A_1762 = arith.addf %dot_general3A_1758, %dot_general3A_1761 : vector<32x256xf32>
    %swap3A_1763 = arith.constant 0 : index
    %swap3A_1764 = arith.constant 0 : index
    %swap3A_1765 = arith.constant 111 : index
    %swap3A_1766 = arith.constant 0 : index
    %swap3A_1767 = vector.load %arg11[%swap3A_1763, %swap3A_1764, %swap3A_1765, %swap3A_1766] : memref<1x32x128x256xf32, #tpu.memory_space<vmem>>, vector<1x32x1x256xf32>
    %swap3A_1768 = vector.shape_cast %swap3A_1767 : vector<1x32x1x256xf32> to vector<32x256xf32>
    %swap3A_1769 = vector.shape_cast %add3A_1762 : vector<32x256xf32> to vector<1x32x1x256xf32>
    tpu.vector_store %arg11[%swap3A_1763, %swap3A_1764, %swap3A_1765, %swap3A_1766], %swap3A_1769 {strides = array<i32>} : memref<1x32x128x256xf32, #tpu.memory_space<vmem>>, vector<1x32x1x256xf32>,
    %slice3A_1770 = vector.extract_strided_slice %convert_element_type3A_14 {offsets = [3584, 0], sizes = [32, 256], strides = [1, 1]} : vector<4096x256xf32> to vector<32x256xf32>
    %slice3A_1771 = vector.extract_strided_slice %transpose3A {offsets = [0, 3584], sizes = [32, 32], strides = [1, 1]} : vector<32x4096xf32> to vector<32x32xf32>
    %dot_general3A_1772 = arith.constant dense<0.000000e+00> : vector<32x256xf32>
    %dot_general3A_1773 = tpu.matmul %slice3A_1771, %slice3A_1770, %dot_general3A_1772 {dimension_numbers = #tpu.dot_dimension_numbers<[1], [0], [0], [1], [0, 0, 1, 1], [], []>, transpose_lhs_hint = false} : vector<32x32xf32>, vector<32x256xf32>, vector<32x256xf32> -> vector<32x256xf32>
    %slice3A_1774 = vector.extract_strided_slice %transpose3A_91 {offsets = [0, 3584], sizes = [32, 32], strides = [1, 1]} : vector<32x4096xf32> to vector<32x32xf32>
    %dot_general3A_1775 = arith.constant dense<0.000000e+00> : vector<32x256xf32>
    %dot_general3A_1776 = tpu.matmul %slice3A_1774, %slice3A_1770, %dot_general3A_1775 {dimension_numbers = #tpu.dot_dimension_numbers<[1], [0], [0], [1], [0, 0, 1, 1], [], []>, transpose_lhs_hint = false} : vector<32x32xf32>, vector<32x256xf32>, vector<32x256xf32> -> vector<32x256xf32>
    %add3A_1777 = arith.addf %dot_general3A_1773, %dot_general3A_1776 : vector<32x256xf32>
    %swap3A_1778 = arith.constant 0 : index
    %swap3A_1779 = arith.constant 0 : index
    %swap3A_1780 = arith.constant 112 : index
    %swap3A_1781 = arith.constant 0 : index
    %swap3A_1782 = vector.load %arg11[%swap3A_1778, %swap3A_1779, %swap3A_1780, %swap3A_1781] : memref<1x32x128x256xf32, #tpu.memory_space<vmem>>, vector<1x32x1x256xf32>
    %swap3A_1783 = vector.shape_cast %swap3A_1782 : vector<1x32x1x256xf32> to vector<32x256xf32>
    %swap3A_1784 = vector.shape_cast %add3A_1777 : vector<32x256xf32> to vector<1x32x1x256xf32>
    tpu.vector_store %arg11[%swap3A_1778, %swap3A_1779, %swap3A_1780, %swap3A_1781], %swap3A_1784 {strides = array<i32>} : memref<1x32x128x256xf32, #tpu.memory_space<vmem>>, vector<1x32x1x256xf32>,
    %slice3A_1785 = vector.extract_strided_slice %convert_element_type3A_14 {offsets = [3616, 0], sizes = [32, 256], strides = [1, 1]} : vector<4096x256xf32> to vector<32x256xf32>
    %slice3A_1786 = vector.extract_strided_slice %transpose3A {offsets = [0, 3616], sizes = [32, 32], strides = [1, 1]} : vector<32x4096xf32> to vector<32x32xf32>
    %dot_general3A_1787 = arith.constant dense<0.000000e+00> : vector<32x256xf32>
    %dot_general3A_1788 = tpu.matmul %slice3A_1786, %slice3A_1785, %dot_general3A_1787 {dimension_numbers = #tpu.dot_dimension_numbers<[1], [0], [0], [1], [0, 0, 1, 1], [], []>, transpose_lhs_hint = false} : vector<32x32xf32>, vector<32x256xf32>, vector<32x256xf32> -> vector<32x256xf32>
    %slice3A_1789 = vector.extract_strided_slice %transpose3A_91 {offsets = [0, 3616], sizes = [32, 32], strides = [1, 1]} : vector<32x4096xf32> to vector<32x32xf32>
    %dot_general3A_1790 = arith.constant dense<0.000000e+00> : vector<32x256xf32>
    %dot_general3A_1791 = tpu.matmul %slice3A_1789, %slice3A_1785, %dot_general3A_1790 {dimension_numbers = #tpu.dot_dimension_numbers<[1], [0], [0], [1], [0, 0, 1, 1], [], []>, transpose_lhs_hint = false} : vector<32x32xf32>, vector<32x256xf32>, vector<32x256xf32> -> vector<32x256xf32>
    %add3A_1792 = arith.addf %dot_general3A_1788, %dot_general3A_1791 : vector<32x256xf32>
    %swap3A_1793 = arith.constant 0 : index
    %swap3A_1794 = arith.constant 0 : index
    %swap3A_1795 = arith.constant 113 : index
    %swap3A_1796 = arith.constant 0 : index
    %swap3A_1797 = vector.load %arg11[%swap3A_1793, %swap3A_1794, %swap3A_1795, %swap3A_1796] : memref<1x32x128x256xf32, #tpu.memory_space<vmem>>, vector<1x32x1x256xf32>
    %swap3A_1798 = vector.shape_cast %swap3A_1797 : vector<1x32x1x256xf32> to vector<32x256xf32>
    %swap3A_1799 = vector.shape_cast %add3A_1792 : vector<32x256xf32> to vector<1x32x1x256xf32>
    tpu.vector_store %arg11[%swap3A_1793, %swap3A_1794, %swap3A_1795, %swap3A_1796], %swap3A_1799 {strides = array<i32>} : memref<1x32x128x256xf32, #tpu.memory_space<vmem>>, vector<1x32x1x256xf32>,
    %slice3A_1800 = vector.extract_strided_slice %convert_element_type3A_14 {offsets = [3648, 0], sizes = [32, 256], strides = [1, 1]} : vector<4096x256xf32> to vector<32x256xf32>
    %slice3A_1801 = vector.extract_strided_slice %transpose3A {offsets = [0, 3648], sizes = [32, 32], strides = [1, 1]} : vector<32x4096xf32> to vector<32x32xf32>
    %dot_general3A_1802 = arith.constant dense<0.000000e+00> : vector<32x256xf32>
    %dot_general3A_1803 = tpu.matmul %slice3A_1801, %slice3A_1800, %dot_general3A_1802 {dimension_numbers = #tpu.dot_dimension_numbers<[1], [0], [0], [1], [0, 0, 1, 1], [], []>, transpose_lhs_hint = false} : vector<32x32xf32>, vector<32x256xf32>, vector<32x256xf32> -> vector<32x256xf32>
    %slice3A_1804 = vector.extract_strided_slice %transpose3A_91 {offsets = [0, 3648], sizes = [32, 32], strides = [1, 1]} : vector<32x4096xf32> to vector<32x32xf32>
    %dot_general3A_1805 = arith.constant dense<0.000000e+00> : vector<32x256xf32>
    %dot_general3A_1806 = tpu.matmul %slice3A_1804, %slice3A_1800, %dot_general3A_1805 {dimension_numbers = #tpu.dot_dimension_numbers<[1], [0], [0], [1], [0, 0, 1, 1], [], []>, transpose_lhs_hint = false} : vector<32x32xf32>, vector<32x256xf32>, vector<32x256xf32> -> vector<32x256xf32>
    %add3A_1807 = arith.addf %dot_general3A_1803, %dot_general3A_1806 : vector<32x256xf32>
    %swap3A_1808 = arith.constant 0 : index
    %swap3A_1809 = arith.constant 0 : index
    %swap3A_1810 = arith.constant 114 : index
    %swap3A_1811 = arith.constant 0 : index
    %swap3A_1812 = vector.load %arg11[%swap3A_1808, %swap3A_1809, %swap3A_1810, %swap3A_1811] : memref<1x32x128x256xf32, #tpu.memory_space<vmem>>, vector<1x32x1x256xf32>
    %swap3A_1813 = vector.shape_cast %swap3A_1812 : vector<1x32x1x256xf32> to vector<32x256xf32>
    %swap3A_1814 = vector.shape_cast %add3A_1807 : vector<32x256xf32> to vector<1x32x1x256xf32>
    tpu.vector_store %arg11[%swap3A_1808, %swap3A_1809, %swap3A_1810, %swap3A_1811], %swap3A_1814 {strides = array<i32>} : memref<1x32x128x256xf32, #tpu.memory_space<vmem>>, vector<1x32x1x256xf32>,
    %slice3A_1815 = vector.extract_strided_slice %convert_element_type3A_14 {offsets = [3680, 0], sizes = [32, 256], strides = [1, 1]} : vector<4096x256xf32> to vector<32x256xf32>
    %slice3A_1816 = vector.extract_strided_slice %transpose3A {offsets = [0, 3680], sizes = [32, 32], strides = [1, 1]} : vector<32x4096xf32> to vector<32x32xf32>
    %dot_general3A_1817 = arith.constant dense<0.000000e+00> : vector<32x256xf32>
    %dot_general3A_1818 = tpu.matmul %slice3A_1816, %slice3A_1815, %dot_general3A_1817 {dimension_numbers = #tpu.dot_dimension_numbers<[1], [0], [0], [1], [0, 0, 1, 1], [], []>, transpose_lhs_hint = false} : vector<32x32xf32>, vector<32x256xf32>, vector<32x256xf32> -> vector<32x256xf32>
    %slice3A_1819 = vector.extract_strided_slice %transpose3A_91 {offsets = [0, 3680], sizes = [32, 32], strides = [1, 1]} : vector<32x4096xf32> to vector<32x32xf32>
    %dot_general3A_1820 = arith.constant dense<0.000000e+00> : vector<32x256xf32>
    %dot_general3A_1821 = tpu.matmul %slice3A_1819, %slice3A_1815, %dot_general3A_1820 {dimension_numbers = #tpu.dot_dimension_numbers<[1], [0], [0], [1], [0, 0, 1, 1], [], []>, transpose_lhs_hint = false} : vector<32x32xf32>, vector<32x256xf32>, vector<32x256xf32> -> vector<32x256xf32>
    %add3A_1822 = arith.addf %dot_general3A_1818, %dot_general3A_1821 : vector<32x256xf32>
    %swap3A_1823 = arith.constant 0 : index
    %swap3A_1824 = arith.constant 0 : index
    %swap3A_1825 = arith.constant 115 : index
    %swap3A_1826 = arith.constant 0 : index
    %swap3A_1827 = vector.load %arg11[%swap3A_1823, %swap3A_1824, %swap3A_1825, %swap3A_1826] : memref<1x32x128x256xf32, #tpu.memory_space<vmem>>, vector<1x32x1x256xf32>
    %swap3A_1828 = vector.shape_cast %swap3A_1827 : vector<1x32x1x256xf32> to vector<32x256xf32>
    %swap3A_1829 = vector.shape_cast %add3A_1822 : vector<32x256xf32> to vector<1x32x1x256xf32>
    tpu.vector_store %arg11[%swap3A_1823, %swap3A_1824, %swap3A_1825, %swap3A_1826], %swap3A_1829 {strides = array<i32>} : memref<1x32x128x256xf32, #tpu.memory_space<vmem>>, vector<1x32x1x256xf32>,
    %slice3A_1830 = vector.extract_strided_slice %convert_element_type3A_14 {offsets = [3712, 0], sizes = [32, 256], strides = [1, 1]} : vector<4096x256xf32> to vector<32x256xf32>
    %slice3A_1831 = vector.extract_strided_slice %transpose3A {offsets = [0, 3712], sizes = [32, 32], strides = [1, 1]} : vector<32x4096xf32> to vector<32x32xf32>
    %dot_general3A_1832 = arith.constant dense<0.000000e+00> : vector<32x256xf32>
    %dot_general3A_1833 = tpu.matmul %slice3A_1831, %slice3A_1830, %dot_general3A_1832 {dimension_numbers = #tpu.dot_dimension_numbers<[1], [0], [0], [1], [0, 0, 1, 1], [], []>, transpose_lhs_hint = false} : vector<32x32xf32>, vector<32x256xf32>, vector<32x256xf32> -> vector<32x256xf32>
    %slice3A_1834 = vector.extract_strided_slice %transpose3A_91 {offsets = [0, 3712], sizes = [32, 32], strides = [1, 1]} : vector<32x4096xf32> to vector<32x32xf32>
    %dot_general3A_1835 = arith.constant dense<0.000000e+00> : vector<32x256xf32>
    %dot_general3A_1836 = tpu.matmul %slice3A_1834, %slice3A_1830, %dot_general3A_1835 {dimension_numbers = #tpu.dot_dimension_numbers<[1], [0], [0], [1], [0, 0, 1, 1], [], []>, transpose_lhs_hint = false} : vector<32x32xf32>, vector<32x256xf32>, vector<32x256xf32> -> vector<32x256xf32>
    %add3A_1837 = arith.addf %dot_general3A_1833, %dot_general3A_1836 : vector<32x256xf32>
    %swap3A_1838 = arith.constant 0 : index
    %swap3A_1839 = arith.constant 0 : index
    %swap3A_1840 = arith.constant 116 : index
    %swap3A_1841 = arith.constant 0 : index
    %swap3A_1842 = vector.load %arg11[%swap3A_1838, %swap3A_1839, %swap3A_1840, %swap3A_1841] : memref<1x32x128x256xf32, #tpu.memory_space<vmem>>, vector<1x32x1x256xf32>
    %swap3A_1843 = vector.shape_cast %swap3A_1842 : vector<1x32x1x256xf32> to vector<32x256xf32>
    %swap3A_1844 = vector.shape_cast %add3A_1837 : vector<32x256xf32> to vector<1x32x1x256xf32>
    tpu.vector_store %arg11[%swap3A_1838, %swap3A_1839, %swap3A_1840, %swap3A_1841], %swap3A_1844 {strides = array<i32>} : memref<1x32x128x256xf32, #tpu.memory_space<vmem>>, vector<1x32x1x256xf32>,
    %slice3A_1845 = vector.extract_strided_slice %convert_element_type3A_14 {offsets = [3744, 0], sizes = [32, 256], strides = [1, 1]} : vector<4096x256xf32> to vector<32x256xf32>
    %slice3A_1846 = vector.extract_strided_slice %transpose3A {offsets = [0, 3744], sizes = [32, 32], strides = [1, 1]} : vector<32x4096xf32> to vector<32x32xf32>
    %dot_general3A_1847 = arith.constant dense<0.000000e+00> : vector<32x256xf32>
    %dot_general3A_1848 = tpu.matmul %slice3A_1846, %slice3A_1845, %dot_general3A_1847 {dimension_numbers = #tpu.dot_dimension_numbers<[1], [0], [0], [1], [0, 0, 1, 1], [], []>, transpose_lhs_hint = false} : vector<32x32xf32>, vector<32x256xf32>, vector<32x256xf32> -> vector<32x256xf32>
    %slice3A_1849 = vector.extract_strided_slice %transpose3A_91 {offsets = [0, 3744], sizes = [32, 32], strides = [1, 1]} : vector<32x4096xf32> to vector<32x32xf32>
    %dot_general3A_1850 = arith.constant dense<0.000000e+00> : vector<32x256xf32>
    %dot_general3A_1851 = tpu.matmul %slice3A_1849, %slice3A_1845, %dot_general3A_1850 {dimension_numbers = #tpu.dot_dimension_numbers<[1], [0], [0], [1], [0, 0, 1, 1], [], []>, transpose_lhs_hint = false} : vector<32x32xf32>, vector<32x256xf32>, vector<32x256xf32> -> vector<32x256xf32>
    %add3A_1852 = arith.addf %dot_general3A_1848, %dot_general3A_1851 : vector<32x256xf32>
    %swap3A_1853 = arith.constant 0 : index
    %swap3A_1854 = arith.constant 0 : index
    %swap3A_1855 = arith.constant 117 : index
    %swap3A_1856 = arith.constant 0 : index
    %swap3A_1857 = vector.load %arg11[%swap3A_1853, %swap3A_1854, %swap3A_1855, %swap3A_1856] : memref<1x32x128x256xf32, #tpu.memory_space<vmem>>, vector<1x32x1x256xf32>
    %swap3A_1858 = vector.shape_cast %swap3A_1857 : vector<1x32x1x256xf32> to vector<32x256xf32>
    %swap3A_1859 = vector.shape_cast %add3A_1852 : vector<32x256xf32> to vector<1x32x1x256xf32>
    tpu.vector_store %arg11[%swap3A_1853, %swap3A_1854, %swap3A_1855, %swap3A_1856], %swap3A_1859 {strides = array<i32>} : memref<1x32x128x256xf32, #tpu.memory_space<vmem>>, vector<1x32x1x256xf32>,
    %slice3A_1860 = vector.extract_strided_slice %convert_element_type3A_14 {offsets = [3776, 0], sizes = [32, 256], strides = [1, 1]} : vector<4096x256xf32> to vector<32x256xf32>
    %slice3A_1861 = vector.extract_strided_slice %transpose3A {offsets = [0, 3776], sizes = [32, 32], strides = [1, 1]} : vector<32x4096xf32> to vector<32x32xf32>
    %dot_general3A_1862 = arith.constant dense<0.000000e+00> : vector<32x256xf32>
    %dot_general3A_1863 = tpu.matmul %slice3A_1861, %slice3A_1860, %dot_general3A_1862 {dimension_numbers = #tpu.dot_dimension_numbers<[1], [0], [0], [1], [0, 0, 1, 1], [], []>, transpose_lhs_hint = false} : vector<32x32xf32>, vector<32x256xf32>, vector<32x256xf32> -> vector<32x256xf32>
    %slice3A_1864 = vector.extract_strided_slice %transpose3A_91 {offsets = [0, 3776], sizes = [32, 32], strides = [1, 1]} : vector<32x4096xf32> to vector<32x32xf32>
    %dot_general3A_1865 = arith.constant dense<0.000000e+00> : vector<32x256xf32>
    %dot_general3A_1866 = tpu.matmul %slice3A_1864, %slice3A_1860, %dot_general3A_1865 {dimension_numbers = #tpu.dot_dimension_numbers<[1], [0], [0], [1], [0, 0, 1, 1], [], []>, transpose_lhs_hint = false} : vector<32x32xf32>, vector<32x256xf32>, vector<32x256xf32> -> vector<32x256xf32>
    %add3A_1867 = arith.addf %dot_general3A_1863, %dot_general3A_1866 : vector<32x256xf32>
    %swap3A_1868 = arith.constant 0 : index
    %swap3A_1869 = arith.constant 0 : index
    %swap3A_1870 = arith.constant 118 : index
    %swap3A_1871 = arith.constant 0 : index
    %swap3A_1872 = vector.load %arg11[%swap3A_1868, %swap3A_1869, %swap3A_1870, %swap3A_1871] : memref<1x32x128x256xf32, #tpu.memory_space<vmem>>, vector<1x32x1x256xf32>
    %swap3A_1873 = vector.shape_cast %swap3A_1872 : vector<1x32x1x256xf32> to vector<32x256xf32>
    %swap3A_1874 = vector.shape_cast %add3A_1867 : vector<32x256xf32> to vector<1x32x1x256xf32>
    tpu.vector_store %arg11[%swap3A_1868, %swap3A_1869, %swap3A_1870, %swap3A_1871], %swap3A_1874 {strides = array<i32>} : memref<1x32x128x256xf32, #tpu.memory_space<vmem>>, vector<1x32x1x256xf32>,
    %slice3A_1875 = vector.extract_strided_slice %convert_element_type3A_14 {offsets = [3808, 0], sizes = [32, 256], strides = [1, 1]} : vector<4096x256xf32> to vector<32x256xf32>
    %slice3A_1876 = vector.extract_strided_slice %transpose3A {offsets = [0, 3808], sizes = [32, 32], strides = [1, 1]} : vector<32x4096xf32> to vector<32x32xf32>
    %dot_general3A_1877 = arith.constant dense<0.000000e+00> : vector<32x256xf32>
    %dot_general3A_1878 = tpu.matmul %slice3A_1876, %slice3A_1875, %dot_general3A_1877 {dimension_numbers = #tpu.dot_dimension_numbers<[1], [0], [0], [1], [0, 0, 1, 1], [], []>, transpose_lhs_hint = false} : vector<32x32xf32>, vector<32x256xf32>, vector<32x256xf32> -> vector<32x256xf32>
    %slice3A_1879 = vector.extract_strided_slice %transpose3A_91 {offsets = [0, 3808], sizes = [32, 32], strides = [1, 1]} : vector<32x4096xf32> to vector<32x32xf32>
    %dot_general3A_1880 = arith.constant dense<0.000000e+00> : vector<32x256xf32>
    %dot_general3A_1881 = tpu.matmul %slice3A_1879, %slice3A_1875, %dot_general3A_1880 {dimension_numbers = #tpu.dot_dimension_numbers<[1], [0], [0], [1], [0, 0, 1, 1], [], []>, transpose_lhs_hint = false} : vector<32x32xf32>, vector<32x256xf32>, vector<32x256xf32> -> vector<32x256xf32>
    %add3A_1882 = arith.addf %dot_general3A_1878, %dot_general3A_1881 : vector<32x256xf32>
    %swap3A_1883 = arith.constant 0 : index
    %swap3A_1884 = arith.constant 0 : index
    %swap3A_1885 = arith.constant 119 : index
    %swap3A_1886 = arith.constant 0 : index
    %swap3A_1887 = vector.load %arg11[%swap3A_1883, %swap3A_1884, %swap3A_1885, %swap3A_1886] : memref<1x32x128x256xf32, #tpu.memory_space<vmem>>, vector<1x32x1x256xf32>
    %swap3A_1888 = vector.shape_cast %swap3A_1887 : vector<1x32x1x256xf32> to vector<32x256xf32>
    %swap3A_1889 = vector.shape_cast %add3A_1882 : vector<32x256xf32> to vector<1x32x1x256xf32>
    tpu.vector_store %arg11[%swap3A_1883, %swap3A_1884, %swap3A_1885, %swap3A_1886], %swap3A_1889 {strides = array<i32>} : memref<1x32x128x256xf32, #tpu.memory_space<vmem>>, vector<1x32x1x256xf32>,
    %slice3A_1890 = vector.extract_strided_slice %convert_element_type3A_14 {offsets = [3840, 0], sizes = [32, 256], strides = [1, 1]} : vector<4096x256xf32> to vector<32x256xf32>
    %slice3A_1891 = vector.extract_strided_slice %transpose3A {offsets = [0, 3840], sizes = [32, 32], strides = [1, 1]} : vector<32x4096xf32> to vector<32x32xf32>
    %dot_general3A_1892 = arith.constant dense<0.000000e+00> : vector<32x256xf32>
    %dot_general3A_1893 = tpu.matmul %slice3A_1891, %slice3A_1890, %dot_general3A_1892 {dimension_numbers = #tpu.dot_dimension_numbers<[1], [0], [0], [1], [0, 0, 1, 1], [], []>, transpose_lhs_hint = false} : vector<32x32xf32>, vector<32x256xf32>, vector<32x256xf32> -> vector<32x256xf32>
    %slice3A_1894 = vector.extract_strided_slice %transpose3A_91 {offsets = [0, 3840], sizes = [32, 32], strides = [1, 1]} : vector<32x4096xf32> to vector<32x32xf32>
    %dot_general3A_1895 = arith.constant dense<0.000000e+00> : vector<32x256xf32>
    %dot_general3A_1896 = tpu.matmul %slice3A_1894, %slice3A_1890, %dot_general3A_1895 {dimension_numbers = #tpu.dot_dimension_numbers<[1], [0], [0], [1], [0, 0, 1, 1], [], []>, transpose_lhs_hint = false} : vector<32x32xf32>, vector<32x256xf32>, vector<32x256xf32> -> vector<32x256xf32>
    %add3A_1897 = arith.addf %dot_general3A_1893, %dot_general3A_1896 : vector<32x256xf32>
    %swap3A_1898 = arith.constant 0 : index
    %swap3A_1899 = arith.constant 0 : index
    %swap3A_1900 = arith.constant 120 : index
    %swap3A_1901 = arith.constant 0 : index
    %swap3A_1902 = vector.load %arg11[%swap3A_1898, %swap3A_1899, %swap3A_1900, %swap3A_1901] : memref<1x32x128x256xf32, #tpu.memory_space<vmem>>, vector<1x32x1x256xf32>
    %swap3A_1903 = vector.shape_cast %swap3A_1902 : vector<1x32x1x256xf32> to vector<32x256xf32>
    %swap3A_1904 = vector.shape_cast %add3A_1897 : vector<32x256xf32> to vector<1x32x1x256xf32>
    tpu.vector_store %arg11[%swap3A_1898, %swap3A_1899, %swap3A_1900, %swap3A_1901], %swap3A_1904 {strides = array<i32>} : memref<1x32x128x256xf32, #tpu.memory_space<vmem>>, vector<1x32x1x256xf32>,
    %slice3A_1905 = vector.extract_strided_slice %convert_element_type3A_14 {offsets = [3872, 0], sizes = [32, 256], strides = [1, 1]} : vector<4096x256xf32> to vector<32x256xf32>
    %slice3A_1906 = vector.extract_strided_slice %transpose3A {offsets = [0, 3872], sizes = [32, 32], strides = [1, 1]} : vector<32x4096xf32> to vector<32x32xf32>
    %dot_general3A_1907 = arith.constant dense<0.000000e+00> : vector<32x256xf32>
    %dot_general3A_1908 = tpu.matmul %slice3A_1906, %slice3A_1905, %dot_general3A_1907 {dimension_numbers = #tpu.dot_dimension_numbers<[1], [0], [0], [1], [0, 0, 1, 1], [], []>, transpose_lhs_hint = false} : vector<32x32xf32>, vector<32x256xf32>, vector<32x256xf32> -> vector<32x256xf32>
    %slice3A_1909 = vector.extract_strided_slice %transpose3A_91 {offsets = [0, 3872], sizes = [32, 32], strides = [1, 1]} : vector<32x4096xf32> to vector<32x32xf32>
    %dot_general3A_1910 = arith.constant dense<0.000000e+00> : vector<32x256xf32>
    %dot_general3A_1911 = tpu.matmul %slice3A_1909, %slice3A_1905, %dot_general3A_1910 {dimension_numbers = #tpu.dot_dimension_numbers<[1], [0], [0], [1], [0, 0, 1, 1], [], []>, transpose_lhs_hint = false} : vector<32x32xf32>, vector<32x256xf32>, vector<32x256xf32> -> vector<32x256xf32>
    %add3A_1912 = arith.addf %dot_general3A_1908, %dot_general3A_1911 : vector<32x256xf32>
    %swap3A_1913 = arith.constant 0 : index
    %swap3A_1914 = arith.constant 0 : index
    %swap3A_1915 = arith.constant 121 : index
    %swap3A_1916 = arith.constant 0 : index
    %swap3A_1917 = vector.load %arg11[%swap3A_1913, %swap3A_1914, %swap3A_1915, %swap3A_1916] : memref<1x32x128x256xf32, #tpu.memory_space<vmem>>, vector<1x32x1x256xf32>
    %swap3A_1918 = vector.shape_cast %swap3A_1917 : vector<1x32x1x256xf32> to vector<32x256xf32>
    %swap3A_1919 = vector.shape_cast %add3A_1912 : vector<32x256xf32> to vector<1x32x1x256xf32>
    tpu.vector_store %arg11[%swap3A_1913, %swap3A_1914, %swap3A_1915, %swap3A_1916], %swap3A_1919 {strides = array<i32>} : memref<1x32x128x256xf32, #tpu.memory_space<vmem>>, vector<1x32x1x256xf32>,
    %slice3A_1920 = vector.extract_strided_slice %convert_element_type3A_14 {offsets = [3904, 0], sizes = [32, 256], strides = [1, 1]} : vector<4096x256xf32> to vector<32x256xf32>
    %slice3A_1921 = vector.extract_strided_slice %transpose3A {offsets = [0, 3904], sizes = [32, 32], strides = [1, 1]} : vector<32x4096xf32> to vector<32x32xf32>
    %dot_general3A_1922 = arith.constant dense<0.000000e+00> : vector<32x256xf32>
    %dot_general3A_1923 = tpu.matmul %slice3A_1921, %slice3A_1920, %dot_general3A_1922 {dimension_numbers = #tpu.dot_dimension_numbers<[1], [0], [0], [1], [0, 0, 1, 1], [], []>, transpose_lhs_hint = false} : vector<32x32xf32>, vector<32x256xf32>, vector<32x256xf32> -> vector<32x256xf32>
    %slice3A_1924 = vector.extract_strided_slice %transpose3A_91 {offsets = [0, 3904], sizes = [32, 32], strides = [1, 1]} : vector<32x4096xf32> to vector<32x32xf32>
    %dot_general3A_1925 = arith.constant dense<0.000000e+00> : vector<32x256xf32>
    %dot_general3A_1926 = tpu.matmul %slice3A_1924, %slice3A_1920, %dot_general3A_1925 {dimension_numbers = #tpu.dot_dimension_numbers<[1], [0], [0], [1], [0, 0, 1, 1], [], []>, transpose_lhs_hint = false} : vector<32x32xf32>, vector<32x256xf32>, vector<32x256xf32> -> vector<32x256xf32>
    %add3A_1927 = arith.addf %dot_general3A_1923, %dot_general3A_1926 : vector<32x256xf32>
    %swap3A_1928 = arith.constant 0 : index
    %swap3A_1929 = arith.constant 0 : index
    %swap3A_1930 = arith.constant 122 : index
    %swap3A_1931 = arith.constant 0 : index
    %swap3A_1932 = vector.load %arg11[%swap3A_1928, %swap3A_1929, %swap3A_1930, %swap3A_1931] : memref<1x32x128x256xf32, #tpu.memory_space<vmem>>, vector<1x32x1x256xf32>
    %swap3A_1933 = vector.shape_cast %swap3A_1932 : vector<1x32x1x256xf32> to vector<32x256xf32>
    %swap3A_1934 = vector.shape_cast %add3A_1927 : vector<32x256xf32> to vector<1x32x1x256xf32>
    tpu.vector_store %arg11[%swap3A_1928, %swap3A_1929, %swap3A_1930, %swap3A_1931], %swap3A_1934 {strides = array<i32>} : memref<1x32x128x256xf32, #tpu.memory_space<vmem>>, vector<1x32x1x256xf32>,
    %slice3A_1935 = vector.extract_strided_slice %convert_element_type3A_14 {offsets = [3936, 0], sizes = [32, 256], strides = [1, 1]} : vector<4096x256xf32> to vector<32x256xf32>
    %slice3A_1936 = vector.extract_strided_slice %transpose3A {offsets = [0, 3936], sizes = [32, 32], strides = [1, 1]} : vector<32x4096xf32> to vector<32x32xf32>
    %dot_general3A_1937 = arith.constant dense<0.000000e+00> : vector<32x256xf32>
    %dot_general3A_1938 = tpu.matmul %slice3A_1936, %slice3A_1935, %dot_general3A_1937 {dimension_numbers = #tpu.dot_dimension_numbers<[1], [0], [0], [1], [0, 0, 1, 1], [], []>, transpose_lhs_hint = false} : vector<32x32xf32>, vector<32x256xf32>, vector<32x256xf32> -> vector<32x256xf32>
    %slice3A_1939 = vector.extract_strided_slice %transpose3A_91 {offsets = [0, 3936], sizes = [32, 32], strides = [1, 1]} : vector<32x4096xf32> to vector<32x32xf32>
    %dot_general3A_1940 = arith.constant dense<0.000000e+00> : vector<32x256xf32>
    %dot_general3A_1941 = tpu.matmul %slice3A_1939, %slice3A_1935, %dot_general3A_1940 {dimension_numbers = #tpu.dot_dimension_numbers<[1], [0], [0], [1], [0, 0, 1, 1], [], []>, transpose_lhs_hint = false} : vector<32x32xf32>, vector<32x256xf32>, vector<32x256xf32> -> vector<32x256xf32>
    %add3A_1942 = arith.addf %dot_general3A_1938, %dot_general3A_1941 : vector<32x256xf32>
    %swap3A_1943 = arith.constant 0 : index
    %swap3A_1944 = arith.constant 0 : index
    %swap3A_1945 = arith.constant 123 : index
    %swap3A_1946 = arith.constant 0 : index
    %swap3A_1947 = vector.load %arg11[%swap3A_1943, %swap3A_1944, %swap3A_1945, %swap3A_1946] : memref<1x32x128x256xf32, #tpu.memory_space<vmem>>, vector<1x32x1x256xf32>
    %swap3A_1948 = vector.shape_cast %swap3A_1947 : vector<1x32x1x256xf32> to vector<32x256xf32>
    %swap3A_1949 = vector.shape_cast %add3A_1942 : vector<32x256xf32> to vector<1x32x1x256xf32>
    tpu.vector_store %arg11[%swap3A_1943, %swap3A_1944, %swap3A_1945, %swap3A_1946], %swap3A_1949 {strides = array<i32>} : memref<1x32x128x256xf32, #tpu.memory_space<vmem>>, vector<1x32x1x256xf32>,
    %slice3A_1950 = vector.extract_strided_slice %convert_element_type3A_14 {offsets = [3968, 0], sizes = [32, 256], strides = [1, 1]} : vector<4096x256xf32> to vector<32x256xf32>
    %slice3A_1951 = vector.extract_strided_slice %transpose3A {offsets = [0, 3968], sizes = [32, 32], strides = [1, 1]} : vector<32x4096xf32> to vector<32x32xf32>
    %dot_general3A_1952 = arith.constant dense<0.000000e+00> : vector<32x256xf32>
    %dot_general3A_1953 = tpu.matmul %slice3A_1951, %slice3A_1950, %dot_general3A_1952 {dimension_numbers = #tpu.dot_dimension_numbers<[1], [0], [0], [1], [0, 0, 1, 1], [], []>, transpose_lhs_hint = false} : vector<32x32xf32>, vector<32x256xf32>, vector<32x256xf32> -> vector<32x256xf32>
    %slice3A_1954 = vector.extract_strided_slice %transpose3A_91 {offsets = [0, 3968], sizes = [32, 32], strides = [1, 1]} : vector<32x4096xf32> to vector<32x32xf32>
    %dot_general3A_1955 = arith.constant dense<0.000000e+00> : vector<32x256xf32>
    %dot_general3A_1956 = tpu.matmul %slice3A_1954, %slice3A_1950, %dot_general3A_1955 {dimension_numbers = #tpu.dot_dimension_numbers<[1], [0], [0], [1], [0, 0, 1, 1], [], []>, transpose_lhs_hint = false} : vector<32x32xf32>, vector<32x256xf32>, vector<32x256xf32> -> vector<32x256xf32>
    %add3A_1957 = arith.addf %dot_general3A_1953, %dot_general3A_1956 : vector<32x256xf32>
    %swap3A_1958 = arith.constant 0 : index
    %swap3A_1959 = arith.constant 0 : index
    %swap3A_1960 = arith.constant 124 : index
    %swap3A_1961 = arith.constant 0 : index
    %swap3A_1962 = vector.load %arg11[%swap3A_1958, %swap3A_1959, %swap3A_1960, %swap3A_1961] : memref<1x32x128x256xf32, #tpu.memory_space<vmem>>, vector<1x32x1x256xf32>
    %swap3A_1963 = vector.shape_cast %swap3A_1962 : vector<1x32x1x256xf32> to vector<32x256xf32>
    %swap3A_1964 = vector.shape_cast %add3A_1957 : vector<32x256xf32> to vector<1x32x1x256xf32>
    tpu.vector_store %arg11[%swap3A_1958, %swap3A_1959, %swap3A_1960, %swap3A_1961], %swap3A_1964 {strides = array<i32>} : memref<1x32x128x256xf32, #tpu.memory_space<vmem>>, vector<1x32x1x256xf32>,
    %slice3A_1965 = vector.extract_strided_slice %convert_element_type3A_14 {offsets = [4000, 0], sizes = [32, 256], strides = [1, 1]} : vector<4096x256xf32> to vector<32x256xf32>
    %slice3A_1966 = vector.extract_strided_slice %transpose3A {offsets = [0, 4000], sizes = [32, 32], strides = [1, 1]} : vector<32x4096xf32> to vector<32x32xf32>
    %dot_general3A_1967 = arith.constant dense<0.000000e+00> : vector<32x256xf32>
    %dot_general3A_1968 = tpu.matmul %slice3A_1966, %slice3A_1965, %dot_general3A_1967 {dimension_numbers = #tpu.dot_dimension_numbers<[1], [0], [0], [1], [0, 0, 1, 1], [], []>, transpose_lhs_hint = false} : vector<32x32xf32>, vector<32x256xf32>, vector<32x256xf32> -> vector<32x256xf32>
    %slice3A_1969 = vector.extract_strided_slice %transpose3A_91 {offsets = [0, 4000], sizes = [32, 32], strides = [1, 1]} : vector<32x4096xf32> to vector<32x32xf32>
    %dot_general3A_1970 = arith.constant dense<0.000000e+00> : vector<32x256xf32>
    %dot_general3A_1971 = tpu.matmul %slice3A_1969, %slice3A_1965, %dot_general3A_1970 {dimension_numbers = #tpu.dot_dimension_numbers<[1], [0], [0], [1], [0, 0, 1, 1], [], []>, transpose_lhs_hint = false} : vector<32x32xf32>, vector<32x256xf32>, vector<32x256xf32> -> vector<32x256xf32>
    %add3A_1972 = arith.addf %dot_general3A_1968, %dot_general3A_1971 : vector<32x256xf32>
    %swap3A_1973 = arith.constant 0 : index
    %swap3A_1974 = arith.constant 0 : index
    %swap3A_1975 = arith.constant 125 : index
    %swap3A_1976 = arith.constant 0 : index
    %swap3A_1977 = vector.load %arg11[%swap3A_1973, %swap3A_1974, %swap3A_1975, %swap3A_1976] : memref<1x32x128x256xf32, #tpu.memory_space<vmem>>, vector<1x32x1x256xf32>
    %swap3A_1978 = vector.shape_cast %swap3A_1977 : vector<1x32x1x256xf32> to vector<32x256xf32>
    %swap3A_1979 = vector.shape_cast %add3A_1972 : vector<32x256xf32> to vector<1x32x1x256xf32>
    tpu.vector_store %arg11[%swap3A_1973, %swap3A_1974, %swap3A_1975, %swap3A_1976], %swap3A_1979 {strides = array<i32>} : memref<1x32x128x256xf32, #tpu.memory_space<vmem>>, vector<1x32x1x256xf32>,
    %slice3A_1980 = vector.extract_strided_slice %convert_element_type3A_14 {offsets = [4032, 0], sizes = [32, 256], strides = [1, 1]} : vector<4096x256xf32> to vector<32x256xf32>
    %slice3A_1981 = vector.extract_strided_slice %transpose3A {offsets = [0, 4032], sizes = [32, 32], strides = [1, 1]} : vector<32x4096xf32> to vector<32x32xf32>
    %dot_general3A_1982 = arith.constant dense<0.000000e+00> : vector<32x256xf32>
    %dot_general3A_1983 = tpu.matmul %slice3A_1981, %slice3A_1980, %dot_general3A_1982 {dimension_numbers = #tpu.dot_dimension_numbers<[1], [0], [0], [1], [0, 0, 1, 1], [], []>, transpose_lhs_hint = false} : vector<32x32xf32>, vector<32x256xf32>, vector<32x256xf32> -> vector<32x256xf32>
    %slice3A_1984 = vector.extract_strided_slice %transpose3A_91 {offsets = [0, 4032], sizes = [32, 32], strides = [1, 1]} : vector<32x4096xf32> to vector<32x32xf32>
    %dot_general3A_1985 = arith.constant dense<0.000000e+00> : vector<32x256xf32>
    %dot_general3A_1986 = tpu.matmul %slice3A_1984, %slice3A_1980, %dot_general3A_1985 {dimension_numbers = #tpu.dot_dimension_numbers<[1], [0], [0], [1], [0, 0, 1, 1], [], []>, transpose_lhs_hint = false} : vector<32x32xf32>, vector<32x256xf32>, vector<32x256xf32> -> vector<32x256xf32>
    %add3A_1987 = arith.addf %dot_general3A_1983, %dot_general3A_1986 : vector<32x256xf32>
    %swap3A_1988 = arith.constant 0 : index
    %swap3A_1989 = arith.constant 0 : index
    %swap3A_1990 = arith.constant 126 : index
    %swap3A_1991 = arith.constant 0 : index
    %swap3A_1992 = vector.load %arg11[%swap3A_1988, %swap3A_1989, %swap3A_1990, %swap3A_1991] : memref<1x32x128x256xf32, #tpu.memory_space<vmem>>, vector<1x32x1x256xf32>
    %swap3A_1993 = vector.shape_cast %swap3A_1992 : vector<1x32x1x256xf32> to vector<32x256xf32>
    %swap3A_1994 = vector.shape_cast %add3A_1987 : vector<32x256xf32> to vector<1x32x1x256xf32>
    tpu.vector_store %arg11[%swap3A_1988, %swap3A_1989, %swap3A_1990, %swap3A_1991], %swap3A_1994 {strides = array<i32>} : memref<1x32x128x256xf32, #tpu.memory_space<vmem>>, vector<1x32x1x256xf32>,
    %slice3A_1995 = vector.extract_strided_slice %convert_element_type3A_14 {offsets = [4064, 0], sizes = [32, 256], strides = [1, 1]} : vector<4096x256xf32> to vector<32x256xf32>
    %slice3A_1996 = vector.extract_strided_slice %transpose3A {offsets = [0, 4064], sizes = [32, 32], strides = [1, 1]} : vector<32x4096xf32> to vector<32x32xf32>
    %dot_general3A_1997 = arith.constant dense<0.000000e+00> : vector<32x256xf32>
    %dot_general3A_1998 = tpu.matmul %slice3A_1996, %slice3A_1995, %dot_general3A_1997 {dimension_numbers = #tpu.dot_dimension_numbers<[1], [0], [0], [1], [0, 0, 1, 1], [], []>, transpose_lhs_hint = false} : vector<32x32xf32>, vector<32x256xf32>, vector<32x256xf32> -> vector<32x256xf32>
    %slice3A_1999 = vector.extract_strided_slice %transpose3A_91 {offsets = [0, 4064], sizes = [32, 32], strides = [1, 1]} : vector<32x4096xf32> to vector<32x32xf32>
    %dot_general3A_2000 = arith.constant dense<0.000000e+00> : vector<32x256xf32>
    %dot_general3A_2001 = tpu.matmul %slice3A_1999, %slice3A_1995, %dot_general3A_2000 {dimension_numbers = #tpu.dot_dimension_numbers<[1], [0], [0], [1], [0, 0, 1, 1], [], []>, transpose_lhs_hint = false} : vector<32x32xf32>, vector<32x256xf32>, vector<32x256xf32> -> vector<32x256xf32>
    %add3A_2002 = arith.addf %dot_general3A_1998, %dot_general3A_2001 : vector<32x256xf32>
    %swap3A_2003 = arith.constant 0 : index
    %swap3A_2004 = arith.constant 0 : index
    %swap3A_2005 = arith.constant 127 : index
    %swap3A_2006 = arith.constant 0 : index
    %swap3A_2007 = vector.load %arg11[%swap3A_2003, %swap3A_2004, %swap3A_2005, %swap3A_2006] : memref<1x32x128x256xf32, #tpu.memory_space<vmem>>, vector<1x32x1x256xf32>
    %swap3A_2008 = vector.shape_cast %swap3A_2007 : vector<1x32x1x256xf32> to vector<32x256xf32>
    %swap3A_2009 = vector.shape_cast %add3A_2002 : vector<32x256xf32> to vector<1x32x1x256xf32>
    tpu.vector_store %arg11[%swap3A_2003, %swap3A_2004, %swap3A_2005, %swap3A_2006], %swap3A_2009 {strides = array<i32>} : memref<1x32x128x256xf32, #tpu.memory_space<vmem>>, vector<1x32x1x256xf32>,
    return
  }
  func.func @transform_0(%arg0: i32) -> (i32, i32, i32) {
    %c0_i32 = arith.constant 0 : i32
    %c0_i32_0 = arith.constant 0 : i32
    %c0_i32_1 = arith.constant 0 : i32
    return %arg0, %c0_i32, %c0_i32_0 : i32, i32, i32
  }
  func.func @transform_1(%arg0: i32) -> (i32, i32, i32) {
    %c0_i32 = arith.constant 0 : i32
    %c0_i32_0 = arith.constant 0 : i32
    %c0_i32_1 = arith.constant 0 : i32
    return %arg0, %c0_i32, %c0_i32_0 : i32, i32, i32
  }
  func.func @transform_2(%arg0: i32) -> (i32, i32, i32) {
    %c0_i32 = arith.constant 0 : i32
    %c0_i32_0 = arith.constant 0 : i32
    %c0_i32_1 = arith.constant 0 : i32
    return %arg0, %c0_i32, %c0_i32_0 : i32, i32, i32
  }
  func.func @transform_3(%arg0: i32) -> (i32, i32, i32) {
    %c0_i32 = arith.constant 0 : i32
    %c0_i32_0 = arith.constant 0 : i32
    %c0_i32_1 = arith.constant 0 : i32
    return %arg0, %c0_i32, %c0_i32_0 : i32, i32, i32
  }
  func.func @transform_4(%arg0: i32) -> (i32, i32) {
    %c0_i32 = arith.constant 0 : i32
    %c0_i32_0 = arith.constant 0 : i32
    %c0_i32_1 = arith.constant 0 : i32
    return %c0_i32, %c0_i32_0 : i32, i32
  }
  func.func @transform_5(%arg0: i32) -> (i32, i32) {
    %c0_i32 = arith.constant 0 : i32
    %c0_i32_0 = arith.constant 0 : i32
    %c0_i32_1 = arith.constant 0 : i32
    return %c0_i32, %c0_i32_0 : i32, i32
  }
  func.func @transform_6(%arg0: i32) -> (i32, i32) {
    %c0_i32 = arith.constant 0 : i32
    %c0_i32_0 = arith.constant 0 : i32
    %c0_i32_1 = arith.constant 0 : i32
    return %c0_i32, %c0_i32_0 : i32, i32
  }
  func.func @transform_7(%arg0: i32) -> (i32, i32) {
    %c0_i32 = arith.constant 0 : i32
    %c0_i32_0 = arith.constant 0 : i32
    %c0_i32_1 = arith.constant 0 : i32
    return %c0_i32, %c0_i32_0 : i32, i32
  }
  func.func @transform_8(%arg0: i32) -> (i32, i32) {
    %c0_i32 = arith.constant 0 : i32
    %c0_i32_0 = arith.constant 0 : i32
    %c0_i32_1 = arith.constant 0 : i32
    return %c0_i32, %c0_i32_0 : i32, i32
  }
  func.func @transform_9(%arg0: i32) -> (i32, i32) {
    %c0_i32 = arith.constant 0 : i32
    %c0_i32_0 = arith.constant 0 : i32
    %c0_i32_1 = arith.constant 0 : i32
    return %c0_i32, %c0_i32_0 : i32, i32
  }
  func.func @transform_10(%arg0: i32) -> (i32, i32, i32, i32) {
    %jit3A = arith.constant 2 : i32
    %div3A = arith.divsi %arg0, %jit3A : i32
    %sign3A = arith.constant 0 : i32
    %sign3A_0 = arith.cmpi sgt, %arg0, %sign3A : i32
    %sign3A_1 = arith.extui %sign3A_0 : i1 to i32
    %sign3A_2 = arith.constant 0 : i32
    %sign3A_3 = arith.cmpi slt, %arg0, %sign3A_2 : i32
    %sign3A_4 = arith.extui %sign3A_3 : i1 to i32
    %sign3A_5 = arith.subi %sign3A_1, %sign3A_4 : i32
    %sign3A_6 = arith.constant 0 : i32
    %sign3A_7 = arith.cmpi sgt, %jit3A, %sign3A_6 : i32
    %sign3A_8 = arith.extui %sign3A_7 : i1 to i32
    %sign3A_9 = arith.constant 0 : i32
    %sign3A_10 = arith.cmpi slt, %jit3A, %sign3A_9 : i32
    %sign3A_11 = arith.extui %sign3A_10 : i1 to i32
    %sign3A_12 = arith.subi %sign3A_8, %sign3A_11 : i32
    %ne3A = arith.cmpi ne, %sign3A_5, %sign3A_12 : i32
    %rem3A = arith.remsi %arg0, %jit3A : i32
    %ne3A_13 = arith.constant 0 : i32
    %ne3A_14 = arith.cmpi ne, %rem3A, %ne3A_13 : i32
    %and3A = arith.andi %ne3A, %ne3A_14 : i1
    %sub3A = arith.constant 1 : i32
    %sub3A_15 = arith.subi %div3A, %sub3A : i32
    %select_n3A = arith.select %and3A, %sub3A_15, %div3A : i32
    %jit3A_16 = arith.constant 2 : i32
    %eq3A = arith.constant 0 : i32
    %eq3A_17 = arith.cmpi eq, %jit3A_16, %eq3A : i32
    %jit3A_18 = arith.constant 1 : i32
    %select_n3A_19 = arith.select %eq3A_17, %jit3A_18, %jit3A_16 : i32
    %rem3A_20 = arith.remsi %arg0, %select_n3A_19 : i32
    %ne3A_21 = arith.constant 0 : i32
    %ne3A_22 = arith.cmpi ne, %rem3A_20, %ne3A_21 : i32
    %lt3A = arith.constant 0 : i32
    %lt3A_23 = arith.cmpi slt, %rem3A_20, %lt3A : i32
    %lt3A_24 = arith.constant 0 : i32
    %lt3A_25 = arith.cmpi slt, %select_n3A_19, %lt3A_24 : i32
    %ne3A_26 = arith.xori %lt3A_23, %lt3A_25 : i1
    %and3A_27 = arith.andi %ne3A_26, %ne3A_22 : i1
    %add3A = arith.addi %rem3A_20, %select_n3A_19 : i32
    %select_n3A_28 = arith.select %and3A_27, %add3A, %rem3A_20 : i32
    %c0_i32 = arith.constant 0 : i32
    %c0_i32_29 = arith.constant 0 : i32
    %c0_i32_30 = arith.constant 0 : i32
    return %select_n3A, %c0_i32, %select_n3A_28, %c0_i32_29 : i32, i32, i32, i32
  }
}

</mosaic_0001>

<sc_bundles>
// kernel: kernel.4.cloned.1.call-start
scs
__scs_entry_jumppad:
0x0: {  	(pc) =	sbr.rel $0x88, $3  }
0x1: {  	(tag) =	ssettag $0x0;
	lr =	simm.s32 $0x1  }
0x2: {  	[smem:$0x3F96] =	sst lr;
	_ =	strace $0xD0000000  }
0x3: {  	_ = 	snop  }
0x4: {  	_ = 	snop  }
0x5: {  	_ = 	snop  }
0x6: {  	_ = 	snop  }
0x7: {  	_ = 	snop  }
__scs_overlays_trampoline_lowered:
0x8: {  	[smem:$0x3FA5] =	sst s0  }
0x9: {  	[smem:$0x3FA6] =	sst s1  }
0xa: {  	[smem:$0x3FA7] =	sst s2  }
0xb: {  	[smem:$0x3FA8] =	sst s3  }
0xc: {  	[smem:$0x3FA9] =	sst s4  }
0xd: {  	[smem:$0x3FAA] =	sst s5  }
0xe: {  	[smem:$0x3FAB] =	sst s6  }
0xf: {  	[smem:$0x3FAC] =	sst s7  }
0x10: {  	[smem:$0x3FAD] =	sst s8  }
0x11: {  	[smem:$0x3FAE] =	sst s9;
	s0 =	simm.s32 @!p0 $0x0  }
0x12: {  	s1 =	sld [smem:$0x3F94];
	s0 =	simm.s32 @p0 $0x1  }
0x13: {  	[smem:$0x3FAF] =	sst s0;
	s0 =	simm.s32 @!p1 $0x0  }
0x14: {  	s2 =	sld [smem:$0x3F93];
	s0 =	simm.s32 @p1 $0x1  }
0x15: {  	[smem:$0x3FB0] =	sst s0;
	s0 =	simm.s32 @!p2 $0x0  }
0x16: {  	s3 =	sld [smem:$0x3FDB];
	s0 =	simm.s32 @p2 $0x1  }
0x17: {  	s4 =	simm.s32 $0x1BF5;
	[smem:$0x3FB2] =	sst s0  }
0x18: {  	s0 =	sld [smem:$0x3F95];
	_ =	swait.ge [sflag:s4], $0x0  }
0x19: {  	s7 =	sld [smem:$0x3F96]  }
0x1a: {  	s8 =	sadd.s32 $0xFFFFE003, lr  }
0x1b: {  	s9 =	sadd.s32 $0xFFFFFEF7, lr;
	s5 =	simm.s32 $0xFFFFFFFF;
	p2 =	slt.u32 s8, $0xFFFFF086  }
0x1c: {  	p1 =	slt.u32 s9, $0xF7A;
	s5 =	simm.s32 @!p2 $0x0  }
0x1d: {  	s5 =	simm.s32 @p1 $0x1;
	p0 =	seq.s32 s7, s2  }
0x1e: {  	s7 =	smul.u32 @!p0 $0xF7A, s2;
	p2 =	seq.s32 @!p0 s5, $0x0  }
0x1f: {  	s9 =	smul.u32 $0xF7A, s1;
	s8 =	simm.s32 @!p0 $0x1BF5;
	p2 =	por !p2, p0  }
0x20: {  	[sflag:s8] =	ssyncset.s32 @!p0 $0xFFFFF086;
	s6 =	sadd.s32 @!p0 s3, s7;
	s7 =	simm.s32 @!p0 $0x108  }
0x21: {  	s3 =	sadd.s32 s3, s9;
	s6 =	sadd.s32 @!p0 $0x88, s6;
	s7 =	simm.s32 @p2 $0x1082  }
0x22: {  	[simem:s7], [sflag:s8] =	dma.local @!p0 [hbm:s6], $0xF7A  }
0x23: {  	s9 =	sor.u32 $0xD0000000, s2;
	s6 =	simm.s32 $0x108;
	_ =	swait.ge @!p0 [sflag:s8], $0x0  }
0x24: {  	s3 =	sadd.s32 $0x88, s3;
	s6 =	simm.s32 @!p1 $0x1082;
	[sflag:s4] =	ssyncset.s32 $0xFFFFF086  }
0x25: {  	[simem:s6], [sflag:s4] =	dma.local [hbm:s3], $0xF7A  }
0x26: {  	[smem:$0x3F96] =	sst s1;
	(tag) =	ssettag s2;
	_ =	strace s9  }
0x27: {  	s1 =	sld [smem:$0x3FA6]  }
0x28: {  	s2 =	sld [smem:$0x3FA7]  }
0x29: {  	s4 =	sld [smem:$0x3FA9]  }
0x2a: {  	p0 =	seq.s32 s5, $0x0;
	s5 =	sld [smem:$0x3FAA]  }
0x2b: {  	s6 =	sld [smem:$0x3FAB]  }
0x2c: {  	s7 =	sld [smem:$0x3FAC]  }
0x2d: {  	s3 =	simm.s32 $0x108;
	s8 =	sld [smem:$0x3FAD]  }
0x2e: {  	s3 =	simm.s32 @!p0 $0x1082;
	s9 =	sld [smem:$0x3FAE]  }
0x2f: {  	lr =	sadd.s32 s0, s3;
	s0 =	sld [smem:$0x3FA5]  }
0x30: {  	s3 =	sld [smem:$0x3FA8]  }
0x31: {  	[smem:$0x3FB1] =	sst s10  }
0x32: {  	s10 =	sld [smem:$0x3FAF];
	_ =	sdelay $0x3  }
0x33: {  	p0 =	seq.s32 s10, $0x1;
	s10 =	sld [smem:$0x3FB1];
	_ =	sdelay $0x3  }
0x34: {  	[smem:$0x3FB1] =	sst s10  }
0x35: {  	s10 =	sld [smem:$0x3FB0];
	_ =	sdelay $0x3  }
0x36: {  	p1 =	seq.s32 s10, $0x1;
	s10 =	sld [smem:$0x3FB1];
	_ =	sdelay $0x3  }
0x37: {  	[smem:$0x3FB1] =	sst s10  }
0x38: {  	s10 =	sld [smem:$0x3FB2]  }
0x39: {  	_ = 	snop;
	(pc) =	sbr.ind lr, $3  }
0x3a: {  	_ = 	snop  }
0x3b: {  	_ = 	snop  }
0x3c: {  	p2 =	seq.s32 s10, $0x1;
	s10 =	sld [smem:$0x3FB1]  }
0x3d: {  	_ =	shalt  }
0x3e: {  	_ =	shalt  }
0x3f: {  	_ =	shalt  }
0x40: {  	_ =	shalt  }
0x41: {  	_ =	shalt  }
0x42: {  	_ =	shalt  }
0x43: {  	_ =	shalt  }
0x44: {  	_ =	shalt  }
0x45: {  	_ =	shalt  }
0x46: {  	_ =	shalt  }
0x47: {  	_ =	shalt  }
0x48: {  	_ =	shalt  }
0x49: {  	_ =	shalt  }
0x4a: {  	_ =	shalt  }
0x4b: {  	_ =	shalt  }
0x4c: {  	_ =	shalt  }
0x4d: {  	_ =	shalt  }
0x4e: {  	_ =	shalt  }
0x4f: {  	_ =	shalt  }
0x50: {  	_ =	shalt  }
0x51: {  	_ =	shalt  }
0x52: {  	_ =	shalt  }
0x53: {  	_ =	shalt  }
0x54: {  	_ =	shalt  }
0x55: {  	_ =	shalt  }
0x56: {  	_ =	shalt  }
0x57: {  	_ =	shalt  }
0x58: {  	_ =	shalt  }
0x59: {  	_ =	shalt  }
0x5a: {  	_ =	shalt  }
0x5b: {  	_ =	shalt  }
0x5c: {  	_ =	shalt  }
0x5d: {  	_ =	shalt  }
0x5e: {  	_ =	shalt  }
0x5f: {  	_ =	shalt  }
0x60: {  	_ =	shalt  }
0x61: {  	_ =	shalt  }
0x62: {  	_ =	shalt  }
0x63: {  	_ =	shalt  }
0x64: {  	_ =	shalt  }
0x65: {  	_ =	shalt  }
0x66: {  	_ =	shalt  }
0x67: {  	_ =	shalt  }
0x68: {  	_ =	shalt  }
0x69: {  	_ =	shalt  }
0x6a: {  	_ =	shalt  }
0x6b: {  	_ =	shalt  }
0x6c: {  	_ =	shalt  }
0x6d: {  	_ =	shalt  }
0x6e: {  	_ =	shalt  }
0x6f: {  	_ =	shalt  }
0x70: {  	_ =	shalt  }
0x71: {  	_ =	shalt  }
0x72: {  	_ =	shalt  }
0x73: {  	_ =	shalt  }
0x74: {  	_ =	shalt  }
0x75: {  	_ =	shalt  }
0x76: {  	_ =	shalt  }
0x77: {  	_ =	shalt  }
0x78: {  	_ =	shalt  }
0x79: {  	_ =	shalt  }
0x7a: {  	_ =	shalt  }
0x7b: {  	_ =	shalt  }
0x7c: {  	_ =	shalt  }
0x7d: {  	_ =	shalt  }
0x7e: {  	_ =	shalt  }
0x7f: {  	_ =	shalt  }
0x80: {  	_ =	shalt  }
0x81: {  	_ =	shalt  }
0x82: {  	_ =	shalt  }
0x83: {  	_ =	shalt  }
0x84: {  	_ =	shalt  }
0x85: {  	_ =	shalt  }
0x86: {  	_ =	shalt  }
0x87: {  	_ =	shalt  }
.Lfunc_end0:
.L_simem_size_0:
called_computation_lowered:
.L_overlay_start_0:
0x88: {  	s2 =	sld [smem:$0x3FD9]  }
0x89: {  	s3 =	sld [smem:$0x3FFE];
	_ =	sdelay $0x1  }
0x8a: {  	s1 =	srdreg.scid  }
0x8b: {  	s0 =	sand.u32 $0x1, s1  }
0x8c: {  	s17 =	sshll.u32 s0, $0xA;
	s2 =	sadd.s32 s3, s2  }
0x8d: {  	s2 =	sadd.s32 s2, s17  }
0x8e: {  	[smem:$0x3FBD] =	sst s2  }
0x8f: {  	_ = 	snop  }
0x90: {  	s2 =	sld [smem:$0x3FC8]  }
0x91: {  	s18 =	sld [smem:$0x3FC4]  }
0x92: {  	s4 =	sld [smem:$0x3FC3]  }
0x93: {  	s5 =	sld [smem:$0x3FD0];
	(tm) =	ssettm $0x1  }
0x94: {  	s6 =	sld [smem:$0x3FFB];
	_ =	sdelay $0x3  }
0x95: {  	_ =	strace s6  }
0x96: {  	s6 =	sld [smem:$0x3FFC];
	_ =	sdelay $0x3  }
0x97: {  	_ =	strace s6  }
0x98: {  	s6 =	sld [smem:$0x3FFD];
	_ =	sdelay $0x3  }
0x99: {  	_ =	strace s6  }
0x9a: {  	_ =	strace $0x8FFFFFFF  }
0x9b: {  	s19 =	sld [smem:$0x3FDB];
	_ =	sdelay $0x1  }
0x9c: {  	s7 =	simm.s32 $_scs_section_size  }
0x9d: {  	s8 =	simm.s32 $_size__tile_overlayer_lowered;
	s9 =	simm.s32 $_tile_overlayer_lowered  }
0x9e: {  	s22 =	simm.s32 $0x1BFF;
	s21 =	sshll.u32 s9, $0x1;
	s6 =	sadd.s32 s7, s19  }
0x9f: {  	s10 =	simm.s32 $0x0;
	s20 =	sshll.u32 s8, $0x1;
	s8 =	sadd.s32 s21, s6  }
0xa0: {  	[timem:s10], [sflag:s22] =	dma.local [hbm:s8], s20  }
0xa1: {  	_ =	swait.ge [sflag:s22], s20  }
0xa2: {  	s7 =	ssub.s32 $0x0, s20;
	[sflag:s22] =	ssyncset.done $0x0  }
0xa3: {  	[sflag:s22] =	ssyncadd.s32 s7;
	_ =	sdelay $0x1  }
0xa4: {  	s23 =	simm.s32 $0x1B8B  }
0xa5: {  	_ =	swait.ge [sflag:s23], $0x1  }
0xa6: {  	[sflag:s23] =	ssyncset.done $0x0  }
0xa7: {  	s25 =	simm.s32 $0x1B8E;
	s24 =	sld [smem:$0x3FFE];
	[sflag:s23] =	ssyncadd.s32 $0xFFFFFFFF  }
0xa8: {  	s26 =	simm.s32 $execute0_lowered;
	[smem:$0x3FD2] =	sst s25  }
0xa9: {  	s8 =	sshll.u32 s26, $0x1;
	_ =	strace $0x80000046;
	[dreg:$0x1] =	wrdreg $0xFFFFFFFF  }
0xaa: {  	s28 =	simm.s32 $_size_execute0_lowered;
	s6 =	sadd.s32 s6, s8;
	[dreg:$0x0] =	wrdreg $0x0  }
0xab: {  	s8 =	sshll.u32 s28, $0x1;
	[dreg:$0x2] =	wrdreg s6  }
0xac: {  	[dreg:$0x3] =	wrdreg s8  }
0xad: {  	[dreg:$0x4] =	wrdreg $0xC0  }
0xae: {  	_ =	task [dreg:s10], $0x5FFFF  }
0xaf: {  	[dreg:$0x1] =	wrdreg $0xFFFFFFFF  }
0xb0: {  	[dreg:$0x0] =	wrdreg $0x60  }
0xb1: {  	[dreg:$0x2] =	wrdreg s24  }
0xb2: {  	[dreg:$0x3] =	wrdreg s5  }
0xb3: {  	[dreg:$0x4] =	wrdreg s2  }
0xb4: {  	[dreg:$0x5] =	wrdreg s18  }
0xb5: {  	[dreg:$0x6] =	wrdreg s4  }
0xb6: {  	[dreg:$0x7] =	wrdreg $0x9  }
0xb7: {  	_ =	task.clear_ibuf [dreg:s10], $0x8FFFF;
	_ =	strace $0x90000046  }
0xb8: {  	s29 =	simm.s32 $0x9;
	_ =	strace $0x80000048  }
0xb9: {  	_ =	swait.ge [sflag:s29], $0x1  }
0xba: {  	[sflag:s29] =	ssyncadd.s32 $0xFFFFFFFF  }
0xbb: {  	_ =	strace $0x90000048  }
0xbc: {  	_ =	sfence  }
0xbd: {  	s30 =	sld [smem:$0x0];
	_ =	sdelay $0x2  }
0xbe: {  	s31 =	sshll.u32 s1, $0xD;
	s1 =	sshrl.u32 s1, $0x2  }
0xbf: {  	s3 =	sand.u32 $0x4000, s31;
	s1 =	sadd.s32 s1, s30  }
0xc0: {  	s0 =	sor.u32 s3, s0;
	s1 =	sshll.u32 s1, $0x11  }
0xc1: {  	s0 =	sor.u32 s1, s0  }
0xc2: {  	s0 =	sadd.s32 $0x8F2B, s0  }
0xc3: {  	[sflag:s0] =	ssyncadd.remote.s32 $0x1  }
0xc4: {  	_ =	sfence.sel $0xFFFF  }
0xc5: {  	[dreg:$0x0] =	wrdreg $0xFFFFFFFF;
	(pc) =	sbr.abs _section_cstart, $3  }
0xc6: {  	[dreg:$0x1] =	wrdreg $0xFFFFFFFF  }
0xc7: {  	_ =	task.clear_ibuf [dreg:s10], $0x2FFFF;
	_ =	strace $0x9FFFFFFF  }
0xc8: {  	(tm) =	ssettm $0x7FFFFFFF  }
0xc9: {  	_ =	shalt  }
tec
execute0_lowered:
.L_overlay_start_1:
0x0: {  	(tag) =	ssettag $0x1  }
0x1: {  	s0 =	rddreg [dreg:$0x0]  }
0x2: {  	s1 =	rddreg [dreg:$0x1]  }
0x3: {  	s2 =	rddreg [dreg:$0x2]  }
0x4: {  	s11 =	simm.s32 $0x0;
	s4 =	stileid.u32;
	s3 =	srdreg.scid  }
0x5: {  	[smem:$0x7FF] =	sst s11;
	s5 =	sshll.u32 s4, $0x2;
	s3 =	sand.u32 $0x1, s3  }
0x6: {  	s6 =	sshll.u32 s4, $0x6;
	s17 =	sadd.s32 $0x2C00, s0;
	_ =	strace $0x80000047  }
0x7: {  	s5 =	sand.u32 $0x30, s5;
	s7 =	sshll.u32 s3, $0x5;
	s3 =	ssub.s32 $0x2, s3  }
0x8: {  	[dreg:$0x6] =	wrdreg s17;
	s8 =	sadd.s32 s5, s0;
	s2 =	sadd.s32 s2, s5  }
0x9: {  	s7 =	sor.u32 s7, s6;
	s18 =	sadd.s32 $0x1E00, s8;
	[dreg:$0xd] =	wrdreg s2  }
0xa: {  	s10 =	sshrl.u32 s3, $0x1;
	s19 =	sadd.s32 $0x1000, s8;
	[dreg:$0x7] =	wrdreg s18  }
0xb: {  	s9 =	sshll.u32 s7, $0x4;
	s20 =	sadd.s32 $0x200, s8;
	[dreg:$0x8] =	wrdreg s19  }
0xc: {  	s3 =	ssub.s32 s3, s10;
	[dreg:$0x9] =	wrdreg s20;
	s1 =	sadd.s32 s1, s9  }
0xd: {  	s0 =	sadd.s32 s9, s0;
	s28 =	smax.u32 s3, $0x1;
	[dreg:$0xa] =	wrdreg s1  }
0xe: {  	s29 =	simm.s32 $0x7B80;
	s21 =	sadd.s32 $0x2E00, s0;
	[dreg:$0x12] =	wrdreg s28  }
0xf: {  	s30 =	simm.s32 $0x7C80;
	s22 =	sadd.s32 $0x6E00, s0;
	[dreg:$0xb] =	wrdreg s21  }
.Ltmp0:
0x10: {  	s24 =	sadd.s32 $0xAE00, s0;
	[dreg:$0xc] =	wrdreg s22;
	(pc) =	sbr.rel .LBB2_1-.Ltmp0, $4  }
0x11: {  	s31 =	simm.s32 $0xBC80;
	s25 =	sadd.s32 $0xEE00, s0;
	[dreg:$0xe] =	wrdreg s24  }
0x12: {  	s23 =	sand.u32 $0x300, s6;
	s26 =	sadd.s32 $0x12E00, s0;
	[dreg:$0xf] =	wrdreg s25  }
0x13: {  	s13 =	ssub.s32 s7, s23;
	s0 =	sadd.s32 $0x16E00, s0;
	[dreg:$0x10] =	wrdreg s26  }
0x14: {  	v0 =	vlaneseq.u32;
	v1 =	vimm.s32 $0x0;
	v2 =	vimm.f32 $+Inf;
	[dreg:$0x11] =	wrdreg s0;
	s21 =	simm.s32 $0x1;
	s22 =	simm.s32 $0x0  }
.LBB2_64:
0x15: {  	s11 =	simm.s32 $0x0;
	s0 =	rddreg [dreg:$0xe];
	s1 =	simm.s32 $0x16680  }
0x16: {  	[hbm4b:s0+s11] =	stream.linear.scatter [tilespmem:s1], [sflag:$0x1], $0x1000, $0x38;
	[tilespmem:$0x1A680] =	vst v63  }
0x17: {  	_ =	swait.ge [sflag:s21], $0x1000  }
0x18: {  	[sflag:s21] =	ssyncset.done $0x0  }
0x19: {  	s20 =	simm.s32 $0x17680;
	s19 =	rddreg [dreg:$0xf];
	[sflag:s21] =	ssyncadd.s32 $0xFFFFF000  }
0x1a: {  	[hbm4b:s19+s11] =	stream.linear.scatter [tilespmem:s20], [sflag:$0x1], $0x1000, $0x38;
	[tilespmem:$0x1A680] =	vst v63  }
0x1b: {  	_ =	swait.ge [sflag:s21], $0x1000  }
0x1c: {  	[sflag:s21] =	ssyncset.done $0x0  }
0x1d: {  	s24 =	simm.s32 $0x18680;
	s23 =	rddreg [dreg:$0x10];
	[sflag:s21] =	ssyncadd.s32 $0xFFFFF000  }
0x1e: {  	[hbm4b:s23+s11] =	stream.linear.scatter [tilespmem:s24], [sflag:$0x1], $0x1000, $0x38;
	[tilespmem:$0x1A680] =	vst v63  }
0x1f: {  	_ =	swait.ge [sflag:s21], $0x1000  }
0x20: {  	[sflag:s21] =	ssyncset.done $0x0  }
0x21: {  	s26 =	simm.s32 $0x19680;
	s25 =	rddreg [dreg:$0x11];
	[sflag:s21] =	ssyncadd.s32 $0xFFFFF000  }
0x22: {  	[hbm4b:s25+s11] =	stream.linear.scatter [tilespmem:s26], [sflag:$0x1], $0x1000, $0x38;
	[tilespmem:$0x1A680] =	vst v63  }
0x23: {  	_ =	swait.ge [sflag:s21], $0x1000  }
0x24: {  	s22 =	sadd.s32 $0x1, s22;
	s28 =	rddreg [dreg:$0x12]  }
0x25: {  	p0 =	sne.s32 s22, s28  }
.Ltmp1:
0x26: {  	_ = 	snop;
	(pc) =	sbr.rel @!p0 .LBB2_65-.Ltmp1, $3  }
0x27: {  	_ =	sdelay $0x1  }
0x28: {  	[sflag:s21] =	ssyncset.done $0x0  }
0x29: {  	[sflag:s21] =	ssyncadd.s32 $0xFFFFF000  }
.LBB2_1:
0x2a: {  	s0 =	rddreg [dreg:$0x7];
	s1 =	simm.s32 $0x80;
	s2 =	simm.s32 $0x200  }
0x2b: {  	[tilespmem:s11], [sflag:$0x1] =	stream.strided.gather [hbm4b:s0+s1], $0x1900, s2, s1, $0x38;
	[tilespmem:$0x1A680] =	vst v63  }
0x2c: {  	_ =	swait.ge [sflag:s21], $0x1900  }
0x2d: {  	[sflag:s21] =	ssyncset.done $0x0  }
0x2e: {  	s3 =	simm.s32 $0x1900;
	s9 =	rddreg [dreg:$0x8];
	[sflag:s21] =	ssyncadd.s32 $0xFFFFE700  }
0x2f: {  	[tilespmem:s3], [sflag:$0x1] =	stream.strided.gather [hbm4b:s9+s1], $0x1900, s2, s1, $0x38;
	[tilespmem:$0x1A680] =	vst v63  }
0x30: {  	_ =	swait.ge [sflag:s21], $0x1900  }
0x31: {  	[sflag:s21] =	ssyncset.done $0x0  }
0x32: {  	s12 =	simm.s32 $0x3200;
	s10 =	rddreg [dreg:$0x9];
	[sflag:s21] =	ssyncadd.s32 $0xFFFFE700  }
0x33: {  	[tilespmem:s12], [sflag:$0x1] =	stream.strided.gather [hbm4b:s10+s1], $0x1900, s2, s1, $0x38;
	[tilespmem:$0x1A680] =	vst v63  }
0x34: {  	_ =	swait.ge [sflag:s21], $0x1900  }
0x35: {  	[sflag:s21] =	ssyncset.done $0x0  }
0x36: {  	s15 =	simm.s32 $0x4B00;
	s14 =	rddreg [dreg:$0xa];
	[sflag:s21] =	ssyncadd.s32 $0xFFFFE700  }
0x37: {  	[tilespmem:s15], [sflag:$0x1] =	stream.linear.gather [hbm4b:s14+s11], $0x1000, $0x38;
	[tilespmem:$0x1A680] =	vst v63  }
0x38: {  	_ =	swait.ge [sflag:s21], $0x1000  }
0x39: {  	[sflag:s21] =	ssyncset.done $0x0  }
0x3a: {  	s17 =	simm.s32 $0x5B00;
	s16 =	rddreg [dreg:$0xb];
	[sflag:s21] =	ssyncadd.s32 $0xFFFFF000  }
0x3b: {  	[tilespmem:s17], [sflag:$0x1] =	stream.linear.gather [hbm4b:s16+s11], $0x1000, $0x38;
	[tilespmem:$0x1A680] =	vst v63  }
0x3c: {  	_ =	swait.ge [sflag:s21], $0x1000  }
0x3d: {  	[sflag:s21] =	ssyncset.done $0x0  }
0x3e: {  	s19 =	simm.s32 $0x6B00;
	s18 =	rddreg [dreg:$0xc];
	[sflag:s21] =	ssyncadd.s32 $0xFFFFF000  }
0x3f: {  	[tilespmem:s19], [sflag:$0x1] =	stream.linear.gather [hbm4b:s18+s11], $0x1000, $0x38;
	[tilespmem:$0x1A680] =	vst v63  }
0x40: {  	_ =	swait.ge [sflag:s21], $0x1000  }
0x41: {  	[sflag:s21] =	ssyncset.done $0x0  }
0x42: {  	s23 =	simm.s32 $0x7B00;
	s20 =	rddreg [dreg:$0x6];
	[sflag:s21] =	ssyncadd.s32 $0xFFFFF000  }
0x43: {  	[tilespmem:s23], [sflag:$0x1] =	stream.linear.gather [hbm4b:s20+s11], $0x80, $0x38;
	[tilespmem:$0x1A680] =	vst v63  }
0x44: {  	_ =	swait.ge [sflag:s21], $0x80  }
0x45: {  	[sflag:s21] =	ssyncset.done $0x0  }
0x46: {  	s24 =	rddreg [dreg:$0xd];
	[sflag:s21] =	ssyncadd.s32 $0xFFFFFF80  }
0x47: {  	[tilespmem:s29], [sflag:$0x1] =	stream.strided.gather [hbm4b:s24+s1], $0x100, s2, s1, $0x38;
	[tilespmem:$0x1A680] =	vst v63  }
0x48: {  	_ =	swait.ge [sflag:s21], $0x100  }
0x49: {  	[sflag:s21] =	ssyncset.done $0x0  }
0x4a: {  	[sflag:s21] =	ssyncadd.s32 $0xFFFFFF00  }
0x4b: {  	s25 =	rddreg [dreg:$0x3]  }
0x4c: {  	[tilespmem:s30], [sflag:$0x1] =	stream.linear.gather [hbm4b:s25+s11], $0x4000, $0x38;
	[tilespmem:$0x1A680] =	vst v63  }
0x4d: {  	_ =	swait.ge [sflag:s21], $0x4000  }
0x4e: {  	[sflag:s21] =	ssyncset.done $0x0  }
0x4f: {  	[sflag:s21] =	ssyncadd.s32 $0xFFFFC000  }
0x50: {  	s26 =	rddreg [dreg:$0x4]  }
0x51: {  	[tilespmem:s31], [sflag:$0x1] =	stream.linear.gather [hbm4b:s26+s11], $0x4000, $0x38;
	[tilespmem:$0x1A680] =	vst v63  }
0x52: {  	_ =	swait.ge [sflag:s21], $0x4000  }
0x53: {  	[sflag:s21] =	ssyncset.done $0x0  }
0x54: {  	[sflag:s21] =	ssyncadd.s32 $0xFFFFC000  }
0x55: {  	v3 =	vld [tilespmem:$0x7B00];
	_ =	sdelay $0x4  }
0x56: {  	(v2sf) =	vpush v3, $0x0;
	_ =	sdelay $0xe  }
0x57: {  	s28 =	spop (v2sf)  }
.Ltmp2:
0x58: {  	s23 =	sshll.u32 s28, $0x4;
	(pc) =	sbr.rel .LBB2_2-.Ltmp2, $4  }
0x59: {  	p0 =	slt.s32 s23, $0x1  }
0x5a: {  	s0 =	simm.s32 @!p0 $0x0  }
0x5b: {  	s0 =	simm.s32 @p0 $0x1  }
0x5c: {  	s24 =	simm.s32 $0x0;
	[smem:$0x7FD] =	sst s0  }
.LBB2_63:
0x5d: {  	v9 =	vand.u32 $0xFF, v8;
	_ =	sdelay $0x2  }
0x5e: {  	[tilespmem:s25+$0x16690] =	vst v8  }
0x5f: {  	[tilespmem:s25+$0x17690] =	vst v7  }
0x60: {  	v7 =	vld.idx.msk [tilespmem:v9+s29+$0x0], $0xffff;
	_ =	sdelay $0x4  }
0x61: {  	v3 =	vadd.s32 v3, v7;
	_ =	sdelay $0x4  }
0x62: {  	v7 =	vld.idx.msk [tilespmem:v3+s30+$0x0], $0xffff;
	_ =	sdelay $0x4  }
0x63: {  	[tilespmem:s25+$0x18690] =	vst v7  }
0x64: {  	v3 =	vld.idx.msk [tilespmem:v3+s31+$0x0], $0xffff  }
0x65: {  	v63 =	vand.u32 $0xFF, v5;
	_ =	sdelay $0x1  }
0x66: {  	[tilespmem:s25+$0x16710] =	vst v5  }
0x67: {  	[tilespmem:s25+$0x17710] =	vst v6  }
0x68: {  	[tilespmem:s25+$0x19690] =	vst v3  }
0x69: {  	v3 =	vld.idx.msk [tilespmem:v63+s29+$0x0], $0xffff;
	_ =	sdelay $0x4  }
0x6a: {  	v3 =	vadd.s32 v4, v3;
	_ =	sdelay $0x4  }
0x6b: {  	v4 =	vld.idx.msk [tilespmem:v3+s30+$0x0], $0xffff;
	_ =	sdelay $0x4  }
0x6c: {  	s24 =	sadd.s32 $0x1, s24;
	[tilespmem:s25+$0x18710] =	vst v4  }
0x6d: {  	p0 =	sne.s32 s24, $0x10;
	v3 =	vld.idx.msk [tilespmem:v3+s31+$0x0], $0xffff  }
.Ltmp3:
0x6e: {  	_ = 	snop;
	(pc) =	sbr.rel @!p0 .LBB2_64-.Ltmp3, $2  }
0x6f: {  	_ =	sdelay $0x2  }
0x70: {  	[tilespmem:s25+$0x19710] =	vst v3  }
.LBB2_2:
0x71: {  	s1 =	sld [smem:$0x7FD];
	_ =	sdelay $0x2  }
0x72: {  	p0 =	seq.s32 s1, $0x1  }
.Ltmp4:
0x73: {  	_ = 	snop;
	(pc) =	sbr.rel @p0 .LBB2_3-.Ltmp4, $2  }
0x74: {  	_ =	sdelay $0x2  }
0x75: {  	s25 =	sshll.u32 s24, $0x8;
	s0 =	simm.s32 $0x0  }
0x76: {  	v3 =	vld [tilespmem:s25+$0x4B00]  }
0x77: {  	v4 =	vld [tilespmem:s25+$0x5B00]  }
0x78: {  	v5 =	vld [tilespmem:s25+$0x6B00]  }
0x79: {  	v6 =	vld [tilespmem:s25+$0x4B80]  }
0x7a: {  	s1 =	simm.s32 $0x1900;
	v9 =	vld [tilespmem:s0+$0x0]  }
0x7b: {  	v10 =	vld [tilespmem:s1+$0x0]  }
0x7c: {  	v7 =	vld [tilespmem:s25+$0x5B80];
	s28 =	simm.s32 $0x3200  }
0x7d: {  	v11 =	vld [tilespmem:s28+$0x0]  }
0x7e: {  	v8 =	vld [tilespmem:s25+$0x6B80];
	_ =	sdelay $0x1  }
0x7f: {  	v12 =	vsub.f32 v9, v3;
	v13 =	vsub.f32 v10, v4  }
0x80: {  	v9 =	vsub.f32 v9, v6;
	v10 =	vsub.f32 v10, v7  }
0x81: {  	v14 =	vsub.f32 v11, v5;
	v12 =	vmul.f32 v12, v12;
	v13 =	vmul.f32 v13, v13  }
0x82: {  	v11 =	vsub.f32 v11, v8;
	v9 =	vmul.f32 v9, v9;
	v10 =	vmul.f32 v10, v10  }
0x83: {  	v63 =	vmul.f32 v14, v14;
	v12 =	vadd.f32 v13, v12  }
0x84: {  	p1 =	sne.s32 s23, $0x1;
	v11 =	vmul.f32 v11, v11;
	v9 =	vadd.f32 v10, v9  }
.Ltmp5:
0x85: {  	v10 =	vadd.f32 v63, v12;
	(pc) =	sbr.rel @!p1 .LBB2_5-.Ltmp5, $4  }
0x86: {  	v9 =	vadd.f32 v11, v9  }
0x87: {  	vm0 =	vle.f32 v10, $2.500000000e+01;
	vm1 =	vgt.f32 v10, $9.999999740e-05  }
0x88: {  	vm2 =	vgt.f32 v9, $9.999999740e-05;
	vm1 =	vmand vm0, vm1;
	vm0 =	vle.f32 v9, $2.500000000e+01  }
0x89: {  	s5 =	sadd.s32 $0xFFFFFFFF, s23;
	p0 =	por $0x0, $0x0;
	vm0 =	vmand vm0, vm2;
	v11 =	vsel vm1, $0x1, v1  }
0x8a: {  	(xrf0) =	vadd.scan.msk.s32 $0xffff, v11;
	_ =	sdelay $0x2  }
0x8b: {  	v11 =	vor.u32 s0, v0  }
0x8c: {  	[tilespmem:s0+$0xFC80] =	vst.msk vm1, v10;
	v11 =	vand.u32 $0xFF, v11  }
0x8d: {  	[tilespmem:s0+$0x11600] =	vst.msk vm1, v11  }
0x8e: {  	[tilespmem:s0+$0x13180] =	vst.msk vm0, v9;
	v9, _, _ =	vpop (xrf0)  }
0x8f: {  	s1 =	simm.s32 $0x10;
	[tilespmem:s0+$0x14B00] =	vst.msk vm0, v11;
	(v2sf) =	vpush v9, $0xF  }
0x90: {  	s3 =	simm.s32 $0x3210;
	v10 =	vld [tilespmem:s1+$0x0]  }
0x91: {  	s2 =	simm.s32 $0x1910;
	v11 =	vld [tilespmem:s3+$0x0]  }
0x92: {  	v9 =	vld [tilespmem:s2+$0x0];
	_ =	sdelay $0x2  }
0x93: {  	v12 =	vsub.f32 v10, v3;
	v10 =	vsub.f32 v10, v6  }
0x94: {  	v14 =	vsel vm0, $0x1, v1;
	v15 =	vsub.f32 v11, v5;
	v11 =	vsub.f32 v11, v8  }
0x95: {  	(xrf0) =	vadd.scan.msk.s32 $0xffff, v14;
	v13 =	vsub.f32 v9, v4;
	v9 =	vsub.f32 v9, v7  }
0x96: {  	v10 =	vmul.f32 v10, v10  }
0x97: {  	v11 =	vmul.f32 v11, v11;
	v9 =	vmul.f32 v9, v9;
	_ =	sdelay $0x1  }
0x98: {  	v9 =	vadd.f32 v9, v10;
	_ =	sdelay $0x1  }
0x99: {  	v9 =	vadd.f32 v11, v9;
	v11, _, _ =	vpop (xrf0)  }
0x9a: {  	s9 =	spop (v2sf);
	(v2sf) =	vpush v11, $0xF;
	_ =	sdelay $0x5  }
0x9b: {  	v12 =	vmul.f32 v12, v12;
	v13 =	vmul.f32 v13, v13;
	_ =	sdelay $0x1  }
0x9c: {  	v63 =	vmul.f32 v15, v15;
	v12 =	vadd.f32 v13, v12  }
0x9d: {  	p1 =	sne.s32 s5, $0x1  }
.Ltmp6:
0x9e: {  	v10 =	vadd.f32 v63, v12;
	(pc) =	sbr.rel @!p1 .LBB2_7-.Ltmp6, $4  }
0x9f: {  	_ = 	snop  }
0xa0: {  	vm0 =	vle.f32 v10, $2.500000000e+01;
	vm1 =	vgt.f32 v10, $9.999999740e-05  }
0xa1: {  	s7 =	sadd.s32 $0xFFFFFFFF, s5;
	p0 =	por $0x1, $0x1;
	vm2 =	vgt.f32 v9, $9.999999740e-05;
	vm1 =	vmand vm0, vm1;
	vm0 =	vle.f32 v9, $2.500000000e+01  }
0xa2: {  	s6 =	simm.s32 $0x0;
	s5 =	simm.s32 $0x0;
	s8 =	simm.s32 $0x10;
	vm0 =	vmand vm0, vm2;
	v11 =	vsel vm1, $0x1, v1  }
.LBB2_8:
0xa3: {  	p1 =	sne.s32 s7, $0x1;
	v12 =	vor.u32 s1, v0;
	v13 =	vsel vm0, $0x1, v1;
	(xrf0) =	vadd.scan.msk.s32 $0xffff, v11;
	s6 =	sadd.s32 s6, s9;
	s9 =	spop (v2sf)  }
0xa4: {  	s7 =	sadd.s32 $0xFFFFFFFF, s7;
	v11 =	vand.u32 $0xFF, v12;
	[tilespmem:s6+$0xFC80] =	vst.msk vm1, v10;
	(xrf0) =	vadd.scan.msk.s32 $0xffff, v13;
	s5 =	sadd.s32 s5, s9  }
0xa5: {  	[tilespmem:s6+$0x11600] =	vst.msk vm1, v11  }
0xa6: {  	[tilespmem:s5+$0x13180] =	vst.msk vm0, v9  }
0xa7: {  	s8 =	sadd.s32 $0x10, s8;
	[tilespmem:s5+$0x14B00] =	vst.msk vm0, v11  }
0xa8: {  	v9 =	vld [tilespmem:s8+$0x0]  }
0xa9: {  	s2 =	sadd.s32 $0x10, s2;
	v10, _, _ =	vpop (xrf0)  }
0xaa: {  	v11 =	vld [tilespmem:s2+$0x0];
	(v2sf) =	vpush v10, $0xF;
	v10, _, _ =	vpop (xrf0)  }
0xab: {  	s3 =	sadd.s32 $0x10, s3;
	(v2sf) =	vpush v10, $0xF  }
0xac: {  	v10 =	vld [tilespmem:s3+$0x0]  }
0xad: {  	v12 =	vsub.f32 v9, v3;
	v9 =	vsub.f32 v9, v6;
	_ =	sdelay $0x1  }
0xae: {  	v13 =	vsub.f32 v11, v4;
	v11 =	vsub.f32 v11, v7  }
0xaf: {  	v12 =	vmul.f32 v12, v12;
	v9 =	vmul.f32 v9, v9  }
0xb0: {  	v14 =	vsub.f32 v10, v5;
	v13 =	vmul.f32 v13, v13;
	v11 =	vmul.f32 v11, v11  }
0xb1: {  	v10 =	vsub.f32 v10, v8  }
0xb2: {  	v12 =	vadd.f32 v13, v12;
	v13 =	vmul.f32 v14, v14;
	v9 =	vadd.f32 v11, v9  }
0xb3: {  	v11 =	vmul.f32 v10, v10  }
.Ltmp7:
0xb4: {  	v10 =	vadd.f32 v13, v12;
	(pc) =	sbr.rel @p1 .LBB2_8-.Ltmp7, $4  }
0xb5: {  	v9 =	vadd.f32 v11, v9  }
0xb6: {  	vm0 =	vle.f32 v10, $2.500000000e+01;
	vm1 =	vgt.f32 v10, $9.999999740e-05  }
0xb7: {  	vm2 =	vgt.f32 v9, $9.999999740e-05;
	vm1 =	vmand vm0, vm1;
	vm0 =	vle.f32 v9, $2.500000000e+01  }
0xb8: {  	s1 =	sadd.s32 $0x10, s1;
	vm0 =	vmand vm0, vm2;
	v11 =	vsel vm1, $0x1, v1;
	s9 =	spop (v2sf)  }
.LBB2_9:
0xb9: {  	v3 =	vsel vm0, $0x1, v1;
	(xrf0) =	vadd.scan.msk.s32 $0xffff, v11  }
0xba: {  	(xrf0) =	vadd.scan.msk.s32 $0xffff, v3;
	_ =	sdelay $0x4  }
0xbb: {  	v3, _, _ =	vpop (xrf0)  }
0xbc: {  	(v2sf) =	vpush v3, $0xF;
	v3, _, _ =	vpop (xrf0)  }
0xbd: {  	(v2sf) =	vpush v3, $0xF;
	_ =	sdelay $0xa  }
0xbe: {  	s2 =	sadd.s32 @p0 s6, s9;
	s3 =	simm.s32 $0x0  }
.Ltmp8:
0xbf: {  	s3 =	smov.u32 @p0 s2;
	v3 =	vor.u32 s1, v0;
	s1 =	spop @p0 (v2sf);
	(pc) =	sbr.rel .LBB2_10-.Ltmp8, $4  }
0xc0: {  	[tilespmem:s3+$0xFC80] =	vst.msk vm1, v10;
	v3 =	vand.u32 $0xFF, v3;
	s1 =	sadd.s32 @p0 s5, s1  }
0xc1: {  	[tilespmem:s3+$0x11600] =	vst.msk vm1, v3;
	s0 =	smov.u32 @p0 s1;
	s26 =	spop (v2sf)  }
0xc2: {  	[tilespmem:s0+$0x13180] =	vst.msk vm0, v9;
	s28 =	spop (v2sf);
	s1 =	sadd.s32 s3, s26  }
0xc3: {  	[tilespmem:s0+$0x14B00] =	vst.msk vm0, v3;
	s5 =	sadd.s32 s0, s28;
	s0 =	smov.u32 s1  }
.LBB2_3:
0xc4: {  	s5 =	simm.s32 $0x0  }
.LBB2_10:
0xc5: {  	s1 =	sadd.s32 $0xF, s0  }
0xc6: {  	s6 =	sadd.s32 $0xF, s5;
	s2 =	sshra.s32 s1, $0x1F  }
0xc7: {  	s3 =	sand.u32 $0xF, s1;
	p0 =	slt.s32 s1, $0x1;
	s20 =	sand.u32 $0xF, s6  }
0xc8: {  	p6 =	slt.s32 s6, $0x1;
	s28 =	sshra.s32 s6, $0x1F;
	s2 =	sshrl.u32 s2, $0x1C  }
0xc9: {  	p1 =	sne.s32 s3, $0x0;
	p2 =	sne.s32 s20, $0x0;
	s3 =	simm.s32 $0x1  }
0xca: {  	s2 =	sadd.s32 s2, s1;
	p0 =	por !p0, !p1;
	p1 =	por !p6, !p2  }
0xcb: {  	s26 =	sshra.s32 s2, $0x4;
	p0 =	por !p0, !p0;
	s2 =	sshrl.u32 s28, $0x1C  }
0xcc: {  	p1 =	por !p1, !p1;
	s2 =	sadd.s32 s2, s6;
	s6 =	simm.s32 $0x1  }
0xcd: {  	s3 =	simm.s32 @!p0 $0x0;
	s7 =	sshra.s32 s2, $0x4;
	s6 =	simm.s32 @!p1 $0x0  }
0xce: {  	s2 =	ssub.s32 s26, s3;
	s3 =	ssub.s32 s7, s6  }
0xcf: {  	p0 =	sgt.s32 s2, s3;
	s1 =	smov.u32 s3  }
0xd0: {  	s1 =	smov.u32 @p0 s2  }
0xd1: {  	p0 =	slt.s32 s1, $0x1  }
.Ltmp9:
0xd2: {  	_ = 	snop;
	(pc) =	sbr.rel @p0 .LBB2_13-.Ltmp9, $3  }
0xd3: {  	_ =	sdelay $0x1  }
0xd4: {  	[tilespmem:s0+$0xFC80] =	vst v2  }
0xd5: {  	[tilespmem:s5+$0x13180] =	vst v2  }
0xd6: {  	s5 =	simm.s32 $0xFC80  }
0xd7: {  	s0 =	simm.s32 $0x13180;
	v3 =	vld [tilespmem:s5+$0x0]  }
0xd8: {  	v4 =	vld [tilespmem:s0+$0x0];
	_ =	sdelay $0x3  }
0xd9: {  	(xrf0) =	vmin.scan.msk.f32 $0xffff, v3  }
0xda: {  	(xrf0) =	vmin.scan.msk.f32 $0xffff, v4;
	_ =	sdelay $0x4  }
0xdb: {  	v3, _, _ =	vpop (xrf0)  }
0xdc: {  	(v2sf) =	vpush v3, $0xF;
	v3, _, _ =	vpop (xrf0)  }
0xdd: {  	(v2sf) =	vpush v3, $0xF;
	_ =	sdelay $0xd  }
0xde: {  	p0 =	sgt.s32 s2, $0x0;
	s6 =	spop (v2sf)  }
0xdf: {  	s6 =	simm.s32 @!p0 $0x7F800000;
	p0 =	sgt.s32 s3, $0x0;
	s7 =	spop (v2sf)  }
0xe0: {  	s7 =	simm.s32 @!p0 $0x7F800000;
	p0 =	sne.s32 s1, $0x1  }
.Ltmp10:
0xe1: {  	_ = 	snop;
	(pc) =	sbr.rel @!p0 .LBB2_13-.Ltmp10, $4  }
0xe2: {  	_ = 	snop  }
0xe3: {  	s5 =	simm.s32 $0x12F80;
	v3 =	vmov s6  }
0xe4: {  	s6 =	simm.s32 $0x16480;
	[tilespmem:s5+$0x0] =	vst.msk $0x1, v3;
	v3 =	vmov s7  }
0xe5: {  	s8 =	simm.s32 $0xFC90;
	s7 =	simm.s32 $0x1;
	[tilespmem:s6+$0x0] =	vst.msk $0x1, v3  }
.LBB2_12:
0xe6: {  	v3 =	vld [tilespmem:s8+$0x0];
	s0 =	sadd.s32 $0x10, s0;
	s9 =	smov.u32 s7  }
0xe7: {  	s7 =	sadd.s32 $0x1, s7;
	v4 =	vld [tilespmem:s0+$0x0]  }
0xe8: {  	p0 =	sne.s32 s1, s7;
	_ =	sdelay $0x2  }
0xe9: {  	(xrf0) =	vmin.scan.msk.f32 $0xffff, v3  }
0xea: {  	(xrf0) =	vmin.scan.msk.f32 $0xffff, v4;
	_ =	sdelay $0x4  }
0xeb: {  	v3, _, _ =	vpop (xrf0)  }
0xec: {  	(v2sf) =	vpush v3, $0xF;
	v3, _, _ =	vpop (xrf0)  }
0xed: {  	(v2sf) =	vpush v3, $0xF;
	_ =	sdelay $0xd  }
.Ltmp11:
0xee: {  	p1 =	slt.s32 s9, s2;
	s10 =	spop (v2sf);
	(pc) =	sbr.rel @p0 .LBB2_12-.Ltmp11, $4  }
0xef: {  	s10 =	simm.s32 @!p1 $0x7F800000;
	p1 =	slt.s32 s9, s3;
	s9 =	spop (v2sf)  }
0xf0: {  	s5 =	sadd.s32 $0x1, s5;
	s9 =	simm.s32 @!p1 $0x7F800000;
	v3 =	vmov s10  }
0xf1: {  	s6 =	sadd.s32 $0x1, s6;
	[tilespmem:s5+$0x0] =	vst.msk $0x1, v3;
	v3 =	vmov s9  }
0xf2: {  	s8 =	sadd.s32 $0x10, s8;
	[tilespmem:s6+$0x0] =	vst.msk $0x1, v3  }
.LBB2_13:
0xf3: {  	s0 =	sshll.u32 s24, $0x1;
	s2 =	sadd.s32 $0xF, s1  }
0xf4: {  	s0 =	sadd.s32 s13, s0;
	s3 =	sand.u32 $0xF, s2  }
0xf5: {  	p0 =	slt.s32 s1, $0xFFFFFFF2;
	s5 =	sshra.s32 s2, $0x1F;
	v3 =	vmov s0;
	p1 =	sne.s32 s3, $0x0  }
0xf6: {  	s0 =	sor.u32 $0x1, s0;
	s26 =	sshrl.u32 s5, $0x1C;
	v3 =	vand.u32 $0xFFFFFFFE, v3;
	p0 =	por !p0, !p1  }
0xf7: {  	v4 =	vmov s0;
	s0 =	sadd.s32 s26, s2;
	s2 =	simm.s32 $0x1;
	v3 =	vbroadcast v3, $0x0;
	p0 =	por !p0, !p0  }
0xf8: {  	s0 =	sshra.s32 s0, $0x4;
	s2 =	simm.s32 @!p0 $0x0  }
.Ltmp12:
0xf9: {  	s26 =	ssub.s32 s0, s2;
	(pc) =	sbr.rel .LBB2_14-.Ltmp12, $4  }
0xfa: {  	[tilespmem:s1+$0x12F80] =	vst v2;
	p0 =	slt.s32 s26, $0x1  }
0xfb: {  	[tilespmem:s1+$0x16480] =	vst v2;
	s1 =	simm.s32 @!p0 $0x0  }
0xfc: {  	v5 =	vimm.s32 $0x0;
	v4 =	vld.idx.msk [tilespmem:v4+s29+$0x0], $0xffff;
	s1 =	simm.s32 @p0 $0x1  }
0xfd: {  	s28 =	sor.u32 $0x80, s25;
	v6 =	vimm.f32 $0.0e+00;
	v7 =	vimm.f32 $0.0e+00;
	v8 =	vimm.s32 $0x0;
	s0 =	simm.s32 $0x0;
	v3 =	vld.idx.msk [tilespmem:v3+s29+$0x0], $0xffff;
	[smem:$0x7FC] =	sst s1  }
.LBB2_15:
0xfe: {  	s3 =	simm.s32 $0x0;
	s6 =	simm.f32 $+Inf;
	s5 =	simm.s32 $0x0  }
.LBB2_37:
0xff: {  	s1 =	sshll.u32 s3, $0x4  }
0x100: {  	s4 =	sshll.u32 s5, $0x4;
	v9 =	vld [tilespmem:s1+$0xFC80]  }
0x101: {  	v10 =	vld [tilespmem:s4+$0x13180];
	_ =	sdelay $0x3  }
0x102: {  	vm0 =	veq.f32 v9, s2  }
0x103: {  	vm13 =	veq.f32 v10, s6;
	v11 =	vmctz.xlane vm0  }
0x104: {  	v12 =	vmctz.xlane vm13  }
0x105: {  	v11 =	vxor.u32 $0x80000000, v11  }
0x106: {  	(xrf0) =	vmin.scan.msk.u32 $0xffff, v11;
	v11 =	vxor.u32 $0x80000000, v12  }
0x107: {  	(xrf0) =	vmin.scan.msk.u32 $0xffff, v11;
	_ =	sdelay $0x4  }
0x108: {  	v11, _, _ =	vpop (xrf0)  }
0x109: {  	(v2sf) =	vpush v11, $0xF;
	v11, _, _ =	vpop (xrf0)  }
0x10a: {  	(v2sf) =	vpush v11, $0xF;
	_ =	sdelay $0xb  }
0x10b: {  	v11 =	vld [tilespmem:s1+$0x11600]  }
0x10c: {  	v61 =	vld [tilespmem:s4+$0x14B00]  }
0x10d: {  	s7 =	spop (v2sf)  }
0x10e: {  	s7 =	sxor.u32 $0x80000000, s7;
	s8 =	spop (v2sf)  }
0x10f: {  	s8 =	sxor.u32 $0x80000000, s8;
	v13 =	vmov s7  }
0x110: {  	v11 =	vxor.u32 $0x80000000, v11;
	vm14 =	veq.s32 v13, v0;
	v62 =	vmov s8  }
0x111: {  	v12 =	vxor.u32 $0x80000000, v61;
	v11 =	vnsel vm14, $0xC0000000, v11;
	vm1 =	veq.s32 v62, v0  }
0x112: {  	(xrf0) =	vmin.scan.msk.u32 $0xffff, v11;
	v11 =	vnsel vm1, $0xC0000000, v12  }
0x113: {  	(xrf0) =	vmin.scan.msk.u32 $0xffff, v11;
	_ =	sdelay $0x4  }
0x114: {  	v11, _, _ =	vpop (xrf0)  }
0x115: {  	(v2sf) =	vpush v11, $0xF;
	v11, _, _ =	vpop (xrf0)  }
0x116: {  	(v2sf) =	vpush v11, $0xF;
	_ =	sdelay $0x5  }
0x117: {  	v9 =	vsel vm14, $0x7F800000, v9  }
0x118: {  	v10 =	vsel vm1, $0x7F800000, v10;
	(xrf0) =	vmin.scan.msk.f32 $0xffff, v9  }
0x119: {  	(xrf0) =	vmin.scan.msk.f32 $0xffff, v10;
	_ =	sdelay $0x2  }
0x11a: {  	v63 =	vmov s0;
	s0 =	sadd.s32 $0x1, s0  }
0x11b: {  	p0 =	sne.s32 s0, $0x10  }
.Ltmp13:
0x11c: {  	v11, _, _ =	vpop (xrf0);
	(pc) =	sbr.rel @!p0 .LBB2_38-.Ltmp13, $4  }
0x11d: {  	[tilespmem:s1+$0xFC80] =	vst v9;
	v9 =	vbroadcast v11, $0xF;
	v11, _, _ =	vpop (xrf0);
	s17 =	spop (v2sf)  }
0x11e: {  	vm15 =	veq.s32 v63, v0;
	[tilespmem:s4+$0x13180] =	vst v10;
	v10 =	vbroadcast v11, $0xF;
	s19 =	spop (v2sf)  }
0x11f: {  	v7 =	vsel vm15, s2, v7;
	[tilespmem:s3+$0x12F80] =	vst.msk $0x1, v9;
	s18 =	sxor.u32 $0x80000000, s17;
	s20 =	sxor.u32 $0x80000000, s19  }
0x120: {  	v6 =	vsel vm15, s6, v6;
	[tilespmem:s5+$0x16480] =	vst.msk $0x1, v10;
	v8 =	vsel vm15, s18, v8;
	v5 =	vsel vm15, s20, v5  }
.LBB2_14:
0x121: {  	s1 =	sld [smem:$0x7FC];
	_ =	sdelay $0x2  }
0x122: {  	p0 =	seq.s32 s1, $0x1  }
.Ltmp14:
0x123: {  	_ = 	snop;
	(pc) =	sbr.rel @p0 .LBB2_15-.Ltmp14, $2  }
0x124: {  	_ =	sdelay $0x2  }
0x125: {  	s2 =	simm.f32 $+Inf  }
0x126: {  	p0 =	sne.s32 s26, $0x1  }
.Ltmp15:
0x127: {  	_ = 	snop;
	(pc) =	sbr.rel @!p0 .LBB2_17-.Ltmp15, $3  }
0x128: {  	_ =	sdelay $0x1  }
0x129: {  	s5 =	simm.s32 $0x12F80  }
0x12a: {  	s3 =	simm.s32 $0x16480;
	s1 =	simm.s32 $0x80000000;
	s6 =	sadd.s32 $0xFFFFFFFF, s26  }
0x12b: {  	p0 =	sne.s32 s6, $0x1  }
.Ltmp16:
0x12c: {  	_ = 	snop;
	(pc) =	sbr.rel @!p0 .LBB2_19-.Ltmp16, $2  }
0x12d: {  	_ =	sdelay $0x2  }
0x12e: {  	s6 =	sadd.s32 $0xFFFFFFFF, s6  }
0x12f: {  	p0 =	sne.s32 s6, $0x1  }
.Ltmp17:
0x130: {  	_ = 	snop;
	(pc) =	sbr.rel @!p0 .LBB2_21-.Ltmp17, $3  }
0x131: {  	_ =	sdelay $0x1  }
0x132: {  	v24 =	vld [tilespmem:s5+$0x0]  }
0x133: {  	v23 =	vld [tilespmem:s3+$0x0];
	s8 =	sadd.s32 $0xFFFFFFFF, s6  }
0x134: {  	p0 =	sne.s32 s8, $0x1  }
.Ltmp18:
0x135: {  	_ = 	snop;
	(pc) =	sbr.rel @!p0 .LBB2_23-.Ltmp18, $4  }
0x136: {  	_ = 	snop  }
0x137: {  	s6 =	simm.s32 $0x12F90  }
0x138: {  	s7 =	simm.s32 $0x16490;
	v10 =	vld [tilespmem:s6+$0x0];
	(xrf0) =	vmin.scan.msk.f32 $0xffff, v24  }
0x139: {  	s8 =	sadd.s32 $0xFFFFFFFF, s8;
	v9 =	vld [tilespmem:s7+$0x0];
	(xrf0) =	vmin.scan.msk.f32 $0xffff, v23  }
0x13a: {  	_ =	sdelay $0x3  }
0x13b: {  	v11, _, _ =	vpop (xrf0)  }
0x13c: {  	p0 =	sne.s32 s8, $0x1;
	v12 =	vbroadcast v11, $0xF  }
.Ltmp19:
0x13d: {  	v13, _, _ =	vpop (xrf0);
	(pc) =	sbr.rel @!p0 .LBB2_25-.Ltmp19, $4  }
0x13e: {  	v63 =	vbroadcast v13, $0xF;
	vm0 =	veq.f32 v24, v12  }
0x13f: {  	s6 =	simm.s32 $0x12FA0;
	v14 =	vmctz.xlane vm0  }
0x140: {  	s7 =	simm.s32 $0x164A0;
	(xrf0) =	vmin.scan.msk.f32 $0xffff, v10;
	(v2sf) =	vpush v11, $0xF;
	v24 =	vld [tilespmem:s6+$0x0];
	vm15 =	veq.f32 v23, v63  }
0x141: {  	s8 =	sadd.s32 $0xFFFFFFFF, s8;
	(xrf0) =	vmin.scan.msk.f32 $0xffff, v9;
	(v2sf) =	vpush v13, $0xF;
	v23 =	vld [tilespmem:s7+$0x0];
	v19 =	vmctz.xlane vm15;
	v25 =	vxor.u32 $0x80000000, v14  }
0x142: {  	_ =	sdelay $0x3  }
0x143: {  	v11, _, _ =	vpop (xrf0)  }
0x144: {  	v12 =	vbroadcast v11, $0xF  }
0x145: {  	(xrf0) =	vmin.scan.msk.u32 $0xffff, v25  }
0x146: {  	p0 =	sne.s32 s8, $0x1;
	vm0 =	veq.f32 v10, v12  }
.Ltmp20:
0x147: {  	v14, _, _ =	vpop (xrf0);
	v12 =	vmctz.xlane vm0;
	(pc) =	sbr.rel @!p0 .LBB2_27-.Ltmp20, $4  }
0x148: {  	v10 =	vbroadcast v14, $0xF  }
0x149: {  	s6 =	simm.s32 $0x12FB0;
	(xrf0) =	vmin.scan.msk.f32 $0xffff, v24  }
0x14a: {  	s7 =	simm.s32 $0x164B0;
	v15 =	vxor.u32 $0x80000000, v19;
	v13 =	vld [tilespmem:s6+$0x0];
	(v2sf) =	vpush v11, $0xF;
	(xrf0) =	vmin.scan.msk.f32 $0xffff, v23;
	vm15 =	veq.f32 v9, v10  }
0x14b: {  	s8 =	sadd.s32 $0xFFFFFFFF, s8;
	v11 =	vld [tilespmem:s7+$0x0];
	(v2sf) =	vpush v14, $0xF;
	(xrf0) =	vmin.scan.msk.u32 $0xffff, v15;
	v9 =	vmctz.xlane vm15;
	v10 =	vxor.u32 $0x80000000, v12;
	v12, _, _ =	vpop (xrf0)  }
0x14c: {  	p0 =	por $0x1, $0x1  }
0x14d: {  	s4 =	simm.s32 @!p0 $0x0  }
0x14e: {  	s4 =	simm.s32 @p0 $0x1;
	p0 =	por $0x1, $0x1  }
0x14f: {  	[smem:$0x7F7] =	sst s4;
	s4 =	simm.s32 @!p0 $0x0  }
0x150: {  	s4 =	simm.s32 @p0 $0x1;
	p0 =	por $0x1, $0x1  }
0x151: {  	[smem:$0x7F8] =	sst s4;
	s4 =	simm.s32 @!p0 $0x0  }
0x152: {  	s4 =	simm.s32 @p0 $0x1;
	p0 =	por $0x1, $0x1  }
0x153: {  	[smem:$0x7F9] =	sst s4;
	s4 =	simm.s32 @!p0 $0x0  }
0x154: {  	s4 =	simm.s32 @p0 $0x1;
	p0 =	por $0x1, $0x1  }
0x155: {  	s9 =	spop (v2sf);
	[smem:$0x7FA] =	sst s4;
	s4 =	simm.s32 @!p0 $0x0  }
0x156: {  	p1 =	por $0x1, $0x1;
	s10 =	spop (v2sf);
	s4 =	simm.s32 @p0 $0x1  }
0x157: {  	(xrf0) =	vmin.scan.msk.u32 $0xffff, v10;
	p5 =	slt.f32 s9, s2;
	v14, _, _ =	vpop (xrf0);
	[smem:$0x7FB] =	sst s4;
	s4 =	simm.s32 @!p1 $0x0  }
0x158: {  	p2 =	slt.f32 s10, s2;
	v15 =	vbroadcast v14, $0xF;
	p0 =	sne.s32 s8, $0x1;
	s4 =	simm.s32 @p1 $0x1  }
.Ltmp21:
0x159: {  	v16, _, _ =	vpop (xrf0);
	[smem:$0x7F6] =	sst s4;
	s4 =	simm.s32 @!p5 $0x0;
	(pc) =	sbr.rel @!p0 .LBB2_29-.Ltmp21, $4  }
0x15a: {  	(v2sf) =	vpush v12, $0xF;
	s6 =	simm.s32 $0x12FC0;
	s12 =	simm.f32 $+Inf;
	v17 =	vbroadcast v16, $0xF;
	vm0 =	veq.f32 v24, v15;
	s4 =	simm.s32 @p5 $0x1  }
0x15b: {  	s7 =	simm.s32 $0x164C0;
	(xrf0) =	vmin.scan.msk.f32 $0xffff, v13;
	(v2sf) =	vpush v14, $0xF;
	v14 =	vmctz.xlane vm0;
	[smem:$0x7F2] =	sst s4;
	s4 =	simm.s32 @!p2 $0x0  }
0x15c: {  	s18 =	simm.f32 $+Inf;
	v20 =	vld [tilespmem:s6+$0x0];
	s12 =	smov.u32 @p5 s9;
	(xrf0) =	vmin.scan.msk.f32 $0xffff, v11;
	(v2sf) =	vpush v16, $0xF;
	v16, _, _ =	vpop (xrf0);
	v15 =	vxor.u32 $0x80000000, v9;
	vm15 =	veq.f32 v23, v17;
	s4 =	simm.s32 @p2 $0x1  }
0x15d: {  	v18 =	vld [tilespmem:s7+$0x0];
	s18 =	smov.u32 @p2 s10;
	(v2sf) =	vpush v16, $0xF;
	v21, _, _ =	vpop (xrf0);
	(xrf0) =	vmin.scan.msk.u32 $0xffff, v15;
	v16 =	vmctz.xlane vm15;
	v17 =	vxor.u32 $0x80000000, v14;
	s8 =	sadd.s32 $0xFFFFFFFF, s8;
	[smem:$0x7F3] =	sst s4  }
0x15e: {  	_ =	sdelay $0x2  }
0x15f: {  	s9 =	spop (v2sf);
	(v2sf) =	vpush v21, $0xF;
	p1 =	por p2, p2;
	v14, _, _ =	vpop (xrf0)  }
0x160: {  	s10 =	spop (v2sf);
	p3 =	por p1, p1;
	p1 =	por $0x1, $0x1;
	v19, _, _ =	vpop (xrf0);
	(v2sf) =	vpush v14, $0xF  }
0x161: {  	p2 =	slt.f32 s10, s18;
	s4 =	simm.s32 @!p1 $0x0;
	(v2sf) =	vpush v19, $0xF  }
0x162: {  	s4 =	simm.s32 @p1 $0x1;
	v22 =	vbroadcast v19, $0xF;
	v19, _, _ =	vpop (xrf0)  }
0x163: {  	[smem:$0x7F5] =	sst s4;
	s4 =	simm.s32 @!p2 $0x0;
	(v2sf) =	vpush v19, $0xF  }
0x164: {  	p6 =	por p5, p5;
	s4 =	simm.s32 @p2 $0x1  }
0x165: {  	(xrf0) =	vmin.scan.msk.u32 $0xffff, v17;
	p4 =	slt.f32 s9, s12;
	[smem:$0x7EE] =	sst s4;
	s4 =	simm.s32 @!p6 $0x0  }
0x166: {  	p0 =	sne.s32 s8, $0x1;
	v15 =	vbroadcast v14, $0xF;
	s4 =	simm.s32 @p6 $0x1  }
.Ltmp22:
0x167: {  	[smem:$0x7EF] =	sst s4;
	s4 =	simm.s32 @!p4 $0x0;
	(pc) =	sbr.rel @!p0 .LBB2_31-.Ltmp22, $4  }
0x168: {  	s6 =	simm.s32 $0x12FD0;
	s7 =	simm.s32 $0x164D0;
	vm0 =	veq.f32 v13, v15;
	s4 =	simm.s32 @p4 $0x1  }
0x169: {  	s14 =	smov.u32 s12;
	(xrf0) =	vmin.scan.msk.f32 $0xffff, v20;
	v14 =	vmctz.xlane vm0;
	[smem:$0x7F0] =	sst s4;
	s4 =	simm.s32 @!p3 $0x0  }
0x16a: {  	s16 =	smov.u32 s18;
	v26 =	vld [tilespmem:s6+$0x0];
	s14 =	smov.u32 @p4 s9;
	(xrf0) =	vmin.scan.msk.f32 $0xffff, v18;
	v15 =	vxor.u32 $0x80000000, v16;
	vm15 =	veq.f32 v11, v22;
	s4 =	simm.s32 @p3 $0x1  }
0x16b: {  	v28 =	vld [tilespmem:s7+$0x0];
	s9 =	sadd.s32 $0xFFFFFFFF, s8;
	s16 =	smov.u32 @p2 s10;
	v30, _, _ =	vpop (xrf0);
	(xrf0) =	vmin.scan.msk.u32 $0xffff, v15;
	v22 =	vmctz.xlane vm15;
	v27 =	vxor.u32 $0x80000000, v14;
	[smem:$0x7F1] =	sst s4  }
0x16c: {  	_ =	sdelay $0x2  }
0x16d: {  	(v2sf) =	vpush v30, $0xF;
	v14, _, _ =	vpop (xrf0)  }
0x16e: {  	p0 =	por p3, p3;
	p3 =	sne.s32 s9, $0x1;
	v19, _, _ =	vpop (xrf0);
	(v2sf) =	vpush v14, $0xF  }
0x16f: {  	p2 =	por p2, p2;
	s7 =	spop (v2sf);
	s6 =	simm.s32 $0x12FE0;
	v23 =	vbroadcast v19, $0xF;
	(v2sf) =	vpush v19, $0xF;
	v19, _, _ =	vpop (xrf0)  }
0x170: {  	(xrf0) =	vmin.scan.msk.u32 $0xffff, v27;
	s10 =	simm.s32 $0x0;
	s15 =	smov.u32 s16;
	s19 =	sadd.s32 $0xFFFFFFFF, s9;
	v15 =	vbroadcast v14, $0xF;
	(v2sf) =	vpush v19, $0xF  }
0x171: {  	s9 =	simm.s32 $0x80000000;
	s11 =	spop (v2sf);
	s8 =	sadd.s32 $0x80000000, s7  }
0x172: {  	s7 =	simm.s32 $0x164E0;
	p0 =	por p0, p0;
	s20 =	spop (v2sf);
	vm0 =	veq.f32 v20, v15  }
.Ltmp23:
0x173: {  	s10 =	smov.u32 @p6 s8;
	p5 =	slt.f32 s11, s14;
	(xrf0) =	vmin.scan.msk.f32 $0xffff, v26;
	v24 =	vmctz.xlane vm0;
	(pc) =	sbr.rel @!p3 .LBB2_33-.Ltmp23, $4  }
0x174: {  	p6 =	por p4, p4;
	p4 =	por p2, p2;
	p2 =	por $0x1, $0x1;
	(xrf0) =	vmin.scan.msk.f32 $0xffff, v28;
	v15 =	vxor.u32 $0x80000000, v22  }
0x175: {  	s8 =	smov.u32 s14;
	p1 =	slt.f32 s20, s16;
	s4 =	simm.s32 @!p2 $0x0;
	v14 =	vld [tilespmem:s6+$0x0];
	(xrf0) =	vmin.scan.msk.u32 $0xffff, v15  }
0x176: {  	s17 =	spop (v2sf);
	s8 =	smov.u32 @p5 s11;
	s4 =	simm.s32 @p2 $0x1;
	v29, _, _ =	vpop (xrf0);
	vm15 =	veq.f32 v18, v23;
	v15 =	vld [tilespmem:s7+$0x0]  }
0x177: {  	s11 =	simm.s32 $0x0;
	s15 =	smov.u32 @p1 s20;
	[smem:$0x7F4] =	sst s4;
	v19 =	vmctz.xlane vm15;
	v25 =	vxor.u32 $0x80000000, v24;
	v23 =	vmovc v28;
	v24 =	vmov v26  }
.LBB2_34:
0x178: {  	p3 =	sne.s32 s19, $0x1  }
0x179: {  	v31, _, _ =	vpop (xrf0);
	v19 =	vxor.u32 $0x80000000, v19;
	(xrf0) =	vmin.scan.msk.u32 $0xffff, v25;
	(v2sf) =	vpush v29, $0xF;
	s17 =	sadd.s32 s9, s17;
	p2 =	por p1, p1;
	s9 =	sadd.s32 $0x10, s9  }
0x17a: {  	s6 =	sadd.s32 $0x10, s6;
	(xrf0) =	vmin.scan.msk.f32 $0xffff, v14;
	v25 =	vbroadcast v31, $0xF;
	(v2sf) =	vpush v31, $0xF;
	v29, _, _ =	vpop (xrf0);
	s20 =	spop (v2sf);
	s11 =	smov.u32 @p0 s17  }
.Ltmp24:
0x17b: {  	(xrf0) =	vmin.scan.msk.f32 $0xffff, v15;
	v31 =	vbroadcast v29, $0xF;
	(v2sf) =	vpush v29, $0xF;
	s4 =	spop (v2sf);
	v29, _, _ =	vpop (xrf0);
	s17 =	sadd.s32 s9, s20;
	(pc) =	sbr.rel @p3 .LBB2_34-.Ltmp24, $4  }
0x17c: {  	s7 =	sadd.s32 $0x10, s7;
	vm0 =	veq.f32 v24, v25;
	(xrf0) =	vmin.scan.msk.u32 $0xffff, v19;
	s20 =	spop (v2sf);
	s10 =	smov.u32 @p6 s17;
	v24 =	vmov v14;
	v14 =	vld [tilespmem:s6+$0x0]  }
0x17d: {  	p6 =	por p5, p5;
	p5 =	slt.f32 s4, s8;
	v25 =	vmctz.xlane vm0;
	vm0 =	veq.f32 v23, v31;
	p1 =	slt.f32 s20, s15;
	(v2sf) =	vpush v29, $0xF;
	v23 =	vmovc v15;
	v15 =	vld [tilespmem:s7+$0x0]  }
0x17e: {  	p0 =	por p4, p4;
	p4 =	por p2, p2;
	v19 =	vmctz.xlane vm0;
	s17 =	spop (v2sf)  }
0x17f: {  	s19 =	sadd.s32 $0xFFFFFFFF, s19;
	s8 =	smov.u32 @p5 s4;
	v25 =	vxor.u32 $0x80000000, v25;
	v29, _, _ =	vpop (xrf0);
	s15 =	smov.u32 @p1 s20  }
0x180: {  	_ = 	snop  }
.LBB2_36:
0x181: {  	s4 =	sld [smem:$0x7F4];
	_ =	sdelay $0x1  }
0x182: {  	s19 =	sld [smem:$0x7F5]  }
0x183: {  	p2 =	seq.s32 s4, $0x1  }
0x184: {  	s20 =	sld [smem:$0x7F7];
	s4 =	simm.s32 @!p2 $0x0  }
0x185: {  	p3 =	seq.s32 s19, $0x1;
	s4 =	simm.s32 @p2 $0x1  }
0x186: {  	p0 =	por !p0, !p2;
	[smem:$0x7F4] =	sst s4;
	s4 =	sadd.s32 @p2 s9, s17  }
0x187: {  	s17 =	spop @p3 (v2sf);
	s4 =	smov.u32 @p0 s11;
	p0 =	seq.s32 s20, $0x1  }
0x188: {  	s11 =	spop @p0 (v2sf)  }
0x189: {  	s9 =	sadd.s32 @p2 $0x10, s9;
	p2 =	slt.f32 @p0 s11, s8;
	_ =	sdelay $0x1  }
0x18a: {  	s20 =	spop @p0 (v2sf);
	[smem:$0x7DB] =	sst s0;
	s0 =	simm.s32 @!p2 $0x0  }
0x18b: {  	s0 =	simm.s32 @p2 $0x1  }
0x18c: {  	[smem:$0x7E1] =	sst s0  }
0x18d: {  	s0 =	sld [smem:$0x7DB];
	_ =	sdelay $0x2  }
0x18e: {  	[smem:$0x7DB] =	sst s0  }
0x18f: {  	s0 =	sld [smem:$0x7F4];
	_ =	sdelay $0x2  }
0x190: {  	s19 =	simm.s32 $0x80000000;
	p2 =	seq.s32 s0, $0x1  }
0x191: {  	s19 =	smov.u32 @p2 s9;
	p2 =	slt.f32 @p0 s20, s15;
	_ =	sdelay $0x1  }
0x192: {  	s9 =	simm.s32 @!p2 $0x0  }
0x193: {  	s0 =	sld [smem:$0x7DB];
	s9 =	simm.s32 @p2 $0x1;
	p2 =	por !p6, !p3  }
0x194: {  	[smem:$0x7E2] =	sst s9;
	s9 =	sadd.s32 @p3 s19, s17;
	s17 =	simm.s32 @!p2 $0x0  }
0x195: {  	s17 =	simm.s32 @p2 $0x1  }
0x196: {  	[smem:$0x7DC] =	sst s17  }
0x197: {  	s17 =	sld [smem:$0x7E1];
	_ =	sdelay $0x2  }
0x198: {  	p2 =	seq.s32 s17, $0x1;
	s17 =	sld [smem:$0x7DC];
	_ =	sdelay $0x2  }
0x199: {  	p6 =	por !p2, !p0;
	p2 =	seq.s32 s17, $0x1  }
0x19a: {  	s9 =	smov.u32 @p2 s10;
	s10 =	sld [smem:$0x7E2];
	_ =	sdelay $0x2  }
0x19b: {  	s11 =	smov.u32 @p6 s8;
	p6 =	seq.s32 s10, $0x1  }
0x19c: {  	p2 =	por !p6, !p0  }
0x19d: {  	s20 =	smov.u32 @p2 s15;
	s15 =	sld [smem:$0x7EE];
	_ =	sdelay $0x1  }
0x19e: {  	s17 =	sld [smem:$0x7F4]  }
0x19f: {  	s10 =	sld [smem:$0x7F6];
	p2 =	seq.s32 s15, $0x1  }
0x1a0: {  	s15 =	sld [smem:$0x7EF];
	p6 =	por @!p0 p2, p2  }
0x1a1: {  	p2 =	seq.s32 s17, $0x1;
	s17 =	sld [smem:$0x7F0];
	s8 =	simm.s32 @!p6 $0x0  }
0x1a2: {  	s8 =	simm.s32 @p6 $0x1;
	p6 =	seq.s32 s10, $0x1;
	s10 =	sld [smem:$0x7E1]  }
0x1a3: {  	[smem:$0x7E2] =	sst s8;
	s8 =	simm.s32 $0x0  }
0x1a4: {  	s8 =	smov.u32 @p2 s4;
	p2 =	por @p6 p5, p5;
	p5 =	seq.s32 s15, $0x1  }
0x1a5: {  	p2 =	por @!p6 p5, p5  }
0x1a6: {  	s15 =	sld [smem:$0x7F1];
	s4 =	simm.s32 @!p2 $0x0  }
0x1a7: {  	p5 =	seq.s32 s17, $0x1;
	s4 =	simm.s32 @p2 $0x1;
	p2 =	seq.s32 s10, $0x1  }
0x1a8: {  	p2 =	por @!p0 p5, p5  }
0x1a9: {  	p1 =	por @p6 p1, p1;
	[smem:$0x7DD] =	sst s4;
	s4 =	simm.s32 @!p2 $0x0  }
0x1aa: {  	s4 =	simm.s32 @p2 $0x1;
	p2 =	por @p6 p1, p1;
	p1 =	seq.s32 s15, $0x1  }
0x1ab: {  	p2 =	por @!p6 p1, p1  }
0x1ac: {  	[smem:$0x7E1] =	sst s4;
	s4 =	simm.s32 @!p2 $0x0  }
0x1ad: {  	s4 =	simm.s32 @p2 $0x1  }
0x1ae: {  	[smem:$0x7DF] =	sst s4;
	s4 =	simm.s32 @!p6 $0x0  }
0x1af: {  	s4 =	simm.s32 @p6 $0x1  }
0x1b0: {  	s10 =	simm.s32 $0x0;
	[smem:$0x7F6] =	sst s4;
	s4 =	spop @p3 (v2sf)  }
0x1b1: {  	s10 =	smov.u32 @p3 s9;
	s9 =	sadd.s32 @p3 $0x10, s19;
	s4 =	smov.u32 @p3 s4  }
0x1b2: {  	p1 =	por @p3 p4, p4;
	s4 =	sadd.s32 @p3 s19, s4;
	s19 =	sld [smem:$0x7F8]  }
0x1b3: {  	p1 =	por @!p3 p0, p0  }
0x1b4: {  	p5 =	por p6, p6;
	p1 =	por !p1, !p3  }
0x1b5: {  	s4 =	smov.u32 @p1 s8;
	s8 =	spop @p6 (v2sf);
	p6 =	seq.s32 s19, $0x1  }
0x1b6: {  	s14 =	smov.u32 @p0 s11;
	s11 =	spop @p6 (v2sf)  }
0x1b7: {  	s16 =	smov.u32 @p0 s20;
	s20 =	sld [smem:$0x7DD];
	p2 =	slt.f32 @p6 s11, s14  }
0x1b8: {  	_ = 	snop  }
0x1b9: {  	s19 =	simm.s32 @!p2 $0x0  }
0x1ba: {  	s15 =	simm.s32 $0x80000000;
	s19 =	simm.s32 @p2 $0x1;
	p2 =	seq.s32 s20, $0x1  }
0x1bb: {  	s15 =	smov.u32 @p3 s9;
	p2 =	por !p2, !p5  }
0x1bc: {  	[smem:$0x7E4] =	sst s19;
	s19 =	sadd.s32 @p5 s15, s8;
	s8 =	simm.s32 @!p2 $0x0  }
0x1bd: {  	s17 =	sld [smem:$0x7F9];
	s8 =	simm.s32 @p2 $0x1  }
0x1be: {  	[smem:$0x7DE] =	sst s8  }
0x1bf: {  	s20 =	sld [smem:$0x7DE]  }
0x1c0: {  	s9 =	sld [smem:$0x7E4]  }
0x1c1: {  	p1 =	seq.s32 s17, $0x1;
	s17 =	spop @p6 (v2sf)  }
0x1c2: {  	p4 =	slt.f32 @p6 s17, s16;
	p2 =	seq.s32 s20, $0x1  }
0x1c3: {  	p5 =	seq.s32 s9, $0x1;
	s19 =	smov.u32 @p2 s10;
	s10 =	sld [smem:$0x7F3]  }
0x1c4: {  	p5 =	por !p5, !p6  }
0x1c5: {  	s11 =	smov.u32 @p5 s14;
	s14 =	sld [smem:$0x7F6];
	p2 =	por !p4, !p6  }
0x1c6: {  	s17 =	smov.u32 @p2 s16;
	s16 =	sld [smem:$0x7DF];
	p2 =	seq.s32 s10, $0x1  }
0x1c7: {  	p4 =	por @!p6 p2, p2  }
0x1c8: {  	s9 =	sld [smem:$0x7FA];
	s8 =	simm.s32 @!p4 $0x0  }
0x1c9: {  	(v2sf) =	vpush @p0 v29, $0xF;
	v31, _, _ =	vpop @p1 (xrf0);
	p2 =	seq.s32 s16, $0x1;
	s8 =	simm.s32 @p4 $0x1;
	p4 =	seq.s32 s14, $0x1  }
0x1ca: {  	(v2sf) =	vpush @p1 v31, $0xF;
	s20 =	sld [smem:$0x7F2];
	p2 =	por @p4 p2, p2  }
0x1cb: {  	p5 =	seq.s32 s9, $0x1;
	s10 =	sld [smem:$0x7E4];
	p2 =	por @!p4 p0, p0  }
0x1cc: {  	v29, _, _ =	vpop @p1 (xrf0);
	[smem:$0x7E6] =	sst s8;
	s8 =	simm.s32 $0x0;
	s9 =	simm.s32 @!p2 $0x0  }
0x1cd: {  	(v2sf) =	vpush @p1 v29, $0xF;
	s8 =	smov.u32 @p3 s4;
	s9 =	simm.s32 @p2 $0x1  }
0x1ce: {  	p3 =	seq.s32 s20, $0x1;
	p2 =	seq.s32 s10, $0x1;
	[smem:$0x7E0] =	sst s9  }
0x1cf: {  	p2 =	por @!p6 p3, p3;
	s14 =	sld [smem:$0x7E0]  }
0x1d0: {  	s16 =	sld [smem:$0x7E1];
	s9 =	simm.s32 @!p2 $0x0  }
0x1d1: {  	s4 =	spop @p4 (v2sf);
	s20 =	sld [smem:$0x7E2];
	s9 =	simm.s32 @p2 $0x1  }
0x1d2: {  	s4 =	smov.u32 @p4 s4;
	[smem:$0x7E4] =	sst s9;
	p3 =	seq.s32 s14, $0x1  }
0x1d3: {  	s9 =	sadd.s32 @p4 s15, s4;
	s4 =	sadd.s32 @p5 $0x10, s6;
	p2 =	por !p3, !p4  }
0x1d4: {  	(xrf0) =	vmin.scan.msk.u32 @p6 $0xffff, v25;
	v25, _, _ =	vpop @p0 (xrf0);
	s9 =	smov.u32 @p2 s8;
	s8 =	simm.s32 $0x12F80;
	p2 =	seq.s32 s16, $0x1  }
0x1d5: {  	(v2sf) =	vpush @p0 v25, $0xF;
	s8 =	smov.u32 @p5 s4;
	p3 =	por @p0 p2, p2;
	p2 =	por p4, p4  }
0x1d6: {  	s4 =	sadd.s32 @p5 $0x10, s7;
	s7 =	simm.s32 $0x80000000;
	s6 =	sadd.s32 @p2 $0x10, s15  }
0x1d7: {  	s12 =	smov.u32 @p6 s11;
	s7 =	smov.u32 @p2 s6;
	p2 =	seq.s32 s20, $0x1  }
0x1d8: {  	s11 =	spop @p0 (v2sf);
	s10 =	simm.s32 $0x16480;
	p2 =	por @p0 p2, p2  }
0x1d9: {  	s14 =	spop @p1 (v2sf);
	s10 =	smov.u32 @p5 s4;
	s6 =	simm.s32 @!p2 $0x0  }
0x1da: {  	(xrf0) =	vmin.scan.msk.f32 @p5 $0xffff, v14;
	s4 =	simm.s32 $0x0;
	s6 =	simm.s32 @p2 $0x1;
	p2 =	slt.f32 @p1 s14, s12  }
0x1db: {  	s18 =	smov.u32 @p6 s17;
	s4 =	smov.u32 @p4 s19;
	s19 =	sld [smem:$0x7FB]  }
0x1dc: {  	[smem:$0x7E3] =	sst s6;
	s6 =	spop @p1 (v2sf);
	s15 =	simm.s32 @!p2 $0x0  }
0x1dd: {  	v25, _, _ =	vpop @p6 (xrf0);
	s20 =	sld [smem:$0x7E4];
	s15 =	simm.s32 @p2 $0x1;
	p2 =	slt.f32 @p1 s6, s18  }
0x1de: {  	v25 =	vpsel p6, v25, v30;
	p4 =	seq.s32 s19, $0x1;
	s19 =	sld [smem:$0x7F6]  }
0x1df: {  	(v2sf) =	vpush @p6 v25, $0xF;
	[smem:$0x7E7] =	sst s15;
	s15 =	simm.s32 @!p2 $0x0  }
0x1e0: {  	v30, _, _ =	vpop @p5 (xrf0);
	s16 =	sld [smem:$0x7E7];
	s15 =	simm.s32 @p2 $0x1  }
0x1e1: {  	(v2sf) =	vpush @p5 v30, $0xF;
	p3 =	por @!p0 p0, p0;
	[smem:$0x7E8] =	sst s15  }
0x1e2: {  	p3 =	por !p3, !p0;
	s11 =	sadd.s32 @p0 s7, s11;
	s15 =	sld [smem:$0x7E3]  }
0x1e3: {  	v19 =	vxor.u32 @p6 $0x80000000, v19;
	(xrf0) =	vmin.scan.msk.f32 @p5 $0xffff, v15;
	s11 =	smov.u32 @p3 s4;
	s17 =	sld [smem:$0x7E8]  }
0x1e4: {  	v25 =	vbroadcast @p1 v31, $0xF;
	(xrf0) =	vmin.scan.msk.u32 @p6 $0xffff, v19;
	v19 =	vld @p4 [tilespmem:s8+$0x0];
	s8 =	sadd.s32 @p4 $0x10, s8;
	s4 =	spop @p0 (v2sf);
	p3 =	seq.s32 s16, $0x1  }
0x1e5: {  	s4 =	smov.u32 @p0 s4;
	p3 =	por !p3, !p1;
	p2 =	seq.s32 s15, $0x1  }
0x1e6: {  	vm0 =	veq.f32 @p1 v24, v25;
	s14 =	smov.u32 @p3 s12;
	p2 =	por @p0 p2, p2;
	p3 =	seq.s32 s17, $0x1  }
0x1e7: {  	v24 =	vmctz.xlane @p1 vm0;
	s12 =	simm.s32 $0x0;
	p2 =	por @!p0 p0, p0;
	p3 =	por !p3, !p1  }
0x1e8: {  	s6 =	smov.u32 @p3 s18;
	p2 =	por @p0 p2, p2;
	p3 =	seq.s32 s19, $0x1  }
0x1e9: {  	v24 =	vxor.u32 @p1 $0x80000000, v24;
	p2 =	por @!p0 p0, p0;
	s12 =	smov.u32 @p3 s9;
	s9 =	sadd.s32 @p4 $0x10, s10  }
0x1ea: {  	v24 =	vpsel p1, v24, v27;
	s4 =	sadd.s32 @p0 s7, s4;
	p2 =	por !p2, !p0;
	s3 =	smov.u32 @p4 s9  }
0x1eb: {  	s9 =	simm.f32 $+Inf;
	s4 =	smov.u32 @p2 s12;
	p2 =	seq.s32 s20, $0x1  }
0x1ec: {  	v27, _, _ =	vpop @p5 (xrf0);
	s5 =	smov.u32 @p4 s8;
	s9 =	smov.u32 @p1 s14;
	p3 =	por @p6 p2, p2  }
0x1ed: {  	(xrf0) =	vmin.scan.msk.u32 @p1 $0xffff, v24;
	(v2sf) =	vpush @p5 v27, $0xF;
	v24, _, _ =	vpop @p6 (xrf0);
	s14 =	sadd.s32 @p0 $0x10, s7;
	s7 =	simm.s32 $0x80000000;
	p3 =	por @!p6 p0, p0  }
0x1ee: {  	(v2sf) =	vpush @p6 v24, $0xF;
	v25 =	vld @p4 [tilespmem:s10+$0x0];
	s10 =	spop @p6 (v2sf);
	s7 =	smov.u32 @p0 s14;
	p3 =	por !p3, !p6  }
0x1ef: {  	v61 =	vld [tilespmem:s5+$0x0];
	s5 =	sadd.s32 @p6 s7, s10;
	s10 =	simm.s32 @!p3 $0x0  }
0x1f0: {  	v29 =	vbroadcast @p1 v29, $0xF;
	v19 =	vpsel p4, v19, v26;
	s8 =	spop @p5 (v2sf);
	s10 =	simm.s32 @p3 $0x1  }
0x1f1: {  	(xrf0) =	vmin.scan.msk.f32 @p4 $0xffff, v19;
	p2 =	slt.f32 @p5 s8, s9;
	[smem:$0x7E5] =	sst s10  }
0x1f2: {  	vm0 =	veq.f32 @p1 v23, v29;
	s10 =	sld [smem:$0x7E5]  }
0x1f3: {  	v23 =	vmctz.xlane @p1 vm0;
	v24 =	vpsel p4, v25, v28;
	v25 =	vbroadcast @p5 v30, $0xF;
	p3 =	por !p2, !p5  }
0x1f4: {  	v14 =	vpsel p5, v14, v20;
	v20, _, _ =	vpop @p1 (xrf0);
	s15 =	simm.s32 @!p2 $0x0;
	s8 =	smov.u32 @p3 s9;
	s9 =	sld [smem:$0x7E6]  }
0x1f5: {  	v22 =	vpsel p1, v23, v22;
	(xrf0) =	vmin.scan.msk.f32 @p4 $0xffff, v24;
	vm0 =	veq.f32 @p5 v14, v25;
	v14 =	vpsel p1, v20, v21;
	s15 =	simm.s32 @p2 $0x1;
	p2 =	seq.s32 s10, $0x1;
	s10 =	sld [smem:$0x7E7]  }
0x1f6: {  	v22 =	vxor.u32 @p1 $0x80000000, v22;
	v20 =	vmctz.xlane @p5 vm0;
	(v2sf) =	vpush @p1 v14, $0xF;
	s12 =	simm.s32 $0x0;
	v62 =	vld [tilespmem:s3+$0x0];
	s3 =	simm.s32 $0x0  }
0x1f7: {  	(xrf0) =	vmin.scan.msk.u32 @p1 $0xffff, v22;
	v22 =	vbroadcast @p5 v27, $0xF;
	v21, _, _ =	vpop @p4 (xrf0);
	s12 =	smov.u32 @p0 s11;
	s3 =	smov.u32 @p0 s4;
	p0 =	seq.s32 s9, $0x1  }
0x1f8: {  	v15 =	vpsel p5, v15, v18;
	v20 =	vxor.u32 @p5 $0x80000000, v20;
	(v2sf) =	vpush @p4 v21, $0xF;
	s5 =	smov.u32 @p2 s12;
	p2 =	por @p6 p0, p0;
	p0 =	seq.s32 s10, $0x1  }
0x1f9: {  	vm0 =	veq.f32 @p5 v15, v22;
	v17 =	vpsel p5, v20, v17;
	s4 =	simm.f32 $+Inf;
	[smem:$0x7EA] =	sst s15;
	p0 =	por @!p1 p0, p0  }
0x1fa: {  	v15 =	vmctz.xlane @p5 vm0;
	(xrf0) =	vmin.scan.msk.u32 @p5 $0xffff, v17;
	s4 =	smov.u32 @p1 s6;
	s15 =	sld [smem:$0x7EA];
	s6 =	simm.s32 @!p0 $0x0  }
0x1fb: {  	v14, _, _ =	vpop @p4 (xrf0);
	s12 =	sld [smem:$0x7E8];
	s6 =	simm.s32 @p0 $0x1  }
0x1fc: {  	v15 =	vpsel p5, v15, v16;
	(v2sf) =	vpush @p4 v14, $0xF;
	p2 =	por @p6 p2, p2;
	[smem:$0x7E7] =	sst s6;
	s6 =	spop @p5 (v2sf)  }
0x1fd: {  	v15 =	vxor.u32 @p5 $0x80000000, v15;
	p2 =	por @!p6 p0, p0;
	s9 =	spop @p6 (v2sf);
	p0 =	slt.f32 @p5 s6, s4  }
0x1fe: {  	v17, _, _ =	vpop @p1 (xrf0);
	(xrf0) =	vmin.scan.msk.f32 $0xffff, v61;
	p2 =	por @p6 p2, p2;
	s11 =	sld [smem:$0x7E7];
	s9 =	smov.u32 @p6 s9  }
0x1ff: {  	(xrf0) =	vmin.scan.msk.f32 $0xffff, v62;
	s10 =	simm.s32 @!p0 $0x0;
	p2 =	por @!p6 p0, p0;
	s9 =	sadd.s32 @p6 s7, s9  }
0x200: {  	(xrf0) =	vmin.scan.msk.u32 @p5 $0xffff, v15;
	v15, _, _ =	vpop @p5 (xrf0);
	p3 =	por !p0, !p5;
	s10 =	simm.s32 @p0 $0x1;
	p2 =	por !p2, !p6  }
0x201: {  	(v2sf) =	vpush @p1 v17, $0xF;
	v12 =	vpsel p5, v15, v12;
	s6 =	smov.u32 @p3 s4;
	p0 =	seq.s32 s11, $0x1;
	s4 =	simm.s32 $0x0  }
0x202: {  	v20 =	vbroadcast @p4 v21, $0xF;
	(v2sf) =	vpush @p5 v12, $0xF;
	s9 =	smov.u32 @p2 s3;
	p2 =	por @p1 p0, p0;
	p0 =	seq.s32 s12, $0x1  }
0x203: {  	v13 =	vpsel p4, v19, v13;
	s11 =	simm.f32 $+Inf;
	[smem:$0x7EB] =	sst s10;
	p0 =	por @!p1 p0, p0  }
0x204: {  	vm0 =	veq.f32 @p4 v13, v20;
	s4 =	smov.u32 @p6 s5;
	s10 =	simm.f32 $+Inf;
	s3 =	simm.s32 @!p0 $0x0  }
0x205: {  	v13 =	vmctz.xlane @p4 vm0;
	v15 =	vmov @p4 v24;
	s11 =	smov.u32 @p5 s6;
	s6 =	spop @p1 (v2sf);
	s3 =	simm.s32 @p0 $0x1  }
0x206: {  	v14 =	vbroadcast @p4 v14, $0xF;
	v11 =	vpsel p4, v15, v11;
	s5 =	sadd.s32 @p6 $0x10, s7;
	s7 =	simm.s32 $0x80000000;
	[smem:$0x7E8] =	sst s3  }
0x207: {  	v13 =	vxor.u32 @p4 $0x80000000, v13;
	s10 =	smov.u32 @p5 s8;
	s3 =	spop @p4 (v2sf);
	s14 =	sld [smem:$0x7E8]  }
0x208: {  	v10 =	vpsel p4, v13, v10;
	vm0 =	veq.f32 @p4 v11, v14;
	s7 =	smov.u32 @p6 s5;
	p2 =	por @!p1 p0, p0;
	p3 =	slt.f32 @p4 s3, s10  }
0x209: {  	v11, _, _ =	vpop (xrf0);
	(xrf0) =	vmin.scan.msk.u32 @p4 $0xffff, v10;
	v10 =	vmctz.xlane @p4 vm0;
	s16 =	sld [smem:$0x7EB];
	s6 =	sadd.s32 @p1 s7, s6;
	p2 =	por !p2, !p1  }
0x20a: {  	s6 =	smov.u32 @p2 s4;
	s8 =	simm.s32 @!p3 $0x0;
	p2 =	seq.s32 s14, $0x1  }
0x20b: {  	v9 =	vpsel p4, v10, v9;
	s5 =	spop @p4 (v2sf);
	s8 =	simm.s32 @p3 $0x1;
	p2 =	por @p1 p2, p2  }
0x20c: {  	v9 =	vxor.u32 @p4 $0x80000000, v9;
	p0 =	slt.f32 @p4 s5, s11;
	[smem:$0x7ED] =	sst s8;
	s4 =	simm.s32 @!p2 $0x0  }
0x20d: {  	v63, _, _ =	vpop (xrf0);
	(xrf0) =	vmin.scan.msk.u32 @p4 $0xffff, v9;
	v9 =	vbroadcast v11, $0xF;
	(v2sf) =	vpush v11, $0xF;
	s18 =	sld [smem:$0x7ED];
	s4 =	simm.s32 @p2 $0x1  }
0x20e: {  	v13, _, _ =	vpop @p5 (xrf0);
	(v2sf) =	vpush v63, $0xF;
	s8 =	simm.s32 @!p0 $0x0;
	[smem:$0x7E9] =	sst s4  }
0x20f: {  	v10, _, _ =	vpop @p4 (xrf0);
	vm14 =	veq.f32 v61, v9;
	(v2sf) =	vpush @p5 v13, $0xF;
	s8 =	simm.s32 @p0 $0x1;
	p2 =	por !p3, !p4;
	s4 =	sld [smem:$0x7E9]  }
0x210: {  	v10 =	vpsel p4, v10, v0;
	v9 =	vmctz.xlane vm14;
	[smem:$0x7EC] =	sst s8;
	s8 =	spop @p1 (v2sf);
	s3 =	smov.u32 @p2 s10  }
0x211: {  	(v2sf) =	vpush @p4 v10, $0xF;
	s8 =	smov.u32 @p1 s8;
	s10 =	spop @p5 (v2sf);
	s17 =	sld [smem:$0x7EC]  }
0x212: {  	v11 =	vbroadcast v63, $0xF;
	v9 =	vxor.u32 $0x80000000, v9;
	s8 =	sadd.s32 @p1 s7, s8;
	p2 =	seq.s32 s4, $0x1;
	s4 =	simm.s32 $0x0  }
0x213: {  	(xrf0) =	vmin.scan.msk.u32 $0xffff, v9;
	p3 =	por @p1 p2, p2;
	p2 =	por !p0, !p4;
	s4 =	smov.u32 @p6 s9  }
0x214: {  	vm15 =	veq.f32 v62, v11;
	s9 =	simm.s32 $0x0;
	s5 =	smov.u32 @p2 s11;
	p3 =	por @!p1 p0, p0  }
0x215: {  	v10 =	vmctz.xlane vm15;
	p2 =	seq.s32 s15, $0x1;
	s9 =	smov.u32 @p1 s6;
	p0 =	por @p1 p3, p3  }
0x216: {  	s6 =	simm.s32 $0x0;
	s11 =	simm.s32 $0x0;
	p0 =	por @!p1 p0, p0  }
0x217: {  	v11, _, _ =	vpop @p4 (xrf0);
	v10 =	vxor.u32 $0x80000000, v10;
	p3 =	seq.s32 s16, $0x1;
	p2 =	por @!p5 p0, p0;
	p0 =	por !p0, !p1  }
0x218: {  	(xrf0) =	vmin.scan.msk.u32 $0xffff, v10;
	(v2sf) =	vpush @p4 v11, $0xF;
	s2 =	smov.u32 @p4 s5;
	s8 =	smov.u32 @p0 s4;
	p3 =	por @!p5 p0, p0  }
0x219: {  	v9, _, _ =	vpop (xrf0);
	p0 =	por @p5 p2, p2;
	s4 =	sadd.s32 @p1 $0x10, s7;
	s7 =	simm.s32 $0x80000000  }
0x21a: {  	(v2sf) =	vpush v9, $0xF;
	s5 =	simm.s32 $0x0;
	p0 =	por @!p5 p0, p0;
	s7 =	smov.u32 @p1 s4  }
0x21b: {  	s6 =	smov.u32 @p1 s8;
	s4 =	sadd.s32 @p5 s7, s10;
	p0 =	por !p0, !p5  }
0x21c: {  	s8 =	spop (v2sf);
	s4 =	smov.u32 @p0 s9;
	p0 =	por @p5 p3, p3  }
0x21d: {  	p2 =	seq.s32 s17, $0x1;
	s9 =	spop (v2sf);
	p0 =	por @p5 p0, p0  }
0x21e: {  	v9, _, _ =	vpop (xrf0);
	p1 =	seq.s32 s18, $0x1;
	s10 =	spop @p5 (v2sf);
	p0 =	por @!p5 p0, p0  }
0x21f: {  	(v2sf) =	vpush v9, $0xF;
	s11 =	smov.u32 @p5 s4;
	p2 =	por @!p4 p0, p0;
	p0 =	por @p5 p0, p0  }
0x220: {  	s10 =	smov.u32 @p5 s10;
	s12 =	spop @p4 (v2sf);
	p0 =	por @!p5 p0, p0  }
0x221: {  	s10 =	sadd.s32 @p5 s7, s10;
	p1 =	por @!p4 p0, p0;
	p0 =	por !p0, !p5  }
0x222: {  	s10 =	smov.u32 @p0 s6;
	p0 =	por @p4 p2, p2;
	p1 =	por @p4 p1, p1  }
0x223: {  	s6 =	sadd.s32 @p5 $0x10, s7;
	s7 =	simm.s32 $0x80000000;
	p1 =	por @!p4 p0, p0  }
0x224: {  	s7 =	smov.u32 @p5 s6;
	p0 =	por @p4 p0, p0;
	s5 =	smov.u32 @p5 s10  }
0x225: {  	s4 =	sadd.s32 @p4 s7, s12;
	p1 =	por !p1, !p4;
	p0 =	por @!p4 p0, p0  }
0x226: {  	s4 =	smov.u32 @p1 s11;
	s11 =	simm.f32 $+Inf;
	p0 =	por @p4 p0, p0  }
0x227: {  	s11 =	smov.u32 @p4 s3;
	s3 =	spop @p4 (v2sf);
	p0 =	por @!p4 p0, p0  }
0x228: {  	s3 =	smov.u32 @p4 s3;
	p0 =	por !p0, !p4;
	p1 =	slt.f32 s8, s11  }
0x229: {  	s19 =	spop (v2sf);
	s6 =	sadd.s32 @p4 s7, s3;
	s3 =	simm.s32 $0x0  }
0x22a: {  	s6 =	smov.u32 @p0 s5;
	p0 =	slt.f32 s9, s2;
	s5 =	sadd.s32 @p4 $0x10, s7  }
0x22b: {  	s3 =	smov.u32 @p4 s4;
	s1 =	smov.u32 @p4 s5;
	s5 =	simm.s32 $0x0  }
.Ltmp25:
0x22c: {  	s5 =	smov.u32 @p4 s6;
	s6 =	smov.u32 s2;
	(pc) =	sbr.rel .LBB2_37-.Ltmp25, $4  }
0x22d: {  	s11 =	smov.u32 @p1 s8;
	s6 =	smov.u32 @p0 s9;
	p0 =	por p0, p0  }
0x22e: {  	p1 =	por p1, p1;
	s20 =	spop (v2sf);
	p0 =	por p0, p0  }
0x22f: {  	s2 =	sadd.s32 s1, s19;
	s1 =	sadd.s32 s1, s20;
	p0 =	por p0, p0  }
0x230: {  	s3 =	smov.u32 @p1 s2;
	s2 =	smov.u32 s11;
	s5 =	smov.u32 @p0 s1  }
.LBB2_17:
0x231: {  	p0 =	por $0x0, $0x0  }
0x232: {  	s4 =	simm.s32 @!p0 $0x0  }
0x233: {  	s4 =	simm.s32 @p0 $0x1;
	p0 =	por $0x0, $0x0  }
0x234: {  	[smem:$0x7F4] =	sst s4;
	s4 =	simm.s32 @!p0 $0x0  }
0x235: {  	s4 =	simm.s32 @p0 $0x1;
	p0 =	por $0x0, $0x0  }
0x236: {  	[smem:$0x7F5] =	sst s4;
	s4 =	simm.s32 @!p0 $0x0  }
0x237: {  	s4 =	simm.s32 @p0 $0x1;
	p0 =	por $0x0, $0x0  }
0x238: {  	[smem:$0x7F6] =	sst s4;
	s4 =	simm.s32 @!p0 $0x0  }
0x239: {  	s9 =	simm.s32 $0x80000000;
	s4 =	simm.s32 @p0 $0x1;
	p0 =	por $0x0, $0x0  }
0x23a: {  	s11 =	simm.s32 $0x0;
	[smem:$0x7F7] =	sst s4;
	s4 =	simm.s32 @!p0 $0x0  }
0x23b: {  	s6 =	simm.s32 $0x12F80;
	s4 =	simm.s32 @p0 $0x1;
	p0 =	por $0x0, $0x0  }
0x23c: {  	s7 =	simm.s32 $0x16480;
	[smem:$0x7F8] =	sst s4;
	s4 =	simm.s32 @!p0 $0x0  }
0x23d: {  	s10 =	simm.s32 $0x0;
	s4 =	simm.s32 @p0 $0x1;
	p0 =	por $0x0, $0x0  }
.Ltmp26:
0x23e: {  	[smem:$0x7F9] =	sst s4;
	s4 =	simm.s32 @!p0 $0x0;
	(pc) =	sbr.rel .LBB2_36-.Ltmp26, $4  }
0x23f: {  	s8 =	simm.f32 $+Inf;
	s4 =	simm.s32 @p0 $0x1;
	p0 =	por $0x0, $0x0  }
0x240: {  	s15 =	simm.f32 $+Inf;
	[smem:$0x7FA] =	sst s4;
	s4 =	simm.s32 @!p0 $0x0  }
0x241: {  	s14 =	simm.f32 $+Inf;
	s16 =	simm.f32 $+Inf;
	s4 =	simm.s32 @p0 $0x1  }
0x242: {  	s12 =	simm.f32 $+Inf;
	s18 =	simm.f32 $+Inf;
	[smem:$0x7FB] =	sst s4  }
.LBB2_19:
0x243: {  	p0 =	por $0x0, $0x0  }
0x244: {  	s4 =	simm.s32 @!p0 $0x0  }
0x245: {  	s4 =	simm.s32 @p0 $0x1;
	p0 =	por $0x0, $0x0  }
0x246: {  	[smem:$0x7F4] =	sst s4;
	s4 =	simm.s32 @!p0 $0x0  }
0x247: {  	s4 =	simm.s32 @p0 $0x1;
	p0 =	por $0x0, $0x0  }
0x248: {  	[smem:$0x7F5] =	sst s4;
	s4 =	simm.s32 @!p0 $0x0  }
0x249: {  	s4 =	simm.s32 @p0 $0x1;
	p0 =	por $0x0, $0x0  }
0x24a: {  	[smem:$0x7F6] =	sst s4;
	s4 =	simm.s32 @!p0 $0x0  }
0x24b: {  	s9 =	simm.s32 $0x80000000;
	s4 =	simm.s32 @p0 $0x1;
	p0 =	por $0x0, $0x0  }
0x24c: {  	s11 =	simm.s32 $0x0;
	[smem:$0x7F7] =	sst s4;
	s4 =	simm.s32 @!p0 $0x0  }
0x24d: {  	s6 =	simm.s32 $0x12F80;
	s4 =	simm.s32 @p0 $0x1;
	p0 =	por $0x0, $0x0  }
0x24e: {  	s7 =	simm.s32 $0x16480;
	[smem:$0x7F8] =	sst s4;
	s4 =	simm.s32 @!p0 $0x0  }
0x24f: {  	s10 =	simm.s32 $0x0;
	s4 =	simm.s32 @p0 $0x1;
	p0 =	por $0x0, $0x0  }
.Ltmp27:
0x250: {  	[smem:$0x7F9] =	sst s4;
	s4 =	simm.s32 @!p0 $0x0;
	(pc) =	sbr.rel .LBB2_36-.Ltmp27, $4  }
0x251: {  	s8 =	simm.f32 $+Inf;
	s4 =	simm.s32 @p0 $0x1;
	p0 =	por $0x1, $0x1  }
0x252: {  	s15 =	simm.f32 $+Inf;
	[smem:$0x7FA] =	sst s4;
	s4 =	simm.s32 @!p0 $0x0  }
0x253: {  	s14 =	simm.f32 $+Inf;
	s16 =	simm.f32 $+Inf;
	s4 =	simm.s32 @p0 $0x1  }
0x254: {  	s12 =	simm.f32 $+Inf;
	s18 =	simm.f32 $+Inf;
	[smem:$0x7FB] =	sst s4  }
.LBB2_21:
0x255: {  	p0 =	por $0x0, $0x0  }
0x256: {  	s4 =	simm.s32 @!p0 $0x0  }
0x257: {  	s4 =	simm.s32 @p0 $0x1;
	p0 =	por $0x0, $0x0  }
0x258: {  	[smem:$0x7F4] =	sst s4;
	s4 =	simm.s32 @!p0 $0x0  }
0x259: {  	s4 =	simm.s32 @p0 $0x1;
	p0 =	por $0x0, $0x0  }
0x25a: {  	[smem:$0x7F5] =	sst s4;
	s4 =	simm.s32 @!p0 $0x0  }
0x25b: {  	s4 =	simm.s32 @p0 $0x1;
	p0 =	por $0x0, $0x0  }
0x25c: {  	[smem:$0x7F6] =	sst s4;
	s4 =	simm.s32 @!p0 $0x0  }
0x25d: {  	s9 =	simm.s32 $0x80000000;
	s4 =	simm.s32 @p0 $0x1;
	p0 =	por $0x0, $0x0  }
0x25e: {  	s11 =	simm.s32 $0x0;
	[smem:$0x7F7] =	sst s4;
	s4 =	simm.s32 @!p0 $0x0  }
0x25f: {  	s6 =	simm.s32 $0x12F80;
	s4 =	simm.s32 @p0 $0x1;
	p0 =	por $0x0, $0x0  }
0x260: {  	s7 =	simm.s32 $0x16480;
	[smem:$0x7F8] =	sst s4;
	s4 =	simm.s32 @!p0 $0x0  }
0x261: {  	s10 =	simm.s32 $0x0;
	s4 =	simm.s32 @p0 $0x1;
	p0 =	por $0x1, $0x1  }
.Ltmp28:
0x262: {  	[smem:$0x7F9] =	sst s4;
	s4 =	simm.s32 @!p0 $0x0;
	(pc) =	sbr.rel .LBB2_36-.Ltmp28, $4  }
0x263: {  	s8 =	simm.f32 $+Inf;
	s4 =	simm.s32 @p0 $0x1;
	p0 =	por $0x1, $0x1  }
0x264: {  	s15 =	simm.f32 $+Inf;
	[smem:$0x7FA] =	sst s4;
	s4 =	simm.s32 @!p0 $0x0  }
0x265: {  	s14 =	simm.f32 $+Inf;
	s16 =	simm.f32 $+Inf;
	s4 =	simm.s32 @p0 $0x1  }
0x266: {  	s12 =	simm.f32 $+Inf;
	s18 =	simm.f32 $+Inf;
	v14 =	vmov v24;
	v15 =	vmov v23;
	[smem:$0x7FB] =	sst s4  }
.LBB2_23:
0x267: {  	p0 =	por $0x0, $0x0  }
0x268: {  	s4 =	simm.s32 @!p0 $0x0  }
0x269: {  	s4 =	simm.s32 @p0 $0x1;
	p0 =	por $0x0, $0x0  }
0x26a: {  	[smem:$0x7F4] =	sst s4;
	s4 =	simm.s32 @!p0 $0x0  }
0x26b: {  	s4 =	simm.s32 @p0 $0x1;
	p0 =	por $0x0, $0x0  }
0x26c: {  	[smem:$0x7F5] =	sst s4;
	s4 =	simm.s32 @!p0 $0x0  }
0x26d: {  	s4 =	simm.s32 @p0 $0x1;
	p0 =	por $0x0, $0x0  }
0x26e: {  	[smem:$0x7F6] =	sst s4;
	s4 =	simm.s32 @!p0 $0x0  }
0x26f: {  	s4 =	simm.s32 @p0 $0x1;
	p0 =	por $0x0, $0x0  }
0x270: {  	[smem:$0x7F7] =	sst s4;
	s4 =	simm.s32 @!p0 $0x0  }
0x271: {  	s9 =	simm.s32 $0x80000000;
	s4 =	simm.s32 @p0 $0x1;
	p0 =	por $0x1, $0x1  }
0x272: {  	s11 =	simm.s32 $0x0;
	[smem:$0x7F8] =	sst s4;
	s4 =	simm.s32 @!p0 $0x0  }
0x273: {  	s10 =	simm.s32 $0x0;
	s4 =	simm.s32 @p0 $0x1;
	p0 =	por $0x1, $0x1  }
.Ltmp29:
0x274: {  	[smem:$0x7F9] =	sst s4;
	s4 =	simm.s32 @!p0 $0x0;
	(pc) =	sbr.rel .LBB2_36-.Ltmp29, $4  }
0x275: {  	s8 =	simm.f32 $+Inf;
	s4 =	simm.s32 @p0 $0x1;
	p0 =	por $0x1, $0x1  }
0x276: {  	s15 =	simm.f32 $+Inf;
	[smem:$0x7FA] =	sst s4;
	s4 =	simm.s32 @!p0 $0x0  }
0x277: {  	s14 =	simm.f32 $+Inf;
	s16 =	simm.f32 $+Inf;
	s4 =	simm.s32 @p0 $0x1  }
0x278: {  	s12 =	simm.f32 $+Inf;
	s18 =	simm.f32 $+Inf;
	v14 =	vmov v10;
	v15 =	vmov v9;
	[smem:$0x7FB] =	sst s4  }
.LBB2_25:
0x279: {  	p0 =	por $0x0, $0x0  }
0x27a: {  	s4 =	simm.s32 @!p0 $0x0  }
0x27b: {  	s4 =	simm.s32 @p0 $0x1;
	p0 =	por $0x0, $0x0  }
0x27c: {  	[smem:$0x7F4] =	sst s4;
	s4 =	simm.s32 @!p0 $0x0  }
0x27d: {  	s4 =	simm.s32 @p0 $0x1;
	p0 =	por $0x0, $0x0  }
0x27e: {  	[smem:$0x7F5] =	sst s4;
	s4 =	simm.s32 @!p0 $0x0  }
0x27f: {  	s4 =	simm.s32 @p0 $0x1;
	p0 =	por $0x0, $0x0  }
0x280: {  	[smem:$0x7F6] =	sst s4;
	s4 =	simm.s32 @!p0 $0x0  }
0x281: {  	s4 =	simm.s32 @p0 $0x1;
	p0 =	por $0x1, $0x1  }
0x282: {  	[smem:$0x7F7] =	sst s4;
	s4 =	simm.s32 @!p0 $0x0  }
0x283: {  	s9 =	simm.s32 $0x80000000;
	s4 =	simm.s32 @p0 $0x1;
	p0 =	por $0x1, $0x1  }
0x284: {  	s11 =	simm.s32 $0x0;
	[smem:$0x7F8] =	sst s4;
	s4 =	simm.s32 @!p0 $0x0  }
0x285: {  	s10 =	simm.s32 $0x0;
	s4 =	simm.s32 @p0 $0x1;
	p0 =	por $0x1, $0x1  }
.Ltmp30:
0x286: {  	[smem:$0x7F9] =	sst s4;
	s4 =	simm.s32 @!p0 $0x0;
	(pc) =	sbr.rel .LBB2_36-.Ltmp30, $4  }
0x287: {  	s8 =	simm.f32 $+Inf;
	s4 =	simm.s32 @p0 $0x1;
	p0 =	por $0x1, $0x1  }
0x288: {  	s15 =	simm.f32 $+Inf;
	[smem:$0x7FA] =	sst s4;
	s4 =	simm.s32 @!p0 $0x0  }
0x289: {  	s14 =	simm.f32 $+Inf;
	s16 =	simm.f32 $+Inf;
	s4 =	simm.s32 @p0 $0x1  }
0x28a: {  	s12 =	simm.f32 $+Inf;
	s18 =	simm.f32 $+Inf;
	v14 =	vmovc v24;
	v24 =	vmov v10;
	v15 =	vmov v23;
	v23 =	vmov v9;
	[smem:$0x7FB] =	sst s4  }
.LBB2_27:
0x28b: {  	p0 =	por $0x0, $0x0  }
0x28c: {  	s4 =	simm.s32 @!p0 $0x0  }
0x28d: {  	s4 =	simm.s32 @p0 $0x1;
	p0 =	por $0x0, $0x0  }
0x28e: {  	[smem:$0x7F4] =	sst s4;
	s4 =	simm.s32 @!p0 $0x0  }
0x28f: {  	s4 =	simm.s32 @p0 $0x1;
	p0 =	por $0x0, $0x0  }
0x290: {  	[smem:$0x7F5] =	sst s4;
	s4 =	simm.s32 @!p0 $0x0  }
0x291: {  	s4 =	simm.s32 @p0 $0x1;
	p0 =	por $0x1, $0x1  }
0x292: {  	[smem:$0x7F6] =	sst s4;
	s4 =	simm.s32 @!p0 $0x0  }
0x293: {  	s4 =	simm.s32 @p0 $0x1;
	p0 =	por $0x1, $0x1  }
0x294: {  	[smem:$0x7F7] =	sst s4;
	s4 =	simm.s32 @!p0 $0x0  }
0x295: {  	s9 =	simm.s32 $0x80000000;
	s4 =	simm.s32 @p0 $0x1;
	p0 =	por $0x1, $0x1  }
0x296: {  	s11 =	simm.s32 $0x0;
	[smem:$0x7F8] =	sst s4;
	s4 =	simm.s32 @!p0 $0x0  }
0x297: {  	s10 =	simm.s32 $0x0;
	s4 =	simm.s32 @p0 $0x1;
	p0 =	por $0x1, $0x1  }
.Ltmp31:
0x298: {  	[smem:$0x7F9] =	sst s4;
	s4 =	simm.s32 @!p0 $0x0;
	(pc) =	sbr.rel .LBB2_36-.Ltmp31, $4  }
0x299: {  	s8 =	simm.f32 $+Inf;
	s4 =	simm.s32 @p0 $0x1;
	p0 =	por $0x1, $0x1  }
0x29a: {  	s15 =	simm.f32 $+Inf;
	[smem:$0x7FA] =	sst s4;
	s4 =	simm.s32 @!p0 $0x0  }
0x29b: {  	s14 =	simm.f32 $+Inf;
	s16 =	simm.f32 $+Inf;
	s4 =	simm.s32 @p0 $0x1  }
0x29c: {  	v25 =	vmovc v10;
	v29 =	vmovc v12;
	s12 =	simm.f32 $+Inf;
	s18 =	simm.f32 $+Inf;
	v19 =	vmov v9;
	v14 =	vmov v13;
	v15 =	vmov v11;
	[smem:$0x7FB] =	sst s4  }
.LBB2_29:
0x29d: {  	p0 =	por $0x0, $0x0;
	s9 =	simm.s32 $0x80000000  }
.Ltmp32:
0x29e: {  	s11 =	simm.s32 $0x0;
	s4 =	simm.s32 @!p0 $0x0;
	(pc) =	sbr.rel .LBB2_36-.Ltmp32, $4  }
0x29f: {  	p1 =	por p2, p2;
	s4 =	simm.s32 @p0 $0x1;
	p0 =	por $0x0, $0x0  }
0x2a0: {  	s10 =	simm.s32 $0x0;
	[smem:$0x7F4] =	sst s4;
	s4 =	simm.s32 @!p0 $0x0  }
0x2a1: {  	v25 =	vmov v17;
	v29 =	vmov v21;
	s8 =	smov.u32 s12;
	s15 =	smov.u32 s18;
	s4 =	simm.s32 @p0 $0x1  }
0x2a2: {  	v24 =	vmovc v13;
	v23 =	vmovc v11;
	s14 =	simm.f32 $+Inf;
	s16 =	simm.f32 $+Inf;
	v19 =	vmov v16;
	v14 =	vmov v20;
	v15 =	vmov v18;
	[smem:$0x7F5] =	sst s4  }
.LBB2_31:
.Ltmp33:
0x2a3: {  	_ = 	snop;
	(pc) =	sbr.rel .LBB2_36-.Ltmp33, $4  }
0x2a4: {  	p0 =	por $0x0, $0x0;
	s9 =	simm.s32 $0x80000000;
	p1 =	por p2, p2  }
0x2a5: {  	s11 =	simm.s32 $0x0;
	s10 =	simm.s32 $0x0;
	s4 =	simm.s32 @!p0 $0x0  }
0x2a6: {  	v25 =	vmov v27;
	v29 =	vmov v30;
	s8 =	smov.u32 s14;
	s15 =	smov.u32 s16;
	s4 =	simm.s32 @p0 $0x1  }
0x2a7: {  	v24 =	vmovc v20;
	v23 =	vmovc v18;
	p5 =	por p4, p4;
	p4 =	por p3, p3;
	v19 =	vmov v22;
	[smem:$0x7F4] =	sst s4;
	v14 =	vmov v26;
	v15 =	vmov v28  }
.LBB2_33:
.Ltmp34:
0x2a8: {  	(pc) =	sbr.rel .LBB2_36-.Ltmp34, $2  }
0x2a9: {  	_ =	sdelay $0x2  }
0x2aa: {  	s9 =	simm.s32 $0x80000000;
	s11 =	simm.s32 $0x0;
	v24 =	vmov v26;
	v23 =	vmov v28  }
.LBB2_38:
0x2ab: {  	v9 =	vand.u32 $0xFF, v8;
	_ =	sdelay $0x2  }
0x2ac: {  	[tilespmem:s25+$0x16680] =	vst v8  }
0x2ad: {  	[tilespmem:s25+$0x17680] =	vst v7  }
0x2ae: {  	v7 =	vld.idx.msk [tilespmem:v9+s29+$0x0], $0xffff;
	_ =	sdelay $0x3  }
0x2af: {  	v3 =	vshll.u32 v3, $0x7  }
0x2b0: {  	v7 =	vadd.s32 v3, v7;
	_ =	sdelay $0x4  }
0x2b1: {  	v8 =	vld.idx.msk [tilespmem:v7+s30+$0x0], $0xffff;
	_ =	sdelay $0x4  }
0x2b2: {  	[tilespmem:s25+$0x18680] =	vst v8  }
0x2b3: {  	v7 =	vld.idx.msk [tilespmem:v7+s31+$0x0], $0xffff;
	_ =	sdelay $0x2  }
0x2b4: {  	v8 =	vand.u32 $0xFF, v5;
	_ =	sdelay $0x1  }
0x2b5: {  	[tilespmem:s25+$0x19680] =	vst v7  }
0x2b6: {  	[tilespmem:s28+$0x16680] =	vst v5  }
0x2b7: {  	[tilespmem:s28+$0x17680] =	vst v6  }
0x2b8: {  	v5 =	vld.idx.msk [tilespmem:v8+s29+$0x0], $0xffff;
	_ =	sdelay $0x3  }
0x2b9: {  	v4 =	vshll.u32 v4, $0x7  }
0x2ba: {  	v5 =	vadd.s32 v4, v5;
	_ =	sdelay $0x4  }
0x2bb: {  	v6 =	vld.idx.msk [tilespmem:v5+s30+$0x0], $0xffff;
	_ =	sdelay $0x4  }
0x2bc: {  	[tilespmem:s28+$0x18680] =	vst v6  }
0x2bd: {  	v6 =	vld.idx.msk [tilespmem:v5+s31+$0x0], $0xffff  }
.Ltmp35:
0x2be: {  	_ = 	snop;
	(pc) =	sbr.rel .LBB2_39-.Ltmp35, $3  }
0x2bf: {  	_ =	sdelay $0x1  }
0x2c0: {  	v7 =	vimm.f32 $0.0e+00  }
0x2c1: {  	v8 =	vimm.s32 $0x0;
	v5 =	vimm.s32 $0x0;
	[tilespmem:s28+$0x19680] =	vst v6;
	s28 =	simm.s32 $0x10;
	v6 =	vimm.f32 $0.0e+00  }
.LBB2_40:
0x2c2: {  	s3 =	simm.f32 $+Inf;
	s1 =	simm.s32 $0x0  }
.LBB2_62:
0x2c3: {  	s4 =	sshll.u32 s2, $0x4  }
0x2c4: {  	s5 =	sshll.u32 s1, $0x4;
	v9 =	vld [tilespmem:s4+$0xFC80]  }
0x2c5: {  	v10 =	vld [tilespmem:s5+$0x13180];
	_ =	sdelay $0x3  }
0x2c6: {  	vm0 =	veq.f32 v9, s0  }
0x2c7: {  	vm13 =	veq.f32 v10, s3;
	v11 =	vmctz.xlane vm0  }
0x2c8: {  	v12 =	vmctz.xlane vm13  }
0x2c9: {  	v11 =	vxor.u32 $0x80000000, v11  }
0x2ca: {  	(xrf0) =	vmin.scan.msk.u32 $0xffff, v11;
	v11 =	vxor.u32 $0x80000000, v12  }
0x2cb: {  	(xrf0) =	vmin.scan.msk.u32 $0xffff, v11;
	_ =	sdelay $0x4  }
0x2cc: {  	v11, _, _ =	vpop (xrf0)  }
0x2cd: {  	(v2sf) =	vpush v11, $0xF;
	v11, _, _ =	vpop (xrf0)  }
0x2ce: {  	(v2sf) =	vpush v11, $0xF;
	_ =	sdelay $0xb  }
0x2cf: {  	v11 =	vld [tilespmem:s4+$0x11600]  }
0x2d0: {  	v61 =	vld [tilespmem:s5+$0x14B00]  }
0x2d1: {  	s6 =	spop (v2sf)  }
0x2d2: {  	s6 =	sxor.u32 $0x80000000, s6;
	s7 =	spop (v2sf)  }
0x2d3: {  	s7 =	sxor.u32 $0x80000000, s7;
	v13 =	vmov s6  }
0x2d4: {  	v11 =	vxor.u32 $0x80000000, v11;
	vm14 =	veq.s32 v13, v0;
	v62 =	vmov s7  }
0x2d5: {  	v12 =	vxor.u32 $0x80000000, v61;
	v11 =	vnsel vm14, $0xC0000000, v11;
	vm1 =	veq.s32 v62, v0  }
0x2d6: {  	(xrf0) =	vmin.scan.msk.u32 $0xffff, v11;
	v11 =	vnsel vm1, $0xC0000000, v12  }
0x2d7: {  	(xrf0) =	vmin.scan.msk.u32 $0xffff, v11;
	_ =	sdelay $0x4  }
0x2d8: {  	v11, _, _ =	vpop (xrf0)  }
0x2d9: {  	(v2sf) =	vpush v11, $0xF;
	v11, _, _ =	vpop (xrf0)  }
0x2da: {  	(v2sf) =	vpush v11, $0xF;
	_ =	sdelay $0x5  }
0x2db: {  	v9 =	vsel vm14, $0x7F800000, v9  }
0x2dc: {  	v10 =	vsel vm1, $0x7F800000, v10;
	(xrf0) =	vmin.scan.msk.f32 $0xffff, v9  }
0x2dd: {  	(xrf0) =	vmin.scan.msk.f32 $0xffff, v10;
	_ =	sdelay $0x2  }
0x2de: {  	s16 =	sand.u32 $0xF, s28;
	s28 =	sadd.s32 $0x1, s28  }
0x2df: {  	p0 =	sne.s32 s28, $0x20  }
.Ltmp36:
0x2e0: {  	v11, _, _ =	vpop (xrf0);
	(pc) =	sbr.rel @!p0 .LBB2_63-.Ltmp36, $4  }
0x2e1: {  	v63 =	vmov s16;
	[tilespmem:s4+$0xFC80] =	vst v9;
	v9 =	vbroadcast v11, $0xF;
	v11, _, _ =	vpop (xrf0);
	s17 =	spop (v2sf)  }
0x2e2: {  	vm15 =	veq.s32 v63, v0;
	[tilespmem:s5+$0x13180] =	vst v10;
	v10 =	vbroadcast v11, $0xF;
	s19 =	spop (v2sf)  }
0x2e3: {  	v7 =	vsel vm15, s0, v7;
	[tilespmem:s2+$0x12F80] =	vst.msk $0x1, v9;
	s18 =	sxor.u32 $0x80000000, s17;
	s20 =	sxor.u32 $0x80000000, s19  }
0x2e4: {  	v6 =	vsel vm15, s3, v6;
	[tilespmem:s1+$0x16480] =	vst.msk $0x1, v10;
	v8 =	vsel vm15, s18, v8;
	v5 =	vsel vm15, s20, v5  }
.LBB2_39:
0x2e5: {  	s1 =	sld [smem:$0x7FC];
	_ =	sdelay $0x2  }
0x2e6: {  	p0 =	seq.s32 s1, $0x1  }
.Ltmp37:
0x2e7: {  	_ = 	snop;
	(pc) =	sbr.rel @p0 .LBB2_40-.Ltmp37, $2  }
0x2e8: {  	_ =	sdelay $0x2  }
0x2e9: {  	s0 =	simm.f32 $+Inf;
	s2 =	simm.s32 $0x0  }
0x2ea: {  	p0 =	sne.s32 s26, $0x1  }
.Ltmp38:
0x2eb: {  	_ = 	snop;
	(pc) =	sbr.rel @!p0 .LBB2_42-.Ltmp38, $3  }
0x2ec: {  	_ =	sdelay $0x1  }
0x2ed: {  	s5 =	simm.s32 $0x12F80  }
0x2ee: {  	s3 =	simm.s32 $0x16480;
	s1 =	simm.s32 $0x80000000;
	s6 =	sadd.s32 $0xFFFFFFFF, s26  }
0x2ef: {  	p0 =	sne.s32 s6, $0x1  }
.Ltmp39:
0x2f0: {  	_ = 	snop;
	(pc) =	sbr.rel @!p0 .LBB2_44-.Ltmp39, $2  }
0x2f1: {  	_ =	sdelay $0x2  }
0x2f2: {  	s6 =	sadd.s32 $0xFFFFFFFF, s6  }
0x2f3: {  	p0 =	sne.s32 s6, $0x1  }
.Ltmp40:
0x2f4: {  	_ = 	snop;
	(pc) =	sbr.rel @!p0 .LBB2_46-.Ltmp40, $3  }
0x2f5: {  	_ =	sdelay $0x1  }
0x2f6: {  	v24 =	vld [tilespmem:s5+$0x0]  }
0x2f7: {  	v22 =	vld [tilespmem:s3+$0x0];
	s8 =	sadd.s32 $0xFFFFFFFF, s6  }
0x2f8: {  	p0 =	sne.s32 s8, $0x1  }
.Ltmp41:
0x2f9: {  	_ = 	snop;
	(pc) =	sbr.rel @!p0 .LBB2_48-.Ltmp41, $4  }
0x2fa: {  	_ = 	snop  }
0x2fb: {  	s6 =	simm.s32 $0x12F90  }
0x2fc: {  	s7 =	simm.s32 $0x16490;
	v10 =	vld [tilespmem:s6+$0x0];
	(xrf0) =	vmin.scan.msk.f32 $0xffff, v24  }
0x2fd: {  	s8 =	sadd.s32 $0xFFFFFFFF, s8;
	v9 =	vld [tilespmem:s7+$0x0];
	(xrf0) =	vmin.scan.msk.f32 $0xffff, v22  }
0x2fe: {  	_ =	sdelay $0x3  }
0x2ff: {  	v11, _, _ =	vpop (xrf0)  }
0x300: {  	p0 =	sne.s32 s8, $0x1;
	v12 =	vbroadcast v11, $0xF  }
.Ltmp42:
0x301: {  	v13, _, _ =	vpop (xrf0);
	(pc) =	sbr.rel @!p0 .LBB2_50-.Ltmp42, $4  }
0x302: {  	v63 =	vbroadcast v13, $0xF;
	vm0 =	veq.f32 v24, v12  }
0x303: {  	s6 =	simm.s32 $0x12FA0;
	v14 =	vmctz.xlane vm0  }
0x304: {  	s7 =	simm.s32 $0x164A0;
	(xrf0) =	vmin.scan.msk.f32 $0xffff, v10;
	(v2sf) =	vpush v11, $0xF;
	v24 =	vld [tilespmem:s6+$0x0];
	vm15 =	veq.f32 v22, v63  }
0x305: {  	s8 =	sadd.s32 $0xFFFFFFFF, s8;
	(xrf0) =	vmin.scan.msk.f32 $0xffff, v9;
	(v2sf) =	vpush v13, $0xF;
	v22 =	vld [tilespmem:s7+$0x0];
	v19 =	vmctz.xlane vm15;
	v25 =	vxor.u32 $0x80000000, v14  }
0x306: {  	_ =	sdelay $0x3  }
0x307: {  	(xrf0) =	vmin.scan.msk.u32 $0xffff, v25;
	v11, _, _ =	vpop (xrf0)  }
0x308: {  	p0 =	sne.s32 s8, $0x1;
	v12 =	vbroadcast v11, $0xF  }
.Ltmp43:
0x309: {  	v14, _, _ =	vpop (xrf0);
	(pc) =	sbr.rel @!p0 .LBB2_52-.Ltmp43, $4  }
0x30a: {  	vm0 =	veq.f32 v10, v12;
	v10 =	vbroadcast v14, $0xF  }
0x30b: {  	s6 =	simm.s32 $0x12FB0;
	(xrf0) =	vmin.scan.msk.f32 $0xffff, v24;
	v15 =	vmctz.xlane vm0  }
0x30c: {  	s7 =	simm.s32 $0x164B0;
	v13 =	vld [tilespmem:s6+$0x0];
	(v2sf) =	vpush v11, $0xF;
	(xrf0) =	vmin.scan.msk.f32 $0xffff, v22;
	v12 =	vxor.u32 $0x80000000, v19;
	vm15 =	veq.f32 v9, v10  }
0x30d: {  	s8 =	sadd.s32 $0xFFFFFFFF, s8;
	(v2sf) =	vpush v14, $0xF;
	v11, _, _ =	vpop (xrf0);
	(xrf0) =	vmin.scan.msk.u32 $0xffff, v12;
	v12 =	vld [tilespmem:s7+$0x0];
	v9 =	vmctz.xlane vm15;
	v10 =	vxor.u32 $0x80000000, v15  }
0x30e: {  	p0 =	por $0x1, $0x1  }
0x30f: {  	s4 =	simm.s32 @!p0 $0x0  }
0x310: {  	s4 =	simm.s32 @p0 $0x1;
	p0 =	por $0x1, $0x1  }
0x311: {  	[smem:$0x7D6] =	sst s4;
	s4 =	simm.s32 @!p0 $0x0  }
0x312: {  	s4 =	simm.s32 @p0 $0x1;
	p0 =	por $0x1, $0x1  }
0x313: {  	[smem:$0x7D7] =	sst s4;
	s4 =	simm.s32 @!p0 $0x0  }
0x314: {  	s4 =	simm.s32 @p0 $0x1;
	p0 =	por $0x1, $0x1  }
0x315: {  	[smem:$0x7D8] =	sst s4;
	s4 =	simm.s32 @!p0 $0x0  }
0x316: {  	s4 =	simm.s32 @p0 $0x1;
	p0 =	por $0x1, $0x1  }
0x317: {  	[smem:$0x7D9] =	sst s4;
	s4 =	simm.s32 @!p0 $0x0  }
0x318: {  	s4 =	simm.s32 @p0 $0x1  }
0x319: {  	[smem:$0x7DA] =	sst s4;
	s4 =	spop (v2sf)  }
0x31a: {  	p5 =	slt.f32 s4, s0  }
0x31b: {  	s14 =	simm.f32 $+Inf;
	p1 =	por $0x1, $0x1  }
0x31c: {  	(xrf0) =	vmin.scan.msk.u32 $0xffff, v10;
	v14, _, _ =	vpop (xrf0);
	s10 =	spop (v2sf);
	s14 =	smov.u32 @p5 s4;
	s4 =	simm.s32 @!p1 $0x0  }
0x31d: {  	v15 =	vbroadcast v14, $0xF;
	p0 =	sne.s32 s8, $0x1;
	p2 =	slt.f32 s10, s0;
	s4 =	simm.s32 @p1 $0x1  }
.Ltmp44:
0x31e: {  	v16, _, _ =	vpop (xrf0);
	[smem:$0x7D5] =	sst s4;
	s4 =	simm.s32 @!p5 $0x0;
	(pc) =	sbr.rel @!p0 .LBB2_54-.Ltmp44, $4  }
0x31f: {  	(v2sf) =	vpush v11, $0xF;
	v17 =	vbroadcast v16, $0xF;
	vm0 =	veq.f32 v24, v15;
	s4 =	simm.s32 @p5 $0x1  }
0x320: {  	s6 =	simm.s32 $0x12FC0;
	(xrf0) =	vmin.scan.msk.f32 $0xffff, v13;
	(v2sf) =	vpush v14, $0xF;
	v14 =	vmctz.xlane vm0;
	[smem:$0x7D1] =	sst s4;
	s4 =	simm.s32 @!p2 $0x0  }
0x321: {  	s7 =	simm.s32 $0x164C0;
	s16 =	simm.f32 $+Inf;
	v20 =	vld [tilespmem:s6+$0x0];
	(xrf0) =	vmin.scan.msk.f32 $0xffff, v12;
	(v2sf) =	vpush v16, $0xF;
	v16, _, _ =	vpop (xrf0);
	v15 =	vxor.u32 $0x80000000, v9;
	vm15 =	veq.f32 v22, v17;
	s4 =	simm.s32 @p2 $0x1  }
0x322: {  	s9 =	sadd.s32 $0xFFFFFFFF, s8;
	v18 =	vld [tilespmem:s7+$0x0];
	(v2sf) =	vpush v16, $0xF;
	v23, _, _ =	vpop (xrf0);
	(xrf0) =	vmin.scan.msk.u32 $0xffff, v15;
	v16 =	vmctz.xlane vm15;
	v17 =	vxor.u32 $0x80000000, v14;
	s16 =	smov.u32 @p2 s10;
	[smem:$0x7D2] =	sst s4  }
0x323: {  	_ =	sdelay $0x1  }
0x324: {  	s4 =	spop (v2sf)  }
0x325: {  	(v2sf) =	vpush v23, $0xF;
	p1 =	por p2, p2;
	s8 =	smov.u32 s14;
	p4 =	slt.f32 s4, s14;
	v14, _, _ =	vpop (xrf0)  }
0x326: {  	s10 =	spop (v2sf);
	p3 =	por p1, p1;
	p1 =	por $0x1, $0x1;
	v19, _, _ =	vpop (xrf0);
	(v2sf) =	vpush v14, $0xF  }
0x327: {  	p2 =	slt.f32 s10, s16;
	s8 =	smov.u32 @p4 s4;
	s4 =	simm.s32 @!p1 $0x0;
	(v2sf) =	vpush v19, $0xF  }
0x328: {  	s4 =	simm.s32 @p1 $0x1;
	v21 =	vbroadcast v19, $0xF;
	v19, _, _ =	vpop (xrf0)  }
0x329: {  	[smem:$0x7D4] =	sst s4;
	s4 =	simm.s32 @!p2 $0x0;
	(v2sf) =	vpush v19, $0xF  }
0x32a: {  	p6 =	por p5, p5;
	s4 =	simm.s32 @p2 $0x1  }
0x32b: {  	(xrf0) =	vmin.scan.msk.u32 $0xffff, v17;
	[smem:$0x7CD] =	sst s4;
	s4 =	simm.s32 @!p6 $0x0  }
0x32c: {  	p0 =	sne.s32 s9, $0x1;
	v15 =	vbroadcast v14, $0xF;
	s4 =	simm.s32 @p6 $0x1  }
.Ltmp45:
0x32d: {  	[smem:$0x7CE] =	sst s4;
	s4 =	simm.s32 @!p4 $0x0;
	(pc) =	sbr.rel @!p0 .LBB2_56-.Ltmp45, $4  }
0x32e: {  	vm0 =	veq.f32 v13, v15;
	s4 =	simm.s32 @p4 $0x1  }
0x32f: {  	s6 =	simm.s32 $0x12FD0;
	(xrf0) =	vmin.scan.msk.f32 $0xffff, v20;
	v14 =	vmctz.xlane vm0;
	[smem:$0x7CF] =	sst s4;
	s4 =	simm.s32 @!p3 $0x0  }
0x330: {  	s7 =	simm.s32 $0x164D0;
	s18 =	smov.u32 s16;
	v27 =	vld [tilespmem:s6+$0x0];
	(xrf0) =	vmin.scan.msk.f32 $0xffff, v18;
	v15 =	vxor.u32 $0x80000000, v16;
	vm15 =	veq.f32 v12, v21;
	s4 =	simm.s32 @p3 $0x1  }
0x331: {  	s9 =	sadd.s32 $0xFFFFFFFF, s9;
	v28 =	vld [tilespmem:s7+$0x0];
	s18 =	smov.u32 @p2 s10;
	v30, _, _ =	vpop (xrf0);
	(xrf0) =	vmin.scan.msk.u32 $0xffff, v15;
	v21 =	vmctz.xlane vm15;
	v26 =	vxor.u32 $0x80000000, v14;
	[smem:$0x7D0] =	sst s4  }
0x332: {  	_ =	sdelay $0x2  }
0x333: {  	(v2sf) =	vpush v30, $0xF;
	v14, _, _ =	vpop (xrf0)  }
0x334: {  	p0 =	por p3, p3;
	p3 =	sne.s32 s9, $0x1;
	v19, _, _ =	vpop (xrf0);
	(v2sf) =	vpush v14, $0xF  }
0x335: {  	p2 =	por p2, p2;
	s4 =	spop (v2sf);
	s6 =	simm.s32 $0x12FE0;
	v22 =	vbroadcast v19, $0xF;
	(v2sf) =	vpush v19, $0xF;
	v19, _, _ =	vpop (xrf0)  }
0x336: {  	(xrf0) =	vmin.scan.msk.u32 $0xffff, v26;
	s10 =	simm.s32 $0x0;
	s7 =	simm.s32 $0x164E0;
	s12 =	smov.u32 s8;
	v15 =	vbroadcast v14, $0xF;
	(v2sf) =	vpush v19, $0xF  }
0x337: {  	s15 =	smov.u32 s18;
	s19 =	sadd.s32 $0xFFFFFFFF, s9;
	s11 =	spop (v2sf)  }
0x338: {  	s9 =	simm.s32 $0x80000000;
	s4 =	sadd.s32 $0x80000000, s4;
	s20 =	spop (v2sf);
	vm0 =	veq.f32 v20, v15  }
.Ltmp46:
0x339: {  	s10 =	smov.u32 @p6 s4;
	p5 =	slt.f32 s11, s8;
	(xrf0) =	vmin.scan.msk.f32 $0xffff, v27;
	v24 =	vmctz.xlane vm0;
	(pc) =	sbr.rel @!p3 .LBB2_58-.Ltmp46, $4  }
0x33a: {  	p6 =	por p4, p4;
	p4 =	por p2, p2;
	p2 =	por $0x1, $0x1;
	(xrf0) =	vmin.scan.msk.f32 $0xffff, v28;
	v15 =	vxor.u32 $0x80000000, v21  }
0x33b: {  	p0 =	por p0, p0;
	p1 =	slt.f32 s20, s18;
	s4 =	simm.s32 @!p2 $0x0;
	v14 =	vld [tilespmem:s6+$0x0];
	(xrf0) =	vmin.scan.msk.u32 $0xffff, v15  }
0x33c: {  	s17 =	spop (v2sf);
	s12 =	smov.u32 @p5 s11;
	s4 =	simm.s32 @p2 $0x1;
	v29, _, _ =	vpop (xrf0);
	vm15 =	veq.f32 v18, v22;
	v15 =	vld [tilespmem:s7+$0x0]  }
0x33d: {  	s11 =	simm.s32 $0x0;
	s15 =	smov.u32 @p1 s20;
	[smem:$0x7D3] =	sst s4;
	v19 =	vmctz.xlane vm15;
	v25 =	vxor.u32 $0x80000000, v24;
	v22 =	vmovc v28;
	v24 =	vmov v27  }
.LBB2_59:
0x33e: {  	p3 =	sne.s32 s19, $0x1  }
0x33f: {  	v31, _, _ =	vpop (xrf0);
	v19 =	vxor.u32 $0x80000000, v19;
	(xrf0) =	vmin.scan.msk.u32 $0xffff, v25;
	(v2sf) =	vpush v29, $0xF;
	s4 =	sadd.s32 s9, s17;
	p2 =	por p1, p1;
	s9 =	sadd.s32 $0x10, s9  }
0x340: {  	s6 =	sadd.s32 $0x10, s6;
	(xrf0) =	vmin.scan.msk.f32 $0xffff, v14;
	v25 =	vbroadcast v31, $0xF;
	(v2sf) =	vpush v31, $0xF;
	v29, _, _ =	vpop (xrf0);
	s17 =	spop (v2sf);
	s11 =	smov.u32 @p0 s4  }
.Ltmp47:
0x341: {  	(xrf0) =	vmin.scan.msk.f32 $0xffff, v15;
	v31 =	vbroadcast v29, $0xF;
	(v2sf) =	vpush v29, $0xF;
	s4 =	spop (v2sf);
	v29, _, _ =	vpop (xrf0);
	s17 =	sadd.s32 s9, s17;
	(pc) =	sbr.rel @p3 .LBB2_59-.Ltmp47, $4  }
0x342: {  	s7 =	sadd.s32 $0x10, s7;
	vm0 =	veq.f32 v24, v25;
	(xrf0) =	vmin.scan.msk.u32 $0xffff, v19;
	s20 =	spop (v2sf);
	s10 =	smov.u32 @p6 s17;
	v24 =	vmov v14;
	v14 =	vld [tilespmem:s6+$0x0]  }
0x343: {  	p6 =	por p5, p5;
	p5 =	slt.f32 s4, s12;
	v25 =	vmctz.xlane vm0;
	vm0 =	veq.f32 v22, v31;
	p1 =	slt.f32 s20, s15;
	(v2sf) =	vpush v29, $0xF;
	v22 =	vmovc v15;
	v15 =	vld [tilespmem:s7+$0x0]  }
0x344: {  	p0 =	por p4, p4;
	p4 =	por p2, p2;
	v19 =	vmctz.xlane vm0;
	s17 =	spop (v2sf)  }
0x345: {  	s19 =	sadd.s32 $0xFFFFFFFF, s19;
	s12 =	smov.u32 @p5 s4;
	v25 =	vxor.u32 $0x80000000, v25;
	v29, _, _ =	vpop (xrf0);
	s15 =	smov.u32 @p1 s20  }
0x346: {  	_ = 	snop  }
.LBB2_61:
0x347: {  	s4 =	sld [smem:$0x7D3];
	_ =	sdelay $0x1  }
0x348: {  	s19 =	sld [smem:$0x7D4]  }
0x349: {  	p2 =	seq.s32 s4, $0x1  }
0x34a: {  	s20 =	sld [smem:$0x7D6];
	s4 =	simm.s32 @!p2 $0x0  }
0x34b: {  	p3 =	seq.s32 s19, $0x1;
	s4 =	simm.s32 @p2 $0x1  }
0x34c: {  	p0 =	por !p0, !p2;
	[smem:$0x7D3] =	sst s4;
	s4 =	sadd.s32 @p2 s9, s17  }
0x34d: {  	s17 =	spop @p3 (v2sf);
	s4 =	smov.u32 @p0 s11;
	p0 =	seq.s32 s20, $0x1  }
0x34e: {  	s11 =	spop @p0 (v2sf)  }
0x34f: {  	s9 =	sadd.s32 @p2 $0x10, s9;
	p2 =	slt.f32 @p0 s11, s12;
	_ =	sdelay $0x1  }
0x350: {  	s20 =	spop @p0 (v2sf);
	[smem:$0x7DB] =	sst s0;
	s0 =	simm.s32 @!p2 $0x0  }
0x351: {  	s0 =	simm.s32 @p2 $0x1  }
0x352: {  	[smem:$0x7BE] =	sst s0  }
0x353: {  	s0 =	sld [smem:$0x7DB];
	_ =	sdelay $0x2  }
0x354: {  	[smem:$0x7DB] =	sst s0  }
0x355: {  	s0 =	sld [smem:$0x7D3];
	_ =	sdelay $0x2  }
0x356: {  	s19 =	simm.s32 $0x80000000;
	p2 =	seq.s32 s0, $0x1  }
0x357: {  	s19 =	smov.u32 @p2 s9;
	p2 =	slt.f32 @p0 s20, s15;
	_ =	sdelay $0x1  }
0x358: {  	s9 =	simm.s32 @!p2 $0x0  }
0x359: {  	s0 =	sld [smem:$0x7DB];
	s9 =	simm.s32 @p2 $0x1;
	p2 =	por !p6, !p3  }
0x35a: {  	[smem:$0x7C2] =	sst s9;
	s9 =	sadd.s32 @p3 s19, s17;
	s17 =	simm.s32 @!p2 $0x0  }
0x35b: {  	s17 =	simm.s32 @p2 $0x1  }
0x35c: {  	[smem:$0x7BC] =	sst s17  }
0x35d: {  	s17 =	sld [smem:$0x7BE];
	_ =	sdelay $0x2  }
0x35e: {  	p2 =	seq.s32 s17, $0x1  }
0x35f: {  	s17 =	sld [smem:$0x7BC];
	p6 =	por !p2, !p0  }
0x360: {  	s11 =	smov.u32 @p6 s12;
	s12 =	sld [smem:$0x7C2];
	_ =	sdelay $0x2  }
0x361: {  	p2 =	seq.s32 s17, $0x1;
	p6 =	seq.s32 s12, $0x1  }
0x362: {  	s9 =	smov.u32 @p2 s10;
	p2 =	por !p6, !p0  }
0x363: {  	s20 =	smov.u32 @p2 s15;
	s15 =	sld [smem:$0x7CD];
	_ =	sdelay $0x1  }
0x364: {  	s17 =	sld [smem:$0x7D3]  }
0x365: {  	p2 =	seq.s32 s15, $0x1;
	s15 =	sld [smem:$0x7D5]  }
0x366: {  	p6 =	por @!p0 p2, p2  }
0x367: {  	s12 =	sld [smem:$0x7CF];
	p2 =	seq.s32 s17, $0x1;
	s10 =	simm.s32 @!p6 $0x0  }
0x368: {  	s17 =	sld [smem:$0x7CE];
	s10 =	simm.s32 @p6 $0x1;
	p6 =	seq.s32 s15, $0x1  }
0x369: {  	[smem:$0x7C2] =	sst s10;
	s10 =	simm.s32 $0x0;
	p1 =	por @p6 p1, p1  }
0x36a: {  	s15 =	sld [smem:$0x7BE];
	s10 =	smov.u32 @p2 s4;
	s4 =	simm.s32 @!p1 $0x0  }
0x36b: {  	p2 =	por @p6 p5, p5;
	p5 =	seq.s32 s17, $0x1;
	s4 =	simm.s32 @p1 $0x1  }
0x36c: {  	p2 =	por @!p6 p5, p5;
	[smem:$0x7BD] =	sst s4  }
0x36d: {  	p5 =	seq.s32 s12, $0x1;
	p1 =	seq.s32 s15, $0x1;
	s17 =	sld [smem:$0x7BD]  }
0x36e: {  	s12 =	sld [smem:$0x7D0];
	p1 =	por @!p0 p5, p5  }
0x36f: {  	s8 =	smov.u32 @p0 s11;
	s4 =	simm.s32 @!p1 $0x0  }
0x370: {  	s18 =	smov.u32 @p0 s20;
	s4 =	simm.s32 @p1 $0x1;
	p1 =	seq.s32 s17, $0x1  }
0x371: {  	s15 =	sld [smem:$0x7D8];
	p5 =	por @p6 p1, p1;
	p1 =	seq.s32 s12, $0x1  }
0x372: {  	p2 =	por !p2, !p6;
	[smem:$0x7BE] =	sst s4;
	p5 =	por @!p6 p1, p1  }
0x373: {  	s17 =	sld [smem:$0x7D7];
	s12 =	simm.s32 $0x0;
	s4 =	simm.s32 @!p5 $0x0  }
0x374: {  	p1 =	por @p3 p4, p4;
	s12 =	smov.u32 @p3 s9;
	s4 =	simm.s32 @p5 $0x1  }
0x375: {  	p1 =	por @!p3 p0, p0;
	[smem:$0x7BF] =	sst s4;
	s4 =	spop @p3 (v2sf)  }
0x376: {  	p4 =	seq.s32 s17, $0x1;
	p1 =	por !p1, !p3;
	s4 =	smov.u32 @p3 s4  }
0x377: {  	p5 =	seq.s32 s15, $0x1;
	s9 =	spop @p6 (v2sf);
	s4 =	sadd.s32 @p3 s19, s4  }
0x378: {  	s11 =	spop @p4 (v2sf);
	s4 =	smov.u32 @p1 s10;
	s10 =	simm.s32 @!p0 $0x0  }
0x379: {  	s15 =	simm.s32 $0x80000000;
	p1 =	slt.f32 @p4 s11, s8;
	s10 =	simm.s32 @p0 $0x1  }
0x37a: {  	s17 =	spop @p4 (v2sf);
	[smem:$0x7D6] =	sst s10;
	s10 =	sadd.s32 @p3 $0x10, s19  }
0x37b: {  	(v2sf) =	vpush @p0 v29, $0xF;
	p0 =	slt.f32 @p4 s17, s18;
	s19 =	simm.s32 @!p1 $0x0;
	s15 =	smov.u32 @p3 s10  }
0x37c: {  	s19 =	simm.s32 @p1 $0x1;
	s10 =	sld [smem:$0x7D9];
	s9 =	sadd.s32 @p6 s15, s9  }
0x37d: {  	[smem:$0x7C3] =	sst s19;
	s9 =	smov.u32 @p2 s12;
	p2 =	por !p0, !p4  }
0x37e: {  	s17 =	smov.u32 @p2 s18;
	s18 =	sld [smem:$0x7D2]  }
0x37f: {  	s19 =	sld [smem:$0x7D1]  }
0x380: {  	v31, _, _ =	vpop @p5 (xrf0);
	p1 =	por !p1, !p4;
	s20 =	sld [smem:$0x7C3]  }
0x381: {  	(v2sf) =	vpush @p5 v31, $0xF;
	s11 =	smov.u32 @p1 s8;
	s12 =	sld [smem:$0x7D6];
	p1 =	seq.s32 s18, $0x1  }
0x382: {  	s18 =	sld [smem:$0x7BE];
	p0 =	por @!p4 p1, p1  }
0x383: {  	p1 =	seq.s32 s19, $0x1;
	s19 =	sld [smem:$0x7BF];
	s8 =	simm.s32 @!p0 $0x0  }
0x384: {  	s8 =	simm.s32 @p0 $0x1;
	p0 =	seq.s32 s20, $0x1;
	s20 =	sld [smem:$0x7DA]  }
0x385: {  	[smem:$0x7C7] =	sst s8;
	s8 =	simm.s32 $0x0  }
0x386: {  	p0 =	por @!p4 p1, p1;
	p1 =	por p4, p4;
	p2 =	seq.s32 s19, $0x1  }
0x387: {  	s8 =	smov.u32 @p3 s4;
	s4 =	simm.s32 @!p0 $0x0;
	p3 =	seq.s32 s12, $0x1  }
0x388: {  	p2 =	por @p6 p2, p2;
	s12 =	simm.s32 $0x0;
	s14 =	smov.u32 @p1 s11  }
0x389: {  	v29, _, _ =	vpop @p5 (xrf0);
	s11 =	sadd.s32 @p6 $0x10, s15;
	s4 =	simm.s32 @p0 $0x1;
	p0 =	seq.s32 s18, $0x1  }
0x38a: {  	(v2sf) =	vpush @p5 v29, $0xF;
	s12 =	smov.u32 @p6 s9;
	[smem:$0x7C3] =	sst s4;
	s4 =	simm.s32 @!p4 $0x0  }
0x38b: {  	s18 =	sld [smem:$0x7D6];
	p0 =	por @p3 p0, p0;
	s4 =	simm.s32 @p4 $0x1  }
0x38c: {  	(xrf0) =	vmin.scan.msk.u32 @p4 $0xffff, v25;
	p4 =	seq.s32 s10, $0x1;
	s10 =	simm.s32 $0x16480;
	p2 =	por @!p6 p0, p0  }
0x38d: {  	[smem:$0x7D7] =	sst s4;
	s4 =	sadd.s32 @p4 $0x10, s6;
	s6 =	simm.s32 $0x12F80  }
0x38e: {  	p0 =	por @!p3 p0, p0;
	s6 =	smov.u32 @p4 s4;
	s4 =	spop @p6 (v2sf)  }
0x38f: {  	s7 =	sadd.s32 @p4 $0x10, s7;
	s4 =	smov.u32 @p6 s4;
	s9 =	spop @p3 (v2sf)  }
0x390: {  	v25, _, _ =	vpop @p3 (xrf0);
	p2 =	por !p2, !p6;
	s4 =	sadd.s32 @p6 s15, s4;
	s15 =	spop @p5 (v2sf)  }
0x391: {  	(v2sf) =	vpush @p3 v25, $0xF;
	s10 =	smov.u32 @p4 s7;
	s7 =	simm.s32 $0x80000000;
	p3 =	slt.f32 @p5 s15, s14  }
0x392: {  	s16 =	smov.u32 @p1 s17;
	s7 =	smov.u32 @p6 s11;
	s11 =	simm.s32 @!p2 $0x0  }
0x393: {  	s11 =	simm.s32 @p2 $0x1;
	p2 =	seq.s32 s18, $0x1;
	s17 =	simm.s32 @!p3 $0x0  }
0x394: {  	[smem:$0x7C0] =	sst s11;
	p0 =	por !p0, !p2;
	s17 =	simm.s32 @p3 $0x1  }
0x395: {  	[smem:$0x7C8] =	sst s17;
	s17 =	simm.s32 @!p0 $0x0  }
0x396: {  	v25, _, _ =	vpop @p1 (xrf0);
	(xrf0) =	vmin.scan.msk.f32 @p4 $0xffff, v14;
	s19 =	sld [smem:$0x7C0];
	s17 =	simm.s32 @p0 $0x1  }
0x397: {  	v19 =	vxor.u32 @p1 $0x80000000, v19;
	v25 =	vpsel p1, v25, v30;
	(xrf0) =	vmin.scan.msk.f32 @p4 $0xffff, v15;
	[smem:$0x7C1] =	sst s17  }
0x398: {  	(v2sf) =	vpush @p1 v25, $0xF;
	(xrf0) =	vmin.scan.msk.u32 @p1 $0xffff, v19;
	p1 =	seq.s32 s20, $0x1;
	s20 =	sld [smem:$0x7C1]  }
0x399: {  	s11 =	spop @p5 (v2sf)  }
0x39a: {  	s9 =	sadd.s32 @p2 s7, s9;
	p2 =	slt.f32 @p5 s11, s16;
	p0 =	seq.s32 s19, $0x1  }
0x39b: {  	s4 =	smov.u32 @p0 s8;
	p0 =	seq.s32 s20, $0x1  }
0x39c: {  	v30, _, _ =	vpop @p4 (xrf0);
	s17 =	simm.s32 @!p2 $0x0;
	s9 =	smov.u32 @p0 s12;
	p0 =	por !p3, !p5  }
0x39d: {  	(v2sf) =	vpush @p4 v30, $0xF;
	s15 =	smov.u32 @p0 s14;
	p0 =	por !p2, !p5;
	s14 =	sld [smem:$0x7D6]  }
0x39e: {  	s17 =	simm.s32 @p2 $0x1;
	s11 =	smov.u32 @p0 s16;
	s16 =	sld [smem:$0x7C2]  }
0x39f: {  	s8 =	simm.s32 $0x0;
	[smem:$0x7C9] =	sst s17  }
0x3a0: {  	v31 =	vbroadcast @p5 v31, $0xF;
	v19, _, _ =	vpop @p4 (xrf0);
	s8 =	smov.u32 @p6 s4;
	s17 =	sld [smem:$0x7C3]  }
0x3a1: {  	(v2sf) =	vpush @p4 v19, $0xF;
	s12 =	sld [smem:$0x7D7];
	p3 =	seq.s32 s14, $0x1;
	p0 =	seq.s32 s16, $0x1  }
0x3a2: {  	vm0 =	veq.f32 @p5 v24, v31;
	v24 =	vld @p1 [tilespmem:s6+$0x0];
	s4 =	sadd.s32 @p1 $0x10, s6;
	s6 =	sadd.s32 @p1 $0x10, s10;
	p0 =	por @p3 p0, p0  }
0x3a3: {  	v31 =	vld @p1 [tilespmem:s10+$0x0];
	s10 =	simm.s32 $0x0;
	s5 =	smov.u32 @p1 s4;
	p2 =	por @p3 p0, p0  }
0x3a4: {  	v25 =	vmctz.xlane @p5 vm0;
	p6 =	seq.s32 s12, $0x1;
	p2 =	por @!p3 p0, p0;
	p0 =	seq.s32 s17, $0x1  }
0x3a5: {  	s3 =	smov.u32 @p1 s6;
	p0 =	por @p6 p0, p0;
	p2 =	por @p3 p2, p2  }
0x3a6: {  	v25 =	vxor.u32 @p5 $0x80000000, v25;
	s12 =	simm.f32 $+Inf;
	p2 =	por @!p3 p0, p0;
	p0 =	por @!p6 p0, p0  }
0x3a7: {  	v25 =	vpsel p5, v25, v26;
	s12 =	smov.u32 @p5 s11;
	s4 =	spop @p3 (v2sf);
	s6 =	simm.s32 @!p0 $0x0  }
0x3a8: {  	(xrf0) =	vmin.scan.msk.u32 @p5 $0xffff, v25;
	s10 =	smov.u32 @p3 s9;
	s16 =	sld [smem:$0x7D7];
	s6 =	simm.s32 @p0 $0x1  }
0x3a9: {  	s9 =	simm.f32 $+Inf;
	s14 =	sadd.s32 @p3 $0x10, s7;
	[smem:$0x7C4] =	sst s6  }
0x3aa: {  	v26 =	vbroadcast @p5 v29, $0xF;
	s4 =	smov.u32 @p3 s4;
	s9 =	smov.u32 @p5 s15;
	s18 =	sld [smem:$0x7C4]  }
0x3ab: {  	v24 =	vpsel p1, v24, v27;
	s11 =	spop @p6 (v2sf);
	s15 =	sld [smem:$0x7C9];
	s4 =	sadd.s32 @p3 s7, s4  }
0x3ac: {  	v25, _, _ =	vpop @p6 (xrf0);
	(xrf0) =	vmin.scan.msk.f32 @p1 $0xffff, v24;
	s7 =	spop @p4 (v2sf);
	p0 =	por !p2, !p3;
	s6 =	simm.s32 $0x80000000  }
0x3ad: {  	vm0 =	veq.f32 @p5 v22, v26;
	v27 =	vpsel p1, v31, v28;
	v61 =	vld [tilespmem:s5+$0x0];
	s5 =	simm.s32 @!p0 $0x0;
	s6 =	smov.u32 @p3 s14;
	p3 =	seq.s32 s18, $0x1  }
0x3ae: {  	v22 =	vmctz.xlane @p5 vm0;
	(v2sf) =	vpush @p6 v25, $0xF;
	(xrf0) =	vmin.scan.msk.f32 @p1 $0xffff, v27;
	v26, _, _ =	vpop @p5 (xrf0);
	s5 =	simm.s32 @p0 $0x1;
	p0 =	slt.f32 @p4 s7, s9;
	p2 =	por !p3, !p6  }
0x3af: {  	v14 =	vpsel p4, v14, v20;
	v62 =	vld [tilespmem:s3+$0x0];
	v20 =	vpsel p5, v26, v23;
	[smem:$0x7C5] =	sst s5;
	s3 =	sadd.s32 @p6 s6, s11;
	s11 =	simm.s32 @!p2 $0x0  }
0x3b0: {  	v21 =	vpsel p5, v22, v21;
	v25 =	vbroadcast @p4 v30, $0xF;
	(v2sf) =	vpush @p5 v20, $0xF;
	s5 =	spop @p4 (v2sf);
	s19 =	sld [smem:$0x7C5];
	s11 =	simm.s32 @p2 $0x1  }
0x3b1: {  	v21 =	vxor.u32 @p5 $0x80000000, v21;
	s14 =	simm.s32 @!p0 $0x0;
	p3 =	slt.f32 @p4 s5, s12;
	[smem:$0x7C6] =	sst s11  }
0x3b2: {  	vm0 =	veq.f32 @p4 v14, v25;
	v14, _, _ =	vpop @p1 (xrf0);
	s14 =	simm.s32 @p0 $0x1;
	s20 =	sld [smem:$0x7C6]  }
0x3b3: {  	(v2sf) =	vpush @p1 v14, $0xF;
	[smem:$0x7CB] =	sst s14;
	s11 =	simm.s32 @!p3 $0x0  }
0x3b4: {  	v20 =	vmctz.xlane @p4 vm0;
	(xrf0) =	vmin.scan.msk.u32 @p5 $0xffff, v21;
	v21, _, _ =	vpop @p1 (xrf0);
	s14 =	sld [smem:$0x7C8];
	p2 =	seq.s32 s19, $0x1;
	s11 =	simm.s32 @p3 $0x1  }
0x3b5: {  	(v2sf) =	vpush @p1 v21, $0xF;
	s4 =	smov.u32 @p2 s8;
	[smem:$0x7CA] =	sst s11;
	p2 =	seq.s32 s20, $0x1  }
0x3b6: {  	v19 =	vbroadcast @p4 v19, $0xF;
	v20 =	vxor.u32 @p4 $0x80000000, v20;
	s11 =	sld [smem:$0x7C7];
	s3 =	smov.u32 @p2 s10;
	p2 =	por !p0, !p4  }
0x3b7: {  	v17 =	vpsel p4, v20, v17;
	s18 =	sld [smem:$0x7CB];
	s7 =	smov.u32 @p2 s9;
	p2 =	por !p3, !p4  }
0x3b8: {  	v15 =	vpsel p4, v15, v18;
	(xrf0) =	vmin.scan.msk.u32 @p4 $0xffff, v17;
	s5 =	smov.u32 @p2 s12;
	s12 =	sld [smem:$0x7D6]  }
0x3b9: {  	vm0 =	veq.f32 @p4 v15, v19;
	s8 =	simm.s32 $0x0;
	s17 =	sld [smem:$0x7CA];
	p0 =	seq.s32 s11, $0x1  }
0x3ba: {  	v15 =	vmctz.xlane @p4 vm0;
	v14 =	vbroadcast @p1 v14, $0xF;
	v19, _, _ =	vpop @p5 (xrf0);
	s10 =	simm.f32 $+Inf;
	p0 =	por @p6 p0, p0;
	s9 =	simm.f32 $+Inf  }
0x3bb: {  	v17 =	vmov @p1 v24;
	(v2sf) =	vpush @p5 v19, $0xF;
	p2 =	por @p6 p0, p0;
	s9 =	smov.u32 @p4 s7;
	p0 =	seq.s32 s12, $0x1  }
0x3bc: {  	v15 =	vpsel p4, v15, v16;
	v13 =	vpsel p1, v17, v13;
	(xrf0) =	vmin.scan.msk.f32 $0xffff, v61;
	s10 =	smov.u32 @p4 s5;
	s5 =	sadd.s32 @p6 $0x10, s6;
	s8 =	smov.u32 @p0 s4  }
0x3bd: {  	v15 =	vxor.u32 @p4 $0x80000000, v15;
	vm0 =	veq.f32 @p1 v13, v14;
	p2 =	por @!p6 p0, p0;
	p0 =	seq.s32 s14, $0x1;
	s4 =	spop @p6 (v2sf)  }
0x3be: {  	(xrf0) =	vmin.scan.msk.f32 $0xffff, v62;
	v13 =	vmctz.xlane @p1 vm0;
	v14, _, _ =	vpop @p4 (xrf0);
	p0 =	por @!p5 p0, p0;
	p2 =	por @p6 p2, p2;
	s4 =	smov.u32 @p6 s4  }
0x3bf: {  	(xrf0) =	vmin.scan.msk.u32 @p4 $0xffff, v15;
	v11 =	vpsel p4, v14, v11;
	s7 =	spop @p5 (v2sf);
	p2 =	por @!p6 p0, p0;
	p0 =	por @p5 p0, p0  }
0x3c0: {  	v16 =	vbroadcast @p1 v21, $0xF;
	v15 =	vmov @p1 v27;
	v13 =	vxor.u32 @p1 $0x80000000, v13;
	s4 =	sadd.s32 @p6 s6, s4;
	s6 =	simm.s32 $0x80000000;
	p2 =	por !p2, !p6  }
0x3c1: {  	v12 =	vpsel p1, v15, v12;
	v10 =	vpsel p1, v13, v10;
	(v2sf) =	vpush @p4 v11, $0xF;
	p0 =	por @!p5 p0, p0;
	s4 =	smov.u32 @p2 s8;
	s8 =	simm.s32 $0x0  }
0x3c2: {  	vm0 =	veq.f32 @p1 v12, v16;
	v11, _, _ =	vpop (xrf0);
	(xrf0) =	vmin.scan.msk.u32 @p1 $0xffff, v10;
	s6 =	smov.u32 @p6 s5;
	s8 =	smov.u32 @p6 s3;
	s3 =	spop @p1 (v2sf)  }
0x3c3: {  	v10 =	vmctz.xlane @p1 vm0;
	(v2sf) =	vpush v11, $0xF;
	p2 =	por !p0, !p5;
	p0 =	seq.s32 s15, $0x1;
	p3 =	slt.f32 @p1 s3, s9  }
0x3c4: {  	v63, _, _ =	vpop (xrf0);
	s7 =	sadd.s32 @p5 s6, s7;
	p0 =	por @!p5 p0, p0;
	s5 =	spop @p1 (v2sf)  }
0x3c5: {  	(v2sf) =	vpush v63, $0xF;
	v13, _, _ =	vpop @p4 (xrf0);
	v9 =	vpsel p1, v10, v9;
	s7 =	smov.u32 @p2 s8;
	p6 =	slt.f32 @p1 s5, s10;
	s11 =	simm.s32 @!p3 $0x0  }
0x3c6: {  	v9 =	vxor.u32 @p1 $0x80000000, v9;
	(v2sf) =	vpush @p4 v13, $0xF;
	s8 =	simm.s32 $0x0;
	p2 =	por !p3, !p1;
	s11 =	simm.s32 @p3 $0x1  }
0x3c7: {  	(xrf0) =	vmin.scan.msk.u32 @p1 $0xffff, v9;
	v9 =	vbroadcast v11, $0xF;
	s3 =	smov.u32 @p2 s9;
	p2 =	por @p5 p0, p0;
	p3 =	por !p6, !p1  }
0x3c8: {  	v11 =	vbroadcast v63, $0xF;
	v10, _, _ =	vpop @p1 (xrf0);
	p0 =	seq.s32 s16, $0x1;
	s9 =	simm.s32 $0x0;
	[smem:$0x7CC] =	sst s11  }
0x3c9: {  	vm14 =	veq.f32 v61, v9;
	v10 =	vpsel p1, v10, v0;
	s5 =	smov.u32 @p3 s10;
	p2 =	por @p5 p2, p2;
	s8 =	smov.u32 @p0 s4  }
0x3ca: {  	vm15 =	veq.f32 v62, v11;
	v9 =	vmctz.xlane vm14;
	(v2sf) =	vpush @p1 v10, $0xF;
	s4 =	spop @p5 (v2sf);
	p3 =	seq.s32 s18, $0x1;
	s9 =	smov.u32 @p5 s7  }
0x3cb: {  	v10 =	vmctz.xlane vm15;
	p2 =	por @!p5 p0, p0;
	p0 =	seq.s32 s17, $0x1;
	s4 =	smov.u32 @p5 s4  }
0x3cc: {  	v9 =	vxor.u32 $0x80000000, v9;
	s11 =	sld [smem:$0x7CC];
	p0 =	por @!p4 p0, p0;
	p2 =	por @p5 p2, p2  }
0x3cd: {  	v10 =	vxor.u32 $0x80000000, v10;
	(xrf0) =	vmin.scan.msk.u32 $0xffff, v9;
	s0 =	smov.u32 @p1 s5;
	s4 =	sadd.s32 @p5 s6, s4;
	p2 =	por @!p5 p0, p0  }
0x3ce: {  	v11, _, _ =	vpop @p1 (xrf0);
	(xrf0) =	vmin.scan.msk.u32 $0xffff, v10;
	s6 =	sadd.s32 @p5 $0x10, s6;
	p3 =	por @!p4 p0, p0;
	p2 =	por !p2, !p5  }
0x3cf: {  	(v2sf) =	vpush @p1 v11, $0xF;
	p0 =	por @p4 p0, p0;
	s4 =	smov.u32 @p2 s8;
	p2 =	por @p4 p3, p3  }
0x3d0: {  	s8 =	simm.s32 $0x80000000;
	s10 =	spop @p4 (v2sf);
	p3 =	seq.s32 s11, $0x1  }
0x3d1: {  	s11 =	simm.s32 $0x0;
	p2 =	por @!p4 p0, p0;
	s8 =	smov.u32 @p5 s6  }
0x3d2: {  	p0 =	por @p4 p0, p0;
	s7 =	spop (v2sf);
	s6 =	sadd.s32 @p4 s8, s10  }
0x3d3: {  	v9, _, _ =	vpop (xrf0);
	p2 =	por !p2, !p4;
	p0 =	por @!p4 p0, p0;
	s10 =	simm.s32 $0x0  }
0x3d4: {  	s6 =	smov.u32 @p2 s9;
	s9 =	spop (v2sf);
	p0 =	por @p4 p0, p0;
	(v2sf) =	vpush v9, $0xF;
	v9, _, _ =	vpop (xrf0)  }
0x3d5: {  	s10 =	smov.u32 @p5 s4;
	p0 =	por @!p4 p0, p0;
	s4 =	spop @p4 (v2sf);
	(v2sf) =	vpush v9, $0xF  }
0x3d6: {  	p3 =	por @!p1 p0, p0;
	p0 =	por !p0, !p4;
	s4 =	smov.u32 @p4 s4  }
0x3d7: {  	p6 =	por @!p1 p0, p0;
	s4 =	sadd.s32 @p4 s8, s4;
	s8 =	sadd.s32 @p4 $0x10, s8  }
0x3d8: {  	s4 =	smov.u32 @p0 s10;
	p0 =	por @p1 p3, p3;
	s10 =	simm.s32 $0x80000000  }
0x3d9: {  	s12 =	spop @p1 (v2sf);
	p0 =	por @!p1 p0, p0;
	s10 =	smov.u32 @p4 s8  }
0x3da: {  	s11 =	smov.u32 @p4 s6;
	s6 =	sadd.s32 @p1 s10, s12;
	p0 =	por !p0, !p1  }
0x3db: {  	s5 =	simm.s32 $0x0;
	s6 =	smov.u32 @p0 s11;
	p0 =	por @p1 p6, p6  }
0x3dc: {  	s8 =	simm.f32 $+Inf;
	s5 =	smov.u32 @p4 s4;
	p0 =	por @p1 p0, p0  }
0x3dd: {  	s4 =	simm.s32 $0x0;
	s8 =	smov.u32 @p1 s3;
	p0 =	por @!p1 p0, p0  }
0x3de: {  	s3 =	spop @p1 (v2sf);
	p3 =	slt.f32 s7, s8;
	p0 =	por @p1 p0, p0  }
0x3df: {  	s3 =	smov.u32 @p1 s3;
	s4 =	smov.u32 @p1 s6;
	p0 =	por @!p1 p0, p0  }
0x3e0: {  	s3 =	sadd.s32 @p1 s10, s3;
	s8 =	smov.u32 @p3 s7;
	p0 =	por !p0, !p1  }
0x3e1: {  	s3 =	smov.u32 @p0 s5;
	p0 =	slt.f32 s9, s0;
	s5 =	sadd.s32 @p1 $0x10, s10  }
0x3e2: {  	s1 =	smov.u32 @p1 s5;
	s2 =	smov.u32 @p1 s3;
	p1 =	por p3, p3  }
.Ltmp48:
0x3e3: {  	s19 =	spop (v2sf);
	p6 =	por p0, p0;
	(pc) =	sbr.rel .LBB2_62-.Ltmp48, $4  }
0x3e4: {  	s3 =	sadd.s32 s1, s19;
	p2 =	por p6, p6;
	s20 =	spop (v2sf)  }
0x3e5: {  	s4 =	smov.u32 @p1 s3;
	s3 =	smov.u32 s0;
	p1 =	por p2, p2  }
0x3e6: {  	s0 =	sadd.s32 s1, s20;
	s1 =	smov.u32 s2;
	s3 =	smov.u32 @p0 s9  }
0x3e7: {  	s2 =	smov.u32 s4;
	s1 =	smov.u32 @p1 s0;
	s0 =	smov.u32 s8  }
.LBB2_42:
0x3e8: {  	p0 =	por $0x0, $0x0  }
0x3e9: {  	s4 =	simm.s32 @!p0 $0x0  }
0x3ea: {  	s4 =	simm.s32 @p0 $0x1;
	p0 =	por $0x0, $0x0  }
0x3eb: {  	[smem:$0x7D3] =	sst s4;
	s4 =	simm.s32 @!p0 $0x0  }
0x3ec: {  	s4 =	simm.s32 @p0 $0x1;
	p0 =	por $0x0, $0x0  }
0x3ed: {  	[smem:$0x7D4] =	sst s4;
	s4 =	simm.s32 @!p0 $0x0  }
0x3ee: {  	s4 =	simm.s32 @p0 $0x1;
	p0 =	por $0x0, $0x0  }
0x3ef: {  	[smem:$0x7D5] =	sst s4;
	s4 =	simm.s32 @!p0 $0x0  }
0x3f0: {  	s9 =	simm.s32 $0x80000000;
	s4 =	simm.s32 @p0 $0x1;
	p0 =	por $0x0, $0x0  }
0x3f1: {  	s11 =	simm.s32 $0x0;
	[smem:$0x7D6] =	sst s4;
	s4 =	simm.s32 @!p0 $0x0  }
0x3f2: {  	s6 =	simm.s32 $0x12F80;
	s4 =	simm.s32 @p0 $0x1;
	p0 =	por $0x0, $0x0  }
0x3f3: {  	s7 =	simm.s32 $0x16480;
	[smem:$0x7D7] =	sst s4;
	s4 =	simm.s32 @!p0 $0x0  }
0x3f4: {  	s10 =	simm.s32 $0x0;
	s4 =	simm.s32 @p0 $0x1;
	p0 =	por $0x0, $0x0  }
.Ltmp49:
0x3f5: {  	[smem:$0x7D8] =	sst s4;
	s4 =	simm.s32 @!p0 $0x0;
	(pc) =	sbr.rel .LBB2_61-.Ltmp49, $4  }
0x3f6: {  	s12 =	simm.f32 $+Inf;
	s4 =	simm.s32 @p0 $0x1;
	p0 =	por $0x0, $0x0  }
0x3f7: {  	s15 =	simm.f32 $+Inf;
	[smem:$0x7D9] =	sst s4;
	s4 =	simm.s32 @!p0 $0x0  }
0x3f8: {  	s8 =	simm.f32 $+Inf;
	s18 =	simm.f32 $+Inf;
	s4 =	simm.s32 @p0 $0x1  }
0x3f9: {  	s14 =	simm.f32 $+Inf;
	s16 =	simm.f32 $+Inf;
	[smem:$0x7DA] =	sst s4  }
.LBB2_44:
0x3fa: {  	p0 =	por $0x0, $0x0  }
0x3fb: {  	s4 =	simm.s32 @!p0 $0x0  }
0x3fc: {  	s4 =	simm.s32 @p0 $0x1;
	p0 =	por $0x0, $0x0  }
0x3fd: {  	[smem:$0x7D3] =	sst s4;
	s4 =	simm.s32 @!p0 $0x0  }
0x3fe: {  	s4 =	simm.s32 @p0 $0x1;
	p0 =	por $0x0, $0x0  }
0x3ff: {  	[smem:$0x7D4] =	sst s4;
	s4 =	simm.s32 @!p0 $0x0  }
0x400: {  	s4 =	simm.s32 @p0 $0x1;
	p0 =	por $0x0, $0x0  }
0x401: {  	[smem:$0x7D5] =	sst s4;
	s4 =	simm.s32 @!p0 $0x0  }
0x402: {  	s9 =	simm.s32 $0x80000000;
	s4 =	simm.s32 @p0 $0x1;
	p0 =	por $0x0, $0x0  }
0x403: {  	s11 =	simm.s32 $0x0;
	[smem:$0x7D6] =	sst s4;
	s4 =	simm.s32 @!p0 $0x0  }
0x404: {  	s6 =	simm.s32 $0x12F80;
	s4 =	simm.s32 @p0 $0x1;
	p0 =	por $0x0, $0x0  }
0x405: {  	s7 =	simm.s32 $0x16480;
	[smem:$0x7D7] =	sst s4;
	s4 =	simm.s32 @!p0 $0x0  }
0x406: {  	s10 =	simm.s32 $0x0;
	s4 =	simm.s32 @p0 $0x1;
	p0 =	por $0x0, $0x0  }
.Ltmp50:
0x407: {  	[smem:$0x7D8] =	sst s4;
	s4 =	simm.s32 @!p0 $0x0;
	(pc) =	sbr.rel .LBB2_61-.Ltmp50, $4  }
0x408: {  	s12 =	simm.f32 $+Inf;
	s4 =	simm.s32 @p0 $0x1;
	p0 =	por $0x1, $0x1  }
0x409: {  	s15 =	simm.f32 $+Inf;
	[smem:$0x7D9] =	sst s4;
	s4 =	simm.s32 @!p0 $0x0  }
0x40a: {  	s8 =	simm.f32 $+Inf;
	s18 =	simm.f32 $+Inf;
	s4 =	simm.s32 @p0 $0x1  }
0x40b: {  	s14 =	simm.f32 $+Inf;
	s16 =	simm.f32 $+Inf;
	[smem:$0x7DA] =	sst s4  }
.LBB2_46:
0x40c: {  	p0 =	por $0x0, $0x0  }
0x40d: {  	s4 =	simm.s32 @!p0 $0x0  }
0x40e: {  	s4 =	simm.s32 @p0 $0x1;
	p0 =	por $0x0, $0x0  }
0x40f: {  	[smem:$0x7D3] =	sst s4;
	s4 =	simm.s32 @!p0 $0x0  }
0x410: {  	s4 =	simm.s32 @p0 $0x1;
	p0 =	por $0x0, $0x0  }
0x411: {  	[smem:$0x7D4] =	sst s4;
	s4 =	simm.s32 @!p0 $0x0  }
0x412: {  	s4 =	simm.s32 @p0 $0x1;
	p0 =	por $0x0, $0x0  }
0x413: {  	[smem:$0x7D5] =	sst s4;
	s4 =	simm.s32 @!p0 $0x0  }
0x414: {  	s9 =	simm.s32 $0x80000000;
	s4 =	simm.s32 @p0 $0x1;
	p0 =	por $0x0, $0x0  }
0x415: {  	s11 =	simm.s32 $0x0;
	[smem:$0x7D6] =	sst s4;
	s4 =	simm.s32 @!p0 $0x0  }
0x416: {  	s6 =	simm.s32 $0x12F80;
	s4 =	simm.s32 @p0 $0x1;
	p0 =	por $0x0, $0x0  }
0x417: {  	s7 =	simm.s32 $0x16480;
	[smem:$0x7D7] =	sst s4;
	s4 =	simm.s32 @!p0 $0x0  }
0x418: {  	s10 =	simm.s32 $0x0;
	s4 =	simm.s32 @p0 $0x1;
	p0 =	por $0x1, $0x1  }
.Ltmp51:
0x419: {  	[smem:$0x7D8] =	sst s4;
	s4 =	simm.s32 @!p0 $0x0;
	(pc) =	sbr.rel .LBB2_61-.Ltmp51, $4  }
0x41a: {  	s12 =	simm.f32 $+Inf;
	s4 =	simm.s32 @p0 $0x1;
	p0 =	por $0x1, $0x1  }
0x41b: {  	s15 =	simm.f32 $+Inf;
	[smem:$0x7D9] =	sst s4;
	s4 =	simm.s32 @!p0 $0x0  }
0x41c: {  	s8 =	simm.f32 $+Inf;
	s18 =	simm.f32 $+Inf;
	s4 =	simm.s32 @p0 $0x1  }
0x41d: {  	s14 =	simm.f32 $+Inf;
	s16 =	simm.f32 $+Inf;
	v14 =	vmov v24;
	v15 =	vmov v22;
	[smem:$0x7DA] =	sst s4  }
.LBB2_48:
0x41e: {  	p0 =	por $0x0, $0x0  }
0x41f: {  	s4 =	simm.s32 @!p0 $0x0  }
0x420: {  	s4 =	simm.s32 @p0 $0x1;
	p0 =	por $0x0, $0x0  }
0x421: {  	[smem:$0x7D3] =	sst s4;
	s4 =	simm.s32 @!p0 $0x0  }
0x422: {  	s4 =	simm.s32 @p0 $0x1;
	p0 =	por $0x0, $0x0  }
0x423: {  	[smem:$0x7D4] =	sst s4;
	s4 =	simm.s32 @!p0 $0x0  }
0x424: {  	s4 =	simm.s32 @p0 $0x1;
	p0 =	por $0x0, $0x0  }
0x425: {  	[smem:$0x7D5] =	sst s4;
	s4 =	simm.s32 @!p0 $0x0  }
0x426: {  	s4 =	simm.s32 @p0 $0x1;
	p0 =	por $0x0, $0x0  }
0x427: {  	[smem:$0x7D6] =	sst s4;
	s4 =	simm.s32 @!p0 $0x0  }
0x428: {  	s9 =	simm.s32 $0x80000000;
	s4 =	simm.s32 @p0 $0x1;
	p0 =	por $0x1, $0x1  }
0x429: {  	s11 =	simm.s32 $0x0;
	[smem:$0x7D7] =	sst s4;
	s4 =	simm.s32 @!p0 $0x0  }
0x42a: {  	s10 =	simm.s32 $0x0;
	s4 =	simm.s32 @p0 $0x1;
	p0 =	por $0x1, $0x1  }
.Ltmp52:
0x42b: {  	[smem:$0x7D8] =	sst s4;
	s4 =	simm.s32 @!p0 $0x0;
	(pc) =	sbr.rel .LBB2_61-.Ltmp52, $4  }
0x42c: {  	s12 =	simm.f32 $+Inf;
	s4 =	simm.s32 @p0 $0x1;
	p0 =	por $0x1, $0x1  }
0x42d: {  	s15 =	simm.f32 $+Inf;
	[smem:$0x7D9] =	sst s4;
	s4 =	simm.s32 @!p0 $0x0  }
0x42e: {  	s8 =	simm.f32 $+Inf;
	s18 =	simm.f32 $+Inf;
	s4 =	simm.s32 @p0 $0x1  }
0x42f: {  	s14 =	simm.f32 $+Inf;
	s16 =	simm.f32 $+Inf;
	v14 =	vmov v10;
	v15 =	vmov v9;
	[smem:$0x7DA] =	sst s4  }
.LBB2_50:
0x430: {  	p0 =	por $0x0, $0x0  }
0x431: {  	s4 =	simm.s32 @!p0 $0x0  }
0x432: {  	s4 =	simm.s32 @p0 $0x1;
	p0 =	por $0x0, $0x0  }
0x433: {  	[smem:$0x7D3] =	sst s4;
	s4 =	simm.s32 @!p0 $0x0  }
0x434: {  	s4 =	simm.s32 @p0 $0x1;
	p0 =	por $0x0, $0x0  }
0x435: {  	[smem:$0x7D4] =	sst s4;
	s4 =	simm.s32 @!p0 $0x0  }
0x436: {  	s4 =	simm.s32 @p0 $0x1;
	p0 =	por $0x0, $0x0  }
0x437: {  	[smem:$0x7D5] =	sst s4;
	s4 =	simm.s32 @!p0 $0x0  }
0x438: {  	s4 =	simm.s32 @p0 $0x1;
	p0 =	por $0x1, $0x1  }
0x439: {  	[smem:$0x7D6] =	sst s4;
	s4 =	simm.s32 @!p0 $0x0  }
0x43a: {  	s9 =	simm.s32 $0x80000000;
	s4 =	simm.s32 @p0 $0x1;
	p0 =	por $0x1, $0x1  }
0x43b: {  	s11 =	simm.s32 $0x0;
	[smem:$0x7D7] =	sst s4;
	s4 =	simm.s32 @!p0 $0x0  }
0x43c: {  	s10 =	simm.s32 $0x0;
	s4 =	simm.s32 @p0 $0x1;
	p0 =	por $0x1, $0x1  }
.Ltmp53:
0x43d: {  	[smem:$0x7D8] =	sst s4;
	s4 =	simm.s32 @!p0 $0x0;
	(pc) =	sbr.rel .LBB2_61-.Ltmp53, $4  }
0x43e: {  	s12 =	simm.f32 $+Inf;
	s4 =	simm.s32 @p0 $0x1;
	p0 =	por $0x1, $0x1  }
0x43f: {  	s15 =	simm.f32 $+Inf;
	[smem:$0x7D9] =	sst s4;
	s4 =	simm.s32 @!p0 $0x0  }
0x440: {  	s8 =	simm.f32 $+Inf;
	s18 =	simm.f32 $+Inf;
	s4 =	simm.s32 @p0 $0x1  }
0x441: {  	s14 =	simm.f32 $+Inf;
	s16 =	simm.f32 $+Inf;
	v14 =	vmovc v24;
	v24 =	vmov v10;
	v15 =	vmov v22;
	v22 =	vmov v9;
	[smem:$0x7DA] =	sst s4  }
.LBB2_52:
0x442: {  	p0 =	por $0x0, $0x0  }
0x443: {  	s4 =	simm.s32 @!p0 $0x0  }
0x444: {  	s4 =	simm.s32 @p0 $0x1;
	p0 =	por $0x0, $0x0  }
0x445: {  	[smem:$0x7D3] =	sst s4;
	s4 =	simm.s32 @!p0 $0x0  }
0x446: {  	s4 =	simm.s32 @p0 $0x1;
	p0 =	por $0x0, $0x0  }
0x447: {  	[smem:$0x7D4] =	sst s4;
	s4 =	simm.s32 @!p0 $0x0  }
0x448: {  	s4 =	simm.s32 @p0 $0x1;
	p0 =	por $0x1, $0x1  }
0x449: {  	[smem:$0x7D5] =	sst s4;
	s4 =	simm.s32 @!p0 $0x0  }
0x44a: {  	s4 =	simm.s32 @p0 $0x1;
	p0 =	por $0x1, $0x1  }
0x44b: {  	[smem:$0x7D6] =	sst s4;
	s4 =	simm.s32 @!p0 $0x0  }
0x44c: {  	s9 =	simm.s32 $0x80000000;
	s4 =	simm.s32 @p0 $0x1;
	p0 =	por $0x1, $0x1  }
0x44d: {  	s11 =	simm.s32 $0x0;
	[smem:$0x7D7] =	sst s4;
	s4 =	simm.s32 @!p0 $0x0  }
0x44e: {  	s10 =	simm.s32 $0x0;
	s4 =	simm.s32 @p0 $0x1;
	p0 =	por $0x1, $0x1  }
.Ltmp54:
0x44f: {  	[smem:$0x7D8] =	sst s4;
	s4 =	simm.s32 @!p0 $0x0;
	(pc) =	sbr.rel .LBB2_61-.Ltmp54, $4  }
0x450: {  	s12 =	simm.f32 $+Inf;
	s4 =	simm.s32 @p0 $0x1;
	p0 =	por $0x1, $0x1  }
0x451: {  	s15 =	simm.f32 $+Inf;
	[smem:$0x7D9] =	sst s4;
	s4 =	simm.s32 @!p0 $0x0  }
0x452: {  	s8 =	simm.f32 $+Inf;
	s18 =	simm.f32 $+Inf;
	s4 =	simm.s32 @p0 $0x1  }
0x453: {  	v25 =	vmovc v10;
	v29 =	vmovc v11;
	s14 =	simm.f32 $+Inf;
	s16 =	simm.f32 $+Inf;
	v19 =	vmov v9;
	v14 =	vmov v13;
	v15 =	vmov v12;
	[smem:$0x7DA] =	sst s4  }
.LBB2_54:
0x454: {  	p0 =	por $0x0, $0x0;
	s9 =	simm.s32 $0x80000000  }
.Ltmp55:
0x455: {  	s11 =	simm.s32 $0x0;
	s4 =	simm.s32 @!p0 $0x0;
	(pc) =	sbr.rel .LBB2_61-.Ltmp55, $4  }
0x456: {  	p1 =	por p2, p2;
	s4 =	simm.s32 @p0 $0x1;
	p0 =	por $0x0, $0x0  }
0x457: {  	s10 =	simm.s32 $0x0;
	[smem:$0x7D3] =	sst s4;
	s4 =	simm.s32 @!p0 $0x0  }
0x458: {  	v25 =	vmov v17;
	v29 =	vmov v23;
	s12 =	smov.u32 s14;
	s15 =	smov.u32 s16;
	s4 =	simm.s32 @p0 $0x1  }
0x459: {  	v24 =	vmovc v13;
	v22 =	vmovc v12;
	s8 =	simm.f32 $+Inf;
	s18 =	simm.f32 $+Inf;
	v19 =	vmov v16;
	v14 =	vmov v20;
	v15 =	vmov v18;
	[smem:$0x7D4] =	sst s4  }
.LBB2_56:
.Ltmp56:
0x45a: {  	_ = 	snop;
	(pc) =	sbr.rel .LBB2_61-.Ltmp56, $4  }
0x45b: {  	p0 =	por $0x0, $0x0;
	s9 =	simm.s32 $0x80000000;
	p1 =	por p2, p2  }
0x45c: {  	s11 =	simm.s32 $0x0;
	s10 =	simm.s32 $0x0;
	s4 =	simm.s32 @!p0 $0x0  }
0x45d: {  	v25 =	vmov v26;
	v29 =	vmov v30;
	s12 =	smov.u32 s8;
	s15 =	smov.u32 s18;
	s4 =	simm.s32 @p0 $0x1  }
0x45e: {  	v24 =	vmovc v20;
	v22 =	vmovc v18;
	p5 =	por p4, p4;
	p4 =	por p3, p3;
	v19 =	vmov v21;
	[smem:$0x7D3] =	sst s4;
	v14 =	vmov v27;
	v15 =	vmov v28  }
.LBB2_58:
.Ltmp57:
0x45f: {  	(pc) =	sbr.rel .LBB2_61-.Ltmp57, $2  }
0x460: {  	_ =	sdelay $0x2  }
0x461: {  	s9 =	simm.s32 $0x80000000;
	s11 =	simm.s32 $0x0;
	v24 =	vmov v27;
	v22 =	vmov v28  }
.LBB2_5:
.Ltmp58:
0x462: {  	(pc) =	sbr.rel .LBB2_9-.Ltmp58, $2  }
0x463: {  	_ =	sdelay $0x2  }
0x464: {  	s1 =	simm.s32 $0x0;
	s6 =	simm.s32 $0x0;
	s5 =	simm.s32 $0x0  }
.LBB2_7:
.Ltmp59:
0x465: {  	(pc) =	sbr.rel .LBB2_9-.Ltmp59, $2  }
0x466: {  	_ =	sdelay $0x2  }
0x467: {  	s6 =	simm.s32 $0x0;
	s5 =	simm.s32 $0x0  }
.LBB2_65:
0x468: {  	_ =	sfence.sel $0x180000  }
0x469: {  	[bflag:$0x0] =	sbarrier.arrive $0xFFFF  }
0x46a: {  	_ =	strace $0x90000047  }
0x46b: {  	s0 =	stileid.u32;
	[bflag:$0x2] =	sbarrier.arrive $0xFFFF  }
0x46c: {  	p0 =	sne.s32 s0, $0x0;
	s0 =	rddreg [dreg:$0x5]  }
0x46d: {  	s0 =	sadd.s32 @!p0 $0x100000, s0  }
0x46e: {  	[sflag:s0] =	ssyncadd.tile.s32 @!p0 $0x1;
	_ =	shalt  }
.Lfunc_end2:
_tile_overlayer_lowered:
.L_overlay_start_2:
0x46f: {  	(tag) =	ssettag $0x2  }
0x470: {  	s0 =	rddreg [dreg:$0x0];
	s2 =	stileid.u32  }
0x471: {  	s1 =	rddreg [dreg:$0x1];
	p0 =	sne.s32 s2, $0x0  }
0x472: {  	s3 =	rddreg [dreg:$0x2];
	[bflag:$0x3] =	sbarrier.arrive $0xFFFF;
	s2 =	simm.s32 @!p0 $0x1C01  }
0x473: {  	[timem:s3], [sflag:s2] =	dma.local @!p0 [hbm:s0], s1  }
0x474: {  	s0 =	simm.s32 @!p0 $0x1  }
0x475: {  	_ =	swait.ge @!p0 [sflag:s0], s1  }
0x476: {  	s1 =	ssub.s32 @!p0 $0x0, s1;
	[sflag:s0] =	ssyncset.done @!p0 $0x0  }
0x477: {  	[sflag:s0] =	ssyncadd.s32 @!p0 s1  }
0x478: {  	[bflag:$0x3] =	sbarrier.arrive $0xFFFF  }
0x479: {  	_ =	shalt  }

</sc_bundles>
